<compile_context>
chip_gen: v7x
topology: tpu7x:2x2x1
jax: 0.10.2.dev20260603
libtpu: 0.0.44.dev20260713+nightly
codegen_flags: <defaults>
</compile_context>

<pallas_src>
import functools

import jax
import jax.numpy as jnp
from jax import lax
from jax.experimental import pallas as pl
from jax.experimental.pallas import tpu as pltpu
from jax.experimental.pallas import tpu_sc as plsc

_C = 1000
_NB = _C * _C
_N = 4_000_000
_NC = 2
_NS = 16
_NW = _NC * _NS
_B = 128
_ROWS = 61
_CHUNK = _ROWS * _B
_ITERS = 16
_PER_W = _CHUNK * _ITERS
_TAIL_BASE = _NW * _PER_W
_TAIL_ROWS = (_N - _TAIL_BASE) // _B
_HSLC = 8 * _CHUNK
_HREM = _NB - _NS * _HSLC


def _sc_histogram(predictions, targets):
    mesh = plsc.VectorSubcoreMesh(core_axis_name="c", subcore_axis_name="s")

    @functools.partial(
        pl.kernel,
        out_type=jax.ShapeDtypeStruct((_NC, _NB), jnp.float32),
        mesh=mesh,
        scratch_types=[
            pltpu.VMEM((_CHUNK,), jnp.int32),
            pltpu.VMEM((_CHUNK,), jnp.int32),
            pltpu.VMEM((_CHUNK,), jnp.int32),
            pltpu.VMEM((_CHUNK,), jnp.int32),
            pltpu.VMEM((_CHUNK,), jnp.int32),
            pltpu.VMEM((_CHUNK,), jnp.int32),
            pltpu.VMEM((_CHUNK,), jnp.float32),
            pltpu.VMEM((_B,), jnp.int32),
            pltpu.VMEM((_B,), jnp.int32),
            pltpu.VMEM((_B,), jnp.int32),
            pltpu.VMEM_SHARED((_NB,), jnp.float32),
            pltpu.SemaphoreType.DMA,
            pltpu.SemaphoreType.DMA,
            pltpu.SemaphoreType.DMA,
            pltpu.SemaphoreType.DMA,
            pltpu.SemaphoreType.DMA,
            pltpu.SemaphoreType.DMA,
            pltpu.SemaphoreType.DMA,
        ],
    )
    def hist_kernel(preds_hbm, targets_hbm, out_hbm,
                    p0_v, p1_v, t0_v, t1_v, idx0_v, idx1_v, ones_v,
                    pt_v, tt_v, idxt_v, hist,
                    sp0, sp1, st0, st1, ss0, ss1, sz):
        cid = lax.axis_index("c")
        sid = lax.axis_index("s")
        wid = cid * _NS + sid
        base = wid * _PER_W
        sp = (sp0, sp1)
        st = (st0, st1)
        ss = (ss0, ss1)
        pv = (p0_v, p1_v)
        tv = (t0_v, t1_v)
        idxv = (idx0_v, idx1_v)

        copies = [None, None]
        copies[0] = (
            pltpu.async_copy(preds_hbm.at[pl.ds(base, _CHUNK)], pv[0], sp[0]),
            pltpu.async_copy(targets_hbm.at[pl.ds(base, _CHUNK)], tv[0], st[0]),
        )

        def fill0_body(i, c2):
            ones_v[pl.ds(i * 16, 16)] = jnp.zeros((16,), jnp.float32)
            return c2

        lax.fori_loop(0, _CHUNK // 16, fill0_body, 0)

        zcopies = [
            pltpu.async_copy(ones_v, hist.at[pl.ds(sid * _HSLC + r * _CHUNK,
                                                   _CHUNK)], sz)
            for r in range(_HSLC // _CHUNK)
        ]

        def fill1_body(i, c2):
            ones_v[pl.ds(i * 16, 16)] = jnp.full((16,), 1.0, jnp.float32)
            return c2

        for zc in zcopies:
            zc.wait()

        @pl.when(sid == 0)
        def _():
            pltpu.sync_copy(ones_v.at[pl.ds(0, _HREM)],
                            hist.at[pl.ds(_NS * _HSLC, _HREM)])

        lax.fori_loop(0, _CHUNK // 16, fill1_body, 0)

        plsc.subcore_barrier()

        tail_desc = [None]

        @pl.when(wid < _TAIL_ROWS)
        def _():
            toff = _TAIL_BASE + wid * _B
            pltpu.sync_copy(preds_hbm.at[pl.ds(toff, _B)], pt_v)
            pltpu.sync_copy(targets_hbm.at[pl.ds(toff, _B)], tt_v)
            for cc in range(_B // 16):
                s = pl.ds(cc * 16, 16)
                idxt_v[s] = tt_v[s] * _C + pt_v[s]
            tail_desc[0] = pltpu.async_copy(
                ones_v.at[pl.ds(0, _B)], hist.at[idxt_v], sz, add=True)

        scatters = [None, None]
        for k in range(_ITERS + 1):
            b = k % 2
            if 0 < k < _ITERS:
                off = base + k * _CHUNK
                copies[b] = (
                    pltpu.async_copy(preds_hbm.at[pl.ds(off, _CHUNK)],
                                     pv[b], sp[b]),
                    pltpu.async_copy(targets_hbm.at[pl.ds(off, _CHUNK)],
                                     tv[b], st[b]),
                )
            if k >= 1:
                pb = (k - 1) % 2
                for c in copies[pb]:
                    c.wait()
                if scatters[pb] is not None:
                    scatters[pb].wait()

                def group_body(i, c2, _pb=pb):
                    for u in range(8):
                        s = pl.ds(i * _B + u * 16, 16)
                        idxv[_pb][s] = tv[_pb][s] * _C + pv[_pb][s]
                    return c2

                lax.fori_loop(0, _ROWS, group_body, 0)
                scatters[pb] = pltpu.async_copy(
                    ones_v, hist.at[idxv[pb]], ss[pb], add=True)
        for b in range(2):
            if scatters[b] is not None:
                scatters[b].wait()

        @pl.when(wid < _TAIL_ROWS)
        def _():
            tail_desc[0].wait()

        plsc.subcore_barrier()

        @pl.when(sid == 0)
        def _():
            pltpu.sync_copy(hist, out_hbm.at[cid])

    return hist_kernel(predictions, targets)


def _merge_body(p_ref, o_ref):
    o_ref[...] = p_ref[0] + p_ref[1]


_MBLK = 200


def _tc_merge(partials):
    return pl.pallas_call(
        _merge_body,
        grid=(_C // _MBLK,),
        in_specs=[pl.BlockSpec((_NC, _MBLK, _C), lambda i: (0, i, 0))],
        out_specs=pl.BlockSpec((_MBLK, _C), lambda i: (i, 0)),
        out_shape=jax.ShapeDtypeStruct((_C, _C), jnp.float32),
    )(partials)


@jax.jit
def kernel(predictions, targets):
    partials = _sc_histogram(predictions, targets)
    return _tc_merge(partials.reshape(_NC, _C, _C))

# --- scband reference (transcript-rebuilt; emitter-appended) ---
"""Pipeline reference for scband-confusion-matrix-24532853194784 (READ-ONLY COPY).

The authoritative reference and input builder live on the scoring server;
editing this copy changes nothing except your own understanding.
"""

import jax, jax.numpy as jnp
import numpy as np

NUM_CLASSES = 1000
N = 4_000_000

def setup_inputs(seed: int = 0) -> dict:
    key = jax.random.key(seed)
    k1, k2 = jax.random.split(key)
    predictions = jax.random.randint(k1, (N,), 0, NUM_CLASSES, dtype=jnp.int32)
    targets = jax.random.randint(k2, (N,), 0, NUM_CLASSES, dtype=jnp.int32)
    return {"predictions": predictions, "targets": targets}

def reference(predictions, targets):
    # Faithful translation of ConfusionMatrix.forward starting from a freshly
    # reset (all-zeros) confusion matrix: for each (target, prediction) pair,
    # increment confusion_matrix[target, prediction] by 1. Vectorized as a
    # 2-D scatter-add, which is mathematically identical to the python loop.
    cm = jnp.zeros((NUM_CLASSES, NUM_CLASSES), dtype=jnp.float32)
    cm = cm.at[targets, predictions].add(1.0)
    return cm

if __name__ == "__main__":
    import jax
    _d = setup_inputs()
    print(jax.jit(kernel)(*tuple(_d.values())))

</pallas_src>

<mosaic_0001>
#map = affine_map<(d0, d1) -> (0)>
#map1 = affine_map<(d0, d1) -> (0, 0)>
module attributes {stable_mosaic.version = 14 : i64} {
  func.func @hist_kernel(%arg0: i32, %arg1: i32, %arg2: memref<4000000xi32, #tpu.memory_space<hbm>>, %arg3: memref<4000000xi32, #tpu.memory_space<hbm>>, %arg4: memref<2x1000000xf32, #tpu.memory_space<hbm>>, %arg5: memref<7808xi32, #tpu.memory_space<vmem>>, %arg6: memref<7808xi32, #tpu.memory_space<vmem>>, %arg7: memref<7808xi32, #tpu.memory_space<vmem>>, %arg8: memref<7808xi32, #tpu.memory_space<vmem>>, %arg9: memref<7808xi32, #tpu.memory_space<vmem>>, %arg10: memref<7808xi32, #tpu.memory_space<vmem>>, %arg11: memref<7808xf32, #tpu.memory_space<vmem>>, %arg12: memref<128xi32, #tpu.memory_space<vmem>>, %arg13: memref<128xi32, #tpu.memory_space<vmem>>, %arg14: memref<128xi32, #tpu.memory_space<vmem>>, %arg15: memref<1000000xf32, #tpu.memory_space<vmem_shared>>, %arg16: memref<!tpu.dma_semaphore, #tpu.memory_space<semaphore_mem>>, %arg17: memref<!tpu.dma_semaphore, #tpu.memory_space<semaphore_mem>>, %arg18: memref<!tpu.dma_semaphore, #tpu.memory_space<semaphore_mem>>, %arg19: memref<!tpu.dma_semaphore, #tpu.memory_space<semaphore_mem>>, %arg20: memref<!tpu.dma_semaphore, #tpu.memory_space<semaphore_mem>>, %arg21: memref<!tpu.dma_semaphore, #tpu.memory_space<semaphore_mem>>, %arg22: memref<!tpu.dma_semaphore, #tpu.memory_space<semaphore_mem>>) attributes {dimension_semantics = [#tpu.dimension_semantics<core_parallel>, #tpu.dimension_semantics<subcore_parallel>], iteration_bounds = array<i64: 2, 16>, scalar_prefetch = 0 : i64, scratch_operands = 18 : i64, tpu.core_type = #tpu.core_type<sc_vector_subcore>, window_params = [{transform_indices = #map}, {transform_indices = #map}, {transform_indices = #map1}]} {
    %mul3A = arith.constant 16 : i32
    %mul3A_0 = arith.muli %arg0, %mul3A : i32
    %add3A = arith.addi %mul3A_0, %arg1 : i32
    %mul3A_1 = arith.constant 124928 : i32
    %mul3A_2 = arith.muli %add3A, %mul3A_1 : i32
    %dma_start3A = tpu.memref_slice %arg2[%mul3A_2] : memref<4000000xi32, #tpu.memory_space<hbm>> -> memref<7808xi32, #tpu.memory_space<hbm>>
    %dma_start3A_3 = tpu.memref_slice %arg2[%mul3A_2] : memref<4000000xi32, #tpu.memory_space<hbm>> -> memref<7808xi32, #tpu.memory_space<hbm>>
    tpu.enqueue_dma source(%dma_start3A_3 : memref<7808xi32, #tpu.memory_space<hbm>>) target(%arg5 : memref<7808xi32, #tpu.memory_space<vmem>>) target_semaphore(%arg16 : memref<!tpu.dma_semaphore, #tpu.memory_space<semaphore_mem>>)
    %dma_start3A_4 = tpu.memref_slice %arg3[%mul3A_2] : memref<4000000xi32, #tpu.memory_space<hbm>> -> memref<7808xi32, #tpu.memory_space<hbm>>
    %dma_start3A_5 = tpu.memref_slice %arg3[%mul3A_2] : memref<4000000xi32, #tpu.memory_space<hbm>> -> memref<7808xi32, #tpu.memory_space<hbm>>
    tpu.enqueue_dma source(%dma_start3A_5 : memref<7808xi32, #tpu.memory_space<hbm>>) target(%arg7 : memref<7808xi32, #tpu.memory_space<vmem>>) target_semaphore(%arg18 : memref<!tpu.dma_semaphore, #tpu.memory_space<semaphore_mem>>)
    %scan3A = arith.constant 0 : i32
    %scan3A_6 = arith.constant 0 : i32
    %scan3A_7 = arith.constant 488 : i32
    %scan3A_8 = arith.addi %scan3A_6, %scan3A_7 : i32
    %scan3A_9 = arith.constant 1 : i32
    scf.for %scan3A_411 = %scan3A_6 to %scan3A_8 step %scan3A_9  : i32 {
      %broadcast_in_dim3A = arith.constant 0.000000e+00 : f32
      %broadcast_in_dim3A_412 = vector.broadcast %broadcast_in_dim3A : f32 to vector<16xf32>
      %mul3A_413 = arith.constant 16 : i32
      %mul3A_414 = arith.muli %scan3A_411, %mul3A_413 : i32
      %swap3A = arith.index_cast %mul3A_414 : i32 to index
      %swap3A_415 = tpu.vector_load %arg11[%swap3A] {strides = array<i32>} : memref<7808xf32, #tpu.memory_space<vmem>>, vector<16xf32>,
      %swap3A_416 = vector.shape_cast %swap3A_415 : vector<16xf32> to vector<16xf32>
      %swap3A_417 = vector.shape_cast %broadcast_in_dim3A_412 : vector<16xf32> to vector<16xf32>
      tpu.vector_store %arg11[%swap3A], %swap3A_417 {strides = array<i32>} : memref<7808xf32, #tpu.memory_space<vmem>>, vector<16xf32>,
    }
    %scan3A_10 = arith.constant 488 : i32
    %mul3A_11 = arith.constant 62464 : i32
    %mul3A_12 = arith.muli %arg1, %mul3A_11 : i32
    %add3A_13 = arith.constant 0 : i32
    %add3A_14 = arith.addi %mul3A_12, %add3A_13 : i32
    %dma_start3A_15 = tpu.memref_slice %arg15[%add3A_14] : memref<1000000xf32, #tpu.memory_space<vmem_shared>> -> memref<7808xf32, #tpu.memory_space<vmem_shared>>
    %dma_start3A_16 = tpu.memref_slice %arg15[%add3A_14] : memref<1000000xf32, #tpu.memory_space<vmem_shared>> -> memref<7808xf32, #tpu.memory_space<vmem_shared>>
    tpu.enqueue_dma source(%arg11 : memref<7808xf32, #tpu.memory_space<vmem>>) target(%dma_start3A_16 : memref<7808xf32, #tpu.memory_space<vmem_shared>>) target_semaphore(%arg22 : memref<!tpu.dma_semaphore, #tpu.memory_space<semaphore_mem>>)
    %mul3A_17 = arith.constant 62464 : i32
    %mul3A_18 = arith.muli %arg1, %mul3A_17 : i32
    %add3A_19 = arith.constant 7808 : i32
    %add3A_20 = arith.addi %mul3A_18, %add3A_19 : i32
    %dma_start3A_21 = tpu.memref_slice %arg15[%add3A_20] : memref<1000000xf32, #tpu.memory_space<vmem_shared>> -> memref<7808xf32, #tpu.memory_space<vmem_shared>>
    %dma_start3A_22 = tpu.memref_slice %arg15[%add3A_20] : memref<1000000xf32, #tpu.memory_space<vmem_shared>> -> memref<7808xf32, #tpu.memory_space<vmem_shared>>
    tpu.enqueue_dma source(%arg11 : memref<7808xf32, #tpu.memory_space<vmem>>) target(%dma_start3A_22 : memref<7808xf32, #tpu.memory_space<vmem_shared>>) target_semaphore(%arg22 : memref<!tpu.dma_semaphore, #tpu.memory_space<semaphore_mem>>)
    %mul3A_23 = arith.constant 62464 : i32
    %mul3A_24 = arith.muli %arg1, %mul3A_23 : i32
    %add3A_25 = arith.constant 15616 : i32
    %add3A_26 = arith.addi %mul3A_24, %add3A_25 : i32
    %dma_start3A_27 = tpu.memref_slice %arg15[%add3A_26] : memref<1000000xf32, #tpu.memory_space<vmem_shared>> -> memref<7808xf32, #tpu.memory_space<vmem_shared>>
    %dma_start3A_28 = tpu.memref_slice %arg15[%add3A_26] : memref<1000000xf32, #tpu.memory_space<vmem_shared>> -> memref<7808xf32, #tpu.memory_space<vmem_shared>>
    tpu.enqueue_dma source(%arg11 : memref<7808xf32, #tpu.memory_space<vmem>>) target(%dma_start3A_28 : memref<7808xf32, #tpu.memory_space<vmem_shared>>) target_semaphore(%arg22 : memref<!tpu.dma_semaphore, #tpu.memory_space<semaphore_mem>>)
    %mul3A_29 = arith.constant 62464 : i32
    %mul3A_30 = arith.muli %arg1, %mul3A_29 : i32
    %add3A_31 = arith.constant 23424 : i32
    %add3A_32 = arith.addi %mul3A_30, %add3A_31 : i32
    %dma_start3A_33 = tpu.memref_slice %arg15[%add3A_32] : memref<1000000xf32, #tpu.memory_space<vmem_shared>> -> memref<7808xf32, #tpu.memory_space<vmem_shared>>
    %dma_start3A_34 = tpu.memref_slice %arg15[%add3A_32] : memref<1000000xf32, #tpu.memory_space<vmem_shared>> -> memref<7808xf32, #tpu.memory_space<vmem_shared>>
    tpu.enqueue_dma source(%arg11 : memref<7808xf32, #tpu.memory_space<vmem>>) target(%dma_start3A_34 : memref<7808xf32, #tpu.memory_space<vmem_shared>>) target_semaphore(%arg22 : memref<!tpu.dma_semaphore, #tpu.memory_space<semaphore_mem>>)
    %mul3A_35 = arith.constant 62464 : i32
    %mul3A_36 = arith.muli %arg1, %mul3A_35 : i32
    %add3A_37 = arith.constant 31232 : i32
    %add3A_38 = arith.addi %mul3A_36, %add3A_37 : i32
    %dma_start3A_39 = tpu.memref_slice %arg15[%add3A_38] : memref<1000000xf32, #tpu.memory_space<vmem_shared>> -> memref<7808xf32, #tpu.memory_space<vmem_shared>>
    %dma_start3A_40 = tpu.memref_slice %arg15[%add3A_38] : memref<1000000xf32, #tpu.memory_space<vmem_shared>> -> memref<7808xf32, #tpu.memory_space<vmem_shared>>
    tpu.enqueue_dma source(%arg11 : memref<7808xf32, #tpu.memory_space<vmem>>) target(%dma_start3A_40 : memref<7808xf32, #tpu.memory_space<vmem_shared>>) target_semaphore(%arg22 : memref<!tpu.dma_semaphore, #tpu.memory_space<semaphore_mem>>)
    %mul3A_41 = arith.constant 62464 : i32
    %mul3A_42 = arith.muli %arg1, %mul3A_41 : i32
    %add3A_43 = arith.constant 39040 : i32
    %add3A_44 = arith.addi %mul3A_42, %add3A_43 : i32
    %dma_start3A_45 = tpu.memref_slice %arg15[%add3A_44] : memref<1000000xf32, #tpu.memory_space<vmem_shared>> -> memref<7808xf32, #tpu.memory_space<vmem_shared>>
    %dma_start3A_46 = tpu.memref_slice %arg15[%add3A_44] : memref<1000000xf32, #tpu.memory_space<vmem_shared>> -> memref<7808xf32, #tpu.memory_space<vmem_shared>>
    tpu.enqueue_dma source(%arg11 : memref<7808xf32, #tpu.memory_space<vmem>>) target(%dma_start3A_46 : memref<7808xf32, #tpu.memory_space<vmem_shared>>) target_semaphore(%arg22 : memref<!tpu.dma_semaphore, #tpu.memory_space<semaphore_mem>>)
    %mul3A_47 = arith.constant 62464 : i32
    %mul3A_48 = arith.muli %arg1, %mul3A_47 : i32
    %add3A_49 = arith.constant 46848 : i32
    %add3A_50 = arith.addi %mul3A_48, %add3A_49 : i32
    %dma_start3A_51 = tpu.memref_slice %arg15[%add3A_50] : memref<1000000xf32, #tpu.memory_space<vmem_shared>> -> memref<7808xf32, #tpu.memory_space<vmem_shared>>
    %dma_start3A_52 = tpu.memref_slice %arg15[%add3A_50] : memref<1000000xf32, #tpu.memory_space<vmem_shared>> -> memref<7808xf32, #tpu.memory_space<vmem_shared>>
    tpu.enqueue_dma source(%arg11 : memref<7808xf32, #tpu.memory_space<vmem>>) target(%dma_start3A_52 : memref<7808xf32, #tpu.memory_space<vmem_shared>>) target_semaphore(%arg22 : memref<!tpu.dma_semaphore, #tpu.memory_space<semaphore_mem>>)
    %mul3A_53 = arith.constant 62464 : i32
    %mul3A_54 = arith.muli %arg1, %mul3A_53 : i32
    %add3A_55 = arith.constant 54656 : i32
    %add3A_56 = arith.addi %mul3A_54, %add3A_55 : i32
    %dma_start3A_57 = tpu.memref_slice %arg15[%add3A_56] : memref<1000000xf32, #tpu.memory_space<vmem_shared>> -> memref<7808xf32, #tpu.memory_space<vmem_shared>>
    %dma_start3A_58 = tpu.memref_slice %arg15[%add3A_56] : memref<1000000xf32, #tpu.memory_space<vmem_shared>> -> memref<7808xf32, #tpu.memory_space<vmem_shared>>
    tpu.enqueue_dma source(%arg11 : memref<7808xf32, #tpu.memory_space<vmem>>) target(%dma_start3A_58 : memref<7808xf32, #tpu.memory_space<vmem_shared>>) target_semaphore(%arg22 : memref<!tpu.dma_semaphore, #tpu.memory_space<semaphore_mem>>)
    %dma_wait3A = tpu.memref_slice %arg15[%add3A_14] : memref<1000000xf32, #tpu.memory_space<vmem_shared>> -> memref<7808xf32, #tpu.memory_space<vmem_shared>>
    %dma_wait3A_59 = tpu.memref_slice %arg15[%add3A_14] : memref<1000000xf32, #tpu.memory_space<vmem_shared>> -> memref<7808xf32, #tpu.memory_space<vmem_shared>>
    tpu.wait_dma2 semaphore(%arg22 : memref<!tpu.dma_semaphore, #tpu.memory_space<semaphore_mem>>) src(%arg11 : memref<7808xf32, #tpu.memory_space<vmem>>) dst(%dma_wait3A_59 : memref<7808xf32, #tpu.memory_space<vmem_shared>>)
    %dma_wait3A_60 = tpu.memref_slice %arg15[%add3A_20] : memref<1000000xf32, #tpu.memory_space<vmem_shared>> -> memref<7808xf32, #tpu.memory_space<vmem_shared>>
    %dma_wait3A_61 = tpu.memref_slice %arg15[%add3A_20] : memref<1000000xf32, #tpu.memory_space<vmem_shared>> -> memref<7808xf32, #tpu.memory_space<vmem_shared>>
    tpu.wait_dma2 semaphore(%arg22 : memref<!tpu.dma_semaphore, #tpu.memory_space<semaphore_mem>>) src(%arg11 : memref<7808xf32, #tpu.memory_space<vmem>>) dst(%dma_wait3A_61 : memref<7808xf32, #tpu.memory_space<vmem_shared>>)
    %dma_wait3A_62 = tpu.memref_slice %arg15[%add3A_26] : memref<1000000xf32, #tpu.memory_space<vmem_shared>> -> memref<7808xf32, #tpu.memory_space<vmem_shared>>
    %dma_wait3A_63 = tpu.memref_slice %arg15[%add3A_26] : memref<1000000xf32, #tpu.memory_space<vmem_shared>> -> memref<7808xf32, #tpu.memory_space<vmem_shared>>
    tpu.wait_dma2 semaphore(%arg22 : memref<!tpu.dma_semaphore, #tpu.memory_space<semaphore_mem>>) src(%arg11 : memref<7808xf32, #tpu.memory_space<vmem>>) dst(%dma_wait3A_63 : memref<7808xf32, #tpu.memory_space<vmem_shared>>)
    %dma_wait3A_64 = tpu.memref_slice %arg15[%add3A_32] : memref<1000000xf32, #tpu.memory_space<vmem_shared>> -> memref<7808xf32, #tpu.memory_space<vmem_shared>>
    %dma_wait3A_65 = tpu.memref_slice %arg15[%add3A_32] : memref<1000000xf32, #tpu.memory_space<vmem_shared>> -> memref<7808xf32, #tpu.memory_space<vmem_shared>>
    tpu.wait_dma2 semaphore(%arg22 : memref<!tpu.dma_semaphore, #tpu.memory_space<semaphore_mem>>) src(%arg11 : memref<7808xf32, #tpu.memory_space<vmem>>) dst(%dma_wait3A_65 : memref<7808xf32, #tpu.memory_space<vmem_shared>>)
    %dma_wait3A_66 = tpu.memref_slice %arg15[%add3A_38] : memref<1000000xf32, #tpu.memory_space<vmem_shared>> -> memref<7808xf32, #tpu.memory_space<vmem_shared>>
    %dma_wait3A_67 = tpu.memref_slice %arg15[%add3A_38] : memref<1000000xf32, #tpu.memory_space<vmem_shared>> -> memref<7808xf32, #tpu.memory_space<vmem_shared>>
    tpu.wait_dma2 semaphore(%arg22 : memref<!tpu.dma_semaphore, #tpu.memory_space<semaphore_mem>>) src(%arg11 : memref<7808xf32, #tpu.memory_space<vmem>>) dst(%dma_wait3A_67 : memref<7808xf32, #tpu.memory_space<vmem_shared>>)
    %dma_wait3A_68 = tpu.memref_slice %arg15[%add3A_44] : memref<1000000xf32, #tpu.memory_space<vmem_shared>> -> memref<7808xf32, #tpu.memory_space<vmem_shared>>
    %dma_wait3A_69 = tpu.memref_slice %arg15[%add3A_44] : memref<1000000xf32, #tpu.memory_space<vmem_shared>> -> memref<7808xf32, #tpu.memory_space<vmem_shared>>
    tpu.wait_dma2 semaphore(%arg22 : memref<!tpu.dma_semaphore, #tpu.memory_space<semaphore_mem>>) src(%arg11 : memref<7808xf32, #tpu.memory_space<vmem>>) dst(%dma_wait3A_69 : memref<7808xf32, #tpu.memory_space<vmem_shared>>)
    %dma_wait3A_70 = tpu.memref_slice %arg15[%add3A_50] : memref<1000000xf32, #tpu.memory_space<vmem_shared>> -> memref<7808xf32, #tpu.memory_space<vmem_shared>>
    %dma_wait3A_71 = tpu.memref_slice %arg15[%add3A_50] : memref<1000000xf32, #tpu.memory_space<vmem_shared>> -> memref<7808xf32, #tpu.memory_space<vmem_shared>>
    tpu.wait_dma2 semaphore(%arg22 : memref<!tpu.dma_semaphore, #tpu.memory_space<semaphore_mem>>) src(%arg11 : memref<7808xf32, #tpu.memory_space<vmem>>) dst(%dma_wait3A_71 : memref<7808xf32, #tpu.memory_space<vmem_shared>>)
    %dma_wait3A_72 = tpu.memref_slice %arg15[%add3A_56] : memref<1000000xf32, #tpu.memory_space<vmem_shared>> -> memref<7808xf32, #tpu.memory_space<vmem_shared>>
    %dma_wait3A_73 = tpu.memref_slice %arg15[%add3A_56] : memref<1000000xf32, #tpu.memory_space<vmem_shared>> -> memref<7808xf32, #tpu.memory_space<vmem_shared>>
    tpu.wait_dma2 semaphore(%arg22 : memref<!tpu.dma_semaphore, #tpu.memory_space<semaphore_mem>>) src(%arg11 : memref<7808xf32, #tpu.memory_space<vmem>>) dst(%dma_wait3A_73 : memref<7808xf32, #tpu.memory_space<vmem_shared>>)
    %eq3A = arith.constant 0 : i32
    %eq3A_74 = arith.cmpi eq, %arg1, %eq3A : i32
    %convert_element_type3A = arith.extui %eq3A_74 : i1 to i32
    %cond3A = arith.constant 0 : i32
    %cond3A_75 = arith.cmpi ne, %convert_element_type3A, %cond3A : i32
    scf.if %cond3A_75 {
      "tpu.region"() ({
        %run_scoped3A = tpu.sem_alloc : memref<!tpu.dma_semaphore, #tpu.memory_space<semaphore_mem>>
        %dma_start3A_411 = arith.constant 0 : i32
        %dma_start3A_412 = tpu.memref_slice %arg11[%dma_start3A_411] : memref<7808xf32, #tpu.memory_space<vmem>> -> memref<576xf32, #tpu.memory_space<vmem>>
        %dma_start3A_413 = arith.constant 999424 : i32
        %dma_start3A_414 = tpu.memref_slice %arg15[%dma_start3A_413] : memref<1000000xf32, #tpu.memory_space<vmem_shared>> -> memref<576xf32, #tpu.memory_space<vmem_shared>>
        %dma_start3A_415 = arith.constant 999424 : i32
        %dma_start3A_416 = tpu.memref_slice %arg15[%dma_start3A_415] : memref<1000000xf32, #tpu.memory_space<vmem_shared>> -> memref<576xf32, #tpu.memory_space<vmem_shared>>
        %dma_start3A_417 = arith.constant 0 : i32
        %dma_start3A_418 = tpu.memref_slice %arg11[%dma_start3A_417] : memref<7808xf32, #tpu.memory_space<vmem>> -> memref<576xf32, #tpu.memory_space<vmem>>
        tpu.enqueue_dma source(%dma_start3A_418 : memref<576xf32, #tpu.memory_space<vmem>>) target(%dma_start3A_416 : memref<576xf32, #tpu.memory_space<vmem_shared>>) target_semaphore(%run_scoped3A : memref<!tpu.dma_semaphore, #tpu.memory_space<semaphore_mem>>)
        %dma_wait3A_419 = arith.constant 0 : i32
        %dma_wait3A_420 = tpu.memref_slice %arg11[%dma_wait3A_419] : memref<7808xf32, #tpu.memory_space<vmem>> -> memref<576xf32, #tpu.memory_space<vmem>>
        %dma_wait3A_421 = arith.constant 999424 : i32
        %dma_wait3A_422 = tpu.memref_slice %arg15[%dma_wait3A_421] : memref<1000000xf32, #tpu.memory_space<vmem_shared>> -> memref<576xf32, #tpu.memory_space<vmem_shared>>
        %dma_wait3A_423 = arith.constant 999424 : i32
        %dma_wait3A_424 = tpu.memref_slice %arg15[%dma_wait3A_423] : memref<1000000xf32, #tpu.memory_space<vmem_shared>> -> memref<576xf32, #tpu.memory_space<vmem_shared>>
        %dma_wait3A_425 = arith.constant 0 : i32
        %dma_wait3A_426 = tpu.memref_slice %arg11[%dma_wait3A_425] : memref<7808xf32, #tpu.memory_space<vmem>> -> memref<576xf32, #tpu.memory_space<vmem>>
        tpu.wait_dma2 semaphore(%run_scoped3A : memref<!tpu.dma_semaphore, #tpu.memory_space<semaphore_mem>>) src(%dma_wait3A_426 : memref<576xf32, #tpu.memory_space<vmem>>) dst(%dma_wait3A_424 : memref<576xf32, #tpu.memory_space<vmem_shared>>)
        tpu.yield
      }) : () -> ()
    } else {
    }
    %scan3A_76 = arith.constant 0 : i32
    %scan3A_77 = arith.constant 0 : i32
    %scan3A_78 = arith.constant 488 : i32
    %scan3A_79 = arith.addi %scan3A_77, %scan3A_78 : i32
    %scan3A_80 = arith.constant 1 : i32
    scf.for %scan3A_411 = %scan3A_77 to %scan3A_79 step %scan3A_80  : i32 {
      %broadcast_in_dim3A = arith.constant 1.000000e+00 : f32
      %broadcast_in_dim3A_412 = vector.broadcast %broadcast_in_dim3A : f32 to vector<16xf32>
      %mul3A_413 = arith.constant 16 : i32
      %mul3A_414 = arith.muli %scan3A_411, %mul3A_413 : i32
      %swap3A = arith.index_cast %mul3A_414 : i32 to index
      %swap3A_415 = tpu.vector_load %arg11[%swap3A] {strides = array<i32>} : memref<7808xf32, #tpu.memory_space<vmem>>, vector<16xf32>,
      %swap3A_416 = vector.shape_cast %swap3A_415 : vector<16xf32> to vector<16xf32>
      %swap3A_417 = vector.shape_cast %broadcast_in_dim3A_412 : vector<16xf32> to vector<16xf32>
      tpu.vector_store %arg11[%swap3A], %swap3A_417 {strides = array<i32>} : memref<7808xf32, #tpu.memory_space<vmem>>, vector<16xf32>,
    }
    %scan3A_81 = arith.constant 488 : i32
    %barrier3A = arith.constant 0 : index
    tpu.barrier barrier_id(%barrier3A)
    %lt3A = arith.constant 18 : i32
    %lt3A_82 = arith.cmpi slt, %add3A, %lt3A : i32
    %convert_element_type3A_83 = arith.extui %lt3A_82 : i1 to i32
    %cond3A_84 = arith.constant 0 : i32
    %cond3A_85 = arith.cmpi ne, %convert_element_type3A_83, %cond3A_84 : i32
    scf.if %cond3A_85 {
      %mul3A_411 = arith.constant 128 : i32
      %mul3A_412 = arith.muli %add3A, %mul3A_411 : i32
      %add3A_413 = arith.constant 3997696 : i32
      %add3A_414 = arith.addi %add3A_413, %mul3A_412 : i32
      "tpu.region"() ({
        %run_scoped3A = tpu.sem_alloc : memref<!tpu.dma_semaphore, #tpu.memory_space<semaphore_mem>>
        %dma_start3A_529 = tpu.memref_slice %arg2[%add3A_414] : memref<4000000xi32, #tpu.memory_space<hbm>> -> memref<128xi32, #tpu.memory_space<hbm>>
        %dma_start3A_530 = tpu.memref_slice %arg2[%add3A_414] : memref<4000000xi32, #tpu.memory_space<hbm>> -> memref<128xi32, #tpu.memory_space<hbm>>
        tpu.enqueue_dma source(%dma_start3A_530 : memref<128xi32, #tpu.memory_space<hbm>>) target(%arg12 : memref<128xi32, #tpu.memory_space<vmem>>) target_semaphore(%run_scoped3A : memref<!tpu.dma_semaphore, #tpu.memory_space<semaphore_mem>>)
        %dma_wait3A_531 = tpu.memref_slice %arg2[%add3A_414] : memref<4000000xi32, #tpu.memory_space<hbm>> -> memref<128xi32, #tpu.memory_space<hbm>>
        %dma_wait3A_532 = tpu.memref_slice %arg2[%add3A_414] : memref<4000000xi32, #tpu.memory_space<hbm>> -> memref<128xi32, #tpu.memory_space<hbm>>
        tpu.wait_dma2 semaphore(%run_scoped3A : memref<!tpu.dma_semaphore, #tpu.memory_space<semaphore_mem>>) src(%dma_wait3A_532 : memref<128xi32, #tpu.memory_space<hbm>>) dst(%arg12 : memref<128xi32, #tpu.memory_space<vmem>>)
        tpu.yield
      }) : () -> ()
      "tpu.region"() ({
        %run_scoped3A = tpu.sem_alloc : memref<!tpu.dma_semaphore, #tpu.memory_space<semaphore_mem>>
        %dma_start3A_529 = tpu.memref_slice %arg3[%add3A_414] : memref<4000000xi32, #tpu.memory_space<hbm>> -> memref<128xi32, #tpu.memory_space<hbm>>
        %dma_start3A_530 = tpu.memref_slice %arg3[%add3A_414] : memref<4000000xi32, #tpu.memory_space<hbm>> -> memref<128xi32, #tpu.memory_space<hbm>>
        tpu.enqueue_dma source(%dma_start3A_530 : memref<128xi32, #tpu.memory_space<hbm>>) target(%arg13 : memref<128xi32, #tpu.memory_space<vmem>>) target_semaphore(%run_scoped3A : memref<!tpu.dma_semaphore, #tpu.memory_space<semaphore_mem>>)
        %dma_wait3A_531 = tpu.memref_slice %arg3[%add3A_414] : memref<4000000xi32, #tpu.memory_space<hbm>> -> memref<128xi32, #tpu.memory_space<hbm>>
        %dma_wait3A_532 = tpu.memref_slice %arg3[%add3A_414] : memref<4000000xi32, #tpu.memory_space<hbm>> -> memref<128xi32, #tpu.memory_space<hbm>>
        tpu.wait_dma2 semaphore(%run_scoped3A : memref<!tpu.dma_semaphore, #tpu.memory_space<semaphore_mem>>) src(%dma_wait3A_532 : memref<128xi32, #tpu.memory_space<hbm>>) dst(%arg13 : memref<128xi32, #tpu.memory_space<vmem>>)
        tpu.yield
      }) : () -> ()
      %get3A = arith.constant 0 : index
      %get3A_415 = tpu.vector_load %arg13[%get3A] {strides = array<i32>} : memref<128xi32, #tpu.memory_space<vmem>>, vector<16xi32>,
      %get3A_416 = vector.shape_cast %get3A_415 : vector<16xi32> to vector<16xi32>
      %mul3A_417 = arith.constant 1000 : i32
      %mul3A_418 = vector.broadcast %mul3A_417 : i32 to vector<16xi32>
      %mul3A_419 = arith.muli %get3A_416, %mul3A_418 : vector<16xi32>
      %get3A_420 = arith.constant 0 : index
      %get3A_421 = tpu.vector_load %arg12[%get3A_420] {strides = array<i32>} : memref<128xi32, #tpu.memory_space<vmem>>, vector<16xi32>,
      %get3A_422 = vector.shape_cast %get3A_421 : vector<16xi32> to vector<16xi32>
      %add3A_423 = arith.addi %mul3A_419, %get3A_422 : vector<16xi32>
      %swap3A = arith.constant 0 : index
      %swap3A_424 = tpu.vector_load %arg14[%swap3A] {strides = array<i32>} : memref<128xi32, #tpu.memory_space<vmem>>, vector<16xi32>,
      %swap3A_425 = vector.shape_cast %swap3A_424 : vector<16xi32> to vector<16xi32>
      %swap3A_426 = vector.shape_cast %add3A_423 : vector<16xi32> to vector<16xi32>
      tpu.vector_store %arg14[%swap3A], %swap3A_426 {strides = array<i32>} : memref<128xi32, #tpu.memory_space<vmem>>, vector<16xi32>,
      %get3A_427 = arith.constant 16 : index
      %get3A_428 = tpu.vector_load %arg13[%get3A_427] {strides = array<i32>} : memref<128xi32, #tpu.memory_space<vmem>>, vector<16xi32>,
      %get3A_429 = vector.shape_cast %get3A_428 : vector<16xi32> to vector<16xi32>
      %mul3A_430 = arith.constant 1000 : i32
      %mul3A_431 = vector.broadcast %mul3A_430 : i32 to vector<16xi32>
      %mul3A_432 = arith.muli %get3A_429, %mul3A_431 : vector<16xi32>
      %get3A_433 = arith.constant 16 : index
      %get3A_434 = tpu.vector_load %arg12[%get3A_433] {strides = array<i32>} : memref<128xi32, #tpu.memory_space<vmem>>, vector<16xi32>,
      %get3A_435 = vector.shape_cast %get3A_434 : vector<16xi32> to vector<16xi32>
      %add3A_436 = arith.addi %mul3A_432, %get3A_435 : vector<16xi32>
      %swap3A_437 = arith.constant 16 : index
      %swap3A_438 = tpu.vector_load %arg14[%swap3A_437] {strides = array<i32>} : memref<128xi32, #tpu.memory_space<vmem>>, vector<16xi32>,
      %swap3A_439 = vector.shape_cast %swap3A_438 : vector<16xi32> to vector<16xi32>
      %swap3A_440 = vector.shape_cast %add3A_436 : vector<16xi32> to vector<16xi32>
      tpu.vector_store %arg14[%swap3A_437], %swap3A_440 {strides = array<i32>} : memref<128xi32, #tpu.memory_space<vmem>>, vector<16xi32>,
      %get3A_441 = arith.constant 32 : index
      %get3A_442 = tpu.vector_load %arg13[%get3A_441] {strides = array<i32>} : memref<128xi32, #tpu.memory_space<vmem>>, vector<16xi32>,
      %get3A_443 = vector.shape_cast %get3A_442 : vector<16xi32> to vector<16xi32>
      %mul3A_444 = arith.constant 1000 : i32
      %mul3A_445 = vector.broadcast %mul3A_444 : i32 to vector<16xi32>
      %mul3A_446 = arith.muli %get3A_443, %mul3A_445 : vector<16xi32>
      %get3A_447 = arith.constant 32 : index
      %get3A_448 = tpu.vector_load %arg12[%get3A_447] {strides = array<i32>} : memref<128xi32, #tpu.memory_space<vmem>>, vector<16xi32>,
      %get3A_449 = vector.shape_cast %get3A_448 : vector<16xi32> to vector<16xi32>
      %add3A_450 = arith.addi %mul3A_446, %get3A_449 : vector<16xi32>
      %swap3A_451 = arith.constant 32 : index
      %swap3A_452 = tpu.vector_load %arg14[%swap3A_451] {strides = array<i32>} : memref<128xi32, #tpu.memory_space<vmem>>, vector<16xi32>,
      %swap3A_453 = vector.shape_cast %swap3A_452 : vector<16xi32> to vector<16xi32>
      %swap3A_454 = vector.shape_cast %add3A_450 : vector<16xi32> to vector<16xi32>
      tpu.vector_store %arg14[%swap3A_451], %swap3A_454 {strides = array<i32>} : memref<128xi32, #tpu.memory_space<vmem>>, vector<16xi32>,
      %get3A_455 = arith.constant 48 : index
      %get3A_456 = tpu.vector_load %arg13[%get3A_455] {strides = array<i32>} : memref<128xi32, #tpu.memory_space<vmem>>, vector<16xi32>,
      %get3A_457 = vector.shape_cast %get3A_456 : vector<16xi32> to vector<16xi32>
      %mul3A_458 = arith.constant 1000 : i32
      %mul3A_459 = vector.broadcast %mul3A_458 : i32 to vector<16xi32>
      %mul3A_460 = arith.muli %get3A_457, %mul3A_459 : vector<16xi32>
      %get3A_461 = arith.constant 48 : index
      %get3A_462 = tpu.vector_load %arg12[%get3A_461] {strides = array<i32>} : memref<128xi32, #tpu.memory_space<vmem>>, vector<16xi32>,
      %get3A_463 = vector.shape_cast %get3A_462 : vector<16xi32> to vector<16xi32>
      %add3A_464 = arith.addi %mul3A_460, %get3A_463 : vector<16xi32>
      %swap3A_465 = arith.constant 48 : index
      %swap3A_466 = tpu.vector_load %arg14[%swap3A_465] {strides = array<i32>} : memref<128xi32, #tpu.memory_space<vmem>>, vector<16xi32>,
      %swap3A_467 = vector.shape_cast %swap3A_466 : vector<16xi32> to vector<16xi32>
      %swap3A_468 = vector.shape_cast %add3A_464 : vector<16xi32> to vector<16xi32>
      tpu.vector_store %arg14[%swap3A_465], %swap3A_468 {strides = array<i32>} : memref<128xi32, #tpu.memory_space<vmem>>, vector<16xi32>,
      %get3A_469 = arith.constant 64 : index
      %get3A_470 = tpu.vector_load %arg13[%get3A_469] {strides = array<i32>} : memref<128xi32, #tpu.memory_space<vmem>>, vector<16xi32>,
      %get3A_471 = vector.shape_cast %get3A_470 : vector<16xi32> to vector<16xi32>
      %mul3A_472 = arith.constant 1000 : i32
      %mul3A_473 = vector.broadcast %mul3A_472 : i32 to vector<16xi32>
      %mul3A_474 = arith.muli %get3A_471, %mul3A_473 : vector<16xi32>
      %get3A_475 = arith.constant 64 : index
      %get3A_476 = tpu.vector_load %arg12[%get3A_475] {strides = array<i32>} : memref<128xi32, #tpu.memory_space<vmem>>, vector<16xi32>,
      %get3A_477 = vector.shape_cast %get3A_476 : vector<16xi32> to vector<16xi32>
      %add3A_478 = arith.addi %mul3A_474, %get3A_477 : vector<16xi32>
      %swap3A_479 = arith.constant 64 : index
      %swap3A_480 = tpu.vector_load %arg14[%swap3A_479] {strides = array<i32>} : memref<128xi32, #tpu.memory_space<vmem>>, vector<16xi32>,
      %swap3A_481 = vector.shape_cast %swap3A_480 : vector<16xi32> to vector<16xi32>
      %swap3A_482 = vector.shape_cast %add3A_478 : vector<16xi32> to vector<16xi32>
      tpu.vector_store %arg14[%swap3A_479], %swap3A_482 {strides = array<i32>} : memref<128xi32, #tpu.memory_space<vmem>>, vector<16xi32>,
      %get3A_483 = arith.constant 80 : index
      %get3A_484 = tpu.vector_load %arg13[%get3A_483] {strides = array<i32>} : memref<128xi32, #tpu.memory_space<vmem>>, vector<16xi32>,
      %get3A_485 = vector.shape_cast %get3A_484 : vector<16xi32> to vector<16xi32>
      %mul3A_486 = arith.constant 1000 : i32
      %mul3A_487 = vector.broadcast %mul3A_486 : i32 to vector<16xi32>
      %mul3A_488 = arith.muli %get3A_485, %mul3A_487 : vector<16xi32>
      %get3A_489 = arith.constant 80 : index
      %get3A_490 = tpu.vector_load %arg12[%get3A_489] {strides = array<i32>} : memref<128xi32, #tpu.memory_space<vmem>>, vector<16xi32>,
      %get3A_491 = vector.shape_cast %get3A_490 : vector<16xi32> to vector<16xi32>
      %add3A_492 = arith.addi %mul3A_488, %get3A_491 : vector<16xi32>
      %swap3A_493 = arith.constant 80 : index
      %swap3A_494 = tpu.vector_load %arg14[%swap3A_493] {strides = array<i32>} : memref<128xi32, #tpu.memory_space<vmem>>, vector<16xi32>,
      %swap3A_495 = vector.shape_cast %swap3A_494 : vector<16xi32> to vector<16xi32>
      %swap3A_496 = vector.shape_cast %add3A_492 : vector<16xi32> to vector<16xi32>
      tpu.vector_store %arg14[%swap3A_493], %swap3A_496 {strides = array<i32>} : memref<128xi32, #tpu.memory_space<vmem>>, vector<16xi32>,
      %get3A_497 = arith.constant 96 : index
      %get3A_498 = tpu.vector_load %arg13[%get3A_497] {strides = array<i32>} : memref<128xi32, #tpu.memory_space<vmem>>, vector<16xi32>,
      %get3A_499 = vector.shape_cast %get3A_498 : vector<16xi32> to vector<16xi32>
      %mul3A_500 = arith.constant 1000 : i32
      %mul3A_501 = vector.broadcast %mul3A_500 : i32 to vector<16xi32>
      %mul3A_502 = arith.muli %get3A_499, %mul3A_501 : vector<16xi32>
      %get3A_503 = arith.constant 96 : index
      %get3A_504 = tpu.vector_load %arg12[%get3A_503] {strides = array<i32>} : memref<128xi32, #tpu.memory_space<vmem>>, vector<16xi32>,
      %get3A_505 = vector.shape_cast %get3A_504 : vector<16xi32> to vector<16xi32>
      %add3A_506 = arith.addi %mul3A_502, %get3A_505 : vector<16xi32>
      %swap3A_507 = arith.constant 96 : index
      %swap3A_508 = tpu.vector_load %arg14[%swap3A_507] {strides = array<i32>} : memref<128xi32, #tpu.memory_space<vmem>>, vector<16xi32>,
      %swap3A_509 = vector.shape_cast %swap3A_508 : vector<16xi32> to vector<16xi32>
      %swap3A_510 = vector.shape_cast %add3A_506 : vector<16xi32> to vector<16xi32>
      tpu.vector_store %arg14[%swap3A_507], %swap3A_510 {strides = array<i32>} : memref<128xi32, #tpu.memory_space<vmem>>, vector<16xi32>,
      %get3A_511 = arith.constant 112 : index
      %get3A_512 = tpu.vector_load %arg13[%get3A_511] {strides = array<i32>} : memref<128xi32, #tpu.memory_space<vmem>>, vector<16xi32>,
      %get3A_513 = vector.shape_cast %get3A_512 : vector<16xi32> to vector<16xi32>
      %mul3A_514 = arith.constant 1000 : i32
      %mul3A_515 = vector.broadcast %mul3A_514 : i32 to vector<16xi32>
      %mul3A_516 = arith.muli %get3A_513, %mul3A_515 : vector<16xi32>
      %get3A_517 = arith.constant 112 : index
      %get3A_518 = tpu.vector_load %arg12[%get3A_517] {strides = array<i32>} : memref<128xi32, #tpu.memory_space<vmem>>, vector<16xi32>,
      %get3A_519 = vector.shape_cast %get3A_518 : vector<16xi32> to vector<16xi32>
      %add3A_520 = arith.addi %mul3A_516, %get3A_519 : vector<16xi32>
      %swap3A_521 = arith.constant 112 : index
      %swap3A_522 = tpu.vector_load %arg14[%swap3A_521] {strides = array<i32>} : memref<128xi32, #tpu.memory_space<vmem>>, vector<16xi32>,
      %swap3A_523 = vector.shape_cast %swap3A_522 : vector<16xi32> to vector<16xi32>
      %swap3A_524 = vector.shape_cast %add3A_520 : vector<16xi32> to vector<16xi32>
      tpu.vector_store %arg14[%swap3A_521], %swap3A_524 {strides = array<i32>} : memref<128xi32, #tpu.memory_space<vmem>>, vector<16xi32>,
      %dma_start3A_525 = arith.constant 0 : i32
      %dma_start3A_526 = tpu.memref_slice %arg11[%dma_start3A_525] : memref<7808xf32, #tpu.memory_space<vmem>> -> memref<128xf32, #tpu.memory_space<vmem>>
      %dma_start3A_527 = arith.constant 0 : i32
      %dma_start3A_528 = tpu.memref_slice %arg15[%dma_start3A_527] : memref<1000000xf32, #tpu.memory_space<vmem_shared>> -> memref<1000000xf32, #tpu.memory_space<vmem_shared>>
      tpu.enqueue_indirect_dma source(%dma_start3A_526 : memref<128xf32, #tpu.memory_space<vmem>>) target(%dma_start3A_528 : memref<1000000xf32, #tpu.memory_space<vmem_shared>>) offsets(%arg14 : memref<128xi32, #tpu.memory_space<vmem>>) semaphore(%arg22 : memref<!tpu.dma_semaphore, #tpu.memory_space<semaphore_mem>>) {add = true}
    } else {
    }
    %add3A_86 = arith.constant 7808 : i32
    %add3A_87 = arith.addi %mul3A_2, %add3A_86 : i32
    %dma_start3A_88 = tpu.memref_slice %arg2[%add3A_87] : memref<4000000xi32, #tpu.memory_space<hbm>> -> memref<7808xi32, #tpu.memory_space<hbm>>
    %dma_start3A_89 = tpu.memref_slice %arg2[%add3A_87] : memref<4000000xi32, #tpu.memory_space<hbm>> -> memref<7808xi32, #tpu.memory_space<hbm>>
    tpu.enqueue_dma source(%dma_start3A_89 : memref<7808xi32, #tpu.memory_space<hbm>>) target(%arg6 : memref<7808xi32, #tpu.memory_space<vmem>>) target_semaphore(%arg17 : memref<!tpu.dma_semaphore, #tpu.memory_space<semaphore_mem>>)
    %dma_start3A_90 = tpu.memref_slice %arg3[%add3A_87] : memref<4000000xi32, #tpu.memory_space<hbm>> -> memref<7808xi32, #tpu.memory_space<hbm>>
    %dma_start3A_91 = tpu.memref_slice %arg3[%add3A_87] : memref<4000000xi32, #tpu.memory_space<hbm>> -> memref<7808xi32, #tpu.memory_space<hbm>>
    tpu.enqueue_dma source(%dma_start3A_91 : memref<7808xi32, #tpu.memory_space<hbm>>) target(%arg8 : memref<7808xi32, #tpu.memory_space<vmem>>) target_semaphore(%arg19 : memref<!tpu.dma_semaphore, #tpu.memory_space<semaphore_mem>>)
    %dma_wait3A_92 = tpu.memref_slice %arg2[%mul3A_2] : memref<4000000xi32, #tpu.memory_space<hbm>> -> memref<7808xi32, #tpu.memory_space<hbm>>
    %dma_wait3A_93 = tpu.memref_slice %arg2[%mul3A_2] : memref<4000000xi32, #tpu.memory_space<hbm>> -> memref<7808xi32, #tpu.memory_space<hbm>>
    tpu.wait_dma2 semaphore(%arg16 : memref<!tpu.dma_semaphore, #tpu.memory_space<semaphore_mem>>) src(%dma_wait3A_93 : memref<7808xi32, #tpu.memory_space<hbm>>) dst(%arg5 : memref<7808xi32, #tpu.memory_space<vmem>>)
    %dma_wait3A_94 = tpu.memref_slice %arg3[%mul3A_2] : memref<4000000xi32, #tpu.memory_space<hbm>> -> memref<7808xi32, #tpu.memory_space<hbm>>
    %dma_wait3A_95 = tpu.memref_slice %arg3[%mul3A_2] : memref<4000000xi32, #tpu.memory_space<hbm>> -> memref<7808xi32, #tpu.memory_space<hbm>>
    tpu.wait_dma2 semaphore(%arg18 : memref<!tpu.dma_semaphore, #tpu.memory_space<semaphore_mem>>) src(%dma_wait3A_95 : memref<7808xi32, #tpu.memory_space<hbm>>) dst(%arg7 : memref<7808xi32, #tpu.memory_space<vmem>>)
    %scan3A_96 = arith.constant 0 : i32
    %scan3A_97 = arith.constant 0 : i32
    %scan3A_98 = arith.constant 61 : i32
    %scan3A_99 = arith.addi %scan3A_97, %scan3A_98 : i32
    %scan3A_100 = arith.constant 1 : i32
    scf.for %scan3A_411 = %scan3A_97 to %scan3A_99 step %scan3A_100  : i32 {
      %mul3A_412 = arith.constant 128 : i32
      %mul3A_413 = arith.muli %scan3A_411, %mul3A_412 : i32
      %add3A_414 = arith.constant 0 : i32
      %add3A_415 = arith.addi %mul3A_413, %add3A_414 : i32
      %get3A = arith.index_cast %add3A_415 : i32 to index
      %get3A_416 = tpu.vector_load %arg7[%get3A] {strides = array<i32>} : memref<7808xi32, #tpu.memory_space<vmem>>, vector<16xi32>,
      %get3A_417 = vector.shape_cast %get3A_416 : vector<16xi32> to vector<16xi32>
      %mul3A_418 = arith.constant 1000 : i32
      %mul3A_419 = vector.broadcast %mul3A_418 : i32 to vector<16xi32>
      %mul3A_420 = arith.muli %get3A_417, %mul3A_419 : vector<16xi32>
      %get3A_421 = arith.index_cast %add3A_415 : i32 to index
      %get3A_422 = tpu.vector_load %arg5[%get3A_421] {strides = array<i32>} : memref<7808xi32, #tpu.memory_space<vmem>>, vector<16xi32>,
      %get3A_423 = vector.shape_cast %get3A_422 : vector<16xi32> to vector<16xi32>
      %add3A_424 = arith.addi %mul3A_420, %get3A_423 : vector<16xi32>
      %swap3A = arith.index_cast %add3A_415 : i32 to index
      %swap3A_425 = tpu.vector_load %arg9[%swap3A] {strides = array<i32>} : memref<7808xi32, #tpu.memory_space<vmem>>, vector<16xi32>,
      %swap3A_426 = vector.shape_cast %swap3A_425 : vector<16xi32> to vector<16xi32>
      %swap3A_427 = vector.shape_cast %add3A_424 : vector<16xi32> to vector<16xi32>
      tpu.vector_store %arg9[%swap3A], %swap3A_427 {strides = array<i32>} : memref<7808xi32, #tpu.memory_space<vmem>>, vector<16xi32>,
      %mul3A_428 = arith.constant 128 : i32
      %mul3A_429 = arith.muli %scan3A_411, %mul3A_428 : i32
      %add3A_430 = arith.constant 16 : i32
      %add3A_431 = arith.addi %mul3A_429, %add3A_430 : i32
      %get3A_432 = arith.index_cast %add3A_431 : i32 to index
      %get3A_433 = tpu.vector_load %arg7[%get3A_432] {strides = array<i32>} : memref<7808xi32, #tpu.memory_space<vmem>>, vector<16xi32>,
      %get3A_434 = vector.shape_cast %get3A_433 : vector<16xi32> to vector<16xi32>
      %mul3A_435 = arith.constant 1000 : i32
      %mul3A_436 = vector.broadcast %mul3A_435 : i32 to vector<16xi32>
      %mul3A_437 = arith.muli %get3A_434, %mul3A_436 : vector<16xi32>
      %get3A_438 = arith.index_cast %add3A_431 : i32 to index
      %get3A_439 = tpu.vector_load %arg5[%get3A_438] {strides = array<i32>} : memref<7808xi32, #tpu.memory_space<vmem>>, vector<16xi32>,
      %get3A_440 = vector.shape_cast %get3A_439 : vector<16xi32> to vector<16xi32>
      %add3A_441 = arith.addi %mul3A_437, %get3A_440 : vector<16xi32>
      %swap3A_442 = arith.index_cast %add3A_431 : i32 to index
      %swap3A_443 = tpu.vector_load %arg9[%swap3A_442] {strides = array<i32>} : memref<7808xi32, #tpu.memory_space<vmem>>, vector<16xi32>,
      %swap3A_444 = vector.shape_cast %swap3A_443 : vector<16xi32> to vector<16xi32>
      %swap3A_445 = vector.shape_cast %add3A_441 : vector<16xi32> to vector<16xi32>
      tpu.vector_store %arg9[%swap3A_442], %swap3A_445 {strides = array<i32>} : memref<7808xi32, #tpu.memory_space<vmem>>, vector<16xi32>,
      %mul3A_446 = arith.constant 128 : i32
      %mul3A_447 = arith.muli %scan3A_411, %mul3A_446 : i32
      %add3A_448 = arith.constant 32 : i32
      %add3A_449 = arith.addi %mul3A_447, %add3A_448 : i32
      %get3A_450 = arith.index_cast %add3A_449 : i32 to index
      %get3A_451 = tpu.vector_load %arg7[%get3A_450] {strides = array<i32>} : memref<7808xi32, #tpu.memory_space<vmem>>, vector<16xi32>,
      %get3A_452 = vector.shape_cast %get3A_451 : vector<16xi32> to vector<16xi32>
      %mul3A_453 = arith.constant 1000 : i32
      %mul3A_454 = vector.broadcast %mul3A_453 : i32 to vector<16xi32>
      %mul3A_455 = arith.muli %get3A_452, %mul3A_454 : vector<16xi32>
      %get3A_456 = arith.index_cast %add3A_449 : i32 to index
      %get3A_457 = tpu.vector_load %arg5[%get3A_456] {strides = array<i32>} : memref<7808xi32, #tpu.memory_space<vmem>>, vector<16xi32>,
      %get3A_458 = vector.shape_cast %get3A_457 : vector<16xi32> to vector<16xi32>
      %add3A_459 = arith.addi %mul3A_455, %get3A_458 : vector<16xi32>
      %swap3A_460 = arith.index_cast %add3A_449 : i32 to index
      %swap3A_461 = tpu.vector_load %arg9[%swap3A_460] {strides = array<i32>} : memref<7808xi32, #tpu.memory_space<vmem>>, vector<16xi32>,
      %swap3A_462 = vector.shape_cast %swap3A_461 : vector<16xi32> to vector<16xi32>
      %swap3A_463 = vector.shape_cast %add3A_459 : vector<16xi32> to vector<16xi32>
      tpu.vector_store %arg9[%swap3A_460], %swap3A_463 {strides = array<i32>} : memref<7808xi32, #tpu.memory_space<vmem>>, vector<16xi32>,
      %mul3A_464 = arith.constant 128 : i32
      %mul3A_465 = arith.muli %scan3A_411, %mul3A_464 : i32
      %add3A_466 = arith.constant 48 : i32
      %add3A_467 = arith.addi %mul3A_465, %add3A_466 : i32
      %get3A_468 = arith.index_cast %add3A_467 : i32 to index
      %get3A_469 = tpu.vector_load %arg7[%get3A_468] {strides = array<i32>} : memref<7808xi32, #tpu.memory_space<vmem>>, vector<16xi32>,
      %get3A_470 = vector.shape_cast %get3A_469 : vector<16xi32> to vector<16xi32>
      %mul3A_471 = arith.constant 1000 : i32
      %mul3A_472 = vector.broadcast %mul3A_471 : i32 to vector<16xi32>
      %mul3A_473 = arith.muli %get3A_470, %mul3A_472 : vector<16xi32>
      %get3A_474 = arith.index_cast %add3A_467 : i32 to index
      %get3A_475 = tpu.vector_load %arg5[%get3A_474] {strides = array<i32>} : memref<7808xi32, #tpu.memory_space<vmem>>, vector<16xi32>,
      %get3A_476 = vector.shape_cast %get3A_475 : vector<16xi32> to vector<16xi32>
      %add3A_477 = arith.addi %mul3A_473, %get3A_476 : vector<16xi32>
      %swap3A_478 = arith.index_cast %add3A_467 : i32 to index
      %swap3A_479 = tpu.vector_load %arg9[%swap3A_478] {strides = array<i32>} : memref<7808xi32, #tpu.memory_space<vmem>>, vector<16xi32>,
      %swap3A_480 = vector.shape_cast %swap3A_479 : vector<16xi32> to vector<16xi32>
      %swap3A_481 = vector.shape_cast %add3A_477 : vector<16xi32> to vector<16xi32>
      tpu.vector_store %arg9[%swap3A_478], %swap3A_481 {strides = array<i32>} : memref<7808xi32, #tpu.memory_space<vmem>>, vector<16xi32>,
      %mul3A_482 = arith.constant 128 : i32
      %mul3A_483 = arith.muli %scan3A_411, %mul3A_482 : i32
      %add3A_484 = arith.constant 64 : i32
      %add3A_485 = arith.addi %mul3A_483, %add3A_484 : i32
      %get3A_486 = arith.index_cast %add3A_485 : i32 to index
      %get3A_487 = tpu.vector_load %arg7[%get3A_486] {strides = array<i32>} : memref<7808xi32, #tpu.memory_space<vmem>>, vector<16xi32>,
      %get3A_488 = vector.shape_cast %get3A_487 : vector<16xi32> to vector<16xi32>
      %mul3A_489 = arith.constant 1000 : i32
      %mul3A_490 = vector.broadcast %mul3A_489 : i32 to vector<16xi32>
      %mul3A_491 = arith.muli %get3A_488, %mul3A_490 : vector<16xi32>
      %get3A_492 = arith.index_cast %add3A_485 : i32 to index
      %get3A_493 = tpu.vector_load %arg5[%get3A_492] {strides = array<i32>} : memref<7808xi32, #tpu.memory_space<vmem>>, vector<16xi32>,
      %get3A_494 = vector.shape_cast %get3A_493 : vector<16xi32> to vector<16xi32>
      %add3A_495 = arith.addi %mul3A_491, %get3A_494 : vector<16xi32>
      %swap3A_496 = arith.index_cast %add3A_485 : i32 to index
      %swap3A_497 = tpu.vector_load %arg9[%swap3A_496] {strides = array<i32>} : memref<7808xi32, #tpu.memory_space<vmem>>, vector<16xi32>,
      %swap3A_498 = vector.shape_cast %swap3A_497 : vector<16xi32> to vector<16xi32>
      %swap3A_499 = vector.shape_cast %add3A_495 : vector<16xi32> to vector<16xi32>
      tpu.vector_store %arg9[%swap3A_496], %swap3A_499 {strides = array<i32>} : memref<7808xi32, #tpu.memory_space<vmem>>, vector<16xi32>,
      %mul3A_500 = arith.constant 128 : i32
      %mul3A_501 = arith.muli %scan3A_411, %mul3A_500 : i32
      %add3A_502 = arith.constant 80 : i32
      %add3A_503 = arith.addi %mul3A_501, %add3A_502 : i32
      %get3A_504 = arith.index_cast %add3A_503 : i32 to index
      %get3A_505 = tpu.vector_load %arg7[%get3A_504] {strides = array<i32>} : memref<7808xi32, #tpu.memory_space<vmem>>, vector<16xi32>,
      %get3A_506 = vector.shape_cast %get3A_505 : vector<16xi32> to vector<16xi32>
      %mul3A_507 = arith.constant 1000 : i32
      %mul3A_508 = vector.broadcast %mul3A_507 : i32 to vector<16xi32>
      %mul3A_509 = arith.muli %get3A_506, %mul3A_508 : vector<16xi32>
      %get3A_510 = arith.index_cast %add3A_503 : i32 to index
      %get3A_511 = tpu.vector_load %arg5[%get3A_510] {strides = array<i32>} : memref<7808xi32, #tpu.memory_space<vmem>>, vector<16xi32>,
      %get3A_512 = vector.shape_cast %get3A_511 : vector<16xi32> to vector<16xi32>
      %add3A_513 = arith.addi %mul3A_509, %get3A_512 : vector<16xi32>
      %swap3A_514 = arith.index_cast %add3A_503 : i32 to index
      %swap3A_515 = tpu.vector_load %arg9[%swap3A_514] {strides = array<i32>} : memref<7808xi32, #tpu.memory_space<vmem>>, vector<16xi32>,
      %swap3A_516 = vector.shape_cast %swap3A_515 : vector<16xi32> to vector<16xi32>
      %swap3A_517 = vector.shape_cast %add3A_513 : vector<16xi32> to vector<16xi32>
      tpu.vector_store %arg9[%swap3A_514], %swap3A_517 {strides = array<i32>} : memref<7808xi32, #tpu.memory_space<vmem>>, vector<16xi32>,
      %mul3A_518 = arith.constant 128 : i32
      %mul3A_519 = arith.muli %scan3A_411, %mul3A_518 : i32
      %add3A_520 = arith.constant 96 : i32
      %add3A_521 = arith.addi %mul3A_519, %add3A_520 : i32
      %get3A_522 = arith.index_cast %add3A_521 : i32 to index
      %get3A_523 = tpu.vector_load %arg7[%get3A_522] {strides = array<i32>} : memref<7808xi32, #tpu.memory_space<vmem>>, vector<16xi32>,
      %get3A_524 = vector.shape_cast %get3A_523 : vector<16xi32> to vector<16xi32>
      %mul3A_525 = arith.constant 1000 : i32
      %mul3A_526 = vector.broadcast %mul3A_525 : i32 to vector<16xi32>
      %mul3A_527 = arith.muli %get3A_524, %mul3A_526 : vector<16xi32>
      %get3A_528 = arith.index_cast %add3A_521 : i32 to index
      %get3A_529 = tpu.vector_load %arg5[%get3A_528] {strides = array<i32>} : memref<7808xi32, #tpu.memory_space<vmem>>, vector<16xi32>,
      %get3A_530 = vector.shape_cast %get3A_529 : vector<16xi32> to vector<16xi32>
      %add3A_531 = arith.addi %mul3A_527, %get3A_530 : vector<16xi32>
      %swap3A_532 = arith.index_cast %add3A_521 : i32 to index
      %swap3A_533 = tpu.vector_load %arg9[%swap3A_532] {strides = array<i32>} : memref<7808xi32, #tpu.memory_space<vmem>>, vector<16xi32>,
      %swap3A_534 = vector.shape_cast %swap3A_533 : vector<16xi32> to vector<16xi32>
      %swap3A_535 = vector.shape_cast %add3A_531 : vector<16xi32> to vector<16xi32>
      tpu.vector_store %arg9[%swap3A_532], %swap3A_535 {strides = array<i32>} : memref<7808xi32, #tpu.memory_space<vmem>>, vector<16xi32>,
      %mul3A_536 = arith.constant 128 : i32
      %mul3A_537 = arith.muli %scan3A_411, %mul3A_536 : i32
      %add3A_538 = arith.constant 112 : i32
      %add3A_539 = arith.addi %mul3A_537, %add3A_538 : i32
      %get3A_540 = arith.index_cast %add3A_539 : i32 to index
      %get3A_541 = tpu.vector_load %arg7[%get3A_540] {strides = array<i32>} : memref<7808xi32, #tpu.memory_space<vmem>>, vector<16xi32>,
      %get3A_542 = vector.shape_cast %get3A_541 : vector<16xi32> to vector<16xi32>
      %mul3A_543 = arith.constant 1000 : i32
      %mul3A_544 = vector.broadcast %mul3A_543 : i32 to vector<16xi32>
      %mul3A_545 = arith.muli %get3A_542, %mul3A_544 : vector<16xi32>
      %get3A_546 = arith.index_cast %add3A_539 : i32 to index
      %get3A_547 = tpu.vector_load %arg5[%get3A_546] {strides = array<i32>} : memref<7808xi32, #tpu.memory_space<vmem>>, vector<16xi32>,
      %get3A_548 = vector.shape_cast %get3A_547 : vector<16xi32> to vector<16xi32>
      %add3A_549 = arith.addi %mul3A_545, %get3A_548 : vector<16xi32>
      %swap3A_550 = arith.index_cast %add3A_539 : i32 to index
      %swap3A_551 = tpu.vector_load %arg9[%swap3A_550] {strides = array<i32>} : memref<7808xi32, #tpu.memory_space<vmem>>, vector<16xi32>,
      %swap3A_552 = vector.shape_cast %swap3A_551 : vector<16xi32> to vector<16xi32>
      %swap3A_553 = vector.shape_cast %add3A_549 : vector<16xi32> to vector<16xi32>
      tpu.vector_store %arg9[%swap3A_550], %swap3A_553 {strides = array<i32>} : memref<7808xi32, #tpu.memory_space<vmem>>, vector<16xi32>,
    }
    %scan3A_101 = arith.constant 61 : i32
    %dma_start3A_102 = arith.constant 0 : i32
    %dma_start3A_103 = tpu.memref_slice %arg15[%dma_start3A_102] : memref<1000000xf32, #tpu.memory_space<vmem_shared>> -> memref<1000000xf32, #tpu.memory_space<vmem_shared>>
    tpu.enqueue_indirect_dma source(%arg11 : memref<7808xf32, #tpu.memory_space<vmem>>) target(%dma_start3A_103 : memref<1000000xf32, #tpu.memory_space<vmem_shared>>) offsets(%arg9 : memref<7808xi32, #tpu.memory_space<vmem>>) semaphore(%arg20 : memref<!tpu.dma_semaphore, #tpu.memory_space<semaphore_mem>>) {add = true}
    %add3A_104 = arith.constant 15616 : i32
    %add3A_105 = arith.addi %mul3A_2, %add3A_104 : i32
    %dma_start3A_106 = tpu.memref_slice %arg2[%add3A_105] : memref<4000000xi32, #tpu.memory_space<hbm>> -> memref<7808xi32, #tpu.memory_space<hbm>>
    %dma_start3A_107 = tpu.memref_slice %arg2[%add3A_105] : memref<4000000xi32, #tpu.memory_space<hbm>> -> memref<7808xi32, #tpu.memory_space<hbm>>
    tpu.enqueue_dma source(%dma_start3A_107 : memref<7808xi32, #tpu.memory_space<hbm>>) target(%arg5 : memref<7808xi32, #tpu.memory_space<vmem>>) target_semaphore(%arg16 : memref<!tpu.dma_semaphore, #tpu.memory_space<semaphore_mem>>)
    %dma_start3A_108 = tpu.memref_slice %arg3[%add3A_105] : memref<4000000xi32, #tpu.memory_space<hbm>> -> memref<7808xi32, #tpu.memory_space<hbm>>
    %dma_start3A_109 = tpu.memref_slice %arg3[%add3A_105] : memref<4000000xi32, #tpu.memory_space<hbm>> -> memref<7808xi32, #tpu.memory_space<hbm>>
    tpu.enqueue_dma source(%dma_start3A_109 : memref<7808xi32, #tpu.memory_space<hbm>>) target(%arg7 : memref<7808xi32, #tpu.memory_space<vmem>>) target_semaphore(%arg18 : memref<!tpu.dma_semaphore, #tpu.memory_space<semaphore_mem>>)
    %dma_wait3A_110 = tpu.memref_slice %arg2[%add3A_87] : memref<4000000xi32, #tpu.memory_space<hbm>> -> memref<7808xi32, #tpu.memory_space<hbm>>
    %dma_wait3A_111 = tpu.memref_slice %arg2[%add3A_87] : memref<4000000xi32, #tpu.memory_space<hbm>> -> memref<7808xi32, #tpu.memory_space<hbm>>
    tpu.wait_dma2 semaphore(%arg17 : memref<!tpu.dma_semaphore, #tpu.memory_space<semaphore_mem>>) src(%dma_wait3A_111 : memref<7808xi32, #tpu.memory_space<hbm>>) dst(%arg6 : memref<7808xi32, #tpu.memory_space<vmem>>)
    %dma_wait3A_112 = tpu.memref_slice %arg3[%add3A_87] : memref<4000000xi32, #tpu.memory_space<hbm>> -> memref<7808xi32, #tpu.memory_space<hbm>>
    %dma_wait3A_113 = tpu.memref_slice %arg3[%add3A_87] : memref<4000000xi32, #tpu.memory_space<hbm>> -> memref<7808xi32, #tpu.memory_space<hbm>>
    tpu.wait_dma2 semaphore(%arg19 : memref<!tpu.dma_semaphore, #tpu.memory_space<semaphore_mem>>) src(%dma_wait3A_113 : memref<7808xi32, #tpu.memory_space<hbm>>) dst(%arg8 : memref<7808xi32, #tpu.memory_space<vmem>>)
    %scan3A_114 = arith.constant 0 : i32
    %scan3A_115 = arith.constant 0 : i32
    %scan3A_116 = arith.constant 61 : i32
    %scan3A_117 = arith.addi %scan3A_115, %scan3A_116 : i32
    %scan3A_118 = arith.constant 1 : i32
    scf.for %scan3A_411 = %scan3A_115 to %scan3A_117 step %scan3A_118  : i32 {
      %mul3A_412 = arith.constant 128 : i32
      %mul3A_413 = arith.muli %scan3A_411, %mul3A_412 : i32
      %add3A_414 = arith.constant 0 : i32
      %add3A_415 = arith.addi %mul3A_413, %add3A_414 : i32
      %get3A = arith.index_cast %add3A_415 : i32 to index
      %get3A_416 = tpu.vector_load %arg8[%get3A] {strides = array<i32>} : memref<7808xi32, #tpu.memory_space<vmem>>, vector<16xi32>,
      %get3A_417 = vector.shape_cast %get3A_416 : vector<16xi32> to vector<16xi32>
      %mul3A_418 = arith.constant 1000 : i32
      %mul3A_419 = vector.broadcast %mul3A_418 : i32 to vector<16xi32>
      %mul3A_420 = arith.muli %get3A_417, %mul3A_419 : vector<16xi32>
      %get3A_421 = arith.index_cast %add3A_415 : i32 to index
      %get3A_422 = tpu.vector_load %arg6[%get3A_421] {strides = array<i32>} : memref<7808xi32, #tpu.memory_space<vmem>>, vector<16xi32>,
      %get3A_423 = vector.shape_cast %get3A_422 : vector<16xi32> to vector<16xi32>
      %add3A_424 = arith.addi %mul3A_420, %get3A_423 : vector<16xi32>
      %swap3A = arith.index_cast %add3A_415 : i32 to index
      %swap3A_425 = tpu.vector_load %arg10[%swap3A] {strides = array<i32>} : memref<7808xi32, #tpu.memory_space<vmem>>, vector<16xi32>,
      %swap3A_426 = vector.shape_cast %swap3A_425 : vector<16xi32> to vector<16xi32>
      %swap3A_427 = vector.shape_cast %add3A_424 : vector<16xi32> to vector<16xi32>
      tpu.vector_store %arg10[%swap3A], %swap3A_427 {strides = array<i32>} : memref<7808xi32, #tpu.memory_space<vmem>>, vector<16xi32>,
      %mul3A_428 = arith.constant 128 : i32
      %mul3A_429 = arith.muli %scan3A_411, %mul3A_428 : i32
      %add3A_430 = arith.constant 16 : i32
      %add3A_431 = arith.addi %mul3A_429, %add3A_430 : i32
      %get3A_432 = arith.index_cast %add3A_431 : i32 to index
      %get3A_433 = tpu.vector_load %arg8[%get3A_432] {strides = array<i32>} : memref<7808xi32, #tpu.memory_space<vmem>>, vector<16xi32>,
      %get3A_434 = vector.shape_cast %get3A_433 : vector<16xi32> to vector<16xi32>
      %mul3A_435 = arith.constant 1000 : i32
      %mul3A_436 = vector.broadcast %mul3A_435 : i32 to vector<16xi32>
      %mul3A_437 = arith.muli %get3A_434, %mul3A_436 : vector<16xi32>
      %get3A_438 = arith.index_cast %add3A_431 : i32 to index
      %get3A_439 = tpu.vector_load %arg6[%get3A_438] {strides = array<i32>} : memref<7808xi32, #tpu.memory_space<vmem>>, vector<16xi32>,
      %get3A_440 = vector.shape_cast %get3A_439 : vector<16xi32> to vector<16xi32>
      %add3A_441 = arith.addi %mul3A_437, %get3A_440 : vector<16xi32>
      %swap3A_442 = arith.index_cast %add3A_431 : i32 to index
      %swap3A_443 = tpu.vector_load %arg10[%swap3A_442] {strides = array<i32>} : memref<7808xi32, #tpu.memory_space<vmem>>, vector<16xi32>,
      %swap3A_444 = vector.shape_cast %swap3A_443 : vector<16xi32> to vector<16xi32>
      %swap3A_445 = vector.shape_cast %add3A_441 : vector<16xi32> to vector<16xi32>
      tpu.vector_store %arg10[%swap3A_442], %swap3A_445 {strides = array<i32>} : memref<7808xi32, #tpu.memory_space<vmem>>, vector<16xi32>,
      %mul3A_446 = arith.constant 128 : i32
      %mul3A_447 = arith.muli %scan3A_411, %mul3A_446 : i32
      %add3A_448 = arith.constant 32 : i32
      %add3A_449 = arith.addi %mul3A_447, %add3A_448 : i32
      %get3A_450 = arith.index_cast %add3A_449 : i32 to index
      %get3A_451 = tpu.vector_load %arg8[%get3A_450] {strides = array<i32>} : memref<7808xi32, #tpu.memory_space<vmem>>, vector<16xi32>,
      %get3A_452 = vector.shape_cast %get3A_451 : vector<16xi32> to vector<16xi32>
      %mul3A_453 = arith.constant 1000 : i32
      %mul3A_454 = vector.broadcast %mul3A_453 : i32 to vector<16xi32>
      %mul3A_455 = arith.muli %get3A_452, %mul3A_454 : vector<16xi32>
      %get3A_456 = arith.index_cast %add3A_449 : i32 to index
      %get3A_457 = tpu.vector_load %arg6[%get3A_456] {strides = array<i32>} : memref<7808xi32, #tpu.memory_space<vmem>>, vector<16xi32>,
      %get3A_458 = vector.shape_cast %get3A_457 : vector<16xi32> to vector<16xi32>
      %add3A_459 = arith.addi %mul3A_455, %get3A_458 : vector<16xi32>
      %swap3A_460 = arith.index_cast %add3A_449 : i32 to index
      %swap3A_461 = tpu.vector_load %arg10[%swap3A_460] {strides = array<i32>} : memref<7808xi32, #tpu.memory_space<vmem>>, vector<16xi32>,
      %swap3A_462 = vector.shape_cast %swap3A_461 : vector<16xi32> to vector<16xi32>
      %swap3A_463 = vector.shape_cast %add3A_459 : vector<16xi32> to vector<16xi32>
      tpu.vector_store %arg10[%swap3A_460], %swap3A_463 {strides = array<i32>} : memref<7808xi32, #tpu.memory_space<vmem>>, vector<16xi32>,
      %mul3A_464 = arith.constant 128 : i32
      %mul3A_465 = arith.muli %scan3A_411, %mul3A_464 : i32
      %add3A_466 = arith.constant 48 : i32
      %add3A_467 = arith.addi %mul3A_465, %add3A_466 : i32
      %get3A_468 = arith.index_cast %add3A_467 : i32 to index
      %get3A_469 = tpu.vector_load %arg8[%get3A_468] {strides = array<i32>} : memref<7808xi32, #tpu.memory_space<vmem>>, vector<16xi32>,
      %get3A_470 = vector.shape_cast %get3A_469 : vector<16xi32> to vector<16xi32>
      %mul3A_471 = arith.constant 1000 : i32
      %mul3A_472 = vector.broadcast %mul3A_471 : i32 to vector<16xi32>
      %mul3A_473 = arith.muli %get3A_470, %mul3A_472 : vector<16xi32>
      %get3A_474 = arith.index_cast %add3A_467 : i32 to index
      %get3A_475 = tpu.vector_load %arg6[%get3A_474] {strides = array<i32>} : memref<7808xi32, #tpu.memory_space<vmem>>, vector<16xi32>,
      %get3A_476 = vector.shape_cast %get3A_475 : vector<16xi32> to vector<16xi32>
      %add3A_477 = arith.addi %mul3A_473, %get3A_476 : vector<16xi32>
      %swap3A_478 = arith.index_cast %add3A_467 : i32 to index
      %swap3A_479 = tpu.vector_load %arg10[%swap3A_478] {strides = array<i32>} : memref<7808xi32, #tpu.memory_space<vmem>>, vector<16xi32>,
      %swap3A_480 = vector.shape_cast %swap3A_479 : vector<16xi32> to vector<16xi32>
      %swap3A_481 = vector.shape_cast %add3A_477 : vector<16xi32> to vector<16xi32>
      tpu.vector_store %arg10[%swap3A_478], %swap3A_481 {strides = array<i32>} : memref<7808xi32, #tpu.memory_space<vmem>>, vector<16xi32>,
      %mul3A_482 = arith.constant 128 : i32
      %mul3A_483 = arith.muli %scan3A_411, %mul3A_482 : i32
      %add3A_484 = arith.constant 64 : i32
      %add3A_485 = arith.addi %mul3A_483, %add3A_484 : i32
      %get3A_486 = arith.index_cast %add3A_485 : i32 to index
      %get3A_487 = tpu.vector_load %arg8[%get3A_486] {strides = array<i32>} : memref<7808xi32, #tpu.memory_space<vmem>>, vector<16xi32>,
      %get3A_488 = vector.shape_cast %get3A_487 : vector<16xi32> to vector<16xi32>
      %mul3A_489 = arith.constant 1000 : i32
      %mul3A_490 = vector.broadcast %mul3A_489 : i32 to vector<16xi32>
      %mul3A_491 = arith.muli %get3A_488, %mul3A_490 : vector<16xi32>
      %get3A_492 = arith.index_cast %add3A_485 : i32 to index
      %get3A_493 = tpu.vector_load %arg6[%get3A_492] {strides = array<i32>} : memref<7808xi32, #tpu.memory_space<vmem>>, vector<16xi32>,
      %get3A_494 = vector.shape_cast %get3A_493 : vector<16xi32> to vector<16xi32>
      %add3A_495 = arith.addi %mul3A_491, %get3A_494 : vector<16xi32>
      %swap3A_496 = arith.index_cast %add3A_485 : i32 to index
      %swap3A_497 = tpu.vector_load %arg10[%swap3A_496] {strides = array<i32>} : memref<7808xi32, #tpu.memory_space<vmem>>, vector<16xi32>,
      %swap3A_498 = vector.shape_cast %swap3A_497 : vector<16xi32> to vector<16xi32>
      %swap3A_499 = vector.shape_cast %add3A_495 : vector<16xi32> to vector<16xi32>
      tpu.vector_store %arg10[%swap3A_496], %swap3A_499 {strides = array<i32>} : memref<7808xi32, #tpu.memory_space<vmem>>, vector<16xi32>,
      %mul3A_500 = arith.constant 128 : i32
      %mul3A_501 = arith.muli %scan3A_411, %mul3A_500 : i32
      %add3A_502 = arith.constant 80 : i32
      %add3A_503 = arith.addi %mul3A_501, %add3A_502 : i32
      %get3A_504 = arith.index_cast %add3A_503 : i32 to index
      %get3A_505 = tpu.vector_load %arg8[%get3A_504] {strides = array<i32>} : memref<7808xi32, #tpu.memory_space<vmem>>, vector<16xi32>,
      %get3A_506 = vector.shape_cast %get3A_505 : vector<16xi32> to vector<16xi32>
      %mul3A_507 = arith.constant 1000 : i32
      %mul3A_508 = vector.broadcast %mul3A_507 : i32 to vector<16xi32>
      %mul3A_509 = arith.muli %get3A_506, %mul3A_508 : vector<16xi32>
      %get3A_510 = arith.index_cast %add3A_503 : i32 to index
      %get3A_511 = tpu.vector_load %arg6[%get3A_510] {strides = array<i32>} : memref<7808xi32, #tpu.memory_space<vmem>>, vector<16xi32>,
      %get3A_512 = vector.shape_cast %get3A_511 : vector<16xi32> to vector<16xi32>
      %add3A_513 = arith.addi %mul3A_509, %get3A_512 : vector<16xi32>
      %swap3A_514 = arith.index_cast %add3A_503 : i32 to index
      %swap3A_515 = tpu.vector_load %arg10[%swap3A_514] {strides = array<i32>} : memref<7808xi32, #tpu.memory_space<vmem>>, vector<16xi32>,
      %swap3A_516 = vector.shape_cast %swap3A_515 : vector<16xi32> to vector<16xi32>
      %swap3A_517 = vector.shape_cast %add3A_513 : vector<16xi32> to vector<16xi32>
      tpu.vector_store %arg10[%swap3A_514], %swap3A_517 {strides = array<i32>} : memref<7808xi32, #tpu.memory_space<vmem>>, vector<16xi32>,
      %mul3A_518 = arith.constant 128 : i32
      %mul3A_519 = arith.muli %scan3A_411, %mul3A_518 : i32
      %add3A_520 = arith.constant 96 : i32
      %add3A_521 = arith.addi %mul3A_519, %add3A_520 : i32
      %get3A_522 = arith.index_cast %add3A_521 : i32 to index
      %get3A_523 = tpu.vector_load %arg8[%get3A_522] {strides = array<i32>} : memref<7808xi32, #tpu.memory_space<vmem>>, vector<16xi32>,
      %get3A_524 = vector.shape_cast %get3A_523 : vector<16xi32> to vector<16xi32>
      %mul3A_525 = arith.constant 1000 : i32
      %mul3A_526 = vector.broadcast %mul3A_525 : i32 to vector<16xi32>
      %mul3A_527 = arith.muli %get3A_524, %mul3A_526 : vector<16xi32>
      %get3A_528 = arith.index_cast %add3A_521 : i32 to index
      %get3A_529 = tpu.vector_load %arg6[%get3A_528] {strides = array<i32>} : memref<7808xi32, #tpu.memory_space<vmem>>, vector<16xi32>,
      %get3A_530 = vector.shape_cast %get3A_529 : vector<16xi32> to vector<16xi32>
      %add3A_531 = arith.addi %mul3A_527, %get3A_530 : vector<16xi32>
      %swap3A_532 = arith.index_cast %add3A_521 : i32 to index
      %swap3A_533 = tpu.vector_load %arg10[%swap3A_532] {strides = array<i32>} : memref<7808xi32, #tpu.memory_space<vmem>>, vector<16xi32>,
      %swap3A_534 = vector.shape_cast %swap3A_533 : vector<16xi32> to vector<16xi32>
      %swap3A_535 = vector.shape_cast %add3A_531 : vector<16xi32> to vector<16xi32>
      tpu.vector_store %arg10[%swap3A_532], %swap3A_535 {strides = array<i32>} : memref<7808xi32, #tpu.memory_space<vmem>>, vector<16xi32>,
      %mul3A_536 = arith.constant 128 : i32
      %mul3A_537 = arith.muli %scan3A_411, %mul3A_536 : i32
      %add3A_538 = arith.constant 112 : i32
      %add3A_539 = arith.addi %mul3A_537, %add3A_538 : i32
      %get3A_540 = arith.index_cast %add3A_539 : i32 to index
      %get3A_541 = tpu.vector_load %arg8[%get3A_540] {strides = array<i32>} : memref<7808xi32, #tpu.memory_space<vmem>>, vector<16xi32>,
      %get3A_542 = vector.shape_cast %get3A_541 : vector<16xi32> to vector<16xi32>
      %mul3A_543 = arith.constant 1000 : i32
      %mul3A_544 = vector.broadcast %mul3A_543 : i32 to vector<16xi32>
      %mul3A_545 = arith.muli %get3A_542, %mul3A_544 : vector<16xi32>
      %get3A_546 = arith.index_cast %add3A_539 : i32 to index
      %get3A_547 = tpu.vector_load %arg6[%get3A_546] {strides = array<i32>} : memref<7808xi32, #tpu.memory_space<vmem>>, vector<16xi32>,
      %get3A_548 = vector.shape_cast %get3A_547 : vector<16xi32> to vector<16xi32>
      %add3A_549 = arith.addi %mul3A_545, %get3A_548 : vector<16xi32>
      %swap3A_550 = arith.index_cast %add3A_539 : i32 to index
      %swap3A_551 = tpu.vector_load %arg10[%swap3A_550] {strides = array<i32>} : memref<7808xi32, #tpu.memory_space<vmem>>, vector<16xi32>,
      %swap3A_552 = vector.shape_cast %swap3A_551 : vector<16xi32> to vector<16xi32>
      %swap3A_553 = vector.shape_cast %add3A_549 : vector<16xi32> to vector<16xi32>
      tpu.vector_store %arg10[%swap3A_550], %swap3A_553 {strides = array<i32>} : memref<7808xi32, #tpu.memory_space<vmem>>, vector<16xi32>,
    }
    %scan3A_119 = arith.constant 61 : i32
    %dma_start3A_120 = arith.constant 0 : i32
    %dma_start3A_121 = tpu.memref_slice %arg15[%dma_start3A_120] : memref<1000000xf32, #tpu.memory_space<vmem_shared>> -> memref<1000000xf32, #tpu.memory_space<vmem_shared>>
    tpu.enqueue_indirect_dma source(%arg11 : memref<7808xf32, #tpu.memory_space<vmem>>) target(%dma_start3A_121 : memref<1000000xf32, #tpu.memory_space<vmem_shared>>) offsets(%arg10 : memref<7808xi32, #tpu.memory_space<vmem>>) semaphore(%arg21 : memref<!tpu.dma_semaphore, #tpu.memory_space<semaphore_mem>>) {add = true}
    %add3A_122 = arith.constant 23424 : i32
    %add3A_123 = arith.addi %mul3A_2, %add3A_122 : i32
    %dma_start3A_124 = tpu.memref_slice %arg2[%add3A_123] : memref<4000000xi32, #tpu.memory_space<hbm>> -> memref<7808xi32, #tpu.memory_space<hbm>>
    %dma_start3A_125 = tpu.memref_slice %arg2[%add3A_123] : memref<4000000xi32, #tpu.memory_space<hbm>> -> memref<7808xi32, #tpu.memory_space<hbm>>
    tpu.enqueue_dma source(%dma_start3A_125 : memref<7808xi32, #tpu.memory_space<hbm>>) target(%arg6 : memref<7808xi32, #tpu.memory_space<vmem>>) target_semaphore(%arg17 : memref<!tpu.dma_semaphore, #tpu.memory_space<semaphore_mem>>)
    %dma_start3A_126 = tpu.memref_slice %arg3[%add3A_123] : memref<4000000xi32, #tpu.memory_space<hbm>> -> memref<7808xi32, #tpu.memory_space<hbm>>
    %dma_start3A_127 = tpu.memref_slice %arg3[%add3A_123] : memref<4000000xi32, #tpu.memory_space<hbm>> -> memref<7808xi32, #tpu.memory_space<hbm>>
    tpu.enqueue_dma source(%dma_start3A_127 : memref<7808xi32, #tpu.memory_space<hbm>>) target(%arg8 : memref<7808xi32, #tpu.memory_space<vmem>>) target_semaphore(%arg19 : memref<!tpu.dma_semaphore, #tpu.memory_space<semaphore_mem>>)
    %dma_wait3A_128 = tpu.memref_slice %arg2[%add3A_105] : memref<4000000xi32, #tpu.memory_space<hbm>> -> memref<7808xi32, #tpu.memory_space<hbm>>
    %dma_wait3A_129 = tpu.memref_slice %arg2[%add3A_105] : memref<4000000xi32, #tpu.memory_space<hbm>> -> memref<7808xi32, #tpu.memory_space<hbm>>
    tpu.wait_dma2 semaphore(%arg16 : memref<!tpu.dma_semaphore, #tpu.memory_space<semaphore_mem>>) src(%dma_wait3A_129 : memref<7808xi32, #tpu.memory_space<hbm>>) dst(%arg5 : memref<7808xi32, #tpu.memory_space<vmem>>)
    %dma_wait3A_130 = tpu.memref_slice %arg3[%add3A_105] : memref<4000000xi32, #tpu.memory_space<hbm>> -> memref<7808xi32, #tpu.memory_space<hbm>>
    %dma_wait3A_131 = tpu.memref_slice %arg3[%add3A_105] : memref<4000000xi32, #tpu.memory_space<hbm>> -> memref<7808xi32, #tpu.memory_space<hbm>>
    tpu.wait_dma2 semaphore(%arg18 : memref<!tpu.dma_semaphore, #tpu.memory_space<semaphore_mem>>) src(%dma_wait3A_131 : memref<7808xi32, #tpu.memory_space<hbm>>) dst(%arg7 : memref<7808xi32, #tpu.memory_space<vmem>>)
    %dma_wait3A_132 = arith.constant 0 : i32
    %dma_wait3A_133 = tpu.memref_slice %arg15[%dma_wait3A_132] : memref<1000000xf32, #tpu.memory_space<vmem_shared>> -> memref<1000000xf32, #tpu.memory_space<vmem_shared>>
    tpu.wait_indirect_dma semaphore(%arg20 : memref<!tpu.dma_semaphore, #tpu.memory_space<semaphore_mem>>) src(%arg11 : memref<7808xf32, #tpu.memory_space<vmem>>) dst(%dma_wait3A_133 : memref<1000000xf32, #tpu.memory_space<vmem_shared>>)
    %scan3A_134 = arith.constant 0 : i32
    %scan3A_135 = arith.constant 0 : i32
    %scan3A_136 = arith.constant 61 : i32
    %scan3A_137 = arith.addi %scan3A_135, %scan3A_136 : i32
    %scan3A_138 = arith.constant 1 : i32
    scf.for %scan3A_411 = %scan3A_135 to %scan3A_137 step %scan3A_138  : i32 {
      %mul3A_412 = arith.constant 128 : i32
      %mul3A_413 = arith.muli %scan3A_411, %mul3A_412 : i32
      %add3A_414 = arith.constant 0 : i32
      %add3A_415 = arith.addi %mul3A_413, %add3A_414 : i32
      %get3A = arith.index_cast %add3A_415 : i32 to index
      %get3A_416 = tpu.vector_load %arg7[%get3A] {strides = array<i32>} : memref<7808xi32, #tpu.memory_space<vmem>>, vector<16xi32>,
      %get3A_417 = vector.shape_cast %get3A_416 : vector<16xi32> to vector<16xi32>
      %mul3A_418 = arith.constant 1000 : i32
      %mul3A_419 = vector.broadcast %mul3A_418 : i32 to vector<16xi32>
      %mul3A_420 = arith.muli %get3A_417, %mul3A_419 : vector<16xi32>
      %get3A_421 = arith.index_cast %add3A_415 : i32 to index
      %get3A_422 = tpu.vector_load %arg5[%get3A_421] {strides = array<i32>} : memref<7808xi32, #tpu.memory_space<vmem>>, vector<16xi32>,
      %get3A_423 = vector.shape_cast %get3A_422 : vector<16xi32> to vector<16xi32>
      %add3A_424 = arith.addi %mul3A_420, %get3A_423 : vector<16xi32>
      %swap3A = arith.index_cast %add3A_415 : i32 to index
      %swap3A_425 = tpu.vector_load %arg9[%swap3A] {strides = array<i32>} : memref<7808xi32, #tpu.memory_space<vmem>>, vector<16xi32>,
      %swap3A_426 = vector.shape_cast %swap3A_425 : vector<16xi32> to vector<16xi32>
      %swap3A_427 = vector.shape_cast %add3A_424 : vector<16xi32> to vector<16xi32>
      tpu.vector_store %arg9[%swap3A], %swap3A_427 {strides = array<i32>} : memref<7808xi32, #tpu.memory_space<vmem>>, vector<16xi32>,
      %mul3A_428 = arith.constant 128 : i32
      %mul3A_429 = arith.muli %scan3A_411, %mul3A_428 : i32
      %add3A_430 = arith.constant 16 : i32
      %add3A_431 = arith.addi %mul3A_429, %add3A_430 : i32
      %get3A_432 = arith.index_cast %add3A_431 : i32 to index
      %get3A_433 = tpu.vector_load %arg7[%get3A_432] {strides = array<i32>} : memref<7808xi32, #tpu.memory_space<vmem>>, vector<16xi32>,
      %get3A_434 = vector.shape_cast %get3A_433 : vector<16xi32> to vector<16xi32>
      %mul3A_435 = arith.constant 1000 : i32
      %mul3A_436 = vector.broadcast %mul3A_435 : i32 to vector<16xi32>
      %mul3A_437 = arith.muli %get3A_434, %mul3A_436 : vector<16xi32>
      %get3A_438 = arith.index_cast %add3A_431 : i32 to index
      %get3A_439 = tpu.vector_load %arg5[%get3A_438] {strides = array<i32>} : memref<7808xi32, #tpu.memory_space<vmem>>, vector<16xi32>,
      %get3A_440 = vector.shape_cast %get3A_439 : vector<16xi32> to vector<16xi32>
      %add3A_441 = arith.addi %mul3A_437, %get3A_440 : vector<16xi32>
      %swap3A_442 = arith.index_cast %add3A_431 : i32 to index
      %swap3A_443 = tpu.vector_load %arg9[%swap3A_442] {strides = array<i32>} : memref<7808xi32, #tpu.memory_space<vmem>>, vector<16xi32>,
      %swap3A_444 = vector.shape_cast %swap3A_443 : vector<16xi32> to vector<16xi32>
      %swap3A_445 = vector.shape_cast %add3A_441 : vector<16xi32> to vector<16xi32>
      tpu.vector_store %arg9[%swap3A_442], %swap3A_445 {strides = array<i32>} : memref<7808xi32, #tpu.memory_space<vmem>>, vector<16xi32>,
      %mul3A_446 = arith.constant 128 : i32
      %mul3A_447 = arith.muli %scan3A_411, %mul3A_446 : i32
      %add3A_448 = arith.constant 32 : i32
      %add3A_449 = arith.addi %mul3A_447, %add3A_448 : i32
      %get3A_450 = arith.index_cast %add3A_449 : i32 to index
      %get3A_451 = tpu.vector_load %arg7[%get3A_450] {strides = array<i32>} : memref<7808xi32, #tpu.memory_space<vmem>>, vector<16xi32>,
      %get3A_452 = vector.shape_cast %get3A_451 : vector<16xi32> to vector<16xi32>
      %mul3A_453 = arith.constant 1000 : i32
      %mul3A_454 = vector.broadcast %mul3A_453 : i32 to vector<16xi32>
      %mul3A_455 = arith.muli %get3A_452, %mul3A_454 : vector<16xi32>
      %get3A_456 = arith.index_cast %add3A_449 : i32 to index
      %get3A_457 = tpu.vector_load %arg5[%get3A_456] {strides = array<i32>} : memref<7808xi32, #tpu.memory_space<vmem>>, vector<16xi32>,
      %get3A_458 = vector.shape_cast %get3A_457 : vector<16xi32> to vector<16xi32>
      %add3A_459 = arith.addi %mul3A_455, %get3A_458 : vector<16xi32>
      %swap3A_460 = arith.index_cast %add3A_449 : i32 to index
      %swap3A_461 = tpu.vector_load %arg9[%swap3A_460] {strides = array<i32>} : memref<7808xi32, #tpu.memory_space<vmem>>, vector<16xi32>,
      %swap3A_462 = vector.shape_cast %swap3A_461 : vector<16xi32> to vector<16xi32>
      %swap3A_463 = vector.shape_cast %add3A_459 : vector<16xi32> to vector<16xi32>
      tpu.vector_store %arg9[%swap3A_460], %swap3A_463 {strides = array<i32>} : memref<7808xi32, #tpu.memory_space<vmem>>, vector<16xi32>,
      %mul3A_464 = arith.constant 128 : i32
      %mul3A_465 = arith.muli %scan3A_411, %mul3A_464 : i32
      %add3A_466 = arith.constant 48 : i32
      %add3A_467 = arith.addi %mul3A_465, %add3A_466 : i32
      %get3A_468 = arith.index_cast %add3A_467 : i32 to index
      %get3A_469 = tpu.vector_load %arg7[%get3A_468] {strides = array<i32>} : memref<7808xi32, #tpu.memory_space<vmem>>, vector<16xi32>,
      %get3A_470 = vector.shape_cast %get3A_469 : vector<16xi32> to vector<16xi32>
      %mul3A_471 = arith.constant 1000 : i32
      %mul3A_472 = vector.broadcast %mul3A_471 : i32 to vector<16xi32>
      %mul3A_473 = arith.muli %get3A_470, %mul3A_472 : vector<16xi32>
      %get3A_474 = arith.index_cast %add3A_467 : i32 to index
      %get3A_475 = tpu.vector_load %arg5[%get3A_474] {strides = array<i32>} : memref<7808xi32, #tpu.memory_space<vmem>>, vector<16xi32>,
      %get3A_476 = vector.shape_cast %get3A_475 : vector<16xi32> to vector<16xi32>
      %add3A_477 = arith.addi %mul3A_473, %get3A_476 : vector<16xi32>
      %swap3A_478 = arith.index_cast %add3A_467 : i32 to index
      %swap3A_479 = tpu.vector_load %arg9[%swap3A_478] {strides = array<i32>} : memref<7808xi32, #tpu.memory_space<vmem>>, vector<16xi32>,
      %swap3A_480 = vector.shape_cast %swap3A_479 : vector<16xi32> to vector<16xi32>
      %swap3A_481 = vector.shape_cast %add3A_477 : vector<16xi32> to vector<16xi32>
      tpu.vector_store %arg9[%swap3A_478], %swap3A_481 {strides = array<i32>} : memref<7808xi32, #tpu.memory_space<vmem>>, vector<16xi32>,
      %mul3A_482 = arith.constant 128 : i32
      %mul3A_483 = arith.muli %scan3A_411, %mul3A_482 : i32
      %add3A_484 = arith.constant 64 : i32
      %add3A_485 = arith.addi %mul3A_483, %add3A_484 : i32
      %get3A_486 = arith.index_cast %add3A_485 : i32 to index
      %get3A_487 = tpu.vector_load %arg7[%get3A_486] {strides = array<i32>} : memref<7808xi32, #tpu.memory_space<vmem>>, vector<16xi32>,
      %get3A_488 = vector.shape_cast %get3A_487 : vector<16xi32> to vector<16xi32>
      %mul3A_489 = arith.constant 1000 : i32
      %mul3A_490 = vector.broadcast %mul3A_489 : i32 to vector<16xi32>
      %mul3A_491 = arith.muli %get3A_488, %mul3A_490 : vector<16xi32>
      %get3A_492 = arith.index_cast %add3A_485 : i32 to index
      %get3A_493 = tpu.vector_load %arg5[%get3A_492] {strides = array<i32>} : memref<7808xi32, #tpu.memory_space<vmem>>, vector<16xi32>,
      %get3A_494 = vector.shape_cast %get3A_493 : vector<16xi32> to vector<16xi32>
      %add3A_495 = arith.addi %mul3A_491, %get3A_494 : vector<16xi32>
      %swap3A_496 = arith.index_cast %add3A_485 : i32 to index
      %swap3A_497 = tpu.vector_load %arg9[%swap3A_496] {strides = array<i32>} : memref<7808xi32, #tpu.memory_space<vmem>>, vector<16xi32>,
      %swap3A_498 = vector.shape_cast %swap3A_497 : vector<16xi32> to vector<16xi32>
      %swap3A_499 = vector.shape_cast %add3A_495 : vector<16xi32> to vector<16xi32>
      tpu.vector_store %arg9[%swap3A_496], %swap3A_499 {strides = array<i32>} : memref<7808xi32, #tpu.memory_space<vmem>>, vector<16xi32>,
      %mul3A_500 = arith.constant 128 : i32
      %mul3A_501 = arith.muli %scan3A_411, %mul3A_500 : i32
      %add3A_502 = arith.constant 80 : i32
      %add3A_503 = arith.addi %mul3A_501, %add3A_502 : i32
      %get3A_504 = arith.index_cast %add3A_503 : i32 to index
      %get3A_505 = tpu.vector_load %arg7[%get3A_504] {strides = array<i32>} : memref<7808xi32, #tpu.memory_space<vmem>>, vector<16xi32>,
      %get3A_506 = vector.shape_cast %get3A_505 : vector<16xi32> to vector<16xi32>
      %mul3A_507 = arith.constant 1000 : i32
      %mul3A_508 = vector.broadcast %mul3A_507 : i32 to vector<16xi32>
      %mul3A_509 = arith.muli %get3A_506, %mul3A_508 : vector<16xi32>
      %get3A_510 = arith.index_cast %add3A_503 : i32 to index
      %get3A_511 = tpu.vector_load %arg5[%get3A_510] {strides = array<i32>} : memref<7808xi32, #tpu.memory_space<vmem>>, vector<16xi32>,
      %get3A_512 = vector.shape_cast %get3A_511 : vector<16xi32> to vector<16xi32>
      %add3A_513 = arith.addi %mul3A_509, %get3A_512 : vector<16xi32>
      %swap3A_514 = arith.index_cast %add3A_503 : i32 to index
      %swap3A_515 = tpu.vector_load %arg9[%swap3A_514] {strides = array<i32>} : memref<7808xi32, #tpu.memory_space<vmem>>, vector<16xi32>,
      %swap3A_516 = vector.shape_cast %swap3A_515 : vector<16xi32> to vector<16xi32>
      %swap3A_517 = vector.shape_cast %add3A_513 : vector<16xi32> to vector<16xi32>
      tpu.vector_store %arg9[%swap3A_514], %swap3A_517 {strides = array<i32>} : memref<7808xi32, #tpu.memory_space<vmem>>, vector<16xi32>,
      %mul3A_518 = arith.constant 128 : i32
      %mul3A_519 = arith.muli %scan3A_411, %mul3A_518 : i32
      %add3A_520 = arith.constant 96 : i32
      %add3A_521 = arith.addi %mul3A_519, %add3A_520 : i32
      %get3A_522 = arith.index_cast %add3A_521 : i32 to index
      %get3A_523 = tpu.vector_load %arg7[%get3A_522] {strides = array<i32>} : memref<7808xi32, #tpu.memory_space<vmem>>, vector<16xi32>,
      %get3A_524 = vector.shape_cast %get3A_523 : vector<16xi32> to vector<16xi32>
      %mul3A_525 = arith.constant 1000 : i32
      %mul3A_526 = vector.broadcast %mul3A_525 : i32 to vector<16xi32>
      %mul3A_527 = arith.muli %get3A_524, %mul3A_526 : vector<16xi32>
      %get3A_528 = arith.index_cast %add3A_521 : i32 to index
      %get3A_529 = tpu.vector_load %arg5[%get3A_528] {strides = array<i32>} : memref<7808xi32, #tpu.memory_space<vmem>>, vector<16xi32>,
      %get3A_530 = vector.shape_cast %get3A_529 : vector<16xi32> to vector<16xi32>
      %add3A_531 = arith.addi %mul3A_527, %get3A_530 : vector<16xi32>
      %swap3A_532 = arith.index_cast %add3A_521 : i32 to index
      %swap3A_533 = tpu.vector_load %arg9[%swap3A_532] {strides = array<i32>} : memref<7808xi32, #tpu.memory_space<vmem>>, vector<16xi32>,
      %swap3A_534 = vector.shape_cast %swap3A_533 : vector<16xi32> to vector<16xi32>
      %swap3A_535 = vector.shape_cast %add3A_531 : vector<16xi32> to vector<16xi32>
      tpu.vector_store %arg9[%swap3A_532], %swap3A_535 {strides = array<i32>} : memref<7808xi32, #tpu.memory_space<vmem>>, vector<16xi32>,
      %mul3A_536 = arith.constant 128 : i32
      %mul3A_537 = arith.muli %scan3A_411, %mul3A_536 : i32
      %add3A_538 = arith.constant 112 : i32
      %add3A_539 = arith.addi %mul3A_537, %add3A_538 : i32
      %get3A_540 = arith.index_cast %add3A_539 : i32 to index
      %get3A_541 = tpu.vector_load %arg7[%get3A_540] {strides = array<i32>} : memref<7808xi32, #tpu.memory_space<vmem>>, vector<16xi32>,
      %get3A_542 = vector.shape_cast %get3A_541 : vector<16xi32> to vector<16xi32>
      %mul3A_543 = arith.constant 1000 : i32
      %mul3A_544 = vector.broadcast %mul3A_543 : i32 to vector<16xi32>
      %mul3A_545 = arith.muli %get3A_542, %mul3A_544 : vector<16xi32>
      %get3A_546 = arith.index_cast %add3A_539 : i32 to index
      %get3A_547 = tpu.vector_load %arg5[%get3A_546] {strides = array<i32>} : memref<7808xi32, #tpu.memory_space<vmem>>, vector<16xi32>,
      %get3A_548 = vector.shape_cast %get3A_547 : vector<16xi32> to vector<16xi32>
      %add3A_549 = arith.addi %mul3A_545, %get3A_548 : vector<16xi32>
      %swap3A_550 = arith.index_cast %add3A_539 : i32 to index
      %swap3A_551 = tpu.vector_load %arg9[%swap3A_550] {strides = array<i32>} : memref<7808xi32, #tpu.memory_space<vmem>>, vector<16xi32>,
      %swap3A_552 = vector.shape_cast %swap3A_551 : vector<16xi32> to vector<16xi32>
      %swap3A_553 = vector.shape_cast %add3A_549 : vector<16xi32> to vector<16xi32>
      tpu.vector_store %arg9[%swap3A_550], %swap3A_553 {strides = array<i32>} : memref<7808xi32, #tpu.memory_space<vmem>>, vector<16xi32>,
    }
    %scan3A_139 = arith.constant 61 : i32
    %dma_start3A_140 = arith.constant 0 : i32
    %dma_start3A_141 = tpu.memref_slice %arg15[%dma_start3A_140] : memref<1000000xf32, #tpu.memory_space<vmem_shared>> -> memref<1000000xf32, #tpu.memory_space<vmem_shared>>
    tpu.enqueue_indirect_dma source(%arg11 : memref<7808xf32, #tpu.memory_space<vmem>>) target(%dma_start3A_141 : memref<1000000xf32, #tpu.memory_space<vmem_shared>>) offsets(%arg9 : memref<7808xi32, #tpu.memory_space<vmem>>) semaphore(%arg20 : memref<!tpu.dma_semaphore, #tpu.memory_space<semaphore_mem>>) {add = true}
    %add3A_142 = arith.constant 31232 : i32
    %add3A_143 = arith.addi %mul3A_2, %add3A_142 : i32
    %dma_start3A_144 = tpu.memref_slice %arg2[%add3A_143] : memref<4000000xi32, #tpu.memory_space<hbm>> -> memref<7808xi32, #tpu.memory_space<hbm>>
    %dma_start3A_145 = tpu.memref_slice %arg2[%add3A_143] : memref<4000000xi32, #tpu.memory_space<hbm>> -> memref<7808xi32, #tpu.memory_space<hbm>>
    tpu.enqueue_dma source(%dma_start3A_145 : memref<7808xi32, #tpu.memory_space<hbm>>) target(%arg5 : memref<7808xi32, #tpu.memory_space<vmem>>) target_semaphore(%arg16 : memref<!tpu.dma_semaphore, #tpu.memory_space<semaphore_mem>>)
    %dma_start3A_146 = tpu.memref_slice %arg3[%add3A_143] : memref<4000000xi32, #tpu.memory_space<hbm>> -> memref<7808xi32, #tpu.memory_space<hbm>>
    %dma_start3A_147 = tpu.memref_slice %arg3[%add3A_143] : memref<4000000xi32, #tpu.memory_space<hbm>> -> memref<7808xi32, #tpu.memory_space<hbm>>
    tpu.enqueue_dma source(%dma_start3A_147 : memref<7808xi32, #tpu.memory_space<hbm>>) target(%arg7 : memref<7808xi32, #tpu.memory_space<vmem>>) target_semaphore(%arg18 : memref<!tpu.dma_semaphore, #tpu.memory_space<semaphore_mem>>)
    %dma_wait3A_148 = tpu.memref_slice %arg2[%add3A_123] : memref<4000000xi32, #tpu.memory_space<hbm>> -> memref<7808xi32, #tpu.memory_space<hbm>>
    %dma_wait3A_149 = tpu.memref_slice %arg2[%add3A_123] : memref<4000000xi32, #tpu.memory_space<hbm>> -> memref<7808xi32, #tpu.memory_space<hbm>>
    tpu.wait_dma2 semaphore(%arg17 : memref<!tpu.dma_semaphore, #tpu.memory_space<semaphore_mem>>) src(%dma_wait3A_149 : memref<7808xi32, #tpu.memory_space<hbm>>) dst(%arg6 : memref<7808xi32, #tpu.memory_space<vmem>>)
    %dma_wait3A_150 = tpu.memref_slice %arg3[%add3A_123] : memref<4000000xi32, #tpu.memory_space<hbm>> -> memref<7808xi32, #tpu.memory_space<hbm>>
    %dma_wait3A_151 = tpu.memref_slice %arg3[%add3A_123] : memref<4000000xi32, #tpu.memory_space<hbm>> -> memref<7808xi32, #tpu.memory_space<hbm>>
    tpu.wait_dma2 semaphore(%arg19 : memref<!tpu.dma_semaphore, #tpu.memory_space<semaphore_mem>>) src(%dma_wait3A_151 : memref<7808xi32, #tpu.memory_space<hbm>>) dst(%arg8 : memref<7808xi32, #tpu.memory_space<vmem>>)
    %dma_wait3A_152 = arith.constant 0 : i32
    %dma_wait3A_153 = tpu.memref_slice %arg15[%dma_wait3A_152] : memref<1000000xf32, #tpu.memory_space<vmem_shared>> -> memref<1000000xf32, #tpu.memory_space<vmem_shared>>
    tpu.wait_indirect_dma semaphore(%arg21 : memref<!tpu.dma_semaphore, #tpu.memory_space<semaphore_mem>>) src(%arg11 : memref<7808xf32, #tpu.memory_space<vmem>>) dst(%dma_wait3A_153 : memref<1000000xf32, #tpu.memory_space<vmem_shared>>)
    %scan3A_154 = arith.constant 0 : i32
    %scan3A_155 = arith.constant 0 : i32
    %scan3A_156 = arith.constant 61 : i32
    %scan3A_157 = arith.addi %scan3A_155, %scan3A_156 : i32
    %scan3A_158 = arith.constant 1 : i32
    scf.for %scan3A_411 = %scan3A_155 to %scan3A_157 step %scan3A_158  : i32 {
      %mul3A_412 = arith.constant 128 : i32
      %mul3A_413 = arith.muli %scan3A_411, %mul3A_412 : i32
      %add3A_414 = arith.constant 0 : i32
      %add3A_415 = arith.addi %mul3A_413, %add3A_414 : i32
      %get3A = arith.index_cast %add3A_415 : i32 to index
      %get3A_416 = tpu.vector_load %arg8[%get3A] {strides = array<i32>} : memref<7808xi32, #tpu.memory_space<vmem>>, vector<16xi32>,
      %get3A_417 = vector.shape_cast %get3A_416 : vector<16xi32> to vector<16xi32>
      %mul3A_418 = arith.constant 1000 : i32
      %mul3A_419 = vector.broadcast %mul3A_418 : i32 to vector<16xi32>
      %mul3A_420 = arith.muli %get3A_417, %mul3A_419 : vector<16xi32>
      %get3A_421 = arith.index_cast %add3A_415 : i32 to index
      %get3A_422 = tpu.vector_load %arg6[%get3A_421] {strides = array<i32>} : memref<7808xi32, #tpu.memory_space<vmem>>, vector<16xi32>,
      %get3A_423 = vector.shape_cast %get3A_422 : vector<16xi32> to vector<16xi32>
      %add3A_424 = arith.addi %mul3A_420, %get3A_423 : vector<16xi32>
      %swap3A = arith.index_cast %add3A_415 : i32 to index
      %swap3A_425 = tpu.vector_load %arg10[%swap3A] {strides = array<i32>} : memref<7808xi32, #tpu.memory_space<vmem>>, vector<16xi32>,
      %swap3A_426 = vector.shape_cast %swap3A_425 : vector<16xi32> to vector<16xi32>
      %swap3A_427 = vector.shape_cast %add3A_424 : vector<16xi32> to vector<16xi32>
      tpu.vector_store %arg10[%swap3A], %swap3A_427 {strides = array<i32>} : memref<7808xi32, #tpu.memory_space<vmem>>, vector<16xi32>,
      %mul3A_428 = arith.constant 128 : i32
      %mul3A_429 = arith.muli %scan3A_411, %mul3A_428 : i32
      %add3A_430 = arith.constant 16 : i32
      %add3A_431 = arith.addi %mul3A_429, %add3A_430 : i32
      %get3A_432 = arith.index_cast %add3A_431 : i32 to index
      %get3A_433 = tpu.vector_load %arg8[%get3A_432] {strides = array<i32>} : memref<7808xi32, #tpu.memory_space<vmem>>, vector<16xi32>,
      %get3A_434 = vector.shape_cast %get3A_433 : vector<16xi32> to vector<16xi32>
      %mul3A_435 = arith.constant 1000 : i32
      %mul3A_436 = vector.broadcast %mul3A_435 : i32 to vector<16xi32>
      %mul3A_437 = arith.muli %get3A_434, %mul3A_436 : vector<16xi32>
      %get3A_438 = arith.index_cast %add3A_431 : i32 to index
      %get3A_439 = tpu.vector_load %arg6[%get3A_438] {strides = array<i32>} : memref<7808xi32, #tpu.memory_space<vmem>>, vector<16xi32>,
      %get3A_440 = vector.shape_cast %get3A_439 : vector<16xi32> to vector<16xi32>
      %add3A_441 = arith.addi %mul3A_437, %get3A_440 : vector<16xi32>
      %swap3A_442 = arith.index_cast %add3A_431 : i32 to index
      %swap3A_443 = tpu.vector_load %arg10[%swap3A_442] {strides = array<i32>} : memref<7808xi32, #tpu.memory_space<vmem>>, vector<16xi32>,
      %swap3A_444 = vector.shape_cast %swap3A_443 : vector<16xi32> to vector<16xi32>
      %swap3A_445 = vector.shape_cast %add3A_441 : vector<16xi32> to vector<16xi32>
      tpu.vector_store %arg10[%swap3A_442], %swap3A_445 {strides = array<i32>} : memref<7808xi32, #tpu.memory_space<vmem>>, vector<16xi32>,
      %mul3A_446 = arith.constant 128 : i32
      %mul3A_447 = arith.muli %scan3A_411, %mul3A_446 : i32
      %add3A_448 = arith.constant 32 : i32
      %add3A_449 = arith.addi %mul3A_447, %add3A_448 : i32
      %get3A_450 = arith.index_cast %add3A_449 : i32 to index
      %get3A_451 = tpu.vector_load %arg8[%get3A_450] {strides = array<i32>} : memref<7808xi32, #tpu.memory_space<vmem>>, vector<16xi32>,
      %get3A_452 = vector.shape_cast %get3A_451 : vector<16xi32> to vector<16xi32>
      %mul3A_453 = arith.constant 1000 : i32
      %mul3A_454 = vector.broadcast %mul3A_453 : i32 to vector<16xi32>
      %mul3A_455 = arith.muli %get3A_452, %mul3A_454 : vector<16xi32>
      %get3A_456 = arith.index_cast %add3A_449 : i32 to index
      %get3A_457 = tpu.vector_load %arg6[%get3A_456] {strides = array<i32>} : memref<7808xi32, #tpu.memory_space<vmem>>, vector<16xi32>,
      %get3A_458 = vector.shape_cast %get3A_457 : vector<16xi32> to vector<16xi32>
      %add3A_459 = arith.addi %mul3A_455, %get3A_458 : vector<16xi32>
      %swap3A_460 = arith.index_cast %add3A_449 : i32 to index
      %swap3A_461 = tpu.vector_load %arg10[%swap3A_460] {strides = array<i32>} : memref<7808xi32, #tpu.memory_space<vmem>>, vector<16xi32>,
      %swap3A_462 = vector.shape_cast %swap3A_461 : vector<16xi32> to vector<16xi32>
      %swap3A_463 = vector.shape_cast %add3A_459 : vector<16xi32> to vector<16xi32>
      tpu.vector_store %arg10[%swap3A_460], %swap3A_463 {strides = array<i32>} : memref<7808xi32, #tpu.memory_space<vmem>>, vector<16xi32>,
      %mul3A_464 = arith.constant 128 : i32
      %mul3A_465 = arith.muli %scan3A_411, %mul3A_464 : i32
      %add3A_466 = arith.constant 48 : i32
      %add3A_467 = arith.addi %mul3A_465, %add3A_466 : i32
      %get3A_468 = arith.index_cast %add3A_467 : i32 to index
      %get3A_469 = tpu.vector_load %arg8[%get3A_468] {strides = array<i32>} : memref<7808xi32, #tpu.memory_space<vmem>>, vector<16xi32>,
      %get3A_470 = vector.shape_cast %get3A_469 : vector<16xi32> to vector<16xi32>
      %mul3A_471 = arith.constant 1000 : i32
      %mul3A_472 = vector.broadcast %mul3A_471 : i32 to vector<16xi32>
      %mul3A_473 = arith.muli %get3A_470, %mul3A_472 : vector<16xi32>
      %get3A_474 = arith.index_cast %add3A_467 : i32 to index
      %get3A_475 = tpu.vector_load %arg6[%get3A_474] {strides = array<i32>} : memref<7808xi32, #tpu.memory_space<vmem>>, vector<16xi32>,
      %get3A_476 = vector.shape_cast %get3A_475 : vector<16xi32> to vector<16xi32>
      %add3A_477 = arith.addi %mul3A_473, %get3A_476 : vector<16xi32>
      %swap3A_478 = arith.index_cast %add3A_467 : i32 to index
      %swap3A_479 = tpu.vector_load %arg10[%swap3A_478] {strides = array<i32>} : memref<7808xi32, #tpu.memory_space<vmem>>, vector<16xi32>,
      %swap3A_480 = vector.shape_cast %swap3A_479 : vector<16xi32> to vector<16xi32>
      %swap3A_481 = vector.shape_cast %add3A_477 : vector<16xi32> to vector<16xi32>
      tpu.vector_store %arg10[%swap3A_478], %swap3A_481 {strides = array<i32>} : memref<7808xi32, #tpu.memory_space<vmem>>, vector<16xi32>,
      %mul3A_482 = arith.constant 128 : i32
      %mul3A_483 = arith.muli %scan3A_411, %mul3A_482 : i32
      %add3A_484 = arith.constant 64 : i32
      %add3A_485 = arith.addi %mul3A_483, %add3A_484 : i32
      %get3A_486 = arith.index_cast %add3A_485 : i32 to index
      %get3A_487 = tpu.vector_load %arg8[%get3A_486] {strides = array<i32>} : memref<7808xi32, #tpu.memory_space<vmem>>, vector<16xi32>,
      %get3A_488 = vector.shape_cast %get3A_487 : vector<16xi32> to vector<16xi32>
      %mul3A_489 = arith.constant 1000 : i32
      %mul3A_490 = vector.broadcast %mul3A_489 : i32 to vector<16xi32>
      %mul3A_491 = arith.muli %get3A_488, %mul3A_490 : vector<16xi32>
      %get3A_492 = arith.index_cast %add3A_485 : i32 to index
      %get3A_493 = tpu.vector_load %arg6[%get3A_492] {strides = array<i32>} : memref<7808xi32, #tpu.memory_space<vmem>>, vector<16xi32>,
      %get3A_494 = vector.shape_cast %get3A_493 : vector<16xi32> to vector<16xi32>
      %add3A_495 = arith.addi %mul3A_491, %get3A_494 : vector<16xi32>
      %swap3A_496 = arith.index_cast %add3A_485 : i32 to index
      %swap3A_497 = tpu.vector_load %arg10[%swap3A_496] {strides = array<i32>} : memref<7808xi32, #tpu.memory_space<vmem>>, vector<16xi32>,
      %swap3A_498 = vector.shape_cast %swap3A_497 : vector<16xi32> to vector<16xi32>
      %swap3A_499 = vector.shape_cast %add3A_495 : vector<16xi32> to vector<16xi32>
      tpu.vector_store %arg10[%swap3A_496], %swap3A_499 {strides = array<i32>} : memref<7808xi32, #tpu.memory_space<vmem>>, vector<16xi32>,
      %mul3A_500 = arith.constant 128 : i32
      %mul3A_501 = arith.muli %scan3A_411, %mul3A_500 : i32
      %add3A_502 = arith.constant 80 : i32
      %add3A_503 = arith.addi %mul3A_501, %add3A_502 : i32
      %get3A_504 = arith.index_cast %add3A_503 : i32 to index
      %get3A_505 = tpu.vector_load %arg8[%get3A_504] {strides = array<i32>} : memref<7808xi32, #tpu.memory_space<vmem>>, vector<16xi32>,
      %get3A_506 = vector.shape_cast %get3A_505 : vector<16xi32> to vector<16xi32>
      %mul3A_507 = arith.constant 1000 : i32
      %mul3A_508 = vector.broadcast %mul3A_507 : i32 to vector<16xi32>
      %mul3A_509 = arith.muli %get3A_506, %mul3A_508 : vector<16xi32>
      %get3A_510 = arith.index_cast %add3A_503 : i32 to index
      %get3A_511 = tpu.vector_load %arg6[%get3A_510] {strides = array<i32>} : memref<7808xi32, #tpu.memory_space<vmem>>, vector<16xi32>,
      %get3A_512 = vector.shape_cast %get3A_511 : vector<16xi32> to vector<16xi32>
      %add3A_513 = arith.addi %mul3A_509, %get3A_512 : vector<16xi32>
      %swap3A_514 = arith.index_cast %add3A_503 : i32 to index
      %swap3A_515 = tpu.vector_load %arg10[%swap3A_514] {strides = array<i32>} : memref<7808xi32, #tpu.memory_space<vmem>>, vector<16xi32>,
      %swap3A_516 = vector.shape_cast %swap3A_515 : vector<16xi32> to vector<16xi32>
      %swap3A_517 = vector.shape_cast %add3A_513 : vector<16xi32> to vector<16xi32>
      tpu.vector_store %arg10[%swap3A_514], %swap3A_517 {strides = array<i32>} : memref<7808xi32, #tpu.memory_space<vmem>>, vector<16xi32>,
      %mul3A_518 = arith.constant 128 : i32
      %mul3A_519 = arith.muli %scan3A_411, %mul3A_518 : i32
      %add3A_520 = arith.constant 96 : i32
      %add3A_521 = arith.addi %mul3A_519, %add3A_520 : i32
      %get3A_522 = arith.index_cast %add3A_521 : i32 to index
      %get3A_523 = tpu.vector_load %arg8[%get3A_522] {strides = array<i32>} : memref<7808xi32, #tpu.memory_space<vmem>>, vector<16xi32>,
      %get3A_524 = vector.shape_cast %get3A_523 : vector<16xi32> to vector<16xi32>
      %mul3A_525 = arith.constant 1000 : i32
      %mul3A_526 = vector.broadcast %mul3A_525 : i32 to vector<16xi32>
      %mul3A_527 = arith.muli %get3A_524, %mul3A_526 : vector<16xi32>
      %get3A_528 = arith.index_cast %add3A_521 : i32 to index
      %get3A_529 = tpu.vector_load %arg6[%get3A_528] {strides = array<i32>} : memref<7808xi32, #tpu.memory_space<vmem>>, vector<16xi32>,
      %get3A_530 = vector.shape_cast %get3A_529 : vector<16xi32> to vector<16xi32>
      %add3A_531 = arith.addi %mul3A_527, %get3A_530 : vector<16xi32>
      %swap3A_532 = arith.index_cast %add3A_521 : i32 to index
      %swap3A_533 = tpu.vector_load %arg10[%swap3A_532] {strides = array<i32>} : memref<7808xi32, #tpu.memory_space<vmem>>, vector<16xi32>,
      %swap3A_534 = vector.shape_cast %swap3A_533 : vector<16xi32> to vector<16xi32>
      %swap3A_535 = vector.shape_cast %add3A_531 : vector<16xi32> to vector<16xi32>
      tpu.vector_store %arg10[%swap3A_532], %swap3A_535 {strides = array<i32>} : memref<7808xi32, #tpu.memory_space<vmem>>, vector<16xi32>,
      %mul3A_536 = arith.constant 128 : i32
      %mul3A_537 = arith.muli %scan3A_411, %mul3A_536 : i32
      %add3A_538 = arith.constant 112 : i32
      %add3A_539 = arith.addi %mul3A_537, %add3A_538 : i32
      %get3A_540 = arith.index_cast %add3A_539 : i32 to index
      %get3A_541 = tpu.vector_load %arg8[%get3A_540] {strides = array<i32>} : memref<7808xi32, #tpu.memory_space<vmem>>, vector<16xi32>,
      %get3A_542 = vector.shape_cast %get3A_541 : vector<16xi32> to vector<16xi32>
      %mul3A_543 = arith.constant 1000 : i32
      %mul3A_544 = vector.broadcast %mul3A_543 : i32 to vector<16xi32>
      %mul3A_545 = arith.muli %get3A_542, %mul3A_544 : vector<16xi32>
      %get3A_546 = arith.index_cast %add3A_539 : i32 to index
      %get3A_547 = tpu.vector_load %arg6[%get3A_546] {strides = array<i32>} : memref<7808xi32, #tpu.memory_space<vmem>>, vector<16xi32>,
      %get3A_548 = vector.shape_cast %get3A_547 : vector<16xi32> to vector<16xi32>
      %add3A_549 = arith.addi %mul3A_545, %get3A_548 : vector<16xi32>
      %swap3A_550 = arith.index_cast %add3A_539 : i32 to index
      %swap3A_551 = tpu.vector_load %arg10[%swap3A_550] {strides = array<i32>} : memref<7808xi32, #tpu.memory_space<vmem>>, vector<16xi32>,
      %swap3A_552 = vector.shape_cast %swap3A_551 : vector<16xi32> to vector<16xi32>
      %swap3A_553 = vector.shape_cast %add3A_549 : vector<16xi32> to vector<16xi32>
      tpu.vector_store %arg10[%swap3A_550], %swap3A_553 {strides = array<i32>} : memref<7808xi32, #tpu.memory_space<vmem>>, vector<16xi32>,
    }
    %scan3A_159 = arith.constant 61 : i32
    %dma_start3A_160 = arith.constant 0 : i32
    %dma_start3A_161 = tpu.memref_slice %arg15[%dma_start3A_160] : memref<1000000xf32, #tpu.memory_space<vmem_shared>> -> memref<1000000xf32, #tpu.memory_space<vmem_shared>>
    tpu.enqueue_indirect_dma source(%arg11 : memref<7808xf32, #tpu.memory_space<vmem>>) target(%dma_start3A_161 : memref<1000000xf32, #tpu.memory_space<vmem_shared>>) offsets(%arg10 : memref<7808xi32, #tpu.memory_space<vmem>>) semaphore(%arg21 : memref<!tpu.dma_semaphore, #tpu.memory_space<semaphore_mem>>) {add = true}
    %add3A_162 = arith.constant 39040 : i32
    %add3A_163 = arith.addi %mul3A_2, %add3A_162 : i32
    %dma_start3A_164 = tpu.memref_slice %arg2[%add3A_163] : memref<4000000xi32, #tpu.memory_space<hbm>> -> memref<7808xi32, #tpu.memory_space<hbm>>
    %dma_start3A_165 = tpu.memref_slice %arg2[%add3A_163] : memref<4000000xi32, #tpu.memory_space<hbm>> -> memref<7808xi32, #tpu.memory_space<hbm>>
    tpu.enqueue_dma source(%dma_start3A_165 : memref<7808xi32, #tpu.memory_space<hbm>>) target(%arg6 : memref<7808xi32, #tpu.memory_space<vmem>>) target_semaphore(%arg17 : memref<!tpu.dma_semaphore, #tpu.memory_space<semaphore_mem>>)
    %dma_start3A_166 = tpu.memref_slice %arg3[%add3A_163] : memref<4000000xi32, #tpu.memory_space<hbm>> -> memref<7808xi32, #tpu.memory_space<hbm>>
    %dma_start3A_167 = tpu.memref_slice %arg3[%add3A_163] : memref<4000000xi32, #tpu.memory_space<hbm>> -> memref<7808xi32, #tpu.memory_space<hbm>>
    tpu.enqueue_dma source(%dma_start3A_167 : memref<7808xi32, #tpu.memory_space<hbm>>) target(%arg8 : memref<7808xi32, #tpu.memory_space<vmem>>) target_semaphore(%arg19 : memref<!tpu.dma_semaphore, #tpu.memory_space<semaphore_mem>>)
    %dma_wait3A_168 = tpu.memref_slice %arg2[%add3A_143] : memref<4000000xi32, #tpu.memory_space<hbm>> -> memref<7808xi32, #tpu.memory_space<hbm>>
    %dma_wait3A_169 = tpu.memref_slice %arg2[%add3A_143] : memref<4000000xi32, #tpu.memory_space<hbm>> -> memref<7808xi32, #tpu.memory_space<hbm>>
    tpu.wait_dma2 semaphore(%arg16 : memref<!tpu.dma_semaphore, #tpu.memory_space<semaphore_mem>>) src(%dma_wait3A_169 : memref<7808xi32, #tpu.memory_space<hbm>>) dst(%arg5 : memref<7808xi32, #tpu.memory_space<vmem>>)
    %dma_wait3A_170 = tpu.memref_slice %arg3[%add3A_143] : memref<4000000xi32, #tpu.memory_space<hbm>> -> memref<7808xi32, #tpu.memory_space<hbm>>
    %dma_wait3A_171 = tpu.memref_slice %arg3[%add3A_143] : memref<4000000xi32, #tpu.memory_space<hbm>> -> memref<7808xi32, #tpu.memory_space<hbm>>
    tpu.wait_dma2 semaphore(%arg18 : memref<!tpu.dma_semaphore, #tpu.memory_space<semaphore_mem>>) src(%dma_wait3A_171 : memref<7808xi32, #tpu.memory_space<hbm>>) dst(%arg7 : memref<7808xi32, #tpu.memory_space<vmem>>)
    %dma_wait3A_172 = arith.constant 0 : i32
    %dma_wait3A_173 = tpu.memref_slice %arg15[%dma_wait3A_172] : memref<1000000xf32, #tpu.memory_space<vmem_shared>> -> memref<1000000xf32, #tpu.memory_space<vmem_shared>>
    tpu.wait_indirect_dma semaphore(%arg20 : memref<!tpu.dma_semaphore, #tpu.memory_space<semaphore_mem>>) src(%arg11 : memref<7808xf32, #tpu.memory_space<vmem>>) dst(%dma_wait3A_173 : memref<1000000xf32, #tpu.memory_space<vmem_shared>>)
    %scan3A_174 = arith.constant 0 : i32
    %scan3A_175 = arith.constant 0 : i32
    %scan3A_176 = arith.constant 61 : i32
    %scan3A_177 = arith.addi %scan3A_175, %scan3A_176 : i32
    %scan3A_178 = arith.constant 1 : i32
    scf.for %scan3A_411 = %scan3A_175 to %scan3A_177 step %scan3A_178  : i32 {
      %mul3A_412 = arith.constant 128 : i32
      %mul3A_413 = arith.muli %scan3A_411, %mul3A_412 : i32
      %add3A_414 = arith.constant 0 : i32
      %add3A_415 = arith.addi %mul3A_413, %add3A_414 : i32
      %get3A = arith.index_cast %add3A_415 : i32 to index
      %get3A_416 = tpu.vector_load %arg7[%get3A] {strides = array<i32>} : memref<7808xi32, #tpu.memory_space<vmem>>, vector<16xi32>,
      %get3A_417 = vector.shape_cast %get3A_416 : vector<16xi32> to vector<16xi32>
      %mul3A_418 = arith.constant 1000 : i32
      %mul3A_419 = vector.broadcast %mul3A_418 : i32 to vector<16xi32>
      %mul3A_420 = arith.muli %get3A_417, %mul3A_419 : vector<16xi32>
      %get3A_421 = arith.index_cast %add3A_415 : i32 to index
      %get3A_422 = tpu.vector_load %arg5[%get3A_421] {strides = array<i32>} : memref<7808xi32, #tpu.memory_space<vmem>>, vector<16xi32>,
      %get3A_423 = vector.shape_cast %get3A_422 : vector<16xi32> to vector<16xi32>
      %add3A_424 = arith.addi %mul3A_420, %get3A_423 : vector<16xi32>
      %swap3A = arith.index_cast %add3A_415 : i32 to index
      %swap3A_425 = tpu.vector_load %arg9[%swap3A] {strides = array<i32>} : memref<7808xi32, #tpu.memory_space<vmem>>, vector<16xi32>,
      %swap3A_426 = vector.shape_cast %swap3A_425 : vector<16xi32> to vector<16xi32>
      %swap3A_427 = vector.shape_cast %add3A_424 : vector<16xi32> to vector<16xi32>
      tpu.vector_store %arg9[%swap3A], %swap3A_427 {strides = array<i32>} : memref<7808xi32, #tpu.memory_space<vmem>>, vector<16xi32>,
      %mul3A_428 = arith.constant 128 : i32
      %mul3A_429 = arith.muli %scan3A_411, %mul3A_428 : i32
      %add3A_430 = arith.constant 16 : i32
      %add3A_431 = arith.addi %mul3A_429, %add3A_430 : i32
      %get3A_432 = arith.index_cast %add3A_431 : i32 to index
      %get3A_433 = tpu.vector_load %arg7[%get3A_432] {strides = array<i32>} : memref<7808xi32, #tpu.memory_space<vmem>>, vector<16xi32>,
      %get3A_434 = vector.shape_cast %get3A_433 : vector<16xi32> to vector<16xi32>
      %mul3A_435 = arith.constant 1000 : i32
      %mul3A_436 = vector.broadcast %mul3A_435 : i32 to vector<16xi32>
      %mul3A_437 = arith.muli %get3A_434, %mul3A_436 : vector<16xi32>
      %get3A_438 = arith.index_cast %add3A_431 : i32 to index
      %get3A_439 = tpu.vector_load %arg5[%get3A_438] {strides = array<i32>} : memref<7808xi32, #tpu.memory_space<vmem>>, vector<16xi32>,
      %get3A_440 = vector.shape_cast %get3A_439 : vector<16xi32> to vector<16xi32>
      %add3A_441 = arith.addi %mul3A_437, %get3A_440 : vector<16xi32>
      %swap3A_442 = arith.index_cast %add3A_431 : i32 to index
      %swap3A_443 = tpu.vector_load %arg9[%swap3A_442] {strides = array<i32>} : memref<7808xi32, #tpu.memory_space<vmem>>, vector<16xi32>,
      %swap3A_444 = vector.shape_cast %swap3A_443 : vector<16xi32> to vector<16xi32>
      %swap3A_445 = vector.shape_cast %add3A_441 : vector<16xi32> to vector<16xi32>
      tpu.vector_store %arg9[%swap3A_442], %swap3A_445 {strides = array<i32>} : memref<7808xi32, #tpu.memory_space<vmem>>, vector<16xi32>,
      %mul3A_446 = arith.constant 128 : i32
      %mul3A_447 = arith.muli %scan3A_411, %mul3A_446 : i32
      %add3A_448 = arith.constant 32 : i32
      %add3A_449 = arith.addi %mul3A_447, %add3A_448 : i32
      %get3A_450 = arith.index_cast %add3A_449 : i32 to index
      %get3A_451 = tpu.vector_load %arg7[%get3A_450] {strides = array<i32>} : memref<7808xi32, #tpu.memory_space<vmem>>, vector<16xi32>,
      %get3A_452 = vector.shape_cast %get3A_451 : vector<16xi32> to vector<16xi32>
      %mul3A_453 = arith.constant 1000 : i32
      %mul3A_454 = vector.broadcast %mul3A_453 : i32 to vector<16xi32>
      %mul3A_455 = arith.muli %get3A_452, %mul3A_454 : vector<16xi32>
      %get3A_456 = arith.index_cast %add3A_449 : i32 to index
      %get3A_457 = tpu.vector_load %arg5[%get3A_456] {strides = array<i32>} : memref<7808xi32, #tpu.memory_space<vmem>>, vector<16xi32>,
      %get3A_458 = vector.shape_cast %get3A_457 : vector<16xi32> to vector<16xi32>
      %add3A_459 = arith.addi %mul3A_455, %get3A_458 : vector<16xi32>
      %swap3A_460 = arith.index_cast %add3A_449 : i32 to index
      %swap3A_461 = tpu.vector_load %arg9[%swap3A_460] {strides = array<i32>} : memref<7808xi32, #tpu.memory_space<vmem>>, vector<16xi32>,
      %swap3A_462 = vector.shape_cast %swap3A_461 : vector<16xi32> to vector<16xi32>
      %swap3A_463 = vector.shape_cast %add3A_459 : vector<16xi32> to vector<16xi32>
      tpu.vector_store %arg9[%swap3A_460], %swap3A_463 {strides = array<i32>} : memref<7808xi32, #tpu.memory_space<vmem>>, vector<16xi32>,
      %mul3A_464 = arith.constant 128 : i32
      %mul3A_465 = arith.muli %scan3A_411, %mul3A_464 : i32
      %add3A_466 = arith.constant 48 : i32
      %add3A_467 = arith.addi %mul3A_465, %add3A_466 : i32
      %get3A_468 = arith.index_cast %add3A_467 : i32 to index
      %get3A_469 = tpu.vector_load %arg7[%get3A_468] {strides = array<i32>} : memref<7808xi32, #tpu.memory_space<vmem>>, vector<16xi32>,
      %get3A_470 = vector.shape_cast %get3A_469 : vector<16xi32> to vector<16xi32>
      %mul3A_471 = arith.constant 1000 : i32
      %mul3A_472 = vector.broadcast %mul3A_471 : i32 to vector<16xi32>
      %mul3A_473 = arith.muli %get3A_470, %mul3A_472 : vector<16xi32>
      %get3A_474 = arith.index_cast %add3A_467 : i32 to index
      %get3A_475 = tpu.vector_load %arg5[%get3A_474] {strides = array<i32>} : memref<7808xi32, #tpu.memory_space<vmem>>, vector<16xi32>,
      %get3A_476 = vector.shape_cast %get3A_475 : vector<16xi32> to vector<16xi32>
      %add3A_477 = arith.addi %mul3A_473, %get3A_476 : vector<16xi32>
      %swap3A_478 = arith.index_cast %add3A_467 : i32 to index
      %swap3A_479 = tpu.vector_load %arg9[%swap3A_478] {strides = array<i32>} : memref<7808xi32, #tpu.memory_space<vmem>>, vector<16xi32>,
      %swap3A_480 = vector.shape_cast %swap3A_479 : vector<16xi32> to vector<16xi32>
      %swap3A_481 = vector.shape_cast %add3A_477 : vector<16xi32> to vector<16xi32>
      tpu.vector_store %arg9[%swap3A_478], %swap3A_481 {strides = array<i32>} : memref<7808xi32, #tpu.memory_space<vmem>>, vector<16xi32>,
      %mul3A_482 = arith.constant 128 : i32
      %mul3A_483 = arith.muli %scan3A_411, %mul3A_482 : i32
      %add3A_484 = arith.constant 64 : i32
      %add3A_485 = arith.addi %mul3A_483, %add3A_484 : i32
      %get3A_486 = arith.index_cast %add3A_485 : i32 to index
      %get3A_487 = tpu.vector_load %arg7[%get3A_486] {strides = array<i32>} : memref<7808xi32, #tpu.memory_space<vmem>>, vector<16xi32>,
      %get3A_488 = vector.shape_cast %get3A_487 : vector<16xi32> to vector<16xi32>
      %mul3A_489 = arith.constant 1000 : i32
      %mul3A_490 = vector.broadcast %mul3A_489 : i32 to vector<16xi32>
      %mul3A_491 = arith.muli %get3A_488, %mul3A_490 : vector<16xi32>
      %get3A_492 = arith.index_cast %add3A_485 : i32 to index
      %get3A_493 = tpu.vector_load %arg5[%get3A_492] {strides = array<i32>} : memref<7808xi32, #tpu.memory_space<vmem>>, vector<16xi32>,
      %get3A_494 = vector.shape_cast %get3A_493 : vector<16xi32> to vector<16xi32>
      %add3A_495 = arith.addi %mul3A_491, %get3A_494 : vector<16xi32>
      %swap3A_496 = arith.index_cast %add3A_485 : i32 to index
      %swap3A_497 = tpu.vector_load %arg9[%swap3A_496] {strides = array<i32>} : memref<7808xi32, #tpu.memory_space<vmem>>, vector<16xi32>,
      %swap3A_498 = vector.shape_cast %swap3A_497 : vector<16xi32> to vector<16xi32>
      %swap3A_499 = vector.shape_cast %add3A_495 : vector<16xi32> to vector<16xi32>
      tpu.vector_store %arg9[%swap3A_496], %swap3A_499 {strides = array<i32>} : memref<7808xi32, #tpu.memory_space<vmem>>, vector<16xi32>,
      %mul3A_500 = arith.constant 128 : i32
      %mul3A_501 = arith.muli %scan3A_411, %mul3A_500 : i32
      %add3A_502 = arith.constant 80 : i32
      %add3A_503 = arith.addi %mul3A_501, %add3A_502 : i32
      %get3A_504 = arith.index_cast %add3A_503 : i32 to index
      %get3A_505 = tpu.vector_load %arg7[%get3A_504] {strides = array<i32>} : memref<7808xi32, #tpu.memory_space<vmem>>, vector<16xi32>,
      %get3A_506 = vector.shape_cast %get3A_505 : vector<16xi32> to vector<16xi32>
      %mul3A_507 = arith.constant 1000 : i32
      %mul3A_508 = vector.broadcast %mul3A_507 : i32 to vector<16xi32>
      %mul3A_509 = arith.muli %get3A_506, %mul3A_508 : vector<16xi32>
      %get3A_510 = arith.index_cast %add3A_503 : i32 to index
      %get3A_511 = tpu.vector_load %arg5[%get3A_510] {strides = array<i32>} : memref<7808xi32, #tpu.memory_space<vmem>>, vector<16xi32>,
      %get3A_512 = vector.shape_cast %get3A_511 : vector<16xi32> to vector<16xi32>
      %add3A_513 = arith.addi %mul3A_509, %get3A_512 : vector<16xi32>
      %swap3A_514 = arith.index_cast %add3A_503 : i32 to index
      %swap3A_515 = tpu.vector_load %arg9[%swap3A_514] {strides = array<i32>} : memref<7808xi32, #tpu.memory_space<vmem>>, vector<16xi32>,
      %swap3A_516 = vector.shape_cast %swap3A_515 : vector<16xi32> to vector<16xi32>
      %swap3A_517 = vector.shape_cast %add3A_513 : vector<16xi32> to vector<16xi32>
      tpu.vector_store %arg9[%swap3A_514], %swap3A_517 {strides = array<i32>} : memref<7808xi32, #tpu.memory_space<vmem>>, vector<16xi32>,
      %mul3A_518 = arith.constant 128 : i32
      %mul3A_519 = arith.muli %scan3A_411, %mul3A_518 : i32
      %add3A_520 = arith.constant 96 : i32
      %add3A_521 = arith.addi %mul3A_519, %add3A_520 : i32
      %get3A_522 = arith.index_cast %add3A_521 : i32 to index
      %get3A_523 = tpu.vector_load %arg7[%get3A_522] {strides = array<i32>} : memref<7808xi32, #tpu.memory_space<vmem>>, vector<16xi32>,
      %get3A_524 = vector.shape_cast %get3A_523 : vector<16xi32> to vector<16xi32>
      %mul3A_525 = arith.constant 1000 : i32
      %mul3A_526 = vector.broadcast %mul3A_525 : i32 to vector<16xi32>
      %mul3A_527 = arith.muli %get3A_524, %mul3A_526 : vector<16xi32>
      %get3A_528 = arith.index_cast %add3A_521 : i32 to index
      %get3A_529 = tpu.vector_load %arg5[%get3A_528] {strides = array<i32>} : memref<7808xi32, #tpu.memory_space<vmem>>, vector<16xi32>,
      %get3A_530 = vector.shape_cast %get3A_529 : vector<16xi32> to vector<16xi32>
      %add3A_531 = arith.addi %mul3A_527, %get3A_530 : vector<16xi32>
      %swap3A_532 = arith.index_cast %add3A_521 : i32 to index
      %swap3A_533 = tpu.vector_load %arg9[%swap3A_532] {strides = array<i32>} : memref<7808xi32, #tpu.memory_space<vmem>>, vector<16xi32>,
      %swap3A_534 = vector.shape_cast %swap3A_533 : vector<16xi32> to vector<16xi32>
      %swap3A_535 = vector.shape_cast %add3A_531 : vector<16xi32> to vector<16xi32>
      tpu.vector_store %arg9[%swap3A_532], %swap3A_535 {strides = array<i32>} : memref<7808xi32, #tpu.memory_space<vmem>>, vector<16xi32>,
      %mul3A_536 = arith.constant 128 : i32
      %mul3A_537 = arith.muli %scan3A_411, %mul3A_536 : i32
      %add3A_538 = arith.constant 112 : i32
      %add3A_539 = arith.addi %mul3A_537, %add3A_538 : i32
      %get3A_540 = arith.index_cast %add3A_539 : i32 to index
      %get3A_541 = tpu.vector_load %arg7[%get3A_540] {strides = array<i32>} : memref<7808xi32, #tpu.memory_space<vmem>>, vector<16xi32>,
      %get3A_542 = vector.shape_cast %get3A_541 : vector<16xi32> to vector<16xi32>
      %mul3A_543 = arith.constant 1000 : i32
      %mul3A_544 = vector.broadcast %mul3A_543 : i32 to vector<16xi32>
      %mul3A_545 = arith.muli %get3A_542, %mul3A_544 : vector<16xi32>
      %get3A_546 = arith.index_cast %add3A_539 : i32 to index
      %get3A_547 = tpu.vector_load %arg5[%get3A_546] {strides = array<i32>} : memref<7808xi32, #tpu.memory_space<vmem>>, vector<16xi32>,
      %get3A_548 = vector.shape_cast %get3A_547 : vector<16xi32> to vector<16xi32>
      %add3A_549 = arith.addi %mul3A_545, %get3A_548 : vector<16xi32>
      %swap3A_550 = arith.index_cast %add3A_539 : i32 to index
      %swap3A_551 = tpu.vector_load %arg9[%swap3A_550] {strides = array<i32>} : memref<7808xi32, #tpu.memory_space<vmem>>, vector<16xi32>,
      %swap3A_552 = vector.shape_cast %swap3A_551 : vector<16xi32> to vector<16xi32>
      %swap3A_553 = vector.shape_cast %add3A_549 : vector<16xi32> to vector<16xi32>
      tpu.vector_store %arg9[%swap3A_550], %swap3A_553 {strides = array<i32>} : memref<7808xi32, #tpu.memory_space<vmem>>, vector<16xi32>,
    }
    %scan3A_179 = arith.constant 61 : i32
    %dma_start3A_180 = arith.constant 0 : i32
    %dma_start3A_181 = tpu.memref_slice %arg15[%dma_start3A_180] : memref<1000000xf32, #tpu.memory_space<vmem_shared>> -> memref<1000000xf32, #tpu.memory_space<vmem_shared>>
    tpu.enqueue_indirect_dma source(%arg11 : memref<7808xf32, #tpu.memory_space<vmem>>) target(%dma_start3A_181 : memref<1000000xf32, #tpu.memory_space<vmem_shared>>) offsets(%arg9 : memref<7808xi32, #tpu.memory_space<vmem>>) semaphore(%arg20 : memref<!tpu.dma_semaphore, #tpu.memory_space<semaphore_mem>>) {add = true}
    %add3A_182 = arith.constant 46848 : i32
    %add3A_183 = arith.addi %mul3A_2, %add3A_182 : i32
    %dma_start3A_184 = tpu.memref_slice %arg2[%add3A_183] : memref<4000000xi32, #tpu.memory_space<hbm>> -> memref<7808xi32, #tpu.memory_space<hbm>>
    %dma_start3A_185 = tpu.memref_slice %arg2[%add3A_183] : memref<4000000xi32, #tpu.memory_space<hbm>> -> memref<7808xi32, #tpu.memory_space<hbm>>
    tpu.enqueue_dma source(%dma_start3A_185 : memref<7808xi32, #tpu.memory_space<hbm>>) target(%arg5 : memref<7808xi32, #tpu.memory_space<vmem>>) target_semaphore(%arg16 : memref<!tpu.dma_semaphore, #tpu.memory_space<semaphore_mem>>)
    %dma_start3A_186 = tpu.memref_slice %arg3[%add3A_183] : memref<4000000xi32, #tpu.memory_space<hbm>> -> memref<7808xi32, #tpu.memory_space<hbm>>
    %dma_start3A_187 = tpu.memref_slice %arg3[%add3A_183] : memref<4000000xi32, #tpu.memory_space<hbm>> -> memref<7808xi32, #tpu.memory_space<hbm>>
    tpu.enqueue_dma source(%dma_start3A_187 : memref<7808xi32, #tpu.memory_space<hbm>>) target(%arg7 : memref<7808xi32, #tpu.memory_space<vmem>>) target_semaphore(%arg18 : memref<!tpu.dma_semaphore, #tpu.memory_space<semaphore_mem>>)
    %dma_wait3A_188 = tpu.memref_slice %arg2[%add3A_163] : memref<4000000xi32, #tpu.memory_space<hbm>> -> memref<7808xi32, #tpu.memory_space<hbm>>
    %dma_wait3A_189 = tpu.memref_slice %arg2[%add3A_163] : memref<4000000xi32, #tpu.memory_space<hbm>> -> memref<7808xi32, #tpu.memory_space<hbm>>
    tpu.wait_dma2 semaphore(%arg17 : memref<!tpu.dma_semaphore, #tpu.memory_space<semaphore_mem>>) src(%dma_wait3A_189 : memref<7808xi32, #tpu.memory_space<hbm>>) dst(%arg6 : memref<7808xi32, #tpu.memory_space<vmem>>)
    %dma_wait3A_190 = tpu.memref_slice %arg3[%add3A_163] : memref<4000000xi32, #tpu.memory_space<hbm>> -> memref<7808xi32, #tpu.memory_space<hbm>>
    %dma_wait3A_191 = tpu.memref_slice %arg3[%add3A_163] : memref<4000000xi32, #tpu.memory_space<hbm>> -> memref<7808xi32, #tpu.memory_space<hbm>>
    tpu.wait_dma2 semaphore(%arg19 : memref<!tpu.dma_semaphore, #tpu.memory_space<semaphore_mem>>) src(%dma_wait3A_191 : memref<7808xi32, #tpu.memory_space<hbm>>) dst(%arg8 : memref<7808xi32, #tpu.memory_space<vmem>>)
    %dma_wait3A_192 = arith.constant 0 : i32
    %dma_wait3A_193 = tpu.memref_slice %arg15[%dma_wait3A_192] : memref<1000000xf32, #tpu.memory_space<vmem_shared>> -> memref<1000000xf32, #tpu.memory_space<vmem_shared>>
    tpu.wait_indirect_dma semaphore(%arg21 : memref<!tpu.dma_semaphore, #tpu.memory_space<semaphore_mem>>) src(%arg11 : memref<7808xf32, #tpu.memory_space<vmem>>) dst(%dma_wait3A_193 : memref<1000000xf32, #tpu.memory_space<vmem_shared>>)
    %scan3A_194 = arith.constant 0 : i32
    %scan3A_195 = arith.constant 0 : i32
    %scan3A_196 = arith.constant 61 : i32
    %scan3A_197 = arith.addi %scan3A_195, %scan3A_196 : i32
    %scan3A_198 = arith.constant 1 : i32
    scf.for %scan3A_411 = %scan3A_195 to %scan3A_197 step %scan3A_198  : i32 {
      %mul3A_412 = arith.constant 128 : i32
      %mul3A_413 = arith.muli %scan3A_411, %mul3A_412 : i32
      %add3A_414 = arith.constant 0 : i32
      %add3A_415 = arith.addi %mul3A_413, %add3A_414 : i32
      %get3A = arith.index_cast %add3A_415 : i32 to index
      %get3A_416 = tpu.vector_load %arg8[%get3A] {strides = array<i32>} : memref<7808xi32, #tpu.memory_space<vmem>>, vector<16xi32>,
      %get3A_417 = vector.shape_cast %get3A_416 : vector<16xi32> to vector<16xi32>
      %mul3A_418 = arith.constant 1000 : i32
      %mul3A_419 = vector.broadcast %mul3A_418 : i32 to vector<16xi32>
      %mul3A_420 = arith.muli %get3A_417, %mul3A_419 : vector<16xi32>
      %get3A_421 = arith.index_cast %add3A_415 : i32 to index
      %get3A_422 = tpu.vector_load %arg6[%get3A_421] {strides = array<i32>} : memref<7808xi32, #tpu.memory_space<vmem>>, vector<16xi32>,
      %get3A_423 = vector.shape_cast %get3A_422 : vector<16xi32> to vector<16xi32>
      %add3A_424 = arith.addi %mul3A_420, %get3A_423 : vector<16xi32>
      %swap3A = arith.index_cast %add3A_415 : i32 to index
      %swap3A_425 = tpu.vector_load %arg10[%swap3A] {strides = array<i32>} : memref<7808xi32, #tpu.memory_space<vmem>>, vector<16xi32>,
      %swap3A_426 = vector.shape_cast %swap3A_425 : vector<16xi32> to vector<16xi32>
      %swap3A_427 = vector.shape_cast %add3A_424 : vector<16xi32> to vector<16xi32>
      tpu.vector_store %arg10[%swap3A], %swap3A_427 {strides = array<i32>} : memref<7808xi32, #tpu.memory_space<vmem>>, vector<16xi32>,
      %mul3A_428 = arith.constant 128 : i32
      %mul3A_429 = arith.muli %scan3A_411, %mul3A_428 : i32
      %add3A_430 = arith.constant 16 : i32
      %add3A_431 = arith.addi %mul3A_429, %add3A_430 : i32
      %get3A_432 = arith.index_cast %add3A_431 : i32 to index
      %get3A_433 = tpu.vector_load %arg8[%get3A_432] {strides = array<i32>} : memref<7808xi32, #tpu.memory_space<vmem>>, vector<16xi32>,
      %get3A_434 = vector.shape_cast %get3A_433 : vector<16xi32> to vector<16xi32>
      %mul3A_435 = arith.constant 1000 : i32
      %mul3A_436 = vector.broadcast %mul3A_435 : i32 to vector<16xi32>
      %mul3A_437 = arith.muli %get3A_434, %mul3A_436 : vector<16xi32>
      %get3A_438 = arith.index_cast %add3A_431 : i32 to index
      %get3A_439 = tpu.vector_load %arg6[%get3A_438] {strides = array<i32>} : memref<7808xi32, #tpu.memory_space<vmem>>, vector<16xi32>,
      %get3A_440 = vector.shape_cast %get3A_439 : vector<16xi32> to vector<16xi32>
      %add3A_441 = arith.addi %mul3A_437, %get3A_440 : vector<16xi32>
      %swap3A_442 = arith.index_cast %add3A_431 : i32 to index
      %swap3A_443 = tpu.vector_load %arg10[%swap3A_442] {strides = array<i32>} : memref<7808xi32, #tpu.memory_space<vmem>>, vector<16xi32>,
      %swap3A_444 = vector.shape_cast %swap3A_443 : vector<16xi32> to vector<16xi32>
      %swap3A_445 = vector.shape_cast %add3A_441 : vector<16xi32> to vector<16xi32>
      tpu.vector_store %arg10[%swap3A_442], %swap3A_445 {strides = array<i32>} : memref<7808xi32, #tpu.memory_space<vmem>>, vector<16xi32>,
      %mul3A_446 = arith.constant 128 : i32
      %mul3A_447 = arith.muli %scan3A_411, %mul3A_446 : i32
      %add3A_448 = arith.constant 32 : i32
      %add3A_449 = arith.addi %mul3A_447, %add3A_448 : i32
      %get3A_450 = arith.index_cast %add3A_449 : i32 to index
      %get3A_451 = tpu.vector_load %arg8[%get3A_450] {strides = array<i32>} : memref<7808xi32, #tpu.memory_space<vmem>>, vector<16xi32>,
      %get3A_452 = vector.shape_cast %get3A_451 : vector<16xi32> to vector<16xi32>
      %mul3A_453 = arith.constant 1000 : i32
      %mul3A_454 = vector.broadcast %mul3A_453 : i32 to vector<16xi32>
      %mul3A_455 = arith.muli %get3A_452, %mul3A_454 : vector<16xi32>
      %get3A_456 = arith.index_cast %add3A_449 : i32 to index
      %get3A_457 = tpu.vector_load %arg6[%get3A_456] {strides = array<i32>} : memref<7808xi32, #tpu.memory_space<vmem>>, vector<16xi32>,
      %get3A_458 = vector.shape_cast %get3A_457 : vector<16xi32> to vector<16xi32>
      %add3A_459 = arith.addi %mul3A_455, %get3A_458 : vector<16xi32>
      %swap3A_460 = arith.index_cast %add3A_449 : i32 to index
      %swap3A_461 = tpu.vector_load %arg10[%swap3A_460] {strides = array<i32>} : memref<7808xi32, #tpu.memory_space<vmem>>, vector<16xi32>,
      %swap3A_462 = vector.shape_cast %swap3A_461 : vector<16xi32> to vector<16xi32>
      %swap3A_463 = vector.shape_cast %add3A_459 : vector<16xi32> to vector<16xi32>
      tpu.vector_store %arg10[%swap3A_460], %swap3A_463 {strides = array<i32>} : memref<7808xi32, #tpu.memory_space<vmem>>, vector<16xi32>,
      %mul3A_464 = arith.constant 128 : i32
      %mul3A_465 = arith.muli %scan3A_411, %mul3A_464 : i32
      %add3A_466 = arith.constant 48 : i32
      %add3A_467 = arith.addi %mul3A_465, %add3A_466 : i32
      %get3A_468 = arith.index_cast %add3A_467 : i32 to index
      %get3A_469 = tpu.vector_load %arg8[%get3A_468] {strides = array<i32>} : memref<7808xi32, #tpu.memory_space<vmem>>, vector<16xi32>,
      %get3A_470 = vector.shape_cast %get3A_469 : vector<16xi32> to vector<16xi32>
      %mul3A_471 = arith.constant 1000 : i32
      %mul3A_472 = vector.broadcast %mul3A_471 : i32 to vector<16xi32>
      %mul3A_473 = arith.muli %get3A_470, %mul3A_472 : vector<16xi32>
      %get3A_474 = arith.index_cast %add3A_467 : i32 to index
      %get3A_475 = tpu.vector_load %arg6[%get3A_474] {strides = array<i32>} : memref<7808xi32, #tpu.memory_space<vmem>>, vector<16xi32>,
      %get3A_476 = vector.shape_cast %get3A_475 : vector<16xi32> to vector<16xi32>
      %add3A_477 = arith.addi %mul3A_473, %get3A_476 : vector<16xi32>
      %swap3A_478 = arith.index_cast %add3A_467 : i32 to index
      %swap3A_479 = tpu.vector_load %arg10[%swap3A_478] {strides = array<i32>} : memref<7808xi32, #tpu.memory_space<vmem>>, vector<16xi32>,
      %swap3A_480 = vector.shape_cast %swap3A_479 : vector<16xi32> to vector<16xi32>
      %swap3A_481 = vector.shape_cast %add3A_477 : vector<16xi32> to vector<16xi32>
      tpu.vector_store %arg10[%swap3A_478], %swap3A_481 {strides = array<i32>} : memref<7808xi32, #tpu.memory_space<vmem>>, vector<16xi32>,
      %mul3A_482 = arith.constant 128 : i32
      %mul3A_483 = arith.muli %scan3A_411, %mul3A_482 : i32
      %add3A_484 = arith.constant 64 : i32
      %add3A_485 = arith.addi %mul3A_483, %add3A_484 : i32
      %get3A_486 = arith.index_cast %add3A_485 : i32 to index
      %get3A_487 = tpu.vector_load %arg8[%get3A_486] {strides = array<i32>} : memref<7808xi32, #tpu.memory_space<vmem>>, vector<16xi32>,
      %get3A_488 = vector.shape_cast %get3A_487 : vector<16xi32> to vector<16xi32>
      %mul3A_489 = arith.constant 1000 : i32
      %mul3A_490 = vector.broadcast %mul3A_489 : i32 to vector<16xi32>
      %mul3A_491 = arith.muli %get3A_488, %mul3A_490 : vector<16xi32>
      %get3A_492 = arith.index_cast %add3A_485 : i32 to index
      %get3A_493 = tpu.vector_load %arg6[%get3A_492] {strides = array<i32>} : memref<7808xi32, #tpu.memory_space<vmem>>, vector<16xi32>,
      %get3A_494 = vector.shape_cast %get3A_493 : vector<16xi32> to vector<16xi32>
      %add3A_495 = arith.addi %mul3A_491, %get3A_494 : vector<16xi32>
      %swap3A_496 = arith.index_cast %add3A_485 : i32 to index
      %swap3A_497 = tpu.vector_load %arg10[%swap3A_496] {strides = array<i32>} : memref<7808xi32, #tpu.memory_space<vmem>>, vector<16xi32>,
      %swap3A_498 = vector.shape_cast %swap3A_497 : vector<16xi32> to vector<16xi32>
      %swap3A_499 = vector.shape_cast %add3A_495 : vector<16xi32> to vector<16xi32>
      tpu.vector_store %arg10[%swap3A_496], %swap3A_499 {strides = array<i32>} : memref<7808xi32, #tpu.memory_space<vmem>>, vector<16xi32>,
      %mul3A_500 = arith.constant 128 : i32
      %mul3A_501 = arith.muli %scan3A_411, %mul3A_500 : i32
      %add3A_502 = arith.constant 80 : i32
      %add3A_503 = arith.addi %mul3A_501, %add3A_502 : i32
      %get3A_504 = arith.index_cast %add3A_503 : i32 to index
      %get3A_505 = tpu.vector_load %arg8[%get3A_504] {strides = array<i32>} : memref<7808xi32, #tpu.memory_space<vmem>>, vector<16xi32>,
      %get3A_506 = vector.shape_cast %get3A_505 : vector<16xi32> to vector<16xi32>
      %mul3A_507 = arith.constant 1000 : i32
      %mul3A_508 = vector.broadcast %mul3A_507 : i32 to vector<16xi32>
      %mul3A_509 = arith.muli %get3A_506, %mul3A_508 : vector<16xi32>
      %get3A_510 = arith.index_cast %add3A_503 : i32 to index
      %get3A_511 = tpu.vector_load %arg6[%get3A_510] {strides = array<i32>} : memref<7808xi32, #tpu.memory_space<vmem>>, vector<16xi32>,
      %get3A_512 = vector.shape_cast %get3A_511 : vector<16xi32> to vector<16xi32>
      %add3A_513 = arith.addi %mul3A_509, %get3A_512 : vector<16xi32>
      %swap3A_514 = arith.index_cast %add3A_503 : i32 to index
      %swap3A_515 = tpu.vector_load %arg10[%swap3A_514] {strides = array<i32>} : memref<7808xi32, #tpu.memory_space<vmem>>, vector<16xi32>,
      %swap3A_516 = vector.shape_cast %swap3A_515 : vector<16xi32> to vector<16xi32>
      %swap3A_517 = vector.shape_cast %add3A_513 : vector<16xi32> to vector<16xi32>
      tpu.vector_store %arg10[%swap3A_514], %swap3A_517 {strides = array<i32>} : memref<7808xi32, #tpu.memory_space<vmem>>, vector<16xi32>,
      %mul3A_518 = arith.constant 128 : i32
      %mul3A_519 = arith.muli %scan3A_411, %mul3A_518 : i32
      %add3A_520 = arith.constant 96 : i32
      %add3A_521 = arith.addi %mul3A_519, %add3A_520 : i32
      %get3A_522 = arith.index_cast %add3A_521 : i32 to index
      %get3A_523 = tpu.vector_load %arg8[%get3A_522] {strides = array<i32>} : memref<7808xi32, #tpu.memory_space<vmem>>, vector<16xi32>,
      %get3A_524 = vector.shape_cast %get3A_523 : vector<16xi32> to vector<16xi32>
      %mul3A_525 = arith.constant 1000 : i32
      %mul3A_526 = vector.broadcast %mul3A_525 : i32 to vector<16xi32>
      %mul3A_527 = arith.muli %get3A_524, %mul3A_526 : vector<16xi32>
      %get3A_528 = arith.index_cast %add3A_521 : i32 to index
      %get3A_529 = tpu.vector_load %arg6[%get3A_528] {strides = array<i32>} : memref<7808xi32, #tpu.memory_space<vmem>>, vector<16xi32>,
      %get3A_530 = vector.shape_cast %get3A_529 : vector<16xi32> to vector<16xi32>
      %add3A_531 = arith.addi %mul3A_527, %get3A_530 : vector<16xi32>
      %swap3A_532 = arith.index_cast %add3A_521 : i32 to index
      %swap3A_533 = tpu.vector_load %arg10[%swap3A_532] {strides = array<i32>} : memref<7808xi32, #tpu.memory_space<vmem>>, vector<16xi32>,
      %swap3A_534 = vector.shape_cast %swap3A_533 : vector<16xi32> to vector<16xi32>
      %swap3A_535 = vector.shape_cast %add3A_531 : vector<16xi32> to vector<16xi32>
      tpu.vector_store %arg10[%swap3A_532], %swap3A_535 {strides = array<i32>} : memref<7808xi32, #tpu.memory_space<vmem>>, vector<16xi32>,
      %mul3A_536 = arith.constant 128 : i32
      %mul3A_537 = arith.muli %scan3A_411, %mul3A_536 : i32
      %add3A_538 = arith.constant 112 : i32
      %add3A_539 = arith.addi %mul3A_537, %add3A_538 : i32
      %get3A_540 = arith.index_cast %add3A_539 : i32 to index
      %get3A_541 = tpu.vector_load %arg8[%get3A_540] {strides = array<i32>} : memref<7808xi32, #tpu.memory_space<vmem>>, vector<16xi32>,
      %get3A_542 = vector.shape_cast %get3A_541 : vector<16xi32> to vector<16xi32>
      %mul3A_543 = arith.constant 1000 : i32
      %mul3A_544 = vector.broadcast %mul3A_543 : i32 to vector<16xi32>
      %mul3A_545 = arith.muli %get3A_542, %mul3A_544 : vector<16xi32>
      %get3A_546 = arith.index_cast %add3A_539 : i32 to index
      %get3A_547 = tpu.vector_load %arg6[%get3A_546] {strides = array<i32>} : memref<7808xi32, #tpu.memory_space<vmem>>, vector<16xi32>,
      %get3A_548 = vector.shape_cast %get3A_547 : vector<16xi32> to vector<16xi32>
      %add3A_549 = arith.addi %mul3A_545, %get3A_548 : vector<16xi32>
      %swap3A_550 = arith.index_cast %add3A_539 : i32 to index
      %swap3A_551 = tpu.vector_load %arg10[%swap3A_550] {strides = array<i32>} : memref<7808xi32, #tpu.memory_space<vmem>>, vector<16xi32>,
      %swap3A_552 = vector.shape_cast %swap3A_551 : vector<16xi32> to vector<16xi32>
      %swap3A_553 = vector.shape_cast %add3A_549 : vector<16xi32> to vector<16xi32>
      tpu.vector_store %arg10[%swap3A_550], %swap3A_553 {strides = array<i32>} : memref<7808xi32, #tpu.memory_space<vmem>>, vector<16xi32>,
    }
    %scan3A_199 = arith.constant 61 : i32
    %dma_start3A_200 = arith.constant 0 : i32
    %dma_start3A_201 = tpu.memref_slice %arg15[%dma_start3A_200] : memref<1000000xf32, #tpu.memory_space<vmem_shared>> -> memref<1000000xf32, #tpu.memory_space<vmem_shared>>
    tpu.enqueue_indirect_dma source(%arg11 : memref<7808xf32, #tpu.memory_space<vmem>>) target(%dma_start3A_201 : memref<1000000xf32, #tpu.memory_space<vmem_shared>>) offsets(%arg10 : memref<7808xi32, #tpu.memory_space<vmem>>) semaphore(%arg21 : memref<!tpu.dma_semaphore, #tpu.memory_space<semaphore_mem>>) {add = true}
    %add3A_202 = arith.constant 54656 : i32
    %add3A_203 = arith.addi %mul3A_2, %add3A_202 : i32
    %dma_start3A_204 = tpu.memref_slice %arg2[%add3A_203] : memref<4000000xi32, #tpu.memory_space<hbm>> -> memref<7808xi32, #tpu.memory_space<hbm>>
    %dma_start3A_205 = tpu.memref_slice %arg2[%add3A_203] : memref<4000000xi32, #tpu.memory_space<hbm>> -> memref<7808xi32, #tpu.memory_space<hbm>>
    tpu.enqueue_dma source(%dma_start3A_205 : memref<7808xi32, #tpu.memory_space<hbm>>) target(%arg6 : memref<7808xi32, #tpu.memory_space<vmem>>) target_semaphore(%arg17 : memref<!tpu.dma_semaphore, #tpu.memory_space<semaphore_mem>>)
    %dma_start3A_206 = tpu.memref_slice %arg3[%add3A_203] : memref<4000000xi32, #tpu.memory_space<hbm>> -> memref<7808xi32, #tpu.memory_space<hbm>>
    %dma_start3A_207 = tpu.memref_slice %arg3[%add3A_203] : memref<4000000xi32, #tpu.memory_space<hbm>> -> memref<7808xi32, #tpu.memory_space<hbm>>
    tpu.enqueue_dma source(%dma_start3A_207 : memref<7808xi32, #tpu.memory_space<hbm>>) target(%arg8 : memref<7808xi32, #tpu.memory_space<vmem>>) target_semaphore(%arg19 : memref<!tpu.dma_semaphore, #tpu.memory_space<semaphore_mem>>)
    %dma_wait3A_208 = tpu.memref_slice %arg2[%add3A_183] : memref<4000000xi32, #tpu.memory_space<hbm>> -> memref<7808xi32, #tpu.memory_space<hbm>>
    %dma_wait3A_209 = tpu.memref_slice %arg2[%add3A_183] : memref<4000000xi32, #tpu.memory_space<hbm>> -> memref<7808xi32, #tpu.memory_space<hbm>>
    tpu.wait_dma2 semaphore(%arg16 : memref<!tpu.dma_semaphore, #tpu.memory_space<semaphore_mem>>) src(%dma_wait3A_209 : memref<7808xi32, #tpu.memory_space<hbm>>) dst(%arg5 : memref<7808xi32, #tpu.memory_space<vmem>>)
    %dma_wait3A_210 = tpu.memref_slice %arg3[%add3A_183] : memref<4000000xi32, #tpu.memory_space<hbm>> -> memref<7808xi32, #tpu.memory_space<hbm>>
    %dma_wait3A_211 = tpu.memref_slice %arg3[%add3A_183] : memref<4000000xi32, #tpu.memory_space<hbm>> -> memref<7808xi32, #tpu.memory_space<hbm>>
    tpu.wait_dma2 semaphore(%arg18 : memref<!tpu.dma_semaphore, #tpu.memory_space<semaphore_mem>>) src(%dma_wait3A_211 : memref<7808xi32, #tpu.memory_space<hbm>>) dst(%arg7 : memref<7808xi32, #tpu.memory_space<vmem>>)
    %dma_wait3A_212 = arith.constant 0 : i32
    %dma_wait3A_213 = tpu.memref_slice %arg15[%dma_wait3A_212] : memref<1000000xf32, #tpu.memory_space<vmem_shared>> -> memref<1000000xf32, #tpu.memory_space<vmem_shared>>
    tpu.wait_indirect_dma semaphore(%arg20 : memref<!tpu.dma_semaphore, #tpu.memory_space<semaphore_mem>>) src(%arg11 : memref<7808xf32, #tpu.memory_space<vmem>>) dst(%dma_wait3A_213 : memref<1000000xf32, #tpu.memory_space<vmem_shared>>)
    %scan3A_214 = arith.constant 0 : i32
    %scan3A_215 = arith.constant 0 : i32
    %scan3A_216 = arith.constant 61 : i32
    %scan3A_217 = arith.addi %scan3A_215, %scan3A_216 : i32
    %scan3A_218 = arith.constant 1 : i32
    scf.for %scan3A_411 = %scan3A_215 to %scan3A_217 step %scan3A_218  : i32 {
      %mul3A_412 = arith.constant 128 : i32
      %mul3A_413 = arith.muli %scan3A_411, %mul3A_412 : i32
      %add3A_414 = arith.constant 0 : i32
      %add3A_415 = arith.addi %mul3A_413, %add3A_414 : i32
      %get3A = arith.index_cast %add3A_415 : i32 to index
      %get3A_416 = tpu.vector_load %arg7[%get3A] {strides = array<i32>} : memref<7808xi32, #tpu.memory_space<vmem>>, vector<16xi32>,
      %get3A_417 = vector.shape_cast %get3A_416 : vector<16xi32> to vector<16xi32>
      %mul3A_418 = arith.constant 1000 : i32
      %mul3A_419 = vector.broadcast %mul3A_418 : i32 to vector<16xi32>
      %mul3A_420 = arith.muli %get3A_417, %mul3A_419 : vector<16xi32>
      %get3A_421 = arith.index_cast %add3A_415 : i32 to index
      %get3A_422 = tpu.vector_load %arg5[%get3A_421] {strides = array<i32>} : memref<7808xi32, #tpu.memory_space<vmem>>, vector<16xi32>,
      %get3A_423 = vector.shape_cast %get3A_422 : vector<16xi32> to vector<16xi32>
      %add3A_424 = arith.addi %mul3A_420, %get3A_423 : vector<16xi32>
      %swap3A = arith.index_cast %add3A_415 : i32 to index
      %swap3A_425 = tpu.vector_load %arg9[%swap3A] {strides = array<i32>} : memref<7808xi32, #tpu.memory_space<vmem>>, vector<16xi32>,
      %swap3A_426 = vector.shape_cast %swap3A_425 : vector<16xi32> to vector<16xi32>
      %swap3A_427 = vector.shape_cast %add3A_424 : vector<16xi32> to vector<16xi32>
      tpu.vector_store %arg9[%swap3A], %swap3A_427 {strides = array<i32>} : memref<7808xi32, #tpu.memory_space<vmem>>, vector<16xi32>,
      %mul3A_428 = arith.constant 128 : i32
      %mul3A_429 = arith.muli %scan3A_411, %mul3A_428 : i32
      %add3A_430 = arith.constant 16 : i32
      %add3A_431 = arith.addi %mul3A_429, %add3A_430 : i32
      %get3A_432 = arith.index_cast %add3A_431 : i32 to index
      %get3A_433 = tpu.vector_load %arg7[%get3A_432] {strides = array<i32>} : memref<7808xi32, #tpu.memory_space<vmem>>, vector<16xi32>,
      %get3A_434 = vector.shape_cast %get3A_433 : vector<16xi32> to vector<16xi32>
      %mul3A_435 = arith.constant 1000 : i32
      %mul3A_436 = vector.broadcast %mul3A_435 : i32 to vector<16xi32>
      %mul3A_437 = arith.muli %get3A_434, %mul3A_436 : vector<16xi32>
      %get3A_438 = arith.index_cast %add3A_431 : i32 to index
      %get3A_439 = tpu.vector_load %arg5[%get3A_438] {strides = array<i32>} : memref<7808xi32, #tpu.memory_space<vmem>>, vector<16xi32>,
      %get3A_440 = vector.shape_cast %get3A_439 : vector<16xi32> to vector<16xi32>
      %add3A_441 = arith.addi %mul3A_437, %get3A_440 : vector<16xi32>
      %swap3A_442 = arith.index_cast %add3A_431 : i32 to index
      %swap3A_443 = tpu.vector_load %arg9[%swap3A_442] {strides = array<i32>} : memref<7808xi32, #tpu.memory_space<vmem>>, vector<16xi32>,
      %swap3A_444 = vector.shape_cast %swap3A_443 : vector<16xi32> to vector<16xi32>
      %swap3A_445 = vector.shape_cast %add3A_441 : vector<16xi32> to vector<16xi32>
      tpu.vector_store %arg9[%swap3A_442], %swap3A_445 {strides = array<i32>} : memref<7808xi32, #tpu.memory_space<vmem>>, vector<16xi32>,
      %mul3A_446 = arith.constant 128 : i32
      %mul3A_447 = arith.muli %scan3A_411, %mul3A_446 : i32
      %add3A_448 = arith.constant 32 : i32
      %add3A_449 = arith.addi %mul3A_447, %add3A_448 : i32
      %get3A_450 = arith.index_cast %add3A_449 : i32 to index
      %get3A_451 = tpu.vector_load %arg7[%get3A_450] {strides = array<i32>} : memref<7808xi32, #tpu.memory_space<vmem>>, vector<16xi32>,
      %get3A_452 = vector.shape_cast %get3A_451 : vector<16xi32> to vector<16xi32>
      %mul3A_453 = arith.constant 1000 : i32
      %mul3A_454 = vector.broadcast %mul3A_453 : i32 to vector<16xi32>
      %mul3A_455 = arith.muli %get3A_452, %mul3A_454 : vector<16xi32>
      %get3A_456 = arith.index_cast %add3A_449 : i32 to index
      %get3A_457 = tpu.vector_load %arg5[%get3A_456] {strides = array<i32>} : memref<7808xi32, #tpu.memory_space<vmem>>, vector<16xi32>,
      %get3A_458 = vector.shape_cast %get3A_457 : vector<16xi32> to vector<16xi32>
      %add3A_459 = arith.addi %mul3A_455, %get3A_458 : vector<16xi32>
      %swap3A_460 = arith.index_cast %add3A_449 : i32 to index
      %swap3A_461 = tpu.vector_load %arg9[%swap3A_460] {strides = array<i32>} : memref<7808xi32, #tpu.memory_space<vmem>>, vector<16xi32>,
      %swap3A_462 = vector.shape_cast %swap3A_461 : vector<16xi32> to vector<16xi32>
      %swap3A_463 = vector.shape_cast %add3A_459 : vector<16xi32> to vector<16xi32>
      tpu.vector_store %arg9[%swap3A_460], %swap3A_463 {strides = array<i32>} : memref<7808xi32, #tpu.memory_space<vmem>>, vector<16xi32>,
      %mul3A_464 = arith.constant 128 : i32
      %mul3A_465 = arith.muli %scan3A_411, %mul3A_464 : i32
      %add3A_466 = arith.constant 48 : i32
      %add3A_467 = arith.addi %mul3A_465, %add3A_466 : i32
      %get3A_468 = arith.index_cast %add3A_467 : i32 to index
      %get3A_469 = tpu.vector_load %arg7[%get3A_468] {strides = array<i32>} : memref<7808xi32, #tpu.memory_space<vmem>>, vector<16xi32>,
      %get3A_470 = vector.shape_cast %get3A_469 : vector<16xi32> to vector<16xi32>
      %mul3A_471 = arith.constant 1000 : i32
      %mul3A_472 = vector.broadcast %mul3A_471 : i32 to vector<16xi32>
      %mul3A_473 = arith.muli %get3A_470, %mul3A_472 : vector<16xi32>
      %get3A_474 = arith.index_cast %add3A_467 : i32 to index
      %get3A_475 = tpu.vector_load %arg5[%get3A_474] {strides = array<i32>} : memref<7808xi32, #tpu.memory_space<vmem>>, vector<16xi32>,
      %get3A_476 = vector.shape_cast %get3A_475 : vector<16xi32> to vector<16xi32>
      %add3A_477 = arith.addi %mul3A_473, %get3A_476 : vector<16xi32>
      %swap3A_478 = arith.index_cast %add3A_467 : i32 to index
      %swap3A_479 = tpu.vector_load %arg9[%swap3A_478] {strides = array<i32>} : memref<7808xi32, #tpu.memory_space<vmem>>, vector<16xi32>,
      %swap3A_480 = vector.shape_cast %swap3A_479 : vector<16xi32> to vector<16xi32>
      %swap3A_481 = vector.shape_cast %add3A_477 : vector<16xi32> to vector<16xi32>
      tpu.vector_store %arg9[%swap3A_478], %swap3A_481 {strides = array<i32>} : memref<7808xi32, #tpu.memory_space<vmem>>, vector<16xi32>,
      %mul3A_482 = arith.constant 128 : i32
      %mul3A_483 = arith.muli %scan3A_411, %mul3A_482 : i32
      %add3A_484 = arith.constant 64 : i32
      %add3A_485 = arith.addi %mul3A_483, %add3A_484 : i32
      %get3A_486 = arith.index_cast %add3A_485 : i32 to index
      %get3A_487 = tpu.vector_load %arg7[%get3A_486] {strides = array<i32>} : memref<7808xi32, #tpu.memory_space<vmem>>, vector<16xi32>,
      %get3A_488 = vector.shape_cast %get3A_487 : vector<16xi32> to vector<16xi32>
      %mul3A_489 = arith.constant 1000 : i32
      %mul3A_490 = vector.broadcast %mul3A_489 : i32 to vector<16xi32>
      %mul3A_491 = arith.muli %get3A_488, %mul3A_490 : vector<16xi32>
      %get3A_492 = arith.index_cast %add3A_485 : i32 to index
      %get3A_493 = tpu.vector_load %arg5[%get3A_492] {strides = array<i32>} : memref<7808xi32, #tpu.memory_space<vmem>>, vector<16xi32>,
      %get3A_494 = vector.shape_cast %get3A_493 : vector<16xi32> to vector<16xi32>
      %add3A_495 = arith.addi %mul3A_491, %get3A_494 : vector<16xi32>
      %swap3A_496 = arith.index_cast %add3A_485 : i32 to index
      %swap3A_497 = tpu.vector_load %arg9[%swap3A_496] {strides = array<i32>} : memref<7808xi32, #tpu.memory_space<vmem>>, vector<16xi32>,
      %swap3A_498 = vector.shape_cast %swap3A_497 : vector<16xi32> to vector<16xi32>
      %swap3A_499 = vector.shape_cast %add3A_495 : vector<16xi32> to vector<16xi32>
      tpu.vector_store %arg9[%swap3A_496], %swap3A_499 {strides = array<i32>} : memref<7808xi32, #tpu.memory_space<vmem>>, vector<16xi32>,
      %mul3A_500 = arith.constant 128 : i32
      %mul3A_501 = arith.muli %scan3A_411, %mul3A_500 : i32
      %add3A_502 = arith.constant 80 : i32
      %add3A_503 = arith.addi %mul3A_501, %add3A_502 : i32
      %get3A_504 = arith.index_cast %add3A_503 : i32 to index
      %get3A_505 = tpu.vector_load %arg7[%get3A_504] {strides = array<i32>} : memref<7808xi32, #tpu.memory_space<vmem>>, vector<16xi32>,
      %get3A_506 = vector.shape_cast %get3A_505 : vector<16xi32> to vector<16xi32>
      %mul3A_507 = arith.constant 1000 : i32
      %mul3A_508 = vector.broadcast %mul3A_507 : i32 to vector<16xi32>
      %mul3A_509 = arith.muli %get3A_506, %mul3A_508 : vector<16xi32>
      %get3A_510 = arith.index_cast %add3A_503 : i32 to index
      %get3A_511 = tpu.vector_load %arg5[%get3A_510] {strides = array<i32>} : memref<7808xi32, #tpu.memory_space<vmem>>, vector<16xi32>,
      %get3A_512 = vector.shape_cast %get3A_511 : vector<16xi32> to vector<16xi32>
      %add3A_513 = arith.addi %mul3A_509, %get3A_512 : vector<16xi32>
      %swap3A_514 = arith.index_cast %add3A_503 : i32 to index
      %swap3A_515 = tpu.vector_load %arg9[%swap3A_514] {strides = array<i32>} : memref<7808xi32, #tpu.memory_space<vmem>>, vector<16xi32>,
      %swap3A_516 = vector.shape_cast %swap3A_515 : vector<16xi32> to vector<16xi32>
      %swap3A_517 = vector.shape_cast %add3A_513 : vector<16xi32> to vector<16xi32>
      tpu.vector_store %arg9[%swap3A_514], %swap3A_517 {strides = array<i32>} : memref<7808xi32, #tpu.memory_space<vmem>>, vector<16xi32>,
      %mul3A_518 = arith.constant 128 : i32
      %mul3A_519 = arith.muli %scan3A_411, %mul3A_518 : i32
      %add3A_520 = arith.constant 96 : i32
      %add3A_521 = arith.addi %mul3A_519, %add3A_520 : i32
      %get3A_522 = arith.index_cast %add3A_521 : i32 to index
      %get3A_523 = tpu.vector_load %arg7[%get3A_522] {strides = array<i32>} : memref<7808xi32, #tpu.memory_space<vmem>>, vector<16xi32>,
      %get3A_524 = vector.shape_cast %get3A_523 : vector<16xi32> to vector<16xi32>
      %mul3A_525 = arith.constant 1000 : i32
      %mul3A_526 = vector.broadcast %mul3A_525 : i32 to vector<16xi32>
      %mul3A_527 = arith.muli %get3A_524, %mul3A_526 : vector<16xi32>
      %get3A_528 = arith.index_cast %add3A_521 : i32 to index
      %get3A_529 = tpu.vector_load %arg5[%get3A_528] {strides = array<i32>} : memref<7808xi32, #tpu.memory_space<vmem>>, vector<16xi32>,
      %get3A_530 = vector.shape_cast %get3A_529 : vector<16xi32> to vector<16xi32>
      %add3A_531 = arith.addi %mul3A_527, %get3A_530 : vector<16xi32>
      %swap3A_532 = arith.index_cast %add3A_521 : i32 to index
      %swap3A_533 = tpu.vector_load %arg9[%swap3A_532] {strides = array<i32>} : memref<7808xi32, #tpu.memory_space<vmem>>, vector<16xi32>,
      %swap3A_534 = vector.shape_cast %swap3A_533 : vector<16xi32> to vector<16xi32>
      %swap3A_535 = vector.shape_cast %add3A_531 : vector<16xi32> to vector<16xi32>
      tpu.vector_store %arg9[%swap3A_532], %swap3A_535 {strides = array<i32>} : memref<7808xi32, #tpu.memory_space<vmem>>, vector<16xi32>,
      %mul3A_536 = arith.constant 128 : i32
      %mul3A_537 = arith.muli %scan3A_411, %mul3A_536 : i32
      %add3A_538 = arith.constant 112 : i32
      %add3A_539 = arith.addi %mul3A_537, %add3A_538 : i32
      %get3A_540 = arith.index_cast %add3A_539 : i32 to index
      %get3A_541 = tpu.vector_load %arg7[%get3A_540] {strides = array<i32>} : memref<7808xi32, #tpu.memory_space<vmem>>, vector<16xi32>,
      %get3A_542 = vector.shape_cast %get3A_541 : vector<16xi32> to vector<16xi32>
      %mul3A_543 = arith.constant 1000 : i32
      %mul3A_544 = vector.broadcast %mul3A_543 : i32 to vector<16xi32>
      %mul3A_545 = arith.muli %get3A_542, %mul3A_544 : vector<16xi32>
      %get3A_546 = arith.index_cast %add3A_539 : i32 to index
      %get3A_547 = tpu.vector_load %arg5[%get3A_546] {strides = array<i32>} : memref<7808xi32, #tpu.memory_space<vmem>>, vector<16xi32>,
      %get3A_548 = vector.shape_cast %get3A_547 : vector<16xi32> to vector<16xi32>
      %add3A_549 = arith.addi %mul3A_545, %get3A_548 : vector<16xi32>
      %swap3A_550 = arith.index_cast %add3A_539 : i32 to index
      %swap3A_551 = tpu.vector_load %arg9[%swap3A_550] {strides = array<i32>} : memref<7808xi32, #tpu.memory_space<vmem>>, vector<16xi32>,
      %swap3A_552 = vector.shape_cast %swap3A_551 : vector<16xi32> to vector<16xi32>
      %swap3A_553 = vector.shape_cast %add3A_549 : vector<16xi32> to vector<16xi32>
      tpu.vector_store %arg9[%swap3A_550], %swap3A_553 {strides = array<i32>} : memref<7808xi32, #tpu.memory_space<vmem>>, vector<16xi32>,
    }
    %scan3A_219 = arith.constant 61 : i32
    %dma_start3A_220 = arith.constant 0 : i32
    %dma_start3A_221 = tpu.memref_slice %arg15[%dma_start3A_220] : memref<1000000xf32, #tpu.memory_space<vmem_shared>> -> memref<1000000xf32, #tpu.memory_space<vmem_shared>>
    tpu.enqueue_indirect_dma source(%arg11 : memref<7808xf32, #tpu.memory_space<vmem>>) target(%dma_start3A_221 : memref<1000000xf32, #tpu.memory_space<vmem_shared>>) offsets(%arg9 : memref<7808xi32, #tpu.memory_space<vmem>>) semaphore(%arg20 : memref<!tpu.dma_semaphore, #tpu.memory_space<semaphore_mem>>) {add = true}
    %add3A_222 = arith.constant 62464 : i32
    %add3A_223 = arith.addi %mul3A_2, %add3A_222 : i32
    %dma_start3A_224 = tpu.memref_slice %arg2[%add3A_223] : memref<4000000xi32, #tpu.memory_space<hbm>> -> memref<7808xi32, #tpu.memory_space<hbm>>
    %dma_start3A_225 = tpu.memref_slice %arg2[%add3A_223] : memref<4000000xi32, #tpu.memory_space<hbm>> -> memref<7808xi32, #tpu.memory_space<hbm>>
    tpu.enqueue_dma source(%dma_start3A_225 : memref<7808xi32, #tpu.memory_space<hbm>>) target(%arg5 : memref<7808xi32, #tpu.memory_space<vmem>>) target_semaphore(%arg16 : memref<!tpu.dma_semaphore, #tpu.memory_space<semaphore_mem>>)
    %dma_start3A_226 = tpu.memref_slice %arg3[%add3A_223] : memref<4000000xi32, #tpu.memory_space<hbm>> -> memref<7808xi32, #tpu.memory_space<hbm>>
    %dma_start3A_227 = tpu.memref_slice %arg3[%add3A_223] : memref<4000000xi32, #tpu.memory_space<hbm>> -> memref<7808xi32, #tpu.memory_space<hbm>>
    tpu.enqueue_dma source(%dma_start3A_227 : memref<7808xi32, #tpu.memory_space<hbm>>) target(%arg7 : memref<7808xi32, #tpu.memory_space<vmem>>) target_semaphore(%arg18 : memref<!tpu.dma_semaphore, #tpu.memory_space<semaphore_mem>>)
    %dma_wait3A_228 = tpu.memref_slice %arg2[%add3A_203] : memref<4000000xi32, #tpu.memory_space<hbm>> -> memref<7808xi32, #tpu.memory_space<hbm>>
    %dma_wait3A_229 = tpu.memref_slice %arg2[%add3A_203] : memref<4000000xi32, #tpu.memory_space<hbm>> -> memref<7808xi32, #tpu.memory_space<hbm>>
    tpu.wait_dma2 semaphore(%arg17 : memref<!tpu.dma_semaphore, #tpu.memory_space<semaphore_mem>>) src(%dma_wait3A_229 : memref<7808xi32, #tpu.memory_space<hbm>>) dst(%arg6 : memref<7808xi32, #tpu.memory_space<vmem>>)
    %dma_wait3A_230 = tpu.memref_slice %arg3[%add3A_203] : memref<4000000xi32, #tpu.memory_space<hbm>> -> memref<7808xi32, #tpu.memory_space<hbm>>
    %dma_wait3A_231 = tpu.memref_slice %arg3[%add3A_203] : memref<4000000xi32, #tpu.memory_space<hbm>> -> memref<7808xi32, #tpu.memory_space<hbm>>
    tpu.wait_dma2 semaphore(%arg19 : memref<!tpu.dma_semaphore, #tpu.memory_space<semaphore_mem>>) src(%dma_wait3A_231 : memref<7808xi32, #tpu.memory_space<hbm>>) dst(%arg8 : memref<7808xi32, #tpu.memory_space<vmem>>)
    %dma_wait3A_232 = arith.constant 0 : i32
    %dma_wait3A_233 = tpu.memref_slice %arg15[%dma_wait3A_232] : memref<1000000xf32, #tpu.memory_space<vmem_shared>> -> memref<1000000xf32, #tpu.memory_space<vmem_shared>>
    tpu.wait_indirect_dma semaphore(%arg21 : memref<!tpu.dma_semaphore, #tpu.memory_space<semaphore_mem>>) src(%arg11 : memref<7808xf32, #tpu.memory_space<vmem>>) dst(%dma_wait3A_233 : memref<1000000xf32, #tpu.memory_space<vmem_shared>>)
    %scan3A_234 = arith.constant 0 : i32
    %scan3A_235 = arith.constant 0 : i32
    %scan3A_236 = arith.constant 61 : i32
    %scan3A_237 = arith.addi %scan3A_235, %scan3A_236 : i32
    %scan3A_238 = arith.constant 1 : i32
    scf.for %scan3A_411 = %scan3A_235 to %scan3A_237 step %scan3A_238  : i32 {
      %mul3A_412 = arith.constant 128 : i32
      %mul3A_413 = arith.muli %scan3A_411, %mul3A_412 : i32
      %add3A_414 = arith.constant 0 : i32
      %add3A_415 = arith.addi %mul3A_413, %add3A_414 : i32
      %get3A = arith.index_cast %add3A_415 : i32 to index
      %get3A_416 = tpu.vector_load %arg8[%get3A] {strides = array<i32>} : memref<7808xi32, #tpu.memory_space<vmem>>, vector<16xi32>,
      %get3A_417 = vector.shape_cast %get3A_416 : vector<16xi32> to vector<16xi32>
      %mul3A_418 = arith.constant 1000 : i32
      %mul3A_419 = vector.broadcast %mul3A_418 : i32 to vector<16xi32>
      %mul3A_420 = arith.muli %get3A_417, %mul3A_419 : vector<16xi32>
      %get3A_421 = arith.index_cast %add3A_415 : i32 to index
      %get3A_422 = tpu.vector_load %arg6[%get3A_421] {strides = array<i32>} : memref<7808xi32, #tpu.memory_space<vmem>>, vector<16xi32>,
      %get3A_423 = vector.shape_cast %get3A_422 : vector<16xi32> to vector<16xi32>
      %add3A_424 = arith.addi %mul3A_420, %get3A_423 : vector<16xi32>
      %swap3A = arith.index_cast %add3A_415 : i32 to index
      %swap3A_425 = tpu.vector_load %arg10[%swap3A] {strides = array<i32>} : memref<7808xi32, #tpu.memory_space<vmem>>, vector<16xi32>,
      %swap3A_426 = vector.shape_cast %swap3A_425 : vector<16xi32> to vector<16xi32>
      %swap3A_427 = vector.shape_cast %add3A_424 : vector<16xi32> to vector<16xi32>
      tpu.vector_store %arg10[%swap3A], %swap3A_427 {strides = array<i32>} : memref<7808xi32, #tpu.memory_space<vmem>>, vector<16xi32>,
      %mul3A_428 = arith.constant 128 : i32
      %mul3A_429 = arith.muli %scan3A_411, %mul3A_428 : i32
      %add3A_430 = arith.constant 16 : i32
      %add3A_431 = arith.addi %mul3A_429, %add3A_430 : i32
      %get3A_432 = arith.index_cast %add3A_431 : i32 to index
      %get3A_433 = tpu.vector_load %arg8[%get3A_432] {strides = array<i32>} : memref<7808xi32, #tpu.memory_space<vmem>>, vector<16xi32>,
      %get3A_434 = vector.shape_cast %get3A_433 : vector<16xi32> to vector<16xi32>
      %mul3A_435 = arith.constant 1000 : i32
      %mul3A_436 = vector.broadcast %mul3A_435 : i32 to vector<16xi32>
      %mul3A_437 = arith.muli %get3A_434, %mul3A_436 : vector<16xi32>
      %get3A_438 = arith.index_cast %add3A_431 : i32 to index
      %get3A_439 = tpu.vector_load %arg6[%get3A_438] {strides = array<i32>} : memref<7808xi32, #tpu.memory_space<vmem>>, vector<16xi32>,
      %get3A_440 = vector.shape_cast %get3A_439 : vector<16xi32> to vector<16xi32>
      %add3A_441 = arith.addi %mul3A_437, %get3A_440 : vector<16xi32>
      %swap3A_442 = arith.index_cast %add3A_431 : i32 to index
      %swap3A_443 = tpu.vector_load %arg10[%swap3A_442] {strides = array<i32>} : memref<7808xi32, #tpu.memory_space<vmem>>, vector<16xi32>,
      %swap3A_444 = vector.shape_cast %swap3A_443 : vector<16xi32> to vector<16xi32>
      %swap3A_445 = vector.shape_cast %add3A_441 : vector<16xi32> to vector<16xi32>
      tpu.vector_store %arg10[%swap3A_442], %swap3A_445 {strides = array<i32>} : memref<7808xi32, #tpu.memory_space<vmem>>, vector<16xi32>,
      %mul3A_446 = arith.constant 128 : i32
      %mul3A_447 = arith.muli %scan3A_411, %mul3A_446 : i32
      %add3A_448 = arith.constant 32 : i32
      %add3A_449 = arith.addi %mul3A_447, %add3A_448 : i32
      %get3A_450 = arith.index_cast %add3A_449 : i32 to index
      %get3A_451 = tpu.vector_load %arg8[%get3A_450] {strides = array<i32>} : memref<7808xi32, #tpu.memory_space<vmem>>, vector<16xi32>,
      %get3A_452 = vector.shape_cast %get3A_451 : vector<16xi32> to vector<16xi32>
      %mul3A_453 = arith.constant 1000 : i32
      %mul3A_454 = vector.broadcast %mul3A_453 : i32 to vector<16xi32>
      %mul3A_455 = arith.muli %get3A_452, %mul3A_454 : vector<16xi32>
      %get3A_456 = arith.index_cast %add3A_449 : i32 to index
      %get3A_457 = tpu.vector_load %arg6[%get3A_456] {strides = array<i32>} : memref<7808xi32, #tpu.memory_space<vmem>>, vector<16xi32>,
      %get3A_458 = vector.shape_cast %get3A_457 : vector<16xi32> to vector<16xi32>
      %add3A_459 = arith.addi %mul3A_455, %get3A_458 : vector<16xi32>
      %swap3A_460 = arith.index_cast %add3A_449 : i32 to index
      %swap3A_461 = tpu.vector_load %arg10[%swap3A_460] {strides = array<i32>} : memref<7808xi32, #tpu.memory_space<vmem>>, vector<16xi32>,
      %swap3A_462 = vector.shape_cast %swap3A_461 : vector<16xi32> to vector<16xi32>
      %swap3A_463 = vector.shape_cast %add3A_459 : vector<16xi32> to vector<16xi32>
      tpu.vector_store %arg10[%swap3A_460], %swap3A_463 {strides = array<i32>} : memref<7808xi32, #tpu.memory_space<vmem>>, vector<16xi32>,
      %mul3A_464 = arith.constant 128 : i32
      %mul3A_465 = arith.muli %scan3A_411, %mul3A_464 : i32
      %add3A_466 = arith.constant 48 : i32
      %add3A_467 = arith.addi %mul3A_465, %add3A_466 : i32
      %get3A_468 = arith.index_cast %add3A_467 : i32 to index
      %get3A_469 = tpu.vector_load %arg8[%get3A_468] {strides = array<i32>} : memref<7808xi32, #tpu.memory_space<vmem>>, vector<16xi32>,
      %get3A_470 = vector.shape_cast %get3A_469 : vector<16xi32> to vector<16xi32>
      %mul3A_471 = arith.constant 1000 : i32
      %mul3A_472 = vector.broadcast %mul3A_471 : i32 to vector<16xi32>
      %mul3A_473 = arith.muli %get3A_470, %mul3A_472 : vector<16xi32>
      %get3A_474 = arith.index_cast %add3A_467 : i32 to index
      %get3A_475 = tpu.vector_load %arg6[%get3A_474] {strides = array<i32>} : memref<7808xi32, #tpu.memory_space<vmem>>, vector<16xi32>,
      %get3A_476 = vector.shape_cast %get3A_475 : vector<16xi32> to vector<16xi32>
      %add3A_477 = arith.addi %mul3A_473, %get3A_476 : vector<16xi32>
      %swap3A_478 = arith.index_cast %add3A_467 : i32 to index
      %swap3A_479 = tpu.vector_load %arg10[%swap3A_478] {strides = array<i32>} : memref<7808xi32, #tpu.memory_space<vmem>>, vector<16xi32>,
      %swap3A_480 = vector.shape_cast %swap3A_479 : vector<16xi32> to vector<16xi32>
      %swap3A_481 = vector.shape_cast %add3A_477 : vector<16xi32> to vector<16xi32>
      tpu.vector_store %arg10[%swap3A_478], %swap3A_481 {strides = array<i32>} : memref<7808xi32, #tpu.memory_space<vmem>>, vector<16xi32>,
      %mul3A_482 = arith.constant 128 : i32
      %mul3A_483 = arith.muli %scan3A_411, %mul3A_482 : i32
      %add3A_484 = arith.constant 64 : i32
      %add3A_485 = arith.addi %mul3A_483, %add3A_484 : i32
      %get3A_486 = arith.index_cast %add3A_485 : i32 to index
      %get3A_487 = tpu.vector_load %arg8[%get3A_486] {strides = array<i32>} : memref<7808xi32, #tpu.memory_space<vmem>>, vector<16xi32>,
      %get3A_488 = vector.shape_cast %get3A_487 : vector<16xi32> to vector<16xi32>
      %mul3A_489 = arith.constant 1000 : i32
      %mul3A_490 = vector.broadcast %mul3A_489 : i32 to vector<16xi32>
      %mul3A_491 = arith.muli %get3A_488, %mul3A_490 : vector<16xi32>
      %get3A_492 = arith.index_cast %add3A_485 : i32 to index
      %get3A_493 = tpu.vector_load %arg6[%get3A_492] {strides = array<i32>} : memref<7808xi32, #tpu.memory_space<vmem>>, vector<16xi32>,
      %get3A_494 = vector.shape_cast %get3A_493 : vector<16xi32> to vector<16xi32>
      %add3A_495 = arith.addi %mul3A_491, %get3A_494 : vector<16xi32>
      %swap3A_496 = arith.index_cast %add3A_485 : i32 to index
      %swap3A_497 = tpu.vector_load %arg10[%swap3A_496] {strides = array<i32>} : memref<7808xi32, #tpu.memory_space<vmem>>, vector<16xi32>,
      %swap3A_498 = vector.shape_cast %swap3A_497 : vector<16xi32> to vector<16xi32>
      %swap3A_499 = vector.shape_cast %add3A_495 : vector<16xi32> to vector<16xi32>
      tpu.vector_store %arg10[%swap3A_496], %swap3A_499 {strides = array<i32>} : memref<7808xi32, #tpu.memory_space<vmem>>, vector<16xi32>,
      %mul3A_500 = arith.constant 128 : i32
      %mul3A_501 = arith.muli %scan3A_411, %mul3A_500 : i32
      %add3A_502 = arith.constant 80 : i32
      %add3A_503 = arith.addi %mul3A_501, %add3A_502 : i32
      %get3A_504 = arith.index_cast %add3A_503 : i32 to index
      %get3A_505 = tpu.vector_load %arg8[%get3A_504] {strides = array<i32>} : memref<7808xi32, #tpu.memory_space<vmem>>, vector<16xi32>,
      %get3A_506 = vector.shape_cast %get3A_505 : vector<16xi32> to vector<16xi32>
      %mul3A_507 = arith.constant 1000 : i32
      %mul3A_508 = vector.broadcast %mul3A_507 : i32 to vector<16xi32>
      %mul3A_509 = arith.muli %get3A_506, %mul3A_508 : vector<16xi32>
      %get3A_510 = arith.index_cast %add3A_503 : i32 to index
      %get3A_511 = tpu.vector_load %arg6[%get3A_510] {strides = array<i32>} : memref<7808xi32, #tpu.memory_space<vmem>>, vector<16xi32>,
      %get3A_512 = vector.shape_cast %get3A_511 : vector<16xi32> to vector<16xi32>
      %add3A_513 = arith.addi %mul3A_509, %get3A_512 : vector<16xi32>
      %swap3A_514 = arith.index_cast %add3A_503 : i32 to index
      %swap3A_515 = tpu.vector_load %arg10[%swap3A_514] {strides = array<i32>} : memref<7808xi32, #tpu.memory_space<vmem>>, vector<16xi32>,
      %swap3A_516 = vector.shape_cast %swap3A_515 : vector<16xi32> to vector<16xi32>
      %swap3A_517 = vector.shape_cast %add3A_513 : vector<16xi32> to vector<16xi32>
      tpu.vector_store %arg10[%swap3A_514], %swap3A_517 {strides = array<i32>} : memref<7808xi32, #tpu.memory_space<vmem>>, vector<16xi32>,
      %mul3A_518 = arith.constant 128 : i32
      %mul3A_519 = arith.muli %scan3A_411, %mul3A_518 : i32
      %add3A_520 = arith.constant 96 : i32
      %add3A_521 = arith.addi %mul3A_519, %add3A_520 : i32
      %get3A_522 = arith.index_cast %add3A_521 : i32 to index
      %get3A_523 = tpu.vector_load %arg8[%get3A_522] {strides = array<i32>} : memref<7808xi32, #tpu.memory_space<vmem>>, vector<16xi32>,
      %get3A_524 = vector.shape_cast %get3A_523 : vector<16xi32> to vector<16xi32>
      %mul3A_525 = arith.constant 1000 : i32
      %mul3A_526 = vector.broadcast %mul3A_525 : i32 to vector<16xi32>
      %mul3A_527 = arith.muli %get3A_524, %mul3A_526 : vector<16xi32>
      %get3A_528 = arith.index_cast %add3A_521 : i32 to index
      %get3A_529 = tpu.vector_load %arg6[%get3A_528] {strides = array<i32>} : memref<7808xi32, #tpu.memory_space<vmem>>, vector<16xi32>,
      %get3A_530 = vector.shape_cast %get3A_529 : vector<16xi32> to vector<16xi32>
      %add3A_531 = arith.addi %mul3A_527, %get3A_530 : vector<16xi32>
      %swap3A_532 = arith.index_cast %add3A_521 : i32 to index
      %swap3A_533 = tpu.vector_load %arg10[%swap3A_532] {strides = array<i32>} : memref<7808xi32, #tpu.memory_space<vmem>>, vector<16xi32>,
      %swap3A_534 = vector.shape_cast %swap3A_533 : vector<16xi32> to vector<16xi32>
      %swap3A_535 = vector.shape_cast %add3A_531 : vector<16xi32> to vector<16xi32>
      tpu.vector_store %arg10[%swap3A_532], %swap3A_535 {strides = array<i32>} : memref<7808xi32, #tpu.memory_space<vmem>>, vector<16xi32>,
      %mul3A_536 = arith.constant 128 : i32
      %mul3A_537 = arith.muli %scan3A_411, %mul3A_536 : i32
      %add3A_538 = arith.constant 112 : i32
      %add3A_539 = arith.addi %mul3A_537, %add3A_538 : i32
      %get3A_540 = arith.index_cast %add3A_539 : i32 to index
      %get3A_541 = tpu.vector_load %arg8[%get3A_540] {strides = array<i32>} : memref<7808xi32, #tpu.memory_space<vmem>>, vector<16xi32>,
      %get3A_542 = vector.shape_cast %get3A_541 : vector<16xi32> to vector<16xi32>
      %mul3A_543 = arith.constant 1000 : i32
      %mul3A_544 = vector.broadcast %mul3A_543 : i32 to vector<16xi32>
      %mul3A_545 = arith.muli %get3A_542, %mul3A_544 : vector<16xi32>
      %get3A_546 = arith.index_cast %add3A_539 : i32 to index
      %get3A_547 = tpu.vector_load %arg6[%get3A_546] {strides = array<i32>} : memref<7808xi32, #tpu.memory_space<vmem>>, vector<16xi32>,
      %get3A_548 = vector.shape_cast %get3A_547 : vector<16xi32> to vector<16xi32>
      %add3A_549 = arith.addi %mul3A_545, %get3A_548 : vector<16xi32>
      %swap3A_550 = arith.index_cast %add3A_539 : i32 to index
      %swap3A_551 = tpu.vector_load %arg10[%swap3A_550] {strides = array<i32>} : memref<7808xi32, #tpu.memory_space<vmem>>, vector<16xi32>,
      %swap3A_552 = vector.shape_cast %swap3A_551 : vector<16xi32> to vector<16xi32>
      %swap3A_553 = vector.shape_cast %add3A_549 : vector<16xi32> to vector<16xi32>
      tpu.vector_store %arg10[%swap3A_550], %swap3A_553 {strides = array<i32>} : memref<7808xi32, #tpu.memory_space<vmem>>, vector<16xi32>,
    }
    %scan3A_239 = arith.constant 61 : i32
    %dma_start3A_240 = arith.constant 0 : i32
    %dma_start3A_241 = tpu.memref_slice %arg15[%dma_start3A_240] : memref<1000000xf32, #tpu.memory_space<vmem_shared>> -> memref<1000000xf32, #tpu.memory_space<vmem_shared>>
    tpu.enqueue_indirect_dma source(%arg11 : memref<7808xf32, #tpu.memory_space<vmem>>) target(%dma_start3A_241 : memref<1000000xf32, #tpu.memory_space<vmem_shared>>) offsets(%arg10 : memref<7808xi32, #tpu.memory_space<vmem>>) semaphore(%arg21 : memref<!tpu.dma_semaphore, #tpu.memory_space<semaphore_mem>>) {add = true}
    %add3A_242 = arith.constant 70272 : i32
    %add3A_243 = arith.addi %mul3A_2, %add3A_242 : i32
    %dma_start3A_244 = tpu.memref_slice %arg2[%add3A_243] : memref<4000000xi32, #tpu.memory_space<hbm>> -> memref<7808xi32, #tpu.memory_space<hbm>>
    %dma_start3A_245 = tpu.memref_slice %arg2[%add3A_243] : memref<4000000xi32, #tpu.memory_space<hbm>> -> memref<7808xi32, #tpu.memory_space<hbm>>
    tpu.enqueue_dma source(%dma_start3A_245 : memref<7808xi32, #tpu.memory_space<hbm>>) target(%arg6 : memref<7808xi32, #tpu.memory_space<vmem>>) target_semaphore(%arg17 : memref<!tpu.dma_semaphore, #tpu.memory_space<semaphore_mem>>)
    %dma_start3A_246 = tpu.memref_slice %arg3[%add3A_243] : memref<4000000xi32, #tpu.memory_space<hbm>> -> memref<7808xi32, #tpu.memory_space<hbm>>
    %dma_start3A_247 = tpu.memref_slice %arg3[%add3A_243] : memref<4000000xi32, #tpu.memory_space<hbm>> -> memref<7808xi32, #tpu.memory_space<hbm>>
    tpu.enqueue_dma source(%dma_start3A_247 : memref<7808xi32, #tpu.memory_space<hbm>>) target(%arg8 : memref<7808xi32, #tpu.memory_space<vmem>>) target_semaphore(%arg19 : memref<!tpu.dma_semaphore, #tpu.memory_space<semaphore_mem>>)
    %dma_wait3A_248 = tpu.memref_slice %arg2[%add3A_223] : memref<4000000xi32, #tpu.memory_space<hbm>> -> memref<7808xi32, #tpu.memory_space<hbm>>
    %dma_wait3A_249 = tpu.memref_slice %arg2[%add3A_223] : memref<4000000xi32, #tpu.memory_space<hbm>> -> memref<7808xi32, #tpu.memory_space<hbm>>
    tpu.wait_dma2 semaphore(%arg16 : memref<!tpu.dma_semaphore, #tpu.memory_space<semaphore_mem>>) src(%dma_wait3A_249 : memref<7808xi32, #tpu.memory_space<hbm>>) dst(%arg5 : memref<7808xi32, #tpu.memory_space<vmem>>)
    %dma_wait3A_250 = tpu.memref_slice %arg3[%add3A_223] : memref<4000000xi32, #tpu.memory_space<hbm>> -> memref<7808xi32, #tpu.memory_space<hbm>>
    %dma_wait3A_251 = tpu.memref_slice %arg3[%add3A_223] : memref<4000000xi32, #tpu.memory_space<hbm>> -> memref<7808xi32, #tpu.memory_space<hbm>>
    tpu.wait_dma2 semaphore(%arg18 : memref<!tpu.dma_semaphore, #tpu.memory_space<semaphore_mem>>) src(%dma_wait3A_251 : memref<7808xi32, #tpu.memory_space<hbm>>) dst(%arg7 : memref<7808xi32, #tpu.memory_space<vmem>>)
    %dma_wait3A_252 = arith.constant 0 : i32
    %dma_wait3A_253 = tpu.memref_slice %arg15[%dma_wait3A_252] : memref<1000000xf32, #tpu.memory_space<vmem_shared>> -> memref<1000000xf32, #tpu.memory_space<vmem_shared>>
    tpu.wait_indirect_dma semaphore(%arg20 : memref<!tpu.dma_semaphore, #tpu.memory_space<semaphore_mem>>) src(%arg11 : memref<7808xf32, #tpu.memory_space<vmem>>) dst(%dma_wait3A_253 : memref<1000000xf32, #tpu.memory_space<vmem_shared>>)
    %scan3A_254 = arith.constant 0 : i32
    %scan3A_255 = arith.constant 0 : i32
    %scan3A_256 = arith.constant 61 : i32
    %scan3A_257 = arith.addi %scan3A_255, %scan3A_256 : i32
    %scan3A_258 = arith.constant 1 : i32
    scf.for %scan3A_411 = %scan3A_255 to %scan3A_257 step %scan3A_258  : i32 {
      %mul3A_412 = arith.constant 128 : i32
      %mul3A_413 = arith.muli %scan3A_411, %mul3A_412 : i32
      %add3A_414 = arith.constant 0 : i32
      %add3A_415 = arith.addi %mul3A_413, %add3A_414 : i32
      %get3A = arith.index_cast %add3A_415 : i32 to index
      %get3A_416 = tpu.vector_load %arg7[%get3A] {strides = array<i32>} : memref<7808xi32, #tpu.memory_space<vmem>>, vector<16xi32>,
      %get3A_417 = vector.shape_cast %get3A_416 : vector<16xi32> to vector<16xi32>
      %mul3A_418 = arith.constant 1000 : i32
      %mul3A_419 = vector.broadcast %mul3A_418 : i32 to vector<16xi32>
      %mul3A_420 = arith.muli %get3A_417, %mul3A_419 : vector<16xi32>
      %get3A_421 = arith.index_cast %add3A_415 : i32 to index
      %get3A_422 = tpu.vector_load %arg5[%get3A_421] {strides = array<i32>} : memref<7808xi32, #tpu.memory_space<vmem>>, vector<16xi32>,
      %get3A_423 = vector.shape_cast %get3A_422 : vector<16xi32> to vector<16xi32>
      %add3A_424 = arith.addi %mul3A_420, %get3A_423 : vector<16xi32>
      %swap3A = arith.index_cast %add3A_415 : i32 to index
      %swap3A_425 = tpu.vector_load %arg9[%swap3A] {strides = array<i32>} : memref<7808xi32, #tpu.memory_space<vmem>>, vector<16xi32>,
      %swap3A_426 = vector.shape_cast %swap3A_425 : vector<16xi32> to vector<16xi32>
      %swap3A_427 = vector.shape_cast %add3A_424 : vector<16xi32> to vector<16xi32>
      tpu.vector_store %arg9[%swap3A], %swap3A_427 {strides = array<i32>} : memref<7808xi32, #tpu.memory_space<vmem>>, vector<16xi32>,
      %mul3A_428 = arith.constant 128 : i32
      %mul3A_429 = arith.muli %scan3A_411, %mul3A_428 : i32
      %add3A_430 = arith.constant 16 : i32
      %add3A_431 = arith.addi %mul3A_429, %add3A_430 : i32
      %get3A_432 = arith.index_cast %add3A_431 : i32 to index
      %get3A_433 = tpu.vector_load %arg7[%get3A_432] {strides = array<i32>} : memref<7808xi32, #tpu.memory_space<vmem>>, vector<16xi32>,
      %get3A_434 = vector.shape_cast %get3A_433 : vector<16xi32> to vector<16xi32>
      %mul3A_435 = arith.constant 1000 : i32
      %mul3A_436 = vector.broadcast %mul3A_435 : i32 to vector<16xi32>
      %mul3A_437 = arith.muli %get3A_434, %mul3A_436 : vector<16xi32>
      %get3A_438 = arith.index_cast %add3A_431 : i32 to index
      %get3A_439 = tpu.vector_load %arg5[%get3A_438] {strides = array<i32>} : memref<7808xi32, #tpu.memory_space<vmem>>, vector<16xi32>,
      %get3A_440 = vector.shape_cast %get3A_439 : vector<16xi32> to vector<16xi32>
      %add3A_441 = arith.addi %mul3A_437, %get3A_440 : vector<16xi32>
      %swap3A_442 = arith.index_cast %add3A_431 : i32 to index
      %swap3A_443 = tpu.vector_load %arg9[%swap3A_442] {strides = array<i32>} : memref<7808xi32, #tpu.memory_space<vmem>>, vector<16xi32>,
      %swap3A_444 = vector.shape_cast %swap3A_443 : vector<16xi32> to vector<16xi32>
      %swap3A_445 = vector.shape_cast %add3A_441 : vector<16xi32> to vector<16xi32>
      tpu.vector_store %arg9[%swap3A_442], %swap3A_445 {strides = array<i32>} : memref<7808xi32, #tpu.memory_space<vmem>>, vector<16xi32>,
      %mul3A_446 = arith.constant 128 : i32
      %mul3A_447 = arith.muli %scan3A_411, %mul3A_446 : i32
      %add3A_448 = arith.constant 32 : i32
      %add3A_449 = arith.addi %mul3A_447, %add3A_448 : i32
      %get3A_450 = arith.index_cast %add3A_449 : i32 to index
      %get3A_451 = tpu.vector_load %arg7[%get3A_450] {strides = array<i32>} : memref<7808xi32, #tpu.memory_space<vmem>>, vector<16xi32>,
      %get3A_452 = vector.shape_cast %get3A_451 : vector<16xi32> to vector<16xi32>
      %mul3A_453 = arith.constant 1000 : i32
      %mul3A_454 = vector.broadcast %mul3A_453 : i32 to vector<16xi32>
      %mul3A_455 = arith.muli %get3A_452, %mul3A_454 : vector<16xi32>
      %get3A_456 = arith.index_cast %add3A_449 : i32 to index
      %get3A_457 = tpu.vector_load %arg5[%get3A_456] {strides = array<i32>} : memref<7808xi32, #tpu.memory_space<vmem>>, vector<16xi32>,
      %get3A_458 = vector.shape_cast %get3A_457 : vector<16xi32> to vector<16xi32>
      %add3A_459 = arith.addi %mul3A_455, %get3A_458 : vector<16xi32>
      %swap3A_460 = arith.index_cast %add3A_449 : i32 to index
      %swap3A_461 = tpu.vector_load %arg9[%swap3A_460] {strides = array<i32>} : memref<7808xi32, #tpu.memory_space<vmem>>, vector<16xi32>,
      %swap3A_462 = vector.shape_cast %swap3A_461 : vector<16xi32> to vector<16xi32>
      %swap3A_463 = vector.shape_cast %add3A_459 : vector<16xi32> to vector<16xi32>
      tpu.vector_store %arg9[%swap3A_460], %swap3A_463 {strides = array<i32>} : memref<7808xi32, #tpu.memory_space<vmem>>, vector<16xi32>,
      %mul3A_464 = arith.constant 128 : i32
      %mul3A_465 = arith.muli %scan3A_411, %mul3A_464 : i32
      %add3A_466 = arith.constant 48 : i32
      %add3A_467 = arith.addi %mul3A_465, %add3A_466 : i32
      %get3A_468 = arith.index_cast %add3A_467 : i32 to index
      %get3A_469 = tpu.vector_load %arg7[%get3A_468] {strides = array<i32>} : memref<7808xi32, #tpu.memory_space<vmem>>, vector<16xi32>,
      %get3A_470 = vector.shape_cast %get3A_469 : vector<16xi32> to vector<16xi32>
      %mul3A_471 = arith.constant 1000 : i32
      %mul3A_472 = vector.broadcast %mul3A_471 : i32 to vector<16xi32>
      %mul3A_473 = arith.muli %get3A_470, %mul3A_472 : vector<16xi32>
      %get3A_474 = arith.index_cast %add3A_467 : i32 to index
      %get3A_475 = tpu.vector_load %arg5[%get3A_474] {strides = array<i32>} : memref<7808xi32, #tpu.memory_space<vmem>>, vector<16xi32>,
      %get3A_476 = vector.shape_cast %get3A_475 : vector<16xi32> to vector<16xi32>
      %add3A_477 = arith.addi %mul3A_473, %get3A_476 : vector<16xi32>
      %swap3A_478 = arith.index_cast %add3A_467 : i32 to index
      %swap3A_479 = tpu.vector_load %arg9[%swap3A_478] {strides = array<i32>} : memref<7808xi32, #tpu.memory_space<vmem>>, vector<16xi32>,
      %swap3A_480 = vector.shape_cast %swap3A_479 : vector<16xi32> to vector<16xi32>
      %swap3A_481 = vector.shape_cast %add3A_477 : vector<16xi32> to vector<16xi32>
      tpu.vector_store %arg9[%swap3A_478], %swap3A_481 {strides = array<i32>} : memref<7808xi32, #tpu.memory_space<vmem>>, vector<16xi32>,
      %mul3A_482 = arith.constant 128 : i32
      %mul3A_483 = arith.muli %scan3A_411, %mul3A_482 : i32
      %add3A_484 = arith.constant 64 : i32
      %add3A_485 = arith.addi %mul3A_483, %add3A_484 : i32
      %get3A_486 = arith.index_cast %add3A_485 : i32 to index
      %get3A_487 = tpu.vector_load %arg7[%get3A_486] {strides = array<i32>} : memref<7808xi32, #tpu.memory_space<vmem>>, vector<16xi32>,
      %get3A_488 = vector.shape_cast %get3A_487 : vector<16xi32> to vector<16xi32>
      %mul3A_489 = arith.constant 1000 : i32
      %mul3A_490 = vector.broadcast %mul3A_489 : i32 to vector<16xi32>
      %mul3A_491 = arith.muli %get3A_488, %mul3A_490 : vector<16xi32>
      %get3A_492 = arith.index_cast %add3A_485 : i32 to index
      %get3A_493 = tpu.vector_load %arg5[%get3A_492] {strides = array<i32>} : memref<7808xi32, #tpu.memory_space<vmem>>, vector<16xi32>,
      %get3A_494 = vector.shape_cast %get3A_493 : vector<16xi32> to vector<16xi32>
      %add3A_495 = arith.addi %mul3A_491, %get3A_494 : vector<16xi32>
      %swap3A_496 = arith.index_cast %add3A_485 : i32 to index
      %swap3A_497 = tpu.vector_load %arg9[%swap3A_496] {strides = array<i32>} : memref<7808xi32, #tpu.memory_space<vmem>>, vector<16xi32>,
      %swap3A_498 = vector.shape_cast %swap3A_497 : vector<16xi32> to vector<16xi32>
      %swap3A_499 = vector.shape_cast %add3A_495 : vector<16xi32> to vector<16xi32>
      tpu.vector_store %arg9[%swap3A_496], %swap3A_499 {strides = array<i32>} : memref<7808xi32, #tpu.memory_space<vmem>>, vector<16xi32>,
      %mul3A_500 = arith.constant 128 : i32
      %mul3A_501 = arith.muli %scan3A_411, %mul3A_500 : i32
      %add3A_502 = arith.constant 80 : i32
      %add3A_503 = arith.addi %mul3A_501, %add3A_502 : i32
      %get3A_504 = arith.index_cast %add3A_503 : i32 to index
      %get3A_505 = tpu.vector_load %arg7[%get3A_504] {strides = array<i32>} : memref<7808xi32, #tpu.memory_space<vmem>>, vector<16xi32>,
      %get3A_506 = vector.shape_cast %get3A_505 : vector<16xi32> to vector<16xi32>
      %mul3A_507 = arith.constant 1000 : i32
      %mul3A_508 = vector.broadcast %mul3A_507 : i32 to vector<16xi32>
      %mul3A_509 = arith.muli %get3A_506, %mul3A_508 : vector<16xi32>
      %get3A_510 = arith.index_cast %add3A_503 : i32 to index
      %get3A_511 = tpu.vector_load %arg5[%get3A_510] {strides = array<i32>} : memref<7808xi32, #tpu.memory_space<vmem>>, vector<16xi32>,
      %get3A_512 = vector.shape_cast %get3A_511 : vector<16xi32> to vector<16xi32>
      %add3A_513 = arith.addi %mul3A_509, %get3A_512 : vector<16xi32>
      %swap3A_514 = arith.index_cast %add3A_503 : i32 to index
      %swap3A_515 = tpu.vector_load %arg9[%swap3A_514] {strides = array<i32>} : memref<7808xi32, #tpu.memory_space<vmem>>, vector<16xi32>,
      %swap3A_516 = vector.shape_cast %swap3A_515 : vector<16xi32> to vector<16xi32>
      %swap3A_517 = vector.shape_cast %add3A_513 : vector<16xi32> to vector<16xi32>
      tpu.vector_store %arg9[%swap3A_514], %swap3A_517 {strides = array<i32>} : memref<7808xi32, #tpu.memory_space<vmem>>, vector<16xi32>,
      %mul3A_518 = arith.constant 128 : i32
      %mul3A_519 = arith.muli %scan3A_411, %mul3A_518 : i32
      %add3A_520 = arith.constant 96 : i32
      %add3A_521 = arith.addi %mul3A_519, %add3A_520 : i32
      %get3A_522 = arith.index_cast %add3A_521 : i32 to index
      %get3A_523 = tpu.vector_load %arg7[%get3A_522] {strides = array<i32>} : memref<7808xi32, #tpu.memory_space<vmem>>, vector<16xi32>,
      %get3A_524 = vector.shape_cast %get3A_523 : vector<16xi32> to vector<16xi32>
      %mul3A_525 = arith.constant 1000 : i32
      %mul3A_526 = vector.broadcast %mul3A_525 : i32 to vector<16xi32>
      %mul3A_527 = arith.muli %get3A_524, %mul3A_526 : vector<16xi32>
      %get3A_528 = arith.index_cast %add3A_521 : i32 to index
      %get3A_529 = tpu.vector_load %arg5[%get3A_528] {strides = array<i32>} : memref<7808xi32, #tpu.memory_space<vmem>>, vector<16xi32>,
      %get3A_530 = vector.shape_cast %get3A_529 : vector<16xi32> to vector<16xi32>
      %add3A_531 = arith.addi %mul3A_527, %get3A_530 : vector<16xi32>
      %swap3A_532 = arith.index_cast %add3A_521 : i32 to index
      %swap3A_533 = tpu.vector_load %arg9[%swap3A_532] {strides = array<i32>} : memref<7808xi32, #tpu.memory_space<vmem>>, vector<16xi32>,
      %swap3A_534 = vector.shape_cast %swap3A_533 : vector<16xi32> to vector<16xi32>
      %swap3A_535 = vector.shape_cast %add3A_531 : vector<16xi32> to vector<16xi32>
      tpu.vector_store %arg9[%swap3A_532], %swap3A_535 {strides = array<i32>} : memref<7808xi32, #tpu.memory_space<vmem>>, vector<16xi32>,
      %mul3A_536 = arith.constant 128 : i32
      %mul3A_537 = arith.muli %scan3A_411, %mul3A_536 : i32
      %add3A_538 = arith.constant 112 : i32
      %add3A_539 = arith.addi %mul3A_537, %add3A_538 : i32
      %get3A_540 = arith.index_cast %add3A_539 : i32 to index
      %get3A_541 = tpu.vector_load %arg7[%get3A_540] {strides = array<i32>} : memref<7808xi32, #tpu.memory_space<vmem>>, vector<16xi32>,
      %get3A_542 = vector.shape_cast %get3A_541 : vector<16xi32> to vector<16xi32>
      %mul3A_543 = arith.constant 1000 : i32
      %mul3A_544 = vector.broadcast %mul3A_543 : i32 to vector<16xi32>
      %mul3A_545 = arith.muli %get3A_542, %mul3A_544 : vector<16xi32>
      %get3A_546 = arith.index_cast %add3A_539 : i32 to index
      %get3A_547 = tpu.vector_load %arg5[%get3A_546] {strides = array<i32>} : memref<7808xi32, #tpu.memory_space<vmem>>, vector<16xi32>,
      %get3A_548 = vector.shape_cast %get3A_547 : vector<16xi32> to vector<16xi32>
      %add3A_549 = arith.addi %mul3A_545, %get3A_548 : vector<16xi32>
      %swap3A_550 = arith.index_cast %add3A_539 : i32 to index
      %swap3A_551 = tpu.vector_load %arg9[%swap3A_550] {strides = array<i32>} : memref<7808xi32, #tpu.memory_space<vmem>>, vector<16xi32>,
      %swap3A_552 = vector.shape_cast %swap3A_551 : vector<16xi32> to vector<16xi32>
      %swap3A_553 = vector.shape_cast %add3A_549 : vector<16xi32> to vector<16xi32>
      tpu.vector_store %arg9[%swap3A_550], %swap3A_553 {strides = array<i32>} : memref<7808xi32, #tpu.memory_space<vmem>>, vector<16xi32>,
    }
    %scan3A_259 = arith.constant 61 : i32
    %dma_start3A_260 = arith.constant 0 : i32
    %dma_start3A_261 = tpu.memref_slice %arg15[%dma_start3A_260] : memref<1000000xf32, #tpu.memory_space<vmem_shared>> -> memref<1000000xf32, #tpu.memory_space<vmem_shared>>
    tpu.enqueue_indirect_dma source(%arg11 : memref<7808xf32, #tpu.memory_space<vmem>>) target(%dma_start3A_261 : memref<1000000xf32, #tpu.memory_space<vmem_shared>>) offsets(%arg9 : memref<7808xi32, #tpu.memory_space<vmem>>) semaphore(%arg20 : memref<!tpu.dma_semaphore, #tpu.memory_space<semaphore_mem>>) {add = true}
    %add3A_262 = arith.constant 78080 : i32
    %add3A_263 = arith.addi %mul3A_2, %add3A_262 : i32
    %dma_start3A_264 = tpu.memref_slice %arg2[%add3A_263] : memref<4000000xi32, #tpu.memory_space<hbm>> -> memref<7808xi32, #tpu.memory_space<hbm>>
    %dma_start3A_265 = tpu.memref_slice %arg2[%add3A_263] : memref<4000000xi32, #tpu.memory_space<hbm>> -> memref<7808xi32, #tpu.memory_space<hbm>>
    tpu.enqueue_dma source(%dma_start3A_265 : memref<7808xi32, #tpu.memory_space<hbm>>) target(%arg5 : memref<7808xi32, #tpu.memory_space<vmem>>) target_semaphore(%arg16 : memref<!tpu.dma_semaphore, #tpu.memory_space<semaphore_mem>>)
    %dma_start3A_266 = tpu.memref_slice %arg3[%add3A_263] : memref<4000000xi32, #tpu.memory_space<hbm>> -> memref<7808xi32, #tpu.memory_space<hbm>>
    %dma_start3A_267 = tpu.memref_slice %arg3[%add3A_263] : memref<4000000xi32, #tpu.memory_space<hbm>> -> memref<7808xi32, #tpu.memory_space<hbm>>
    tpu.enqueue_dma source(%dma_start3A_267 : memref<7808xi32, #tpu.memory_space<hbm>>) target(%arg7 : memref<7808xi32, #tpu.memory_space<vmem>>) target_semaphore(%arg18 : memref<!tpu.dma_semaphore, #tpu.memory_space<semaphore_mem>>)
    %dma_wait3A_268 = tpu.memref_slice %arg2[%add3A_243] : memref<4000000xi32, #tpu.memory_space<hbm>> -> memref<7808xi32, #tpu.memory_space<hbm>>
    %dma_wait3A_269 = tpu.memref_slice %arg2[%add3A_243] : memref<4000000xi32, #tpu.memory_space<hbm>> -> memref<7808xi32, #tpu.memory_space<hbm>>
    tpu.wait_dma2 semaphore(%arg17 : memref<!tpu.dma_semaphore, #tpu.memory_space<semaphore_mem>>) src(%dma_wait3A_269 : memref<7808xi32, #tpu.memory_space<hbm>>) dst(%arg6 : memref<7808xi32, #tpu.memory_space<vmem>>)
    %dma_wait3A_270 = tpu.memref_slice %arg3[%add3A_243] : memref<4000000xi32, #tpu.memory_space<hbm>> -> memref<7808xi32, #tpu.memory_space<hbm>>
    %dma_wait3A_271 = tpu.memref_slice %arg3[%add3A_243] : memref<4000000xi32, #tpu.memory_space<hbm>> -> memref<7808xi32, #tpu.memory_space<hbm>>
    tpu.wait_dma2 semaphore(%arg19 : memref<!tpu.dma_semaphore, #tpu.memory_space<semaphore_mem>>) src(%dma_wait3A_271 : memref<7808xi32, #tpu.memory_space<hbm>>) dst(%arg8 : memref<7808xi32, #tpu.memory_space<vmem>>)
    %dma_wait3A_272 = arith.constant 0 : i32
    %dma_wait3A_273 = tpu.memref_slice %arg15[%dma_wait3A_272] : memref<1000000xf32, #tpu.memory_space<vmem_shared>> -> memref<1000000xf32, #tpu.memory_space<vmem_shared>>
    tpu.wait_indirect_dma semaphore(%arg21 : memref<!tpu.dma_semaphore, #tpu.memory_space<semaphore_mem>>) src(%arg11 : memref<7808xf32, #tpu.memory_space<vmem>>) dst(%dma_wait3A_273 : memref<1000000xf32, #tpu.memory_space<vmem_shared>>)
    %scan3A_274 = arith.constant 0 : i32
    %scan3A_275 = arith.constant 0 : i32
    %scan3A_276 = arith.constant 61 : i32
    %scan3A_277 = arith.addi %scan3A_275, %scan3A_276 : i32
    %scan3A_278 = arith.constant 1 : i32
    scf.for %scan3A_411 = %scan3A_275 to %scan3A_277 step %scan3A_278  : i32 {
      %mul3A_412 = arith.constant 128 : i32
      %mul3A_413 = arith.muli %scan3A_411, %mul3A_412 : i32
      %add3A_414 = arith.constant 0 : i32
      %add3A_415 = arith.addi %mul3A_413, %add3A_414 : i32
      %get3A = arith.index_cast %add3A_415 : i32 to index
      %get3A_416 = tpu.vector_load %arg8[%get3A] {strides = array<i32>} : memref<7808xi32, #tpu.memory_space<vmem>>, vector<16xi32>,
      %get3A_417 = vector.shape_cast %get3A_416 : vector<16xi32> to vector<16xi32>
      %mul3A_418 = arith.constant 1000 : i32
      %mul3A_419 = vector.broadcast %mul3A_418 : i32 to vector<16xi32>
      %mul3A_420 = arith.muli %get3A_417, %mul3A_419 : vector<16xi32>
      %get3A_421 = arith.index_cast %add3A_415 : i32 to index
      %get3A_422 = tpu.vector_load %arg6[%get3A_421] {strides = array<i32>} : memref<7808xi32, #tpu.memory_space<vmem>>, vector<16xi32>,
      %get3A_423 = vector.shape_cast %get3A_422 : vector<16xi32> to vector<16xi32>
      %add3A_424 = arith.addi %mul3A_420, %get3A_423 : vector<16xi32>
      %swap3A = arith.index_cast %add3A_415 : i32 to index
      %swap3A_425 = tpu.vector_load %arg10[%swap3A] {strides = array<i32>} : memref<7808xi32, #tpu.memory_space<vmem>>, vector<16xi32>,
      %swap3A_426 = vector.shape_cast %swap3A_425 : vector<16xi32> to vector<16xi32>
      %swap3A_427 = vector.shape_cast %add3A_424 : vector<16xi32> to vector<16xi32>
      tpu.vector_store %arg10[%swap3A], %swap3A_427 {strides = array<i32>} : memref<7808xi32, #tpu.memory_space<vmem>>, vector<16xi32>,
      %mul3A_428 = arith.constant 128 : i32
      %mul3A_429 = arith.muli %scan3A_411, %mul3A_428 : i32
      %add3A_430 = arith.constant 16 : i32
      %add3A_431 = arith.addi %mul3A_429, %add3A_430 : i32
      %get3A_432 = arith.index_cast %add3A_431 : i32 to index
      %get3A_433 = tpu.vector_load %arg8[%get3A_432] {strides = array<i32>} : memref<7808xi32, #tpu.memory_space<vmem>>, vector<16xi32>,
      %get3A_434 = vector.shape_cast %get3A_433 : vector<16xi32> to vector<16xi32>
      %mul3A_435 = arith.constant 1000 : i32
      %mul3A_436 = vector.broadcast %mul3A_435 : i32 to vector<16xi32>
      %mul3A_437 = arith.muli %get3A_434, %mul3A_436 : vector<16xi32>
      %get3A_438 = arith.index_cast %add3A_431 : i32 to index
      %get3A_439 = tpu.vector_load %arg6[%get3A_438] {strides = array<i32>} : memref<7808xi32, #tpu.memory_space<vmem>>, vector<16xi32>,
      %get3A_440 = vector.shape_cast %get3A_439 : vector<16xi32> to vector<16xi32>
      %add3A_441 = arith.addi %mul3A_437, %get3A_440 : vector<16xi32>
      %swap3A_442 = arith.index_cast %add3A_431 : i32 to index
      %swap3A_443 = tpu.vector_load %arg10[%swap3A_442] {strides = array<i32>} : memref<7808xi32, #tpu.memory_space<vmem>>, vector<16xi32>,
      %swap3A_444 = vector.shape_cast %swap3A_443 : vector<16xi32> to vector<16xi32>
      %swap3A_445 = vector.shape_cast %add3A_441 : vector<16xi32> to vector<16xi32>
      tpu.vector_store %arg10[%swap3A_442], %swap3A_445 {strides = array<i32>} : memref<7808xi32, #tpu.memory_space<vmem>>, vector<16xi32>,
      %mul3A_446 = arith.constant 128 : i32
      %mul3A_447 = arith.muli %scan3A_411, %mul3A_446 : i32
      %add3A_448 = arith.constant 32 : i32
      %add3A_449 = arith.addi %mul3A_447, %add3A_448 : i32
      %get3A_450 = arith.index_cast %add3A_449 : i32 to index
      %get3A_451 = tpu.vector_load %arg8[%get3A_450] {strides = array<i32>} : memref<7808xi32, #tpu.memory_space<vmem>>, vector<16xi32>,
      %get3A_452 = vector.shape_cast %get3A_451 : vector<16xi32> to vector<16xi32>
      %mul3A_453 = arith.constant 1000 : i32
      %mul3A_454 = vector.broadcast %mul3A_453 : i32 to vector<16xi32>
      %mul3A_455 = arith.muli %get3A_452, %mul3A_454 : vector<16xi32>
      %get3A_456 = arith.index_cast %add3A_449 : i32 to index
      %get3A_457 = tpu.vector_load %arg6[%get3A_456] {strides = array<i32>} : memref<7808xi32, #tpu.memory_space<vmem>>, vector<16xi32>,
      %get3A_458 = vector.shape_cast %get3A_457 : vector<16xi32> to vector<16xi32>
      %add3A_459 = arith.addi %mul3A_455, %get3A_458 : vector<16xi32>
      %swap3A_460 = arith.index_cast %add3A_449 : i32 to index
      %swap3A_461 = tpu.vector_load %arg10[%swap3A_460] {strides = array<i32>} : memref<7808xi32, #tpu.memory_space<vmem>>, vector<16xi32>,
      %swap3A_462 = vector.shape_cast %swap3A_461 : vector<16xi32> to vector<16xi32>
      %swap3A_463 = vector.shape_cast %add3A_459 : vector<16xi32> to vector<16xi32>
      tpu.vector_store %arg10[%swap3A_460], %swap3A_463 {strides = array<i32>} : memref<7808xi32, #tpu.memory_space<vmem>>, vector<16xi32>,
      %mul3A_464 = arith.constant 128 : i32
      %mul3A_465 = arith.muli %scan3A_411, %mul3A_464 : i32
      %add3A_466 = arith.constant 48 : i32
      %add3A_467 = arith.addi %mul3A_465, %add3A_466 : i32
      %get3A_468 = arith.index_cast %add3A_467 : i32 to index
      %get3A_469 = tpu.vector_load %arg8[%get3A_468] {strides = array<i32>} : memref<7808xi32, #tpu.memory_space<vmem>>, vector<16xi32>,
      %get3A_470 = vector.shape_cast %get3A_469 : vector<16xi32> to vector<16xi32>
      %mul3A_471 = arith.constant 1000 : i32
      %mul3A_472 = vector.broadcast %mul3A_471 : i32 to vector<16xi32>
      %mul3A_473 = arith.muli %get3A_470, %mul3A_472 : vector<16xi32>
      %get3A_474 = arith.index_cast %add3A_467 : i32 to index
      %get3A_475 = tpu.vector_load %arg6[%get3A_474] {strides = array<i32>} : memref<7808xi32, #tpu.memory_space<vmem>>, vector<16xi32>,
      %get3A_476 = vector.shape_cast %get3A_475 : vector<16xi32> to vector<16xi32>
      %add3A_477 = arith.addi %mul3A_473, %get3A_476 : vector<16xi32>
      %swap3A_478 = arith.index_cast %add3A_467 : i32 to index
      %swap3A_479 = tpu.vector_load %arg10[%swap3A_478] {strides = array<i32>} : memref<7808xi32, #tpu.memory_space<vmem>>, vector<16xi32>,
      %swap3A_480 = vector.shape_cast %swap3A_479 : vector<16xi32> to vector<16xi32>
      %swap3A_481 = vector.shape_cast %add3A_477 : vector<16xi32> to vector<16xi32>
      tpu.vector_store %arg10[%swap3A_478], %swap3A_481 {strides = array<i32>} : memref<7808xi32, #tpu.memory_space<vmem>>, vector<16xi32>,
      %mul3A_482 = arith.constant 128 : i32
      %mul3A_483 = arith.muli %scan3A_411, %mul3A_482 : i32
      %add3A_484 = arith.constant 64 : i32
      %add3A_485 = arith.addi %mul3A_483, %add3A_484 : i32
      %get3A_486 = arith.index_cast %add3A_485 : i32 to index
      %get3A_487 = tpu.vector_load %arg8[%get3A_486] {strides = array<i32>} : memref<7808xi32, #tpu.memory_space<vmem>>, vector<16xi32>,
      %get3A_488 = vector.shape_cast %get3A_487 : vector<16xi32> to vector<16xi32>
      %mul3A_489 = arith.constant 1000 : i32
      %mul3A_490 = vector.broadcast %mul3A_489 : i32 to vector<16xi32>
      %mul3A_491 = arith.muli %get3A_488, %mul3A_490 : vector<16xi32>
      %get3A_492 = arith.index_cast %add3A_485 : i32 to index
      %get3A_493 = tpu.vector_load %arg6[%get3A_492] {strides = array<i32>} : memref<7808xi32, #tpu.memory_space<vmem>>, vector<16xi32>,
      %get3A_494 = vector.shape_cast %get3A_493 : vector<16xi32> to vector<16xi32>
      %add3A_495 = arith.addi %mul3A_491, %get3A_494 : vector<16xi32>
      %swap3A_496 = arith.index_cast %add3A_485 : i32 to index
      %swap3A_497 = tpu.vector_load %arg10[%swap3A_496] {strides = array<i32>} : memref<7808xi32, #tpu.memory_space<vmem>>, vector<16xi32>,
      %swap3A_498 = vector.shape_cast %swap3A_497 : vector<16xi32> to vector<16xi32>
      %swap3A_499 = vector.shape_cast %add3A_495 : vector<16xi32> to vector<16xi32>
      tpu.vector_store %arg10[%swap3A_496], %swap3A_499 {strides = array<i32>} : memref<7808xi32, #tpu.memory_space<vmem>>, vector<16xi32>,
      %mul3A_500 = arith.constant 128 : i32
      %mul3A_501 = arith.muli %scan3A_411, %mul3A_500 : i32
      %add3A_502 = arith.constant 80 : i32
      %add3A_503 = arith.addi %mul3A_501, %add3A_502 : i32
      %get3A_504 = arith.index_cast %add3A_503 : i32 to index
      %get3A_505 = tpu.vector_load %arg8[%get3A_504] {strides = array<i32>} : memref<7808xi32, #tpu.memory_space<vmem>>, vector<16xi32>,
      %get3A_506 = vector.shape_cast %get3A_505 : vector<16xi32> to vector<16xi32>
      %mul3A_507 = arith.constant 1000 : i32
      %mul3A_508 = vector.broadcast %mul3A_507 : i32 to vector<16xi32>
      %mul3A_509 = arith.muli %get3A_506, %mul3A_508 : vector<16xi32>
      %get3A_510 = arith.index_cast %add3A_503 : i32 to index
      %get3A_511 = tpu.vector_load %arg6[%get3A_510] {strides = array<i32>} : memref<7808xi32, #tpu.memory_space<vmem>>, vector<16xi32>,
      %get3A_512 = vector.shape_cast %get3A_511 : vector<16xi32> to vector<16xi32>
      %add3A_513 = arith.addi %mul3A_509, %get3A_512 : vector<16xi32>
      %swap3A_514 = arith.index_cast %add3A_503 : i32 to index
      %swap3A_515 = tpu.vector_load %arg10[%swap3A_514] {strides = array<i32>} : memref<7808xi32, #tpu.memory_space<vmem>>, vector<16xi32>,
      %swap3A_516 = vector.shape_cast %swap3A_515 : vector<16xi32> to vector<16xi32>
      %swap3A_517 = vector.shape_cast %add3A_513 : vector<16xi32> to vector<16xi32>
      tpu.vector_store %arg10[%swap3A_514], %swap3A_517 {strides = array<i32>} : memref<7808xi32, #tpu.memory_space<vmem>>, vector<16xi32>,
      %mul3A_518 = arith.constant 128 : i32
      %mul3A_519 = arith.muli %scan3A_411, %mul3A_518 : i32
      %add3A_520 = arith.constant 96 : i32
      %add3A_521 = arith.addi %mul3A_519, %add3A_520 : i32
      %get3A_522 = arith.index_cast %add3A_521 : i32 to index
      %get3A_523 = tpu.vector_load %arg8[%get3A_522] {strides = array<i32>} : memref<7808xi32, #tpu.memory_space<vmem>>, vector<16xi32>,
      %get3A_524 = vector.shape_cast %get3A_523 : vector<16xi32> to vector<16xi32>
      %mul3A_525 = arith.constant 1000 : i32
      %mul3A_526 = vector.broadcast %mul3A_525 : i32 to vector<16xi32>
      %mul3A_527 = arith.muli %get3A_524, %mul3A_526 : vector<16xi32>
      %get3A_528 = arith.index_cast %add3A_521 : i32 to index
      %get3A_529 = tpu.vector_load %arg6[%get3A_528] {strides = array<i32>} : memref<7808xi32, #tpu.memory_space<vmem>>, vector<16xi32>,
      %get3A_530 = vector.shape_cast %get3A_529 : vector<16xi32> to vector<16xi32>
      %add3A_531 = arith.addi %mul3A_527, %get3A_530 : vector<16xi32>
      %swap3A_532 = arith.index_cast %add3A_521 : i32 to index
      %swap3A_533 = tpu.vector_load %arg10[%swap3A_532] {strides = array<i32>} : memref<7808xi32, #tpu.memory_space<vmem>>, vector<16xi32>,
      %swap3A_534 = vector.shape_cast %swap3A_533 : vector<16xi32> to vector<16xi32>
      %swap3A_535 = vector.shape_cast %add3A_531 : vector<16xi32> to vector<16xi32>
      tpu.vector_store %arg10[%swap3A_532], %swap3A_535 {strides = array<i32>} : memref<7808xi32, #tpu.memory_space<vmem>>, vector<16xi32>,
      %mul3A_536 = arith.constant 128 : i32
      %mul3A_537 = arith.muli %scan3A_411, %mul3A_536 : i32
      %add3A_538 = arith.constant 112 : i32
      %add3A_539 = arith.addi %mul3A_537, %add3A_538 : i32
      %get3A_540 = arith.index_cast %add3A_539 : i32 to index
      %get3A_541 = tpu.vector_load %arg8[%get3A_540] {strides = array<i32>} : memref<7808xi32, #tpu.memory_space<vmem>>, vector<16xi32>,
      %get3A_542 = vector.shape_cast %get3A_541 : vector<16xi32> to vector<16xi32>
      %mul3A_543 = arith.constant 1000 : i32
      %mul3A_544 = vector.broadcast %mul3A_543 : i32 to vector<16xi32>
      %mul3A_545 = arith.muli %get3A_542, %mul3A_544 : vector<16xi32>
      %get3A_546 = arith.index_cast %add3A_539 : i32 to index
      %get3A_547 = tpu.vector_load %arg6[%get3A_546] {strides = array<i32>} : memref<7808xi32, #tpu.memory_space<vmem>>, vector<16xi32>,
      %get3A_548 = vector.shape_cast %get3A_547 : vector<16xi32> to vector<16xi32>
      %add3A_549 = arith.addi %mul3A_545, %get3A_548 : vector<16xi32>
      %swap3A_550 = arith.index_cast %add3A_539 : i32 to index
      %swap3A_551 = tpu.vector_load %arg10[%swap3A_550] {strides = array<i32>} : memref<7808xi32, #tpu.memory_space<vmem>>, vector<16xi32>,
      %swap3A_552 = vector.shape_cast %swap3A_551 : vector<16xi32> to vector<16xi32>
      %swap3A_553 = vector.shape_cast %add3A_549 : vector<16xi32> to vector<16xi32>
      tpu.vector_store %arg10[%swap3A_550], %swap3A_553 {strides = array<i32>} : memref<7808xi32, #tpu.memory_space<vmem>>, vector<16xi32>,
    }
    %scan3A_279 = arith.constant 61 : i32
    %dma_start3A_280 = arith.constant 0 : i32
    %dma_start3A_281 = tpu.memref_slice %arg15[%dma_start3A_280] : memref<1000000xf32, #tpu.memory_space<vmem_shared>> -> memref<1000000xf32, #tpu.memory_space<vmem_shared>>
    tpu.enqueue_indirect_dma source(%arg11 : memref<7808xf32, #tpu.memory_space<vmem>>) target(%dma_start3A_281 : memref<1000000xf32, #tpu.memory_space<vmem_shared>>) offsets(%arg10 : memref<7808xi32, #tpu.memory_space<vmem>>) semaphore(%arg21 : memref<!tpu.dma_semaphore, #tpu.memory_space<semaphore_mem>>) {add = true}
    %add3A_282 = arith.constant 85888 : i32
    %add3A_283 = arith.addi %mul3A_2, %add3A_282 : i32
    %dma_start3A_284 = tpu.memref_slice %arg2[%add3A_283] : memref<4000000xi32, #tpu.memory_space<hbm>> -> memref<7808xi32, #tpu.memory_space<hbm>>
    %dma_start3A_285 = tpu.memref_slice %arg2[%add3A_283] : memref<4000000xi32, #tpu.memory_space<hbm>> -> memref<7808xi32, #tpu.memory_space<hbm>>
    tpu.enqueue_dma source(%dma_start3A_285 : memref<7808xi32, #tpu.memory_space<hbm>>) target(%arg6 : memref<7808xi32, #tpu.memory_space<vmem>>) target_semaphore(%arg17 : memref<!tpu.dma_semaphore, #tpu.memory_space<semaphore_mem>>)
    %dma_start3A_286 = tpu.memref_slice %arg3[%add3A_283] : memref<4000000xi32, #tpu.memory_space<hbm>> -> memref<7808xi32, #tpu.memory_space<hbm>>
    %dma_start3A_287 = tpu.memref_slice %arg3[%add3A_283] : memref<4000000xi32, #tpu.memory_space<hbm>> -> memref<7808xi32, #tpu.memory_space<hbm>>
    tpu.enqueue_dma source(%dma_start3A_287 : memref<7808xi32, #tpu.memory_space<hbm>>) target(%arg8 : memref<7808xi32, #tpu.memory_space<vmem>>) target_semaphore(%arg19 : memref<!tpu.dma_semaphore, #tpu.memory_space<semaphore_mem>>)
    %dma_wait3A_288 = tpu.memref_slice %arg2[%add3A_263] : memref<4000000xi32, #tpu.memory_space<hbm>> -> memref<7808xi32, #tpu.memory_space<hbm>>
    %dma_wait3A_289 = tpu.memref_slice %arg2[%add3A_263] : memref<4000000xi32, #tpu.memory_space<hbm>> -> memref<7808xi32, #tpu.memory_space<hbm>>
    tpu.wait_dma2 semaphore(%arg16 : memref<!tpu.dma_semaphore, #tpu.memory_space<semaphore_mem>>) src(%dma_wait3A_289 : memref<7808xi32, #tpu.memory_space<hbm>>) dst(%arg5 : memref<7808xi32, #tpu.memory_space<vmem>>)
    %dma_wait3A_290 = tpu.memref_slice %arg3[%add3A_263] : memref<4000000xi32, #tpu.memory_space<hbm>> -> memref<7808xi32, #tpu.memory_space<hbm>>
    %dma_wait3A_291 = tpu.memref_slice %arg3[%add3A_263] : memref<4000000xi32, #tpu.memory_space<hbm>> -> memref<7808xi32, #tpu.memory_space<hbm>>
    tpu.wait_dma2 semaphore(%arg18 : memref<!tpu.dma_semaphore, #tpu.memory_space<semaphore_mem>>) src(%dma_wait3A_291 : memref<7808xi32, #tpu.memory_space<hbm>>) dst(%arg7 : memref<7808xi32, #tpu.memory_space<vmem>>)
    %dma_wait3A_292 = arith.constant 0 : i32
    %dma_wait3A_293 = tpu.memref_slice %arg15[%dma_wait3A_292] : memref<1000000xf32, #tpu.memory_space<vmem_shared>> -> memref<1000000xf32, #tpu.memory_space<vmem_shared>>
    tpu.wait_indirect_dma semaphore(%arg20 : memref<!tpu.dma_semaphore, #tpu.memory_space<semaphore_mem>>) src(%arg11 : memref<7808xf32, #tpu.memory_space<vmem>>) dst(%dma_wait3A_293 : memref<1000000xf32, #tpu.memory_space<vmem_shared>>)
    %scan3A_294 = arith.constant 0 : i32
    %scan3A_295 = arith.constant 0 : i32
    %scan3A_296 = arith.constant 61 : i32
    %scan3A_297 = arith.addi %scan3A_295, %scan3A_296 : i32
    %scan3A_298 = arith.constant 1 : i32
    scf.for %scan3A_411 = %scan3A_295 to %scan3A_297 step %scan3A_298  : i32 {
      %mul3A_412 = arith.constant 128 : i32
      %mul3A_413 = arith.muli %scan3A_411, %mul3A_412 : i32
      %add3A_414 = arith.constant 0 : i32
      %add3A_415 = arith.addi %mul3A_413, %add3A_414 : i32
      %get3A = arith.index_cast %add3A_415 : i32 to index
      %get3A_416 = tpu.vector_load %arg7[%get3A] {strides = array<i32>} : memref<7808xi32, #tpu.memory_space<vmem>>, vector<16xi32>,
      %get3A_417 = vector.shape_cast %get3A_416 : vector<16xi32> to vector<16xi32>
      %mul3A_418 = arith.constant 1000 : i32
      %mul3A_419 = vector.broadcast %mul3A_418 : i32 to vector<16xi32>
      %mul3A_420 = arith.muli %get3A_417, %mul3A_419 : vector<16xi32>
      %get3A_421 = arith.index_cast %add3A_415 : i32 to index
      %get3A_422 = tpu.vector_load %arg5[%get3A_421] {strides = array<i32>} : memref<7808xi32, #tpu.memory_space<vmem>>, vector<16xi32>,
      %get3A_423 = vector.shape_cast %get3A_422 : vector<16xi32> to vector<16xi32>
      %add3A_424 = arith.addi %mul3A_420, %get3A_423 : vector<16xi32>
      %swap3A = arith.index_cast %add3A_415 : i32 to index
      %swap3A_425 = tpu.vector_load %arg9[%swap3A] {strides = array<i32>} : memref<7808xi32, #tpu.memory_space<vmem>>, vector<16xi32>,
      %swap3A_426 = vector.shape_cast %swap3A_425 : vector<16xi32> to vector<16xi32>
      %swap3A_427 = vector.shape_cast %add3A_424 : vector<16xi32> to vector<16xi32>
      tpu.vector_store %arg9[%swap3A], %swap3A_427 {strides = array<i32>} : memref<7808xi32, #tpu.memory_space<vmem>>, vector<16xi32>,
      %mul3A_428 = arith.constant 128 : i32
      %mul3A_429 = arith.muli %scan3A_411, %mul3A_428 : i32
      %add3A_430 = arith.constant 16 : i32
      %add3A_431 = arith.addi %mul3A_429, %add3A_430 : i32
      %get3A_432 = arith.index_cast %add3A_431 : i32 to index
      %get3A_433 = tpu.vector_load %arg7[%get3A_432] {strides = array<i32>} : memref<7808xi32, #tpu.memory_space<vmem>>, vector<16xi32>,
      %get3A_434 = vector.shape_cast %get3A_433 : vector<16xi32> to vector<16xi32>
      %mul3A_435 = arith.constant 1000 : i32
      %mul3A_436 = vector.broadcast %mul3A_435 : i32 to vector<16xi32>
      %mul3A_437 = arith.muli %get3A_434, %mul3A_436 : vector<16xi32>
      %get3A_438 = arith.index_cast %add3A_431 : i32 to index
      %get3A_439 = tpu.vector_load %arg5[%get3A_438] {strides = array<i32>} : memref<7808xi32, #tpu.memory_space<vmem>>, vector<16xi32>,
      %get3A_440 = vector.shape_cast %get3A_439 : vector<16xi32> to vector<16xi32>
      %add3A_441 = arith.addi %mul3A_437, %get3A_440 : vector<16xi32>
      %swap3A_442 = arith.index_cast %add3A_431 : i32 to index
      %swap3A_443 = tpu.vector_load %arg9[%swap3A_442] {strides = array<i32>} : memref<7808xi32, #tpu.memory_space<vmem>>, vector<16xi32>,
      %swap3A_444 = vector.shape_cast %swap3A_443 : vector<16xi32> to vector<16xi32>
      %swap3A_445 = vector.shape_cast %add3A_441 : vector<16xi32> to vector<16xi32>
      tpu.vector_store %arg9[%swap3A_442], %swap3A_445 {strides = array<i32>} : memref<7808xi32, #tpu.memory_space<vmem>>, vector<16xi32>,
      %mul3A_446 = arith.constant 128 : i32
      %mul3A_447 = arith.muli %scan3A_411, %mul3A_446 : i32
      %add3A_448 = arith.constant 32 : i32
      %add3A_449 = arith.addi %mul3A_447, %add3A_448 : i32
      %get3A_450 = arith.index_cast %add3A_449 : i32 to index
      %get3A_451 = tpu.vector_load %arg7[%get3A_450] {strides = array<i32>} : memref<7808xi32, #tpu.memory_space<vmem>>, vector<16xi32>,
      %get3A_452 = vector.shape_cast %get3A_451 : vector<16xi32> to vector<16xi32>
      %mul3A_453 = arith.constant 1000 : i32
      %mul3A_454 = vector.broadcast %mul3A_453 : i32 to vector<16xi32>
      %mul3A_455 = arith.muli %get3A_452, %mul3A_454 : vector<16xi32>
      %get3A_456 = arith.index_cast %add3A_449 : i32 to index
      %get3A_457 = tpu.vector_load %arg5[%get3A_456] {strides = array<i32>} : memref<7808xi32, #tpu.memory_space<vmem>>, vector<16xi32>,
      %get3A_458 = vector.shape_cast %get3A_457 : vector<16xi32> to vector<16xi32>
      %add3A_459 = arith.addi %mul3A_455, %get3A_458 : vector<16xi32>
      %swap3A_460 = arith.index_cast %add3A_449 : i32 to index
      %swap3A_461 = tpu.vector_load %arg9[%swap3A_460] {strides = array<i32>} : memref<7808xi32, #tpu.memory_space<vmem>>, vector<16xi32>,
      %swap3A_462 = vector.shape_cast %swap3A_461 : vector<16xi32> to vector<16xi32>
      %swap3A_463 = vector.shape_cast %add3A_459 : vector<16xi32> to vector<16xi32>
      tpu.vector_store %arg9[%swap3A_460], %swap3A_463 {strides = array<i32>} : memref<7808xi32, #tpu.memory_space<vmem>>, vector<16xi32>,
      %mul3A_464 = arith.constant 128 : i32
      %mul3A_465 = arith.muli %scan3A_411, %mul3A_464 : i32
      %add3A_466 = arith.constant 48 : i32
      %add3A_467 = arith.addi %mul3A_465, %add3A_466 : i32
      %get3A_468 = arith.index_cast %add3A_467 : i32 to index
      %get3A_469 = tpu.vector_load %arg7[%get3A_468] {strides = array<i32>} : memref<7808xi32, #tpu.memory_space<vmem>>, vector<16xi32>,
      %get3A_470 = vector.shape_cast %get3A_469 : vector<16xi32> to vector<16xi32>
      %mul3A_471 = arith.constant 1000 : i32
      %mul3A_472 = vector.broadcast %mul3A_471 : i32 to vector<16xi32>
      %mul3A_473 = arith.muli %get3A_470, %mul3A_472 : vector<16xi32>
      %get3A_474 = arith.index_cast %add3A_467 : i32 to index
      %get3A_475 = tpu.vector_load %arg5[%get3A_474] {strides = array<i32>} : memref<7808xi32, #tpu.memory_space<vmem>>, vector<16xi32>,
      %get3A_476 = vector.shape_cast %get3A_475 : vector<16xi32> to vector<16xi32>
      %add3A_477 = arith.addi %mul3A_473, %get3A_476 : vector<16xi32>
      %swap3A_478 = arith.index_cast %add3A_467 : i32 to index
      %swap3A_479 = tpu.vector_load %arg9[%swap3A_478] {strides = array<i32>} : memref<7808xi32, #tpu.memory_space<vmem>>, vector<16xi32>,
      %swap3A_480 = vector.shape_cast %swap3A_479 : vector<16xi32> to vector<16xi32>
      %swap3A_481 = vector.shape_cast %add3A_477 : vector<16xi32> to vector<16xi32>
      tpu.vector_store %arg9[%swap3A_478], %swap3A_481 {strides = array<i32>} : memref<7808xi32, #tpu.memory_space<vmem>>, vector<16xi32>,
      %mul3A_482 = arith.constant 128 : i32
      %mul3A_483 = arith.muli %scan3A_411, %mul3A_482 : i32
      %add3A_484 = arith.constant 64 : i32
      %add3A_485 = arith.addi %mul3A_483, %add3A_484 : i32
      %get3A_486 = arith.index_cast %add3A_485 : i32 to index
      %get3A_487 = tpu.vector_load %arg7[%get3A_486] {strides = array<i32>} : memref<7808xi32, #tpu.memory_space<vmem>>, vector<16xi32>,
      %get3A_488 = vector.shape_cast %get3A_487 : vector<16xi32> to vector<16xi32>
      %mul3A_489 = arith.constant 1000 : i32
      %mul3A_490 = vector.broadcast %mul3A_489 : i32 to vector<16xi32>
      %mul3A_491 = arith.muli %get3A_488, %mul3A_490 : vector<16xi32>
      %get3A_492 = arith.index_cast %add3A_485 : i32 to index
      %get3A_493 = tpu.vector_load %arg5[%get3A_492] {strides = array<i32>} : memref<7808xi32, #tpu.memory_space<vmem>>, vector<16xi32>,
      %get3A_494 = vector.shape_cast %get3A_493 : vector<16xi32> to vector<16xi32>
      %add3A_495 = arith.addi %mul3A_491, %get3A_494 : vector<16xi32>
      %swap3A_496 = arith.index_cast %add3A_485 : i32 to index
      %swap3A_497 = tpu.vector_load %arg9[%swap3A_496] {strides = array<i32>} : memref<7808xi32, #tpu.memory_space<vmem>>, vector<16xi32>,
      %swap3A_498 = vector.shape_cast %swap3A_497 : vector<16xi32> to vector<16xi32>
      %swap3A_499 = vector.shape_cast %add3A_495 : vector<16xi32> to vector<16xi32>
      tpu.vector_store %arg9[%swap3A_496], %swap3A_499 {strides = array<i32>} : memref<7808xi32, #tpu.memory_space<vmem>>, vector<16xi32>,
      %mul3A_500 = arith.constant 128 : i32
      %mul3A_501 = arith.muli %scan3A_411, %mul3A_500 : i32
      %add3A_502 = arith.constant 80 : i32
      %add3A_503 = arith.addi %mul3A_501, %add3A_502 : i32
      %get3A_504 = arith.index_cast %add3A_503 : i32 to index
      %get3A_505 = tpu.vector_load %arg7[%get3A_504] {strides = array<i32>} : memref<7808xi32, #tpu.memory_space<vmem>>, vector<16xi32>,
      %get3A_506 = vector.shape_cast %get3A_505 : vector<16xi32> to vector<16xi32>
      %mul3A_507 = arith.constant 1000 : i32
      %mul3A_508 = vector.broadcast %mul3A_507 : i32 to vector<16xi32>
      %mul3A_509 = arith.muli %get3A_506, %mul3A_508 : vector<16xi32>
      %get3A_510 = arith.index_cast %add3A_503 : i32 to index
      %get3A_511 = tpu.vector_load %arg5[%get3A_510] {strides = array<i32>} : memref<7808xi32, #tpu.memory_space<vmem>>, vector<16xi32>,
      %get3A_512 = vector.shape_cast %get3A_511 : vector<16xi32> to vector<16xi32>
      %add3A_513 = arith.addi %mul3A_509, %get3A_512 : vector<16xi32>
      %swap3A_514 = arith.index_cast %add3A_503 : i32 to index
      %swap3A_515 = tpu.vector_load %arg9[%swap3A_514] {strides = array<i32>} : memref<7808xi32, #tpu.memory_space<vmem>>, vector<16xi32>,
      %swap3A_516 = vector.shape_cast %swap3A_515 : vector<16xi32> to vector<16xi32>
      %swap3A_517 = vector.shape_cast %add3A_513 : vector<16xi32> to vector<16xi32>
      tpu.vector_store %arg9[%swap3A_514], %swap3A_517 {strides = array<i32>} : memref<7808xi32, #tpu.memory_space<vmem>>, vector<16xi32>,
      %mul3A_518 = arith.constant 128 : i32
      %mul3A_519 = arith.muli %scan3A_411, %mul3A_518 : i32
      %add3A_520 = arith.constant 96 : i32
      %add3A_521 = arith.addi %mul3A_519, %add3A_520 : i32
      %get3A_522 = arith.index_cast %add3A_521 : i32 to index
      %get3A_523 = tpu.vector_load %arg7[%get3A_522] {strides = array<i32>} : memref<7808xi32, #tpu.memory_space<vmem>>, vector<16xi32>,
      %get3A_524 = vector.shape_cast %get3A_523 : vector<16xi32> to vector<16xi32>
      %mul3A_525 = arith.constant 1000 : i32
      %mul3A_526 = vector.broadcast %mul3A_525 : i32 to vector<16xi32>
      %mul3A_527 = arith.muli %get3A_524, %mul3A_526 : vector<16xi32>
      %get3A_528 = arith.index_cast %add3A_521 : i32 to index
      %get3A_529 = tpu.vector_load %arg5[%get3A_528] {strides = array<i32>} : memref<7808xi32, #tpu.memory_space<vmem>>, vector<16xi32>,
      %get3A_530 = vector.shape_cast %get3A_529 : vector<16xi32> to vector<16xi32>
      %add3A_531 = arith.addi %mul3A_527, %get3A_530 : vector<16xi32>
      %swap3A_532 = arith.index_cast %add3A_521 : i32 to index
      %swap3A_533 = tpu.vector_load %arg9[%swap3A_532] {strides = array<i32>} : memref<7808xi32, #tpu.memory_space<vmem>>, vector<16xi32>,
      %swap3A_534 = vector.shape_cast %swap3A_533 : vector<16xi32> to vector<16xi32>
      %swap3A_535 = vector.shape_cast %add3A_531 : vector<16xi32> to vector<16xi32>
      tpu.vector_store %arg9[%swap3A_532], %swap3A_535 {strides = array<i32>} : memref<7808xi32, #tpu.memory_space<vmem>>, vector<16xi32>,
      %mul3A_536 = arith.constant 128 : i32
      %mul3A_537 = arith.muli %scan3A_411, %mul3A_536 : i32
      %add3A_538 = arith.constant 112 : i32
      %add3A_539 = arith.addi %mul3A_537, %add3A_538 : i32
      %get3A_540 = arith.index_cast %add3A_539 : i32 to index
      %get3A_541 = tpu.vector_load %arg7[%get3A_540] {strides = array<i32>} : memref<7808xi32, #tpu.memory_space<vmem>>, vector<16xi32>,
      %get3A_542 = vector.shape_cast %get3A_541 : vector<16xi32> to vector<16xi32>
      %mul3A_543 = arith.constant 1000 : i32
      %mul3A_544 = vector.broadcast %mul3A_543 : i32 to vector<16xi32>
      %mul3A_545 = arith.muli %get3A_542, %mul3A_544 : vector<16xi32>
      %get3A_546 = arith.index_cast %add3A_539 : i32 to index
      %get3A_547 = tpu.vector_load %arg5[%get3A_546] {strides = array<i32>} : memref<7808xi32, #tpu.memory_space<vmem>>, vector<16xi32>,
      %get3A_548 = vector.shape_cast %get3A_547 : vector<16xi32> to vector<16xi32>
      %add3A_549 = arith.addi %mul3A_545, %get3A_548 : vector<16xi32>
      %swap3A_550 = arith.index_cast %add3A_539 : i32 to index
      %swap3A_551 = tpu.vector_load %arg9[%swap3A_550] {strides = array<i32>} : memref<7808xi32, #tpu.memory_space<vmem>>, vector<16xi32>,
      %swap3A_552 = vector.shape_cast %swap3A_551 : vector<16xi32> to vector<16xi32>
      %swap3A_553 = vector.shape_cast %add3A_549 : vector<16xi32> to vector<16xi32>
      tpu.vector_store %arg9[%swap3A_550], %swap3A_553 {strides = array<i32>} : memref<7808xi32, #tpu.memory_space<vmem>>, vector<16xi32>,
    }
    %scan3A_299 = arith.constant 61 : i32
    %dma_start3A_300 = arith.constant 0 : i32
    %dma_start3A_301 = tpu.memref_slice %arg15[%dma_start3A_300] : memref<1000000xf32, #tpu.memory_space<vmem_shared>> -> memref<1000000xf32, #tpu.memory_space<vmem_shared>>
    tpu.enqueue_indirect_dma source(%arg11 : memref<7808xf32, #tpu.memory_space<vmem>>) target(%dma_start3A_301 : memref<1000000xf32, #tpu.memory_space<vmem_shared>>) offsets(%arg9 : memref<7808xi32, #tpu.memory_space<vmem>>) semaphore(%arg20 : memref<!tpu.dma_semaphore, #tpu.memory_space<semaphore_mem>>) {add = true}
    %add3A_302 = arith.constant 93696 : i32
    %add3A_303 = arith.addi %mul3A_2, %add3A_302 : i32
    %dma_start3A_304 = tpu.memref_slice %arg2[%add3A_303] : memref<4000000xi32, #tpu.memory_space<hbm>> -> memref<7808xi32, #tpu.memory_space<hbm>>
    %dma_start3A_305 = tpu.memref_slice %arg2[%add3A_303] : memref<4000000xi32, #tpu.memory_space<hbm>> -> memref<7808xi32, #tpu.memory_space<hbm>>
    tpu.enqueue_dma source(%dma_start3A_305 : memref<7808xi32, #tpu.memory_space<hbm>>) target(%arg5 : memref<7808xi32, #tpu.memory_space<vmem>>) target_semaphore(%arg16 : memref<!tpu.dma_semaphore, #tpu.memory_space<semaphore_mem>>)
    %dma_start3A_306 = tpu.memref_slice %arg3[%add3A_303] : memref<4000000xi32, #tpu.memory_space<hbm>> -> memref<7808xi32, #tpu.memory_space<hbm>>
    %dma_start3A_307 = tpu.memref_slice %arg3[%add3A_303] : memref<4000000xi32, #tpu.memory_space<hbm>> -> memref<7808xi32, #tpu.memory_space<hbm>>
    tpu.enqueue_dma source(%dma_start3A_307 : memref<7808xi32, #tpu.memory_space<hbm>>) target(%arg7 : memref<7808xi32, #tpu.memory_space<vmem>>) target_semaphore(%arg18 : memref<!tpu.dma_semaphore, #tpu.memory_space<semaphore_mem>>)
    %dma_wait3A_308 = tpu.memref_slice %arg2[%add3A_283] : memref<4000000xi32, #tpu.memory_space<hbm>> -> memref<7808xi32, #tpu.memory_space<hbm>>
    %dma_wait3A_309 = tpu.memref_slice %arg2[%add3A_283] : memref<4000000xi32, #tpu.memory_space<hbm>> -> memref<7808xi32, #tpu.memory_space<hbm>>
    tpu.wait_dma2 semaphore(%arg17 : memref<!tpu.dma_semaphore, #tpu.memory_space<semaphore_mem>>) src(%dma_wait3A_309 : memref<7808xi32, #tpu.memory_space<hbm>>) dst(%arg6 : memref<7808xi32, #tpu.memory_space<vmem>>)
    %dma_wait3A_310 = tpu.memref_slice %arg3[%add3A_283] : memref<4000000xi32, #tpu.memory_space<hbm>> -> memref<7808xi32, #tpu.memory_space<hbm>>
    %dma_wait3A_311 = tpu.memref_slice %arg3[%add3A_283] : memref<4000000xi32, #tpu.memory_space<hbm>> -> memref<7808xi32, #tpu.memory_space<hbm>>
    tpu.wait_dma2 semaphore(%arg19 : memref<!tpu.dma_semaphore, #tpu.memory_space<semaphore_mem>>) src(%dma_wait3A_311 : memref<7808xi32, #tpu.memory_space<hbm>>) dst(%arg8 : memref<7808xi32, #tpu.memory_space<vmem>>)
    %dma_wait3A_312 = arith.constant 0 : i32
    %dma_wait3A_313 = tpu.memref_slice %arg15[%dma_wait3A_312] : memref<1000000xf32, #tpu.memory_space<vmem_shared>> -> memref<1000000xf32, #tpu.memory_space<vmem_shared>>
    tpu.wait_indirect_dma semaphore(%arg21 : memref<!tpu.dma_semaphore, #tpu.memory_space<semaphore_mem>>) src(%arg11 : memref<7808xf32, #tpu.memory_space<vmem>>) dst(%dma_wait3A_313 : memref<1000000xf32, #tpu.memory_space<vmem_shared>>)
    %scan3A_314 = arith.constant 0 : i32
    %scan3A_315 = arith.constant 0 : i32
    %scan3A_316 = arith.constant 61 : i32
    %scan3A_317 = arith.addi %scan3A_315, %scan3A_316 : i32
    %scan3A_318 = arith.constant 1 : i32
    scf.for %scan3A_411 = %scan3A_315 to %scan3A_317 step %scan3A_318  : i32 {
      %mul3A_412 = arith.constant 128 : i32
      %mul3A_413 = arith.muli %scan3A_411, %mul3A_412 : i32
      %add3A_414 = arith.constant 0 : i32
      %add3A_415 = arith.addi %mul3A_413, %add3A_414 : i32
      %get3A = arith.index_cast %add3A_415 : i32 to index
      %get3A_416 = tpu.vector_load %arg8[%get3A] {strides = array<i32>} : memref<7808xi32, #tpu.memory_space<vmem>>, vector<16xi32>,
      %get3A_417 = vector.shape_cast %get3A_416 : vector<16xi32> to vector<16xi32>
      %mul3A_418 = arith.constant 1000 : i32
      %mul3A_419 = vector.broadcast %mul3A_418 : i32 to vector<16xi32>
      %mul3A_420 = arith.muli %get3A_417, %mul3A_419 : vector<16xi32>
      %get3A_421 = arith.index_cast %add3A_415 : i32 to index
      %get3A_422 = tpu.vector_load %arg6[%get3A_421] {strides = array<i32>} : memref<7808xi32, #tpu.memory_space<vmem>>, vector<16xi32>,
      %get3A_423 = vector.shape_cast %get3A_422 : vector<16xi32> to vector<16xi32>
      %add3A_424 = arith.addi %mul3A_420, %get3A_423 : vector<16xi32>
      %swap3A = arith.index_cast %add3A_415 : i32 to index
      %swap3A_425 = tpu.vector_load %arg10[%swap3A] {strides = array<i32>} : memref<7808xi32, #tpu.memory_space<vmem>>, vector<16xi32>,
      %swap3A_426 = vector.shape_cast %swap3A_425 : vector<16xi32> to vector<16xi32>
      %swap3A_427 = vector.shape_cast %add3A_424 : vector<16xi32> to vector<16xi32>
      tpu.vector_store %arg10[%swap3A], %swap3A_427 {strides = array<i32>} : memref<7808xi32, #tpu.memory_space<vmem>>, vector<16xi32>,
      %mul3A_428 = arith.constant 128 : i32
      %mul3A_429 = arith.muli %scan3A_411, %mul3A_428 : i32
      %add3A_430 = arith.constant 16 : i32
      %add3A_431 = arith.addi %mul3A_429, %add3A_430 : i32
      %get3A_432 = arith.index_cast %add3A_431 : i32 to index
      %get3A_433 = tpu.vector_load %arg8[%get3A_432] {strides = array<i32>} : memref<7808xi32, #tpu.memory_space<vmem>>, vector<16xi32>,
      %get3A_434 = vector.shape_cast %get3A_433 : vector<16xi32> to vector<16xi32>
      %mul3A_435 = arith.constant 1000 : i32
      %mul3A_436 = vector.broadcast %mul3A_435 : i32 to vector<16xi32>
      %mul3A_437 = arith.muli %get3A_434, %mul3A_436 : vector<16xi32>
      %get3A_438 = arith.index_cast %add3A_431 : i32 to index
      %get3A_439 = tpu.vector_load %arg6[%get3A_438] {strides = array<i32>} : memref<7808xi32, #tpu.memory_space<vmem>>, vector<16xi32>,
      %get3A_440 = vector.shape_cast %get3A_439 : vector<16xi32> to vector<16xi32>
      %add3A_441 = arith.addi %mul3A_437, %get3A_440 : vector<16xi32>
      %swap3A_442 = arith.index_cast %add3A_431 : i32 to index
      %swap3A_443 = tpu.vector_load %arg10[%swap3A_442] {strides = array<i32>} : memref<7808xi32, #tpu.memory_space<vmem>>, vector<16xi32>,
      %swap3A_444 = vector.shape_cast %swap3A_443 : vector<16xi32> to vector<16xi32>
      %swap3A_445 = vector.shape_cast %add3A_441 : vector<16xi32> to vector<16xi32>
      tpu.vector_store %arg10[%swap3A_442], %swap3A_445 {strides = array<i32>} : memref<7808xi32, #tpu.memory_space<vmem>>, vector<16xi32>,
      %mul3A_446 = arith.constant 128 : i32
      %mul3A_447 = arith.muli %scan3A_411, %mul3A_446 : i32
      %add3A_448 = arith.constant 32 : i32
      %add3A_449 = arith.addi %mul3A_447, %add3A_448 : i32
      %get3A_450 = arith.index_cast %add3A_449 : i32 to index
      %get3A_451 = tpu.vector_load %arg8[%get3A_450] {strides = array<i32>} : memref<7808xi32, #tpu.memory_space<vmem>>, vector<16xi32>,
      %get3A_452 = vector.shape_cast %get3A_451 : vector<16xi32> to vector<16xi32>
      %mul3A_453 = arith.constant 1000 : i32
      %mul3A_454 = vector.broadcast %mul3A_453 : i32 to vector<16xi32>
      %mul3A_455 = arith.muli %get3A_452, %mul3A_454 : vector<16xi32>
      %get3A_456 = arith.index_cast %add3A_449 : i32 to index
      %get3A_457 = tpu.vector_load %arg6[%get3A_456] {strides = array<i32>} : memref<7808xi32, #tpu.memory_space<vmem>>, vector<16xi32>,
      %get3A_458 = vector.shape_cast %get3A_457 : vector<16xi32> to vector<16xi32>
      %add3A_459 = arith.addi %mul3A_455, %get3A_458 : vector<16xi32>
      %swap3A_460 = arith.index_cast %add3A_449 : i32 to index
      %swap3A_461 = tpu.vector_load %arg10[%swap3A_460] {strides = array<i32>} : memref<7808xi32, #tpu.memory_space<vmem>>, vector<16xi32>,
      %swap3A_462 = vector.shape_cast %swap3A_461 : vector<16xi32> to vector<16xi32>
      %swap3A_463 = vector.shape_cast %add3A_459 : vector<16xi32> to vector<16xi32>
      tpu.vector_store %arg10[%swap3A_460], %swap3A_463 {strides = array<i32>} : memref<7808xi32, #tpu.memory_space<vmem>>, vector<16xi32>,
      %mul3A_464 = arith.constant 128 : i32
      %mul3A_465 = arith.muli %scan3A_411, %mul3A_464 : i32
      %add3A_466 = arith.constant 48 : i32
      %add3A_467 = arith.addi %mul3A_465, %add3A_466 : i32
      %get3A_468 = arith.index_cast %add3A_467 : i32 to index
      %get3A_469 = tpu.vector_load %arg8[%get3A_468] {strides = array<i32>} : memref<7808xi32, #tpu.memory_space<vmem>>, vector<16xi32>,
      %get3A_470 = vector.shape_cast %get3A_469 : vector<16xi32> to vector<16xi32>
      %mul3A_471 = arith.constant 1000 : i32
      %mul3A_472 = vector.broadcast %mul3A_471 : i32 to vector<16xi32>
      %mul3A_473 = arith.muli %get3A_470, %mul3A_472 : vector<16xi32>
      %get3A_474 = arith.index_cast %add3A_467 : i32 to index
      %get3A_475 = tpu.vector_load %arg6[%get3A_474] {strides = array<i32>} : memref<7808xi32, #tpu.memory_space<vmem>>, vector<16xi32>,
      %get3A_476 = vector.shape_cast %get3A_475 : vector<16xi32> to vector<16xi32>
      %add3A_477 = arith.addi %mul3A_473, %get3A_476 : vector<16xi32>
      %swap3A_478 = arith.index_cast %add3A_467 : i32 to index
      %swap3A_479 = tpu.vector_load %arg10[%swap3A_478] {strides = array<i32>} : memref<7808xi32, #tpu.memory_space<vmem>>, vector<16xi32>,
      %swap3A_480 = vector.shape_cast %swap3A_479 : vector<16xi32> to vector<16xi32>
      %swap3A_481 = vector.shape_cast %add3A_477 : vector<16xi32> to vector<16xi32>
      tpu.vector_store %arg10[%swap3A_478], %swap3A_481 {strides = array<i32>} : memref<7808xi32, #tpu.memory_space<vmem>>, vector<16xi32>,
      %mul3A_482 = arith.constant 128 : i32
      %mul3A_483 = arith.muli %scan3A_411, %mul3A_482 : i32
      %add3A_484 = arith.constant 64 : i32
      %add3A_485 = arith.addi %mul3A_483, %add3A_484 : i32
      %get3A_486 = arith.index_cast %add3A_485 : i32 to index
      %get3A_487 = tpu.vector_load %arg8[%get3A_486] {strides = array<i32>} : memref<7808xi32, #tpu.memory_space<vmem>>, vector<16xi32>,
      %get3A_488 = vector.shape_cast %get3A_487 : vector<16xi32> to vector<16xi32>
      %mul3A_489 = arith.constant 1000 : i32
      %mul3A_490 = vector.broadcast %mul3A_489 : i32 to vector<16xi32>
      %mul3A_491 = arith.muli %get3A_488, %mul3A_490 : vector<16xi32>
      %get3A_492 = arith.index_cast %add3A_485 : i32 to index
      %get3A_493 = tpu.vector_load %arg6[%get3A_492] {strides = array<i32>} : memref<7808xi32, #tpu.memory_space<vmem>>, vector<16xi32>,
      %get3A_494 = vector.shape_cast %get3A_493 : vector<16xi32> to vector<16xi32>
      %add3A_495 = arith.addi %mul3A_491, %get3A_494 : vector<16xi32>
      %swap3A_496 = arith.index_cast %add3A_485 : i32 to index
      %swap3A_497 = tpu.vector_load %arg10[%swap3A_496] {strides = array<i32>} : memref<7808xi32, #tpu.memory_space<vmem>>, vector<16xi32>,
      %swap3A_498 = vector.shape_cast %swap3A_497 : vector<16xi32> to vector<16xi32>
      %swap3A_499 = vector.shape_cast %add3A_495 : vector<16xi32> to vector<16xi32>
      tpu.vector_store %arg10[%swap3A_496], %swap3A_499 {strides = array<i32>} : memref<7808xi32, #tpu.memory_space<vmem>>, vector<16xi32>,
      %mul3A_500 = arith.constant 128 : i32
      %mul3A_501 = arith.muli %scan3A_411, %mul3A_500 : i32
      %add3A_502 = arith.constant 80 : i32
      %add3A_503 = arith.addi %mul3A_501, %add3A_502 : i32
      %get3A_504 = arith.index_cast %add3A_503 : i32 to index
      %get3A_505 = tpu.vector_load %arg8[%get3A_504] {strides = array<i32>} : memref<7808xi32, #tpu.memory_space<vmem>>, vector<16xi32>,
      %get3A_506 = vector.shape_cast %get3A_505 : vector<16xi32> to vector<16xi32>
      %mul3A_507 = arith.constant 1000 : i32
      %mul3A_508 = vector.broadcast %mul3A_507 : i32 to vector<16xi32>
      %mul3A_509 = arith.muli %get3A_506, %mul3A_508 : vector<16xi32>
      %get3A_510 = arith.index_cast %add3A_503 : i32 to index
      %get3A_511 = tpu.vector_load %arg6[%get3A_510] {strides = array<i32>} : memref<7808xi32, #tpu.memory_space<vmem>>, vector<16xi32>,
      %get3A_512 = vector.shape_cast %get3A_511 : vector<16xi32> to vector<16xi32>
      %add3A_513 = arith.addi %mul3A_509, %get3A_512 : vector<16xi32>
      %swap3A_514 = arith.index_cast %add3A_503 : i32 to index
      %swap3A_515 = tpu.vector_load %arg10[%swap3A_514] {strides = array<i32>} : memref<7808xi32, #tpu.memory_space<vmem>>, vector<16xi32>,
      %swap3A_516 = vector.shape_cast %swap3A_515 : vector<16xi32> to vector<16xi32>
      %swap3A_517 = vector.shape_cast %add3A_513 : vector<16xi32> to vector<16xi32>
      tpu.vector_store %arg10[%swap3A_514], %swap3A_517 {strides = array<i32>} : memref<7808xi32, #tpu.memory_space<vmem>>, vector<16xi32>,
      %mul3A_518 = arith.constant 128 : i32
      %mul3A_519 = arith.muli %scan3A_411, %mul3A_518 : i32
      %add3A_520 = arith.constant 96 : i32
      %add3A_521 = arith.addi %mul3A_519, %add3A_520 : i32
      %get3A_522 = arith.index_cast %add3A_521 : i32 to index
      %get3A_523 = tpu.vector_load %arg8[%get3A_522] {strides = array<i32>} : memref<7808xi32, #tpu.memory_space<vmem>>, vector<16xi32>,
      %get3A_524 = vector.shape_cast %get3A_523 : vector<16xi32> to vector<16xi32>
      %mul3A_525 = arith.constant 1000 : i32
      %mul3A_526 = vector.broadcast %mul3A_525 : i32 to vector<16xi32>
      %mul3A_527 = arith.muli %get3A_524, %mul3A_526 : vector<16xi32>
      %get3A_528 = arith.index_cast %add3A_521 : i32 to index
      %get3A_529 = tpu.vector_load %arg6[%get3A_528] {strides = array<i32>} : memref<7808xi32, #tpu.memory_space<vmem>>, vector<16xi32>,
      %get3A_530 = vector.shape_cast %get3A_529 : vector<16xi32> to vector<16xi32>
      %add3A_531 = arith.addi %mul3A_527, %get3A_530 : vector<16xi32>
      %swap3A_532 = arith.index_cast %add3A_521 : i32 to index
      %swap3A_533 = tpu.vector_load %arg10[%swap3A_532] {strides = array<i32>} : memref<7808xi32, #tpu.memory_space<vmem>>, vector<16xi32>,
      %swap3A_534 = vector.shape_cast %swap3A_533 : vector<16xi32> to vector<16xi32>
      %swap3A_535 = vector.shape_cast %add3A_531 : vector<16xi32> to vector<16xi32>
      tpu.vector_store %arg10[%swap3A_532], %swap3A_535 {strides = array<i32>} : memref<7808xi32, #tpu.memory_space<vmem>>, vector<16xi32>,
      %mul3A_536 = arith.constant 128 : i32
      %mul3A_537 = arith.muli %scan3A_411, %mul3A_536 : i32
      %add3A_538 = arith.constant 112 : i32
      %add3A_539 = arith.addi %mul3A_537, %add3A_538 : i32
      %get3A_540 = arith.index_cast %add3A_539 : i32 to index
      %get3A_541 = tpu.vector_load %arg8[%get3A_540] {strides = array<i32>} : memref<7808xi32, #tpu.memory_space<vmem>>, vector<16xi32>,
      %get3A_542 = vector.shape_cast %get3A_541 : vector<16xi32> to vector<16xi32>
      %mul3A_543 = arith.constant 1000 : i32
      %mul3A_544 = vector.broadcast %mul3A_543 : i32 to vector<16xi32>
      %mul3A_545 = arith.muli %get3A_542, %mul3A_544 : vector<16xi32>
      %get3A_546 = arith.index_cast %add3A_539 : i32 to index
      %get3A_547 = tpu.vector_load %arg6[%get3A_546] {strides = array<i32>} : memref<7808xi32, #tpu.memory_space<vmem>>, vector<16xi32>,
      %get3A_548 = vector.shape_cast %get3A_547 : vector<16xi32> to vector<16xi32>
      %add3A_549 = arith.addi %mul3A_545, %get3A_548 : vector<16xi32>
      %swap3A_550 = arith.index_cast %add3A_539 : i32 to index
      %swap3A_551 = tpu.vector_load %arg10[%swap3A_550] {strides = array<i32>} : memref<7808xi32, #tpu.memory_space<vmem>>, vector<16xi32>,
      %swap3A_552 = vector.shape_cast %swap3A_551 : vector<16xi32> to vector<16xi32>
      %swap3A_553 = vector.shape_cast %add3A_549 : vector<16xi32> to vector<16xi32>
      tpu.vector_store %arg10[%swap3A_550], %swap3A_553 {strides = array<i32>} : memref<7808xi32, #tpu.memory_space<vmem>>, vector<16xi32>,
    }
    %scan3A_319 = arith.constant 61 : i32
    %dma_start3A_320 = arith.constant 0 : i32
    %dma_start3A_321 = tpu.memref_slice %arg15[%dma_start3A_320] : memref<1000000xf32, #tpu.memory_space<vmem_shared>> -> memref<1000000xf32, #tpu.memory_space<vmem_shared>>
    tpu.enqueue_indirect_dma source(%arg11 : memref<7808xf32, #tpu.memory_space<vmem>>) target(%dma_start3A_321 : memref<1000000xf32, #tpu.memory_space<vmem_shared>>) offsets(%arg10 : memref<7808xi32, #tpu.memory_space<vmem>>) semaphore(%arg21 : memref<!tpu.dma_semaphore, #tpu.memory_space<semaphore_mem>>) {add = true}
    %add3A_322 = arith.constant 101504 : i32
    %add3A_323 = arith.addi %mul3A_2, %add3A_322 : i32
    %dma_start3A_324 = tpu.memref_slice %arg2[%add3A_323] : memref<4000000xi32, #tpu.memory_space<hbm>> -> memref<7808xi32, #tpu.memory_space<hbm>>
    %dma_start3A_325 = tpu.memref_slice %arg2[%add3A_323] : memref<4000000xi32, #tpu.memory_space<hbm>> -> memref<7808xi32, #tpu.memory_space<hbm>>
    tpu.enqueue_dma source(%dma_start3A_325 : memref<7808xi32, #tpu.memory_space<hbm>>) target(%arg6 : memref<7808xi32, #tpu.memory_space<vmem>>) target_semaphore(%arg17 : memref<!tpu.dma_semaphore, #tpu.memory_space<semaphore_mem>>)
    %dma_start3A_326 = tpu.memref_slice %arg3[%add3A_323] : memref<4000000xi32, #tpu.memory_space<hbm>> -> memref<7808xi32, #tpu.memory_space<hbm>>
    %dma_start3A_327 = tpu.memref_slice %arg3[%add3A_323] : memref<4000000xi32, #tpu.memory_space<hbm>> -> memref<7808xi32, #tpu.memory_space<hbm>>
    tpu.enqueue_dma source(%dma_start3A_327 : memref<7808xi32, #tpu.memory_space<hbm>>) target(%arg8 : memref<7808xi32, #tpu.memory_space<vmem>>) target_semaphore(%arg19 : memref<!tpu.dma_semaphore, #tpu.memory_space<semaphore_mem>>)
    %dma_wait3A_328 = tpu.memref_slice %arg2[%add3A_303] : memref<4000000xi32, #tpu.memory_space<hbm>> -> memref<7808xi32, #tpu.memory_space<hbm>>
    %dma_wait3A_329 = tpu.memref_slice %arg2[%add3A_303] : memref<4000000xi32, #tpu.memory_space<hbm>> -> memref<7808xi32, #tpu.memory_space<hbm>>
    tpu.wait_dma2 semaphore(%arg16 : memref<!tpu.dma_semaphore, #tpu.memory_space<semaphore_mem>>) src(%dma_wait3A_329 : memref<7808xi32, #tpu.memory_space<hbm>>) dst(%arg5 : memref<7808xi32, #tpu.memory_space<vmem>>)
    %dma_wait3A_330 = tpu.memref_slice %arg3[%add3A_303] : memref<4000000xi32, #tpu.memory_space<hbm>> -> memref<7808xi32, #tpu.memory_space<hbm>>
    %dma_wait3A_331 = tpu.memref_slice %arg3[%add3A_303] : memref<4000000xi32, #tpu.memory_space<hbm>> -> memref<7808xi32, #tpu.memory_space<hbm>>
    tpu.wait_dma2 semaphore(%arg18 : memref<!tpu.dma_semaphore, #tpu.memory_space<semaphore_mem>>) src(%dma_wait3A_331 : memref<7808xi32, #tpu.memory_space<hbm>>) dst(%arg7 : memref<7808xi32, #tpu.memory_space<vmem>>)
    %dma_wait3A_332 = arith.constant 0 : i32
    %dma_wait3A_333 = tpu.memref_slice %arg15[%dma_wait3A_332] : memref<1000000xf32, #tpu.memory_space<vmem_shared>> -> memref<1000000xf32, #tpu.memory_space<vmem_shared>>
    tpu.wait_indirect_dma semaphore(%arg20 : memref<!tpu.dma_semaphore, #tpu.memory_space<semaphore_mem>>) src(%arg11 : memref<7808xf32, #tpu.memory_space<vmem>>) dst(%dma_wait3A_333 : memref<1000000xf32, #tpu.memory_space<vmem_shared>>)
    %scan3A_334 = arith.constant 0 : i32
    %scan3A_335 = arith.constant 0 : i32
    %scan3A_336 = arith.constant 61 : i32
    %scan3A_337 = arith.addi %scan3A_335, %scan3A_336 : i32
    %scan3A_338 = arith.constant 1 : i32
    scf.for %scan3A_411 = %scan3A_335 to %scan3A_337 step %scan3A_338  : i32 {
      %mul3A_412 = arith.constant 128 : i32
      %mul3A_413 = arith.muli %scan3A_411, %mul3A_412 : i32
      %add3A_414 = arith.constant 0 : i32
      %add3A_415 = arith.addi %mul3A_413, %add3A_414 : i32
      %get3A = arith.index_cast %add3A_415 : i32 to index
      %get3A_416 = tpu.vector_load %arg7[%get3A] {strides = array<i32>} : memref<7808xi32, #tpu.memory_space<vmem>>, vector<16xi32>,
      %get3A_417 = vector.shape_cast %get3A_416 : vector<16xi32> to vector<16xi32>
      %mul3A_418 = arith.constant 1000 : i32
      %mul3A_419 = vector.broadcast %mul3A_418 : i32 to vector<16xi32>
      %mul3A_420 = arith.muli %get3A_417, %mul3A_419 : vector<16xi32>
      %get3A_421 = arith.index_cast %add3A_415 : i32 to index
      %get3A_422 = tpu.vector_load %arg5[%get3A_421] {strides = array<i32>} : memref<7808xi32, #tpu.memory_space<vmem>>, vector<16xi32>,
      %get3A_423 = vector.shape_cast %get3A_422 : vector<16xi32> to vector<16xi32>
      %add3A_424 = arith.addi %mul3A_420, %get3A_423 : vector<16xi32>
      %swap3A = arith.index_cast %add3A_415 : i32 to index
      %swap3A_425 = tpu.vector_load %arg9[%swap3A] {strides = array<i32>} : memref<7808xi32, #tpu.memory_space<vmem>>, vector<16xi32>,
      %swap3A_426 = vector.shape_cast %swap3A_425 : vector<16xi32> to vector<16xi32>
      %swap3A_427 = vector.shape_cast %add3A_424 : vector<16xi32> to vector<16xi32>
      tpu.vector_store %arg9[%swap3A], %swap3A_427 {strides = array<i32>} : memref<7808xi32, #tpu.memory_space<vmem>>, vector<16xi32>,
      %mul3A_428 = arith.constant 128 : i32
      %mul3A_429 = arith.muli %scan3A_411, %mul3A_428 : i32
      %add3A_430 = arith.constant 16 : i32
      %add3A_431 = arith.addi %mul3A_429, %add3A_430 : i32
      %get3A_432 = arith.index_cast %add3A_431 : i32 to index
      %get3A_433 = tpu.vector_load %arg7[%get3A_432] {strides = array<i32>} : memref<7808xi32, #tpu.memory_space<vmem>>, vector<16xi32>,
      %get3A_434 = vector.shape_cast %get3A_433 : vector<16xi32> to vector<16xi32>
      %mul3A_435 = arith.constant 1000 : i32
      %mul3A_436 = vector.broadcast %mul3A_435 : i32 to vector<16xi32>
      %mul3A_437 = arith.muli %get3A_434, %mul3A_436 : vector<16xi32>
      %get3A_438 = arith.index_cast %add3A_431 : i32 to index
      %get3A_439 = tpu.vector_load %arg5[%get3A_438] {strides = array<i32>} : memref<7808xi32, #tpu.memory_space<vmem>>, vector<16xi32>,
      %get3A_440 = vector.shape_cast %get3A_439 : vector<16xi32> to vector<16xi32>
      %add3A_441 = arith.addi %mul3A_437, %get3A_440 : vector<16xi32>
      %swap3A_442 = arith.index_cast %add3A_431 : i32 to index
      %swap3A_443 = tpu.vector_load %arg9[%swap3A_442] {strides = array<i32>} : memref<7808xi32, #tpu.memory_space<vmem>>, vector<16xi32>,
      %swap3A_444 = vector.shape_cast %swap3A_443 : vector<16xi32> to vector<16xi32>
      %swap3A_445 = vector.shape_cast %add3A_441 : vector<16xi32> to vector<16xi32>
      tpu.vector_store %arg9[%swap3A_442], %swap3A_445 {strides = array<i32>} : memref<7808xi32, #tpu.memory_space<vmem>>, vector<16xi32>,
      %mul3A_446 = arith.constant 128 : i32
      %mul3A_447 = arith.muli %scan3A_411, %mul3A_446 : i32
      %add3A_448 = arith.constant 32 : i32
      %add3A_449 = arith.addi %mul3A_447, %add3A_448 : i32
      %get3A_450 = arith.index_cast %add3A_449 : i32 to index
      %get3A_451 = tpu.vector_load %arg7[%get3A_450] {strides = array<i32>} : memref<7808xi32, #tpu.memory_space<vmem>>, vector<16xi32>,
      %get3A_452 = vector.shape_cast %get3A_451 : vector<16xi32> to vector<16xi32>
      %mul3A_453 = arith.constant 1000 : i32
      %mul3A_454 = vector.broadcast %mul3A_453 : i32 to vector<16xi32>
      %mul3A_455 = arith.muli %get3A_452, %mul3A_454 : vector<16xi32>
      %get3A_456 = arith.index_cast %add3A_449 : i32 to index
      %get3A_457 = tpu.vector_load %arg5[%get3A_456] {strides = array<i32>} : memref<7808xi32, #tpu.memory_space<vmem>>, vector<16xi32>,
      %get3A_458 = vector.shape_cast %get3A_457 : vector<16xi32> to vector<16xi32>
      %add3A_459 = arith.addi %mul3A_455, %get3A_458 : vector<16xi32>
      %swap3A_460 = arith.index_cast %add3A_449 : i32 to index
      %swap3A_461 = tpu.vector_load %arg9[%swap3A_460] {strides = array<i32>} : memref<7808xi32, #tpu.memory_space<vmem>>, vector<16xi32>,
      %swap3A_462 = vector.shape_cast %swap3A_461 : vector<16xi32> to vector<16xi32>
      %swap3A_463 = vector.shape_cast %add3A_459 : vector<16xi32> to vector<16xi32>
      tpu.vector_store %arg9[%swap3A_460], %swap3A_463 {strides = array<i32>} : memref<7808xi32, #tpu.memory_space<vmem>>, vector<16xi32>,
      %mul3A_464 = arith.constant 128 : i32
      %mul3A_465 = arith.muli %scan3A_411, %mul3A_464 : i32
      %add3A_466 = arith.constant 48 : i32
      %add3A_467 = arith.addi %mul3A_465, %add3A_466 : i32
      %get3A_468 = arith.index_cast %add3A_467 : i32 to index
      %get3A_469 = tpu.vector_load %arg7[%get3A_468] {strides = array<i32>} : memref<7808xi32, #tpu.memory_space<vmem>>, vector<16xi32>,
      %get3A_470 = vector.shape_cast %get3A_469 : vector<16xi32> to vector<16xi32>
      %mul3A_471 = arith.constant 1000 : i32
      %mul3A_472 = vector.broadcast %mul3A_471 : i32 to vector<16xi32>
      %mul3A_473 = arith.muli %get3A_470, %mul3A_472 : vector<16xi32>
      %get3A_474 = arith.index_cast %add3A_467 : i32 to index
      %get3A_475 = tpu.vector_load %arg5[%get3A_474] {strides = array<i32>} : memref<7808xi32, #tpu.memory_space<vmem>>, vector<16xi32>,
      %get3A_476 = vector.shape_cast %get3A_475 : vector<16xi32> to vector<16xi32>
      %add3A_477 = arith.addi %mul3A_473, %get3A_476 : vector<16xi32>
      %swap3A_478 = arith.index_cast %add3A_467 : i32 to index
      %swap3A_479 = tpu.vector_load %arg9[%swap3A_478] {strides = array<i32>} : memref<7808xi32, #tpu.memory_space<vmem>>, vector<16xi32>,
      %swap3A_480 = vector.shape_cast %swap3A_479 : vector<16xi32> to vector<16xi32>
      %swap3A_481 = vector.shape_cast %add3A_477 : vector<16xi32> to vector<16xi32>
      tpu.vector_store %arg9[%swap3A_478], %swap3A_481 {strides = array<i32>} : memref<7808xi32, #tpu.memory_space<vmem>>, vector<16xi32>,
      %mul3A_482 = arith.constant 128 : i32
      %mul3A_483 = arith.muli %scan3A_411, %mul3A_482 : i32
      %add3A_484 = arith.constant 64 : i32
      %add3A_485 = arith.addi %mul3A_483, %add3A_484 : i32
      %get3A_486 = arith.index_cast %add3A_485 : i32 to index
      %get3A_487 = tpu.vector_load %arg7[%get3A_486] {strides = array<i32>} : memref<7808xi32, #tpu.memory_space<vmem>>, vector<16xi32>,
      %get3A_488 = vector.shape_cast %get3A_487 : vector<16xi32> to vector<16xi32>
      %mul3A_489 = arith.constant 1000 : i32
      %mul3A_490 = vector.broadcast %mul3A_489 : i32 to vector<16xi32>
      %mul3A_491 = arith.muli %get3A_488, %mul3A_490 : vector<16xi32>
      %get3A_492 = arith.index_cast %add3A_485 : i32 to index
      %get3A_493 = tpu.vector_load %arg5[%get3A_492] {strides = array<i32>} : memref<7808xi32, #tpu.memory_space<vmem>>, vector<16xi32>,
      %get3A_494 = vector.shape_cast %get3A_493 : vector<16xi32> to vector<16xi32>
      %add3A_495 = arith.addi %mul3A_491, %get3A_494 : vector<16xi32>
      %swap3A_496 = arith.index_cast %add3A_485 : i32 to index
      %swap3A_497 = tpu.vector_load %arg9[%swap3A_496] {strides = array<i32>} : memref<7808xi32, #tpu.memory_space<vmem>>, vector<16xi32>,
      %swap3A_498 = vector.shape_cast %swap3A_497 : vector<16xi32> to vector<16xi32>
      %swap3A_499 = vector.shape_cast %add3A_495 : vector<16xi32> to vector<16xi32>
      tpu.vector_store %arg9[%swap3A_496], %swap3A_499 {strides = array<i32>} : memref<7808xi32, #tpu.memory_space<vmem>>, vector<16xi32>,
      %mul3A_500 = arith.constant 128 : i32
      %mul3A_501 = arith.muli %scan3A_411, %mul3A_500 : i32
      %add3A_502 = arith.constant 80 : i32
      %add3A_503 = arith.addi %mul3A_501, %add3A_502 : i32
      %get3A_504 = arith.index_cast %add3A_503 : i32 to index
      %get3A_505 = tpu.vector_load %arg7[%get3A_504] {strides = array<i32>} : memref<7808xi32, #tpu.memory_space<vmem>>, vector<16xi32>,
      %get3A_506 = vector.shape_cast %get3A_505 : vector<16xi32> to vector<16xi32>
      %mul3A_507 = arith.constant 1000 : i32
      %mul3A_508 = vector.broadcast %mul3A_507 : i32 to vector<16xi32>
      %mul3A_509 = arith.muli %get3A_506, %mul3A_508 : vector<16xi32>
      %get3A_510 = arith.index_cast %add3A_503 : i32 to index
      %get3A_511 = tpu.vector_load %arg5[%get3A_510] {strides = array<i32>} : memref<7808xi32, #tpu.memory_space<vmem>>, vector<16xi32>,
      %get3A_512 = vector.shape_cast %get3A_511 : vector<16xi32> to vector<16xi32>
      %add3A_513 = arith.addi %mul3A_509, %get3A_512 : vector<16xi32>
      %swap3A_514 = arith.index_cast %add3A_503 : i32 to index
      %swap3A_515 = tpu.vector_load %arg9[%swap3A_514] {strides = array<i32>} : memref<7808xi32, #tpu.memory_space<vmem>>, vector<16xi32>,
      %swap3A_516 = vector.shape_cast %swap3A_515 : vector<16xi32> to vector<16xi32>
      %swap3A_517 = vector.shape_cast %add3A_513 : vector<16xi32> to vector<16xi32>
      tpu.vector_store %arg9[%swap3A_514], %swap3A_517 {strides = array<i32>} : memref<7808xi32, #tpu.memory_space<vmem>>, vector<16xi32>,
      %mul3A_518 = arith.constant 128 : i32
      %mul3A_519 = arith.muli %scan3A_411, %mul3A_518 : i32
      %add3A_520 = arith.constant 96 : i32
      %add3A_521 = arith.addi %mul3A_519, %add3A_520 : i32
      %get3A_522 = arith.index_cast %add3A_521 : i32 to index
      %get3A_523 = tpu.vector_load %arg7[%get3A_522] {strides = array<i32>} : memref<7808xi32, #tpu.memory_space<vmem>>, vector<16xi32>,
      %get3A_524 = vector.shape_cast %get3A_523 : vector<16xi32> to vector<16xi32>
      %mul3A_525 = arith.constant 1000 : i32
      %mul3A_526 = vector.broadcast %mul3A_525 : i32 to vector<16xi32>
      %mul3A_527 = arith.muli %get3A_524, %mul3A_526 : vector<16xi32>
      %get3A_528 = arith.index_cast %add3A_521 : i32 to index
      %get3A_529 = tpu.vector_load %arg5[%get3A_528] {strides = array<i32>} : memref<7808xi32, #tpu.memory_space<vmem>>, vector<16xi32>,
      %get3A_530 = vector.shape_cast %get3A_529 : vector<16xi32> to vector<16xi32>
      %add3A_531 = arith.addi %mul3A_527, %get3A_530 : vector<16xi32>
      %swap3A_532 = arith.index_cast %add3A_521 : i32 to index
      %swap3A_533 = tpu.vector_load %arg9[%swap3A_532] {strides = array<i32>} : memref<7808xi32, #tpu.memory_space<vmem>>, vector<16xi32>,
      %swap3A_534 = vector.shape_cast %swap3A_533 : vector<16xi32> to vector<16xi32>
      %swap3A_535 = vector.shape_cast %add3A_531 : vector<16xi32> to vector<16xi32>
      tpu.vector_store %arg9[%swap3A_532], %swap3A_535 {strides = array<i32>} : memref<7808xi32, #tpu.memory_space<vmem>>, vector<16xi32>,
      %mul3A_536 = arith.constant 128 : i32
      %mul3A_537 = arith.muli %scan3A_411, %mul3A_536 : i32
      %add3A_538 = arith.constant 112 : i32
      %add3A_539 = arith.addi %mul3A_537, %add3A_538 : i32
      %get3A_540 = arith.index_cast %add3A_539 : i32 to index
      %get3A_541 = tpu.vector_load %arg7[%get3A_540] {strides = array<i32>} : memref<7808xi32, #tpu.memory_space<vmem>>, vector<16xi32>,
      %get3A_542 = vector.shape_cast %get3A_541 : vector<16xi32> to vector<16xi32>
      %mul3A_543 = arith.constant 1000 : i32
      %mul3A_544 = vector.broadcast %mul3A_543 : i32 to vector<16xi32>
      %mul3A_545 = arith.muli %get3A_542, %mul3A_544 : vector<16xi32>
      %get3A_546 = arith.index_cast %add3A_539 : i32 to index
      %get3A_547 = tpu.vector_load %arg5[%get3A_546] {strides = array<i32>} : memref<7808xi32, #tpu.memory_space<vmem>>, vector<16xi32>,
      %get3A_548 = vector.shape_cast %get3A_547 : vector<16xi32> to vector<16xi32>
      %add3A_549 = arith.addi %mul3A_545, %get3A_548 : vector<16xi32>
      %swap3A_550 = arith.index_cast %add3A_539 : i32 to index
      %swap3A_551 = tpu.vector_load %arg9[%swap3A_550] {strides = array<i32>} : memref<7808xi32, #tpu.memory_space<vmem>>, vector<16xi32>,
      %swap3A_552 = vector.shape_cast %swap3A_551 : vector<16xi32> to vector<16xi32>
      %swap3A_553 = vector.shape_cast %add3A_549 : vector<16xi32> to vector<16xi32>
      tpu.vector_store %arg9[%swap3A_550], %swap3A_553 {strides = array<i32>} : memref<7808xi32, #tpu.memory_space<vmem>>, vector<16xi32>,
    }
    %scan3A_339 = arith.constant 61 : i32
    %dma_start3A_340 = arith.constant 0 : i32
    %dma_start3A_341 = tpu.memref_slice %arg15[%dma_start3A_340] : memref<1000000xf32, #tpu.memory_space<vmem_shared>> -> memref<1000000xf32, #tpu.memory_space<vmem_shared>>
    tpu.enqueue_indirect_dma source(%arg11 : memref<7808xf32, #tpu.memory_space<vmem>>) target(%dma_start3A_341 : memref<1000000xf32, #tpu.memory_space<vmem_shared>>) offsets(%arg9 : memref<7808xi32, #tpu.memory_space<vmem>>) semaphore(%arg20 : memref<!tpu.dma_semaphore, #tpu.memory_space<semaphore_mem>>) {add = true}
    %add3A_342 = arith.constant 109312 : i32
    %add3A_343 = arith.addi %mul3A_2, %add3A_342 : i32
    %dma_start3A_344 = tpu.memref_slice %arg2[%add3A_343] : memref<4000000xi32, #tpu.memory_space<hbm>> -> memref<7808xi32, #tpu.memory_space<hbm>>
    %dma_start3A_345 = tpu.memref_slice %arg2[%add3A_343] : memref<4000000xi32, #tpu.memory_space<hbm>> -> memref<7808xi32, #tpu.memory_space<hbm>>
    tpu.enqueue_dma source(%dma_start3A_345 : memref<7808xi32, #tpu.memory_space<hbm>>) target(%arg5 : memref<7808xi32, #tpu.memory_space<vmem>>) target_semaphore(%arg16 : memref<!tpu.dma_semaphore, #tpu.memory_space<semaphore_mem>>)
    %dma_start3A_346 = tpu.memref_slice %arg3[%add3A_343] : memref<4000000xi32, #tpu.memory_space<hbm>> -> memref<7808xi32, #tpu.memory_space<hbm>>
    %dma_start3A_347 = tpu.memref_slice %arg3[%add3A_343] : memref<4000000xi32, #tpu.memory_space<hbm>> -> memref<7808xi32, #tpu.memory_space<hbm>>
    tpu.enqueue_dma source(%dma_start3A_347 : memref<7808xi32, #tpu.memory_space<hbm>>) target(%arg7 : memref<7808xi32, #tpu.memory_space<vmem>>) target_semaphore(%arg18 : memref<!tpu.dma_semaphore, #tpu.memory_space<semaphore_mem>>)
    %dma_wait3A_348 = tpu.memref_slice %arg2[%add3A_323] : memref<4000000xi32, #tpu.memory_space<hbm>> -> memref<7808xi32, #tpu.memory_space<hbm>>
    %dma_wait3A_349 = tpu.memref_slice %arg2[%add3A_323] : memref<4000000xi32, #tpu.memory_space<hbm>> -> memref<7808xi32, #tpu.memory_space<hbm>>
    tpu.wait_dma2 semaphore(%arg17 : memref<!tpu.dma_semaphore, #tpu.memory_space<semaphore_mem>>) src(%dma_wait3A_349 : memref<7808xi32, #tpu.memory_space<hbm>>) dst(%arg6 : memref<7808xi32, #tpu.memory_space<vmem>>)
    %dma_wait3A_350 = tpu.memref_slice %arg3[%add3A_323] : memref<4000000xi32, #tpu.memory_space<hbm>> -> memref<7808xi32, #tpu.memory_space<hbm>>
    %dma_wait3A_351 = tpu.memref_slice %arg3[%add3A_323] : memref<4000000xi32, #tpu.memory_space<hbm>> -> memref<7808xi32, #tpu.memory_space<hbm>>
    tpu.wait_dma2 semaphore(%arg19 : memref<!tpu.dma_semaphore, #tpu.memory_space<semaphore_mem>>) src(%dma_wait3A_351 : memref<7808xi32, #tpu.memory_space<hbm>>) dst(%arg8 : memref<7808xi32, #tpu.memory_space<vmem>>)
    %dma_wait3A_352 = arith.constant 0 : i32
    %dma_wait3A_353 = tpu.memref_slice %arg15[%dma_wait3A_352] : memref<1000000xf32, #tpu.memory_space<vmem_shared>> -> memref<1000000xf32, #tpu.memory_space<vmem_shared>>
    tpu.wait_indirect_dma semaphore(%arg21 : memref<!tpu.dma_semaphore, #tpu.memory_space<semaphore_mem>>) src(%arg11 : memref<7808xf32, #tpu.memory_space<vmem>>) dst(%dma_wait3A_353 : memref<1000000xf32, #tpu.memory_space<vmem_shared>>)
    %scan3A_354 = arith.constant 0 : i32
    %scan3A_355 = arith.constant 0 : i32
    %scan3A_356 = arith.constant 61 : i32
    %scan3A_357 = arith.addi %scan3A_355, %scan3A_356 : i32
    %scan3A_358 = arith.constant 1 : i32
    scf.for %scan3A_411 = %scan3A_355 to %scan3A_357 step %scan3A_358  : i32 {
      %mul3A_412 = arith.constant 128 : i32
      %mul3A_413 = arith.muli %scan3A_411, %mul3A_412 : i32
      %add3A_414 = arith.constant 0 : i32
      %add3A_415 = arith.addi %mul3A_413, %add3A_414 : i32
      %get3A = arith.index_cast %add3A_415 : i32 to index
      %get3A_416 = tpu.vector_load %arg8[%get3A] {strides = array<i32>} : memref<7808xi32, #tpu.memory_space<vmem>>, vector<16xi32>,
      %get3A_417 = vector.shape_cast %get3A_416 : vector<16xi32> to vector<16xi32>
      %mul3A_418 = arith.constant 1000 : i32
      %mul3A_419 = vector.broadcast %mul3A_418 : i32 to vector<16xi32>
      %mul3A_420 = arith.muli %get3A_417, %mul3A_419 : vector<16xi32>
      %get3A_421 = arith.index_cast %add3A_415 : i32 to index
      %get3A_422 = tpu.vector_load %arg6[%get3A_421] {strides = array<i32>} : memref<7808xi32, #tpu.memory_space<vmem>>, vector<16xi32>,
      %get3A_423 = vector.shape_cast %get3A_422 : vector<16xi32> to vector<16xi32>
      %add3A_424 = arith.addi %mul3A_420, %get3A_423 : vector<16xi32>
      %swap3A = arith.index_cast %add3A_415 : i32 to index
      %swap3A_425 = tpu.vector_load %arg10[%swap3A] {strides = array<i32>} : memref<7808xi32, #tpu.memory_space<vmem>>, vector<16xi32>,
      %swap3A_426 = vector.shape_cast %swap3A_425 : vector<16xi32> to vector<16xi32>
      %swap3A_427 = vector.shape_cast %add3A_424 : vector<16xi32> to vector<16xi32>
      tpu.vector_store %arg10[%swap3A], %swap3A_427 {strides = array<i32>} : memref<7808xi32, #tpu.memory_space<vmem>>, vector<16xi32>,
      %mul3A_428 = arith.constant 128 : i32
      %mul3A_429 = arith.muli %scan3A_411, %mul3A_428 : i32
      %add3A_430 = arith.constant 16 : i32
      %add3A_431 = arith.addi %mul3A_429, %add3A_430 : i32
      %get3A_432 = arith.index_cast %add3A_431 : i32 to index
      %get3A_433 = tpu.vector_load %arg8[%get3A_432] {strides = array<i32>} : memref<7808xi32, #tpu.memory_space<vmem>>, vector<16xi32>,
      %get3A_434 = vector.shape_cast %get3A_433 : vector<16xi32> to vector<16xi32>
      %mul3A_435 = arith.constant 1000 : i32
      %mul3A_436 = vector.broadcast %mul3A_435 : i32 to vector<16xi32>
      %mul3A_437 = arith.muli %get3A_434, %mul3A_436 : vector<16xi32>
      %get3A_438 = arith.index_cast %add3A_431 : i32 to index
      %get3A_439 = tpu.vector_load %arg6[%get3A_438] {strides = array<i32>} : memref<7808xi32, #tpu.memory_space<vmem>>, vector<16xi32>,
      %get3A_440 = vector.shape_cast %get3A_439 : vector<16xi32> to vector<16xi32>
      %add3A_441 = arith.addi %mul3A_437, %get3A_440 : vector<16xi32>
      %swap3A_442 = arith.index_cast %add3A_431 : i32 to index
      %swap3A_443 = tpu.vector_load %arg10[%swap3A_442] {strides = array<i32>} : memref<7808xi32, #tpu.memory_space<vmem>>, vector<16xi32>,
      %swap3A_444 = vector.shape_cast %swap3A_443 : vector<16xi32> to vector<16xi32>
      %swap3A_445 = vector.shape_cast %add3A_441 : vector<16xi32> to vector<16xi32>
      tpu.vector_store %arg10[%swap3A_442], %swap3A_445 {strides = array<i32>} : memref<7808xi32, #tpu.memory_space<vmem>>, vector<16xi32>,
      %mul3A_446 = arith.constant 128 : i32
      %mul3A_447 = arith.muli %scan3A_411, %mul3A_446 : i32
      %add3A_448 = arith.constant 32 : i32
      %add3A_449 = arith.addi %mul3A_447, %add3A_448 : i32
      %get3A_450 = arith.index_cast %add3A_449 : i32 to index
      %get3A_451 = tpu.vector_load %arg8[%get3A_450] {strides = array<i32>} : memref<7808xi32, #tpu.memory_space<vmem>>, vector<16xi32>,
      %get3A_452 = vector.shape_cast %get3A_451 : vector<16xi32> to vector<16xi32>
      %mul3A_453 = arith.constant 1000 : i32
      %mul3A_454 = vector.broadcast %mul3A_453 : i32 to vector<16xi32>
      %mul3A_455 = arith.muli %get3A_452, %mul3A_454 : vector<16xi32>
      %get3A_456 = arith.index_cast %add3A_449 : i32 to index
      %get3A_457 = tpu.vector_load %arg6[%get3A_456] {strides = array<i32>} : memref<7808xi32, #tpu.memory_space<vmem>>, vector<16xi32>,
      %get3A_458 = vector.shape_cast %get3A_457 : vector<16xi32> to vector<16xi32>
      %add3A_459 = arith.addi %mul3A_455, %get3A_458 : vector<16xi32>
      %swap3A_460 = arith.index_cast %add3A_449 : i32 to index
      %swap3A_461 = tpu.vector_load %arg10[%swap3A_460] {strides = array<i32>} : memref<7808xi32, #tpu.memory_space<vmem>>, vector<16xi32>,
      %swap3A_462 = vector.shape_cast %swap3A_461 : vector<16xi32> to vector<16xi32>
      %swap3A_463 = vector.shape_cast %add3A_459 : vector<16xi32> to vector<16xi32>
      tpu.vector_store %arg10[%swap3A_460], %swap3A_463 {strides = array<i32>} : memref<7808xi32, #tpu.memory_space<vmem>>, vector<16xi32>,
      %mul3A_464 = arith.constant 128 : i32
      %mul3A_465 = arith.muli %scan3A_411, %mul3A_464 : i32
      %add3A_466 = arith.constant 48 : i32
      %add3A_467 = arith.addi %mul3A_465, %add3A_466 : i32
      %get3A_468 = arith.index_cast %add3A_467 : i32 to index
      %get3A_469 = tpu.vector_load %arg8[%get3A_468] {strides = array<i32>} : memref<7808xi32, #tpu.memory_space<vmem>>, vector<16xi32>,
      %get3A_470 = vector.shape_cast %get3A_469 : vector<16xi32> to vector<16xi32>
      %mul3A_471 = arith.constant 1000 : i32
      %mul3A_472 = vector.broadcast %mul3A_471 : i32 to vector<16xi32>
      %mul3A_473 = arith.muli %get3A_470, %mul3A_472 : vector<16xi32>
      %get3A_474 = arith.index_cast %add3A_467 : i32 to index
      %get3A_475 = tpu.vector_load %arg6[%get3A_474] {strides = array<i32>} : memref<7808xi32, #tpu.memory_space<vmem>>, vector<16xi32>,
      %get3A_476 = vector.shape_cast %get3A_475 : vector<16xi32> to vector<16xi32>
      %add3A_477 = arith.addi %mul3A_473, %get3A_476 : vector<16xi32>
      %swap3A_478 = arith.index_cast %add3A_467 : i32 to index
      %swap3A_479 = tpu.vector_load %arg10[%swap3A_478] {strides = array<i32>} : memref<7808xi32, #tpu.memory_space<vmem>>, vector<16xi32>,
      %swap3A_480 = vector.shape_cast %swap3A_479 : vector<16xi32> to vector<16xi32>
      %swap3A_481 = vector.shape_cast %add3A_477 : vector<16xi32> to vector<16xi32>
      tpu.vector_store %arg10[%swap3A_478], %swap3A_481 {strides = array<i32>} : memref<7808xi32, #tpu.memory_space<vmem>>, vector<16xi32>,
      %mul3A_482 = arith.constant 128 : i32
      %mul3A_483 = arith.muli %scan3A_411, %mul3A_482 : i32
      %add3A_484 = arith.constant 64 : i32
      %add3A_485 = arith.addi %mul3A_483, %add3A_484 : i32
      %get3A_486 = arith.index_cast %add3A_485 : i32 to index
      %get3A_487 = tpu.vector_load %arg8[%get3A_486] {strides = array<i32>} : memref<7808xi32, #tpu.memory_space<vmem>>, vector<16xi32>,
      %get3A_488 = vector.shape_cast %get3A_487 : vector<16xi32> to vector<16xi32>
      %mul3A_489 = arith.constant 1000 : i32
      %mul3A_490 = vector.broadcast %mul3A_489 : i32 to vector<16xi32>
      %mul3A_491 = arith.muli %get3A_488, %mul3A_490 : vector<16xi32>
      %get3A_492 = arith.index_cast %add3A_485 : i32 to index
      %get3A_493 = tpu.vector_load %arg6[%get3A_492] {strides = array<i32>} : memref<7808xi32, #tpu.memory_space<vmem>>, vector<16xi32>,
      %get3A_494 = vector.shape_cast %get3A_493 : vector<16xi32> to vector<16xi32>
      %add3A_495 = arith.addi %mul3A_491, %get3A_494 : vector<16xi32>
      %swap3A_496 = arith.index_cast %add3A_485 : i32 to index
      %swap3A_497 = tpu.vector_load %arg10[%swap3A_496] {strides = array<i32>} : memref<7808xi32, #tpu.memory_space<vmem>>, vector<16xi32>,
      %swap3A_498 = vector.shape_cast %swap3A_497 : vector<16xi32> to vector<16xi32>
      %swap3A_499 = vector.shape_cast %add3A_495 : vector<16xi32> to vector<16xi32>
      tpu.vector_store %arg10[%swap3A_496], %swap3A_499 {strides = array<i32>} : memref<7808xi32, #tpu.memory_space<vmem>>, vector<16xi32>,
      %mul3A_500 = arith.constant 128 : i32
      %mul3A_501 = arith.muli %scan3A_411, %mul3A_500 : i32
      %add3A_502 = arith.constant 80 : i32
      %add3A_503 = arith.addi %mul3A_501, %add3A_502 : i32
      %get3A_504 = arith.index_cast %add3A_503 : i32 to index
      %get3A_505 = tpu.vector_load %arg8[%get3A_504] {strides = array<i32>} : memref<7808xi32, #tpu.memory_space<vmem>>, vector<16xi32>,
      %get3A_506 = vector.shape_cast %get3A_505 : vector<16xi32> to vector<16xi32>
      %mul3A_507 = arith.constant 1000 : i32
      %mul3A_508 = vector.broadcast %mul3A_507 : i32 to vector<16xi32>
      %mul3A_509 = arith.muli %get3A_506, %mul3A_508 : vector<16xi32>
      %get3A_510 = arith.index_cast %add3A_503 : i32 to index
      %get3A_511 = tpu.vector_load %arg6[%get3A_510] {strides = array<i32>} : memref<7808xi32, #tpu.memory_space<vmem>>, vector<16xi32>,
      %get3A_512 = vector.shape_cast %get3A_511 : vector<16xi32> to vector<16xi32>
      %add3A_513 = arith.addi %mul3A_509, %get3A_512 : vector<16xi32>
      %swap3A_514 = arith.index_cast %add3A_503 : i32 to index
      %swap3A_515 = tpu.vector_load %arg10[%swap3A_514] {strides = array<i32>} : memref<7808xi32, #tpu.memory_space<vmem>>, vector<16xi32>,
      %swap3A_516 = vector.shape_cast %swap3A_515 : vector<16xi32> to vector<16xi32>
      %swap3A_517 = vector.shape_cast %add3A_513 : vector<16xi32> to vector<16xi32>
      tpu.vector_store %arg10[%swap3A_514], %swap3A_517 {strides = array<i32>} : memref<7808xi32, #tpu.memory_space<vmem>>, vector<16xi32>,
      %mul3A_518 = arith.constant 128 : i32
      %mul3A_519 = arith.muli %scan3A_411, %mul3A_518 : i32
      %add3A_520 = arith.constant 96 : i32
      %add3A_521 = arith.addi %mul3A_519, %add3A_520 : i32
      %get3A_522 = arith.index_cast %add3A_521 : i32 to index
      %get3A_523 = tpu.vector_load %arg8[%get3A_522] {strides = array<i32>} : memref<7808xi32, #tpu.memory_space<vmem>>, vector<16xi32>,
      %get3A_524 = vector.shape_cast %get3A_523 : vector<16xi32> to vector<16xi32>
      %mul3A_525 = arith.constant 1000 : i32
      %mul3A_526 = vector.broadcast %mul3A_525 : i32 to vector<16xi32>
      %mul3A_527 = arith.muli %get3A_524, %mul3A_526 : vector<16xi32>
      %get3A_528 = arith.index_cast %add3A_521 : i32 to index
      %get3A_529 = tpu.vector_load %arg6[%get3A_528] {strides = array<i32>} : memref<7808xi32, #tpu.memory_space<vmem>>, vector<16xi32>,
      %get3A_530 = vector.shape_cast %get3A_529 : vector<16xi32> to vector<16xi32>
      %add3A_531 = arith.addi %mul3A_527, %get3A_530 : vector<16xi32>
      %swap3A_532 = arith.index_cast %add3A_521 : i32 to index
      %swap3A_533 = tpu.vector_load %arg10[%swap3A_532] {strides = array<i32>} : memref<7808xi32, #tpu.memory_space<vmem>>, vector<16xi32>,
      %swap3A_534 = vector.shape_cast %swap3A_533 : vector<16xi32> to vector<16xi32>
      %swap3A_535 = vector.shape_cast %add3A_531 : vector<16xi32> to vector<16xi32>
      tpu.vector_store %arg10[%swap3A_532], %swap3A_535 {strides = array<i32>} : memref<7808xi32, #tpu.memory_space<vmem>>, vector<16xi32>,
      %mul3A_536 = arith.constant 128 : i32
      %mul3A_537 = arith.muli %scan3A_411, %mul3A_536 : i32
      %add3A_538 = arith.constant 112 : i32
      %add3A_539 = arith.addi %mul3A_537, %add3A_538 : i32
      %get3A_540 = arith.index_cast %add3A_539 : i32 to index
      %get3A_541 = tpu.vector_load %arg8[%get3A_540] {strides = array<i32>} : memref<7808xi32, #tpu.memory_space<vmem>>, vector<16xi32>,
      %get3A_542 = vector.shape_cast %get3A_541 : vector<16xi32> to vector<16xi32>
      %mul3A_543 = arith.constant 1000 : i32
      %mul3A_544 = vector.broadcast %mul3A_543 : i32 to vector<16xi32>
      %mul3A_545 = arith.muli %get3A_542, %mul3A_544 : vector<16xi32>
      %get3A_546 = arith.index_cast %add3A_539 : i32 to index
      %get3A_547 = tpu.vector_load %arg6[%get3A_546] {strides = array<i32>} : memref<7808xi32, #tpu.memory_space<vmem>>, vector<16xi32>,
      %get3A_548 = vector.shape_cast %get3A_547 : vector<16xi32> to vector<16xi32>
      %add3A_549 = arith.addi %mul3A_545, %get3A_548 : vector<16xi32>
      %swap3A_550 = arith.index_cast %add3A_539 : i32 to index
      %swap3A_551 = tpu.vector_load %arg10[%swap3A_550] {strides = array<i32>} : memref<7808xi32, #tpu.memory_space<vmem>>, vector<16xi32>,
      %swap3A_552 = vector.shape_cast %swap3A_551 : vector<16xi32> to vector<16xi32>
      %swap3A_553 = vector.shape_cast %add3A_549 : vector<16xi32> to vector<16xi32>
      tpu.vector_store %arg10[%swap3A_550], %swap3A_553 {strides = array<i32>} : memref<7808xi32, #tpu.memory_space<vmem>>, vector<16xi32>,
    }
    %scan3A_359 = arith.constant 61 : i32
    %dma_start3A_360 = arith.constant 0 : i32
    %dma_start3A_361 = tpu.memref_slice %arg15[%dma_start3A_360] : memref<1000000xf32, #tpu.memory_space<vmem_shared>> -> memref<1000000xf32, #tpu.memory_space<vmem_shared>>
    tpu.enqueue_indirect_dma source(%arg11 : memref<7808xf32, #tpu.memory_space<vmem>>) target(%dma_start3A_361 : memref<1000000xf32, #tpu.memory_space<vmem_shared>>) offsets(%arg10 : memref<7808xi32, #tpu.memory_space<vmem>>) semaphore(%arg21 : memref<!tpu.dma_semaphore, #tpu.memory_space<semaphore_mem>>) {add = true}
    %add3A_362 = arith.constant 117120 : i32
    %add3A_363 = arith.addi %mul3A_2, %add3A_362 : i32
    %dma_start3A_364 = tpu.memref_slice %arg2[%add3A_363] : memref<4000000xi32, #tpu.memory_space<hbm>> -> memref<7808xi32, #tpu.memory_space<hbm>>
    %dma_start3A_365 = tpu.memref_slice %arg2[%add3A_363] : memref<4000000xi32, #tpu.memory_space<hbm>> -> memref<7808xi32, #tpu.memory_space<hbm>>
    tpu.enqueue_dma source(%dma_start3A_365 : memref<7808xi32, #tpu.memory_space<hbm>>) target(%arg6 : memref<7808xi32, #tpu.memory_space<vmem>>) target_semaphore(%arg17 : memref<!tpu.dma_semaphore, #tpu.memory_space<semaphore_mem>>)
    %dma_start3A_366 = tpu.memref_slice %arg3[%add3A_363] : memref<4000000xi32, #tpu.memory_space<hbm>> -> memref<7808xi32, #tpu.memory_space<hbm>>
    %dma_start3A_367 = tpu.memref_slice %arg3[%add3A_363] : memref<4000000xi32, #tpu.memory_space<hbm>> -> memref<7808xi32, #tpu.memory_space<hbm>>
    tpu.enqueue_dma source(%dma_start3A_367 : memref<7808xi32, #tpu.memory_space<hbm>>) target(%arg8 : memref<7808xi32, #tpu.memory_space<vmem>>) target_semaphore(%arg19 : memref<!tpu.dma_semaphore, #tpu.memory_space<semaphore_mem>>)
    %dma_wait3A_368 = tpu.memref_slice %arg2[%add3A_343] : memref<4000000xi32, #tpu.memory_space<hbm>> -> memref<7808xi32, #tpu.memory_space<hbm>>
    %dma_wait3A_369 = tpu.memref_slice %arg2[%add3A_343] : memref<4000000xi32, #tpu.memory_space<hbm>> -> memref<7808xi32, #tpu.memory_space<hbm>>
    tpu.wait_dma2 semaphore(%arg16 : memref<!tpu.dma_semaphore, #tpu.memory_space<semaphore_mem>>) src(%dma_wait3A_369 : memref<7808xi32, #tpu.memory_space<hbm>>) dst(%arg5 : memref<7808xi32, #tpu.memory_space<vmem>>)
    %dma_wait3A_370 = tpu.memref_slice %arg3[%add3A_343] : memref<4000000xi32, #tpu.memory_space<hbm>> -> memref<7808xi32, #tpu.memory_space<hbm>>
    %dma_wait3A_371 = tpu.memref_slice %arg3[%add3A_343] : memref<4000000xi32, #tpu.memory_space<hbm>> -> memref<7808xi32, #tpu.memory_space<hbm>>
    tpu.wait_dma2 semaphore(%arg18 : memref<!tpu.dma_semaphore, #tpu.memory_space<semaphore_mem>>) src(%dma_wait3A_371 : memref<7808xi32, #tpu.memory_space<hbm>>) dst(%arg7 : memref<7808xi32, #tpu.memory_space<vmem>>)
    %dma_wait3A_372 = arith.constant 0 : i32
    %dma_wait3A_373 = tpu.memref_slice %arg15[%dma_wait3A_372] : memref<1000000xf32, #tpu.memory_space<vmem_shared>> -> memref<1000000xf32, #tpu.memory_space<vmem_shared>>
    tpu.wait_indirect_dma semaphore(%arg20 : memref<!tpu.dma_semaphore, #tpu.memory_space<semaphore_mem>>) src(%arg11 : memref<7808xf32, #tpu.memory_space<vmem>>) dst(%dma_wait3A_373 : memref<1000000xf32, #tpu.memory_space<vmem_shared>>)
    %scan3A_374 = arith.constant 0 : i32
    %scan3A_375 = arith.constant 0 : i32
    %scan3A_376 = arith.constant 61 : i32
    %scan3A_377 = arith.addi %scan3A_375, %scan3A_376 : i32
    %scan3A_378 = arith.constant 1 : i32
    scf.for %scan3A_411 = %scan3A_375 to %scan3A_377 step %scan3A_378  : i32 {
      %mul3A_412 = arith.constant 128 : i32
      %mul3A_413 = arith.muli %scan3A_411, %mul3A_412 : i32
      %add3A_414 = arith.constant 0 : i32
      %add3A_415 = arith.addi %mul3A_413, %add3A_414 : i32
      %get3A = arith.index_cast %add3A_415 : i32 to index
      %get3A_416 = tpu.vector_load %arg7[%get3A] {strides = array<i32>} : memref<7808xi32, #tpu.memory_space<vmem>>, vector<16xi32>,
      %get3A_417 = vector.shape_cast %get3A_416 : vector<16xi32> to vector<16xi32>
      %mul3A_418 = arith.constant 1000 : i32
      %mul3A_419 = vector.broadcast %mul3A_418 : i32 to vector<16xi32>
      %mul3A_420 = arith.muli %get3A_417, %mul3A_419 : vector<16xi32>
      %get3A_421 = arith.index_cast %add3A_415 : i32 to index
      %get3A_422 = tpu.vector_load %arg5[%get3A_421] {strides = array<i32>} : memref<7808xi32, #tpu.memory_space<vmem>>, vector<16xi32>,
      %get3A_423 = vector.shape_cast %get3A_422 : vector<16xi32> to vector<16xi32>
      %add3A_424 = arith.addi %mul3A_420, %get3A_423 : vector<16xi32>
      %swap3A = arith.index_cast %add3A_415 : i32 to index
      %swap3A_425 = tpu.vector_load %arg9[%swap3A] {strides = array<i32>} : memref<7808xi32, #tpu.memory_space<vmem>>, vector<16xi32>,
      %swap3A_426 = vector.shape_cast %swap3A_425 : vector<16xi32> to vector<16xi32>
      %swap3A_427 = vector.shape_cast %add3A_424 : vector<16xi32> to vector<16xi32>
      tpu.vector_store %arg9[%swap3A], %swap3A_427 {strides = array<i32>} : memref<7808xi32, #tpu.memory_space<vmem>>, vector<16xi32>,
      %mul3A_428 = arith.constant 128 : i32
      %mul3A_429 = arith.muli %scan3A_411, %mul3A_428 : i32
      %add3A_430 = arith.constant 16 : i32
      %add3A_431 = arith.addi %mul3A_429, %add3A_430 : i32
      %get3A_432 = arith.index_cast %add3A_431 : i32 to index
      %get3A_433 = tpu.vector_load %arg7[%get3A_432] {strides = array<i32>} : memref<7808xi32, #tpu.memory_space<vmem>>, vector<16xi32>,
      %get3A_434 = vector.shape_cast %get3A_433 : vector<16xi32> to vector<16xi32>
      %mul3A_435 = arith.constant 1000 : i32
      %mul3A_436 = vector.broadcast %mul3A_435 : i32 to vector<16xi32>
      %mul3A_437 = arith.muli %get3A_434, %mul3A_436 : vector<16xi32>
      %get3A_438 = arith.index_cast %add3A_431 : i32 to index
      %get3A_439 = tpu.vector_load %arg5[%get3A_438] {strides = array<i32>} : memref<7808xi32, #tpu.memory_space<vmem>>, vector<16xi32>,
      %get3A_440 = vector.shape_cast %get3A_439 : vector<16xi32> to vector<16xi32>
      %add3A_441 = arith.addi %mul3A_437, %get3A_440 : vector<16xi32>
      %swap3A_442 = arith.index_cast %add3A_431 : i32 to index
      %swap3A_443 = tpu.vector_load %arg9[%swap3A_442] {strides = array<i32>} : memref<7808xi32, #tpu.memory_space<vmem>>, vector<16xi32>,
      %swap3A_444 = vector.shape_cast %swap3A_443 : vector<16xi32> to vector<16xi32>
      %swap3A_445 = vector.shape_cast %add3A_441 : vector<16xi32> to vector<16xi32>
      tpu.vector_store %arg9[%swap3A_442], %swap3A_445 {strides = array<i32>} : memref<7808xi32, #tpu.memory_space<vmem>>, vector<16xi32>,
      %mul3A_446 = arith.constant 128 : i32
      %mul3A_447 = arith.muli %scan3A_411, %mul3A_446 : i32
      %add3A_448 = arith.constant 32 : i32
      %add3A_449 = arith.addi %mul3A_447, %add3A_448 : i32
      %get3A_450 = arith.index_cast %add3A_449 : i32 to index
      %get3A_451 = tpu.vector_load %arg7[%get3A_450] {strides = array<i32>} : memref<7808xi32, #tpu.memory_space<vmem>>, vector<16xi32>,
      %get3A_452 = vector.shape_cast %get3A_451 : vector<16xi32> to vector<16xi32>
      %mul3A_453 = arith.constant 1000 : i32
      %mul3A_454 = vector.broadcast %mul3A_453 : i32 to vector<16xi32>
      %mul3A_455 = arith.muli %get3A_452, %mul3A_454 : vector<16xi32>
      %get3A_456 = arith.index_cast %add3A_449 : i32 to index
      %get3A_457 = tpu.vector_load %arg5[%get3A_456] {strides = array<i32>} : memref<7808xi32, #tpu.memory_space<vmem>>, vector<16xi32>,
      %get3A_458 = vector.shape_cast %get3A_457 : vector<16xi32> to vector<16xi32>
      %add3A_459 = arith.addi %mul3A_455, %get3A_458 : vector<16xi32>
      %swap3A_460 = arith.index_cast %add3A_449 : i32 to index
      %swap3A_461 = tpu.vector_load %arg9[%swap3A_460] {strides = array<i32>} : memref<7808xi32, #tpu.memory_space<vmem>>, vector<16xi32>,
      %swap3A_462 = vector.shape_cast %swap3A_461 : vector<16xi32> to vector<16xi32>
      %swap3A_463 = vector.shape_cast %add3A_459 : vector<16xi32> to vector<16xi32>
      tpu.vector_store %arg9[%swap3A_460], %swap3A_463 {strides = array<i32>} : memref<7808xi32, #tpu.memory_space<vmem>>, vector<16xi32>,
      %mul3A_464 = arith.constant 128 : i32
      %mul3A_465 = arith.muli %scan3A_411, %mul3A_464 : i32
      %add3A_466 = arith.constant 48 : i32
      %add3A_467 = arith.addi %mul3A_465, %add3A_466 : i32
      %get3A_468 = arith.index_cast %add3A_467 : i32 to index
      %get3A_469 = tpu.vector_load %arg7[%get3A_468] {strides = array<i32>} : memref<7808xi32, #tpu.memory_space<vmem>>, vector<16xi32>,
      %get3A_470 = vector.shape_cast %get3A_469 : vector<16xi32> to vector<16xi32>
      %mul3A_471 = arith.constant 1000 : i32
      %mul3A_472 = vector.broadcast %mul3A_471 : i32 to vector<16xi32>
      %mul3A_473 = arith.muli %get3A_470, %mul3A_472 : vector<16xi32>
      %get3A_474 = arith.index_cast %add3A_467 : i32 to index
      %get3A_475 = tpu.vector_load %arg5[%get3A_474] {strides = array<i32>} : memref<7808xi32, #tpu.memory_space<vmem>>, vector<16xi32>,
      %get3A_476 = vector.shape_cast %get3A_475 : vector<16xi32> to vector<16xi32>
      %add3A_477 = arith.addi %mul3A_473, %get3A_476 : vector<16xi32>
      %swap3A_478 = arith.index_cast %add3A_467 : i32 to index
      %swap3A_479 = tpu.vector_load %arg9[%swap3A_478] {strides = array<i32>} : memref<7808xi32, #tpu.memory_space<vmem>>, vector<16xi32>,
      %swap3A_480 = vector.shape_cast %swap3A_479 : vector<16xi32> to vector<16xi32>
      %swap3A_481 = vector.shape_cast %add3A_477 : vector<16xi32> to vector<16xi32>
      tpu.vector_store %arg9[%swap3A_478], %swap3A_481 {strides = array<i32>} : memref<7808xi32, #tpu.memory_space<vmem>>, vector<16xi32>,
      %mul3A_482 = arith.constant 128 : i32
      %mul3A_483 = arith.muli %scan3A_411, %mul3A_482 : i32
      %add3A_484 = arith.constant 64 : i32
      %add3A_485 = arith.addi %mul3A_483, %add3A_484 : i32
      %get3A_486 = arith.index_cast %add3A_485 : i32 to index
      %get3A_487 = tpu.vector_load %arg7[%get3A_486] {strides = array<i32>} : memref<7808xi32, #tpu.memory_space<vmem>>, vector<16xi32>,
      %get3A_488 = vector.shape_cast %get3A_487 : vector<16xi32> to vector<16xi32>
      %mul3A_489 = arith.constant 1000 : i32
      %mul3A_490 = vector.broadcast %mul3A_489 : i32 to vector<16xi32>
      %mul3A_491 = arith.muli %get3A_488, %mul3A_490 : vector<16xi32>
      %get3A_492 = arith.index_cast %add3A_485 : i32 to index
      %get3A_493 = tpu.vector_load %arg5[%get3A_492] {strides = array<i32>} : memref<7808xi32, #tpu.memory_space<vmem>>, vector<16xi32>,
      %get3A_494 = vector.shape_cast %get3A_493 : vector<16xi32> to vector<16xi32>
      %add3A_495 = arith.addi %mul3A_491, %get3A_494 : vector<16xi32>
      %swap3A_496 = arith.index_cast %add3A_485 : i32 to index
      %swap3A_497 = tpu.vector_load %arg9[%swap3A_496] {strides = array<i32>} : memref<7808xi32, #tpu.memory_space<vmem>>, vector<16xi32>,
      %swap3A_498 = vector.shape_cast %swap3A_497 : vector<16xi32> to vector<16xi32>
      %swap3A_499 = vector.shape_cast %add3A_495 : vector<16xi32> to vector<16xi32>
      tpu.vector_store %arg9[%swap3A_496], %swap3A_499 {strides = array<i32>} : memref<7808xi32, #tpu.memory_space<vmem>>, vector<16xi32>,
      %mul3A_500 = arith.constant 128 : i32
      %mul3A_501 = arith.muli %scan3A_411, %mul3A_500 : i32
      %add3A_502 = arith.constant 80 : i32
      %add3A_503 = arith.addi %mul3A_501, %add3A_502 : i32
      %get3A_504 = arith.index_cast %add3A_503 : i32 to index
      %get3A_505 = tpu.vector_load %arg7[%get3A_504] {strides = array<i32>} : memref<7808xi32, #tpu.memory_space<vmem>>, vector<16xi32>,
      %get3A_506 = vector.shape_cast %get3A_505 : vector<16xi32> to vector<16xi32>
      %mul3A_507 = arith.constant 1000 : i32
      %mul3A_508 = vector.broadcast %mul3A_507 : i32 to vector<16xi32>
      %mul3A_509 = arith.muli %get3A_506, %mul3A_508 : vector<16xi32>
      %get3A_510 = arith.index_cast %add3A_503 : i32 to index
      %get3A_511 = tpu.vector_load %arg5[%get3A_510] {strides = array<i32>} : memref<7808xi32, #tpu.memory_space<vmem>>, vector<16xi32>,
      %get3A_512 = vector.shape_cast %get3A_511 : vector<16xi32> to vector<16xi32>
      %add3A_513 = arith.addi %mul3A_509, %get3A_512 : vector<16xi32>
      %swap3A_514 = arith.index_cast %add3A_503 : i32 to index
      %swap3A_515 = tpu.vector_load %arg9[%swap3A_514] {strides = array<i32>} : memref<7808xi32, #tpu.memory_space<vmem>>, vector<16xi32>,
      %swap3A_516 = vector.shape_cast %swap3A_515 : vector<16xi32> to vector<16xi32>
      %swap3A_517 = vector.shape_cast %add3A_513 : vector<16xi32> to vector<16xi32>
      tpu.vector_store %arg9[%swap3A_514], %swap3A_517 {strides = array<i32>} : memref<7808xi32, #tpu.memory_space<vmem>>, vector<16xi32>,
      %mul3A_518 = arith.constant 128 : i32
      %mul3A_519 = arith.muli %scan3A_411, %mul3A_518 : i32
      %add3A_520 = arith.constant 96 : i32
      %add3A_521 = arith.addi %mul3A_519, %add3A_520 : i32
      %get3A_522 = arith.index_cast %add3A_521 : i32 to index
      %get3A_523 = tpu.vector_load %arg7[%get3A_522] {strides = array<i32>} : memref<7808xi32, #tpu.memory_space<vmem>>, vector<16xi32>,
      %get3A_524 = vector.shape_cast %get3A_523 : vector<16xi32> to vector<16xi32>
      %mul3A_525 = arith.constant 1000 : i32
      %mul3A_526 = vector.broadcast %mul3A_525 : i32 to vector<16xi32>
      %mul3A_527 = arith.muli %get3A_524, %mul3A_526 : vector<16xi32>
      %get3A_528 = arith.index_cast %add3A_521 : i32 to index
      %get3A_529 = tpu.vector_load %arg5[%get3A_528] {strides = array<i32>} : memref<7808xi32, #tpu.memory_space<vmem>>, vector<16xi32>,
      %get3A_530 = vector.shape_cast %get3A_529 : vector<16xi32> to vector<16xi32>
      %add3A_531 = arith.addi %mul3A_527, %get3A_530 : vector<16xi32>
      %swap3A_532 = arith.index_cast %add3A_521 : i32 to index
      %swap3A_533 = tpu.vector_load %arg9[%swap3A_532] {strides = array<i32>} : memref<7808xi32, #tpu.memory_space<vmem>>, vector<16xi32>,
      %swap3A_534 = vector.shape_cast %swap3A_533 : vector<16xi32> to vector<16xi32>
      %swap3A_535 = vector.shape_cast %add3A_531 : vector<16xi32> to vector<16xi32>
      tpu.vector_store %arg9[%swap3A_532], %swap3A_535 {strides = array<i32>} : memref<7808xi32, #tpu.memory_space<vmem>>, vector<16xi32>,
      %mul3A_536 = arith.constant 128 : i32
      %mul3A_537 = arith.muli %scan3A_411, %mul3A_536 : i32
      %add3A_538 = arith.constant 112 : i32
      %add3A_539 = arith.addi %mul3A_537, %add3A_538 : i32
      %get3A_540 = arith.index_cast %add3A_539 : i32 to index
      %get3A_541 = tpu.vector_load %arg7[%get3A_540] {strides = array<i32>} : memref<7808xi32, #tpu.memory_space<vmem>>, vector<16xi32>,
      %get3A_542 = vector.shape_cast %get3A_541 : vector<16xi32> to vector<16xi32>
      %mul3A_543 = arith.constant 1000 : i32
      %mul3A_544 = vector.broadcast %mul3A_543 : i32 to vector<16xi32>
      %mul3A_545 = arith.muli %get3A_542, %mul3A_544 : vector<16xi32>
      %get3A_546 = arith.index_cast %add3A_539 : i32 to index
      %get3A_547 = tpu.vector_load %arg5[%get3A_546] {strides = array<i32>} : memref<7808xi32, #tpu.memory_space<vmem>>, vector<16xi32>,
      %get3A_548 = vector.shape_cast %get3A_547 : vector<16xi32> to vector<16xi32>
      %add3A_549 = arith.addi %mul3A_545, %get3A_548 : vector<16xi32>
      %swap3A_550 = arith.index_cast %add3A_539 : i32 to index
      %swap3A_551 = tpu.vector_load %arg9[%swap3A_550] {strides = array<i32>} : memref<7808xi32, #tpu.memory_space<vmem>>, vector<16xi32>,
      %swap3A_552 = vector.shape_cast %swap3A_551 : vector<16xi32> to vector<16xi32>
      %swap3A_553 = vector.shape_cast %add3A_549 : vector<16xi32> to vector<16xi32>
      tpu.vector_store %arg9[%swap3A_550], %swap3A_553 {strides = array<i32>} : memref<7808xi32, #tpu.memory_space<vmem>>, vector<16xi32>,
    }
    %scan3A_379 = arith.constant 61 : i32
    %dma_start3A_380 = arith.constant 0 : i32
    %dma_start3A_381 = tpu.memref_slice %arg15[%dma_start3A_380] : memref<1000000xf32, #tpu.memory_space<vmem_shared>> -> memref<1000000xf32, #tpu.memory_space<vmem_shared>>
    tpu.enqueue_indirect_dma source(%arg11 : memref<7808xf32, #tpu.memory_space<vmem>>) target(%dma_start3A_381 : memref<1000000xf32, #tpu.memory_space<vmem_shared>>) offsets(%arg9 : memref<7808xi32, #tpu.memory_space<vmem>>) semaphore(%arg20 : memref<!tpu.dma_semaphore, #tpu.memory_space<semaphore_mem>>) {add = true}
    %dma_wait3A_382 = tpu.memref_slice %arg2[%add3A_363] : memref<4000000xi32, #tpu.memory_space<hbm>> -> memref<7808xi32, #tpu.memory_space<hbm>>
    %dma_wait3A_383 = tpu.memref_slice %arg2[%add3A_363] : memref<4000000xi32, #tpu.memory_space<hbm>> -> memref<7808xi32, #tpu.memory_space<hbm>>
    tpu.wait_dma2 semaphore(%arg17 : memref<!tpu.dma_semaphore, #tpu.memory_space<semaphore_mem>>) src(%dma_wait3A_383 : memref<7808xi32, #tpu.memory_space<hbm>>) dst(%arg6 : memref<7808xi32, #tpu.memory_space<vmem>>)
    %dma_wait3A_384 = tpu.memref_slice %arg3[%add3A_363] : memref<4000000xi32, #tpu.memory_space<hbm>> -> memref<7808xi32, #tpu.memory_space<hbm>>
    %dma_wait3A_385 = tpu.memref_slice %arg3[%add3A_363] : memref<4000000xi32, #tpu.memory_space<hbm>> -> memref<7808xi32, #tpu.memory_space<hbm>>
    tpu.wait_dma2 semaphore(%arg19 : memref<!tpu.dma_semaphore, #tpu.memory_space<semaphore_mem>>) src(%dma_wait3A_385 : memref<7808xi32, #tpu.memory_space<hbm>>) dst(%arg8 : memref<7808xi32, #tpu.memory_space<vmem>>)
    %dma_wait3A_386 = arith.constant 0 : i32
    %dma_wait3A_387 = tpu.memref_slice %arg15[%dma_wait3A_386] : memref<1000000xf32, #tpu.memory_space<vmem_shared>> -> memref<1000000xf32, #tpu.memory_space<vmem_shared>>
    tpu.wait_indirect_dma semaphore(%arg21 : memref<!tpu.dma_semaphore, #tpu.memory_space<semaphore_mem>>) src(%arg11 : memref<7808xf32, #tpu.memory_space<vmem>>) dst(%dma_wait3A_387 : memref<1000000xf32, #tpu.memory_space<vmem_shared>>)
    %scan3A_388 = arith.constant 0 : i32
    %scan3A_389 = arith.constant 0 : i32
    %scan3A_390 = arith.constant 61 : i32
    %scan3A_391 = arith.addi %scan3A_389, %scan3A_390 : i32
    %scan3A_392 = arith.constant 1 : i32
    scf.for %scan3A_411 = %scan3A_389 to %scan3A_391 step %scan3A_392  : i32 {
      %mul3A_412 = arith.constant 128 : i32
      %mul3A_413 = arith.muli %scan3A_411, %mul3A_412 : i32
      %add3A_414 = arith.constant 0 : i32
      %add3A_415 = arith.addi %mul3A_413, %add3A_414 : i32
      %get3A = arith.index_cast %add3A_415 : i32 to index
      %get3A_416 = tpu.vector_load %arg8[%get3A] {strides = array<i32>} : memref<7808xi32, #tpu.memory_space<vmem>>, vector<16xi32>,
      %get3A_417 = vector.shape_cast %get3A_416 : vector<16xi32> to vector<16xi32>
      %mul3A_418 = arith.constant 1000 : i32
      %mul3A_419 = vector.broadcast %mul3A_418 : i32 to vector<16xi32>
      %mul3A_420 = arith.muli %get3A_417, %mul3A_419 : vector<16xi32>
      %get3A_421 = arith.index_cast %add3A_415 : i32 to index
      %get3A_422 = tpu.vector_load %arg6[%get3A_421] {strides = array<i32>} : memref<7808xi32, #tpu.memory_space<vmem>>, vector<16xi32>,
      %get3A_423 = vector.shape_cast %get3A_422 : vector<16xi32> to vector<16xi32>
      %add3A_424 = arith.addi %mul3A_420, %get3A_423 : vector<16xi32>
      %swap3A = arith.index_cast %add3A_415 : i32 to index
      %swap3A_425 = tpu.vector_load %arg10[%swap3A] {strides = array<i32>} : memref<7808xi32, #tpu.memory_space<vmem>>, vector<16xi32>,
      %swap3A_426 = vector.shape_cast %swap3A_425 : vector<16xi32> to vector<16xi32>
      %swap3A_427 = vector.shape_cast %add3A_424 : vector<16xi32> to vector<16xi32>
      tpu.vector_store %arg10[%swap3A], %swap3A_427 {strides = array<i32>} : memref<7808xi32, #tpu.memory_space<vmem>>, vector<16xi32>,
      %mul3A_428 = arith.constant 128 : i32
      %mul3A_429 = arith.muli %scan3A_411, %mul3A_428 : i32
      %add3A_430 = arith.constant 16 : i32
      %add3A_431 = arith.addi %mul3A_429, %add3A_430 : i32
      %get3A_432 = arith.index_cast %add3A_431 : i32 to index
      %get3A_433 = tpu.vector_load %arg8[%get3A_432] {strides = array<i32>} : memref<7808xi32, #tpu.memory_space<vmem>>, vector<16xi32>,
      %get3A_434 = vector.shape_cast %get3A_433 : vector<16xi32> to vector<16xi32>
      %mul3A_435 = arith.constant 1000 : i32
      %mul3A_436 = vector.broadcast %mul3A_435 : i32 to vector<16xi32>
      %mul3A_437 = arith.muli %get3A_434, %mul3A_436 : vector<16xi32>
      %get3A_438 = arith.index_cast %add3A_431 : i32 to index
      %get3A_439 = tpu.vector_load %arg6[%get3A_438] {strides = array<i32>} : memref<7808xi32, #tpu.memory_space<vmem>>, vector<16xi32>,
      %get3A_440 = vector.shape_cast %get3A_439 : vector<16xi32> to vector<16xi32>
      %add3A_441 = arith.addi %mul3A_437, %get3A_440 : vector<16xi32>
      %swap3A_442 = arith.index_cast %add3A_431 : i32 to index
      %swap3A_443 = tpu.vector_load %arg10[%swap3A_442] {strides = array<i32>} : memref<7808xi32, #tpu.memory_space<vmem>>, vector<16xi32>,
      %swap3A_444 = vector.shape_cast %swap3A_443 : vector<16xi32> to vector<16xi32>
      %swap3A_445 = vector.shape_cast %add3A_441 : vector<16xi32> to vector<16xi32>
      tpu.vector_store %arg10[%swap3A_442], %swap3A_445 {strides = array<i32>} : memref<7808xi32, #tpu.memory_space<vmem>>, vector<16xi32>,
      %mul3A_446 = arith.constant 128 : i32
      %mul3A_447 = arith.muli %scan3A_411, %mul3A_446 : i32
      %add3A_448 = arith.constant 32 : i32
      %add3A_449 = arith.addi %mul3A_447, %add3A_448 : i32
      %get3A_450 = arith.index_cast %add3A_449 : i32 to index
      %get3A_451 = tpu.vector_load %arg8[%get3A_450] {strides = array<i32>} : memref<7808xi32, #tpu.memory_space<vmem>>, vector<16xi32>,
      %get3A_452 = vector.shape_cast %get3A_451 : vector<16xi32> to vector<16xi32>
      %mul3A_453 = arith.constant 1000 : i32
      %mul3A_454 = vector.broadcast %mul3A_453 : i32 to vector<16xi32>
      %mul3A_455 = arith.muli %get3A_452, %mul3A_454 : vector<16xi32>
      %get3A_456 = arith.index_cast %add3A_449 : i32 to index
      %get3A_457 = tpu.vector_load %arg6[%get3A_456] {strides = array<i32>} : memref<7808xi32, #tpu.memory_space<vmem>>, vector<16xi32>,
      %get3A_458 = vector.shape_cast %get3A_457 : vector<16xi32> to vector<16xi32>
      %add3A_459 = arith.addi %mul3A_455, %get3A_458 : vector<16xi32>
      %swap3A_460 = arith.index_cast %add3A_449 : i32 to index
      %swap3A_461 = tpu.vector_load %arg10[%swap3A_460] {strides = array<i32>} : memref<7808xi32, #tpu.memory_space<vmem>>, vector<16xi32>,
      %swap3A_462 = vector.shape_cast %swap3A_461 : vector<16xi32> to vector<16xi32>
      %swap3A_463 = vector.shape_cast %add3A_459 : vector<16xi32> to vector<16xi32>
      tpu.vector_store %arg10[%swap3A_460], %swap3A_463 {strides = array<i32>} : memref<7808xi32, #tpu.memory_space<vmem>>, vector<16xi32>,
      %mul3A_464 = arith.constant 128 : i32
      %mul3A_465 = arith.muli %scan3A_411, %mul3A_464 : i32
      %add3A_466 = arith.constant 48 : i32
      %add3A_467 = arith.addi %mul3A_465, %add3A_466 : i32
      %get3A_468 = arith.index_cast %add3A_467 : i32 to index
      %get3A_469 = tpu.vector_load %arg8[%get3A_468] {strides = array<i32>} : memref<7808xi32, #tpu.memory_space<vmem>>, vector<16xi32>,
      %get3A_470 = vector.shape_cast %get3A_469 : vector<16xi32> to vector<16xi32>
      %mul3A_471 = arith.constant 1000 : i32
      %mul3A_472 = vector.broadcast %mul3A_471 : i32 to vector<16xi32>
      %mul3A_473 = arith.muli %get3A_470, %mul3A_472 : vector<16xi32>
      %get3A_474 = arith.index_cast %add3A_467 : i32 to index
      %get3A_475 = tpu.vector_load %arg6[%get3A_474] {strides = array<i32>} : memref<7808xi32, #tpu.memory_space<vmem>>, vector<16xi32>,
      %get3A_476 = vector.shape_cast %get3A_475 : vector<16xi32> to vector<16xi32>
      %add3A_477 = arith.addi %mul3A_473, %get3A_476 : vector<16xi32>
      %swap3A_478 = arith.index_cast %add3A_467 : i32 to index
      %swap3A_479 = tpu.vector_load %arg10[%swap3A_478] {strides = array<i32>} : memref<7808xi32, #tpu.memory_space<vmem>>, vector<16xi32>,
      %swap3A_480 = vector.shape_cast %swap3A_479 : vector<16xi32> to vector<16xi32>
      %swap3A_481 = vector.shape_cast %add3A_477 : vector<16xi32> to vector<16xi32>
      tpu.vector_store %arg10[%swap3A_478], %swap3A_481 {strides = array<i32>} : memref<7808xi32, #tpu.memory_space<vmem>>, vector<16xi32>,
      %mul3A_482 = arith.constant 128 : i32
      %mul3A_483 = arith.muli %scan3A_411, %mul3A_482 : i32
      %add3A_484 = arith.constant 64 : i32
      %add3A_485 = arith.addi %mul3A_483, %add3A_484 : i32
      %get3A_486 = arith.index_cast %add3A_485 : i32 to index
      %get3A_487 = tpu.vector_load %arg8[%get3A_486] {strides = array<i32>} : memref<7808xi32, #tpu.memory_space<vmem>>, vector<16xi32>,
      %get3A_488 = vector.shape_cast %get3A_487 : vector<16xi32> to vector<16xi32>
      %mul3A_489 = arith.constant 1000 : i32
      %mul3A_490 = vector.broadcast %mul3A_489 : i32 to vector<16xi32>
      %mul3A_491 = arith.muli %get3A_488, %mul3A_490 : vector<16xi32>
      %get3A_492 = arith.index_cast %add3A_485 : i32 to index
      %get3A_493 = tpu.vector_load %arg6[%get3A_492] {strides = array<i32>} : memref<7808xi32, #tpu.memory_space<vmem>>, vector<16xi32>,
      %get3A_494 = vector.shape_cast %get3A_493 : vector<16xi32> to vector<16xi32>
      %add3A_495 = arith.addi %mul3A_491, %get3A_494 : vector<16xi32>
      %swap3A_496 = arith.index_cast %add3A_485 : i32 to index
      %swap3A_497 = tpu.vector_load %arg10[%swap3A_496] {strides = array<i32>} : memref<7808xi32, #tpu.memory_space<vmem>>, vector<16xi32>,
      %swap3A_498 = vector.shape_cast %swap3A_497 : vector<16xi32> to vector<16xi32>
      %swap3A_499 = vector.shape_cast %add3A_495 : vector<16xi32> to vector<16xi32>
      tpu.vector_store %arg10[%swap3A_496], %swap3A_499 {strides = array<i32>} : memref<7808xi32, #tpu.memory_space<vmem>>, vector<16xi32>,
      %mul3A_500 = arith.constant 128 : i32
      %mul3A_501 = arith.muli %scan3A_411, %mul3A_500 : i32
      %add3A_502 = arith.constant 80 : i32
      %add3A_503 = arith.addi %mul3A_501, %add3A_502 : i32
      %get3A_504 = arith.index_cast %add3A_503 : i32 to index
      %get3A_505 = tpu.vector_load %arg8[%get3A_504] {strides = array<i32>} : memref<7808xi32, #tpu.memory_space<vmem>>, vector<16xi32>,
      %get3A_506 = vector.shape_cast %get3A_505 : vector<16xi32> to vector<16xi32>
      %mul3A_507 = arith.constant 1000 : i32
      %mul3A_508 = vector.broadcast %mul3A_507 : i32 to vector<16xi32>
      %mul3A_509 = arith.muli %get3A_506, %mul3A_508 : vector<16xi32>
      %get3A_510 = arith.index_cast %add3A_503 : i32 to index
      %get3A_511 = tpu.vector_load %arg6[%get3A_510] {strides = array<i32>} : memref<7808xi32, #tpu.memory_space<vmem>>, vector<16xi32>,
      %get3A_512 = vector.shape_cast %get3A_511 : vector<16xi32> to vector<16xi32>
      %add3A_513 = arith.addi %mul3A_509, %get3A_512 : vector<16xi32>
      %swap3A_514 = arith.index_cast %add3A_503 : i32 to index
      %swap3A_515 = tpu.vector_load %arg10[%swap3A_514] {strides = array<i32>} : memref<7808xi32, #tpu.memory_space<vmem>>, vector<16xi32>,
      %swap3A_516 = vector.shape_cast %swap3A_515 : vector<16xi32> to vector<16xi32>
      %swap3A_517 = vector.shape_cast %add3A_513 : vector<16xi32> to vector<16xi32>
      tpu.vector_store %arg10[%swap3A_514], %swap3A_517 {strides = array<i32>} : memref<7808xi32, #tpu.memory_space<vmem>>, vector<16xi32>,
      %mul3A_518 = arith.constant 128 : i32
      %mul3A_519 = arith.muli %scan3A_411, %mul3A_518 : i32
      %add3A_520 = arith.constant 96 : i32
      %add3A_521 = arith.addi %mul3A_519, %add3A_520 : i32
      %get3A_522 = arith.index_cast %add3A_521 : i32 to index
      %get3A_523 = tpu.vector_load %arg8[%get3A_522] {strides = array<i32>} : memref<7808xi32, #tpu.memory_space<vmem>>, vector<16xi32>,
      %get3A_524 = vector.shape_cast %get3A_523 : vector<16xi32> to vector<16xi32>
      %mul3A_525 = arith.constant 1000 : i32
      %mul3A_526 = vector.broadcast %mul3A_525 : i32 to vector<16xi32>
      %mul3A_527 = arith.muli %get3A_524, %mul3A_526 : vector<16xi32>
      %get3A_528 = arith.index_cast %add3A_521 : i32 to index
      %get3A_529 = tpu.vector_load %arg6[%get3A_528] {strides = array<i32>} : memref<7808xi32, #tpu.memory_space<vmem>>, vector<16xi32>,
      %get3A_530 = vector.shape_cast %get3A_529 : vector<16xi32> to vector<16xi32>
      %add3A_531 = arith.addi %mul3A_527, %get3A_530 : vector<16xi32>
      %swap3A_532 = arith.index_cast %add3A_521 : i32 to index
      %swap3A_533 = tpu.vector_load %arg10[%swap3A_532] {strides = array<i32>} : memref<7808xi32, #tpu.memory_space<vmem>>, vector<16xi32>,
      %swap3A_534 = vector.shape_cast %swap3A_533 : vector<16xi32> to vector<16xi32>
      %swap3A_535 = vector.shape_cast %add3A_531 : vector<16xi32> to vector<16xi32>
      tpu.vector_store %arg10[%swap3A_532], %swap3A_535 {strides = array<i32>} : memref<7808xi32, #tpu.memory_space<vmem>>, vector<16xi32>,
      %mul3A_536 = arith.constant 128 : i32
      %mul3A_537 = arith.muli %scan3A_411, %mul3A_536 : i32
      %add3A_538 = arith.constant 112 : i32
      %add3A_539 = arith.addi %mul3A_537, %add3A_538 : i32
      %get3A_540 = arith.index_cast %add3A_539 : i32 to index
      %get3A_541 = tpu.vector_load %arg8[%get3A_540] {strides = array<i32>} : memref<7808xi32, #tpu.memory_space<vmem>>, vector<16xi32>,
      %get3A_542 = vector.shape_cast %get3A_541 : vector<16xi32> to vector<16xi32>
      %mul3A_543 = arith.constant 1000 : i32
      %mul3A_544 = vector.broadcast %mul3A_543 : i32 to vector<16xi32>
      %mul3A_545 = arith.muli %get3A_542, %mul3A_544 : vector<16xi32>
      %get3A_546 = arith.index_cast %add3A_539 : i32 to index
      %get3A_547 = tpu.vector_load %arg6[%get3A_546] {strides = array<i32>} : memref<7808xi32, #tpu.memory_space<vmem>>, vector<16xi32>,
      %get3A_548 = vector.shape_cast %get3A_547 : vector<16xi32> to vector<16xi32>
      %add3A_549 = arith.addi %mul3A_545, %get3A_548 : vector<16xi32>
      %swap3A_550 = arith.index_cast %add3A_539 : i32 to index
      %swap3A_551 = tpu.vector_load %arg10[%swap3A_550] {strides = array<i32>} : memref<7808xi32, #tpu.memory_space<vmem>>, vector<16xi32>,
      %swap3A_552 = vector.shape_cast %swap3A_551 : vector<16xi32> to vector<16xi32>
      %swap3A_553 = vector.shape_cast %add3A_549 : vector<16xi32> to vector<16xi32>
      tpu.vector_store %arg10[%swap3A_550], %swap3A_553 {strides = array<i32>} : memref<7808xi32, #tpu.memory_space<vmem>>, vector<16xi32>,
    }
    %scan3A_393 = arith.constant 61 : i32
    %dma_start3A_394 = arith.constant 0 : i32
    %dma_start3A_395 = tpu.memref_slice %arg15[%dma_start3A_394] : memref<1000000xf32, #tpu.memory_space<vmem_shared>> -> memref<1000000xf32, #tpu.memory_space<vmem_shared>>
    tpu.enqueue_indirect_dma source(%arg11 : memref<7808xf32, #tpu.memory_space<vmem>>) target(%dma_start3A_395 : memref<1000000xf32, #tpu.memory_space<vmem_shared>>) offsets(%arg10 : memref<7808xi32, #tpu.memory_space<vmem>>) semaphore(%arg21 : memref<!tpu.dma_semaphore, #tpu.memory_space<semaphore_mem>>) {add = true}
    %dma_wait3A_396 = arith.constant 0 : i32
    %dma_wait3A_397 = tpu.memref_slice %arg15[%dma_wait3A_396] : memref<1000000xf32, #tpu.memory_space<vmem_shared>> -> memref<1000000xf32, #tpu.memory_space<vmem_shared>>
    tpu.wait_indirect_dma semaphore(%arg20 : memref<!tpu.dma_semaphore, #tpu.memory_space<semaphore_mem>>) src(%arg11 : memref<7808xf32, #tpu.memory_space<vmem>>) dst(%dma_wait3A_397 : memref<1000000xf32, #tpu.memory_space<vmem_shared>>)
    %dma_wait3A_398 = arith.constant 0 : i32
    %dma_wait3A_399 = tpu.memref_slice %arg15[%dma_wait3A_398] : memref<1000000xf32, #tpu.memory_space<vmem_shared>> -> memref<1000000xf32, #tpu.memory_space<vmem_shared>>
    tpu.wait_indirect_dma semaphore(%arg21 : memref<!tpu.dma_semaphore, #tpu.memory_space<semaphore_mem>>) src(%arg11 : memref<7808xf32, #tpu.memory_space<vmem>>) dst(%dma_wait3A_399 : memref<1000000xf32, #tpu.memory_space<vmem_shared>>)
    %lt3A_400 = arith.constant 18 : i32
    %lt3A_401 = arith.cmpi slt, %add3A, %lt3A_400 : i32
    %convert_element_type3A_402 = arith.extui %lt3A_401 : i1 to i32
    %cond3A_403 = arith.constant 0 : i32
    %cond3A_404 = arith.cmpi ne, %convert_element_type3A_402, %cond3A_403 : i32
    scf.if %cond3A_404 {
      %dma_wait3A_411 = arith.constant 0 : i32
      %dma_wait3A_412 = tpu.memref_slice %arg11[%dma_wait3A_411] : memref<7808xf32, #tpu.memory_space<vmem>> -> memref<128xf32, #tpu.memory_space<vmem>>
      %dma_wait3A_413 = arith.constant 0 : i32
      %dma_wait3A_414 = tpu.memref_slice %arg15[%dma_wait3A_413] : memref<1000000xf32, #tpu.memory_space<vmem_shared>> -> memref<1000000xf32, #tpu.memory_space<vmem_shared>>
      tpu.wait_indirect_dma semaphore(%arg22 : memref<!tpu.dma_semaphore, #tpu.memory_space<semaphore_mem>>) src(%dma_wait3A_412 : memref<128xf32, #tpu.memory_space<vmem>>) dst(%dma_wait3A_414 : memref<1000000xf32, #tpu.memory_space<vmem_shared>>)
    } else {
    }
    %barrier3A_405 = arith.constant 0 : index
    tpu.barrier barrier_id(%barrier3A_405)
    %eq3A_406 = arith.constant 0 : i32
    %eq3A_407 = arith.cmpi eq, %arg1, %eq3A_406 : i32
    %convert_element_type3A_408 = arith.extui %eq3A_407 : i1 to i32
    %cond3A_409 = arith.constant 0 : i32
    %cond3A_410 = arith.cmpi ne, %convert_element_type3A_408, %cond3A_409 : i32
    scf.if %cond3A_410 {
      "tpu.region"() ({
        %run_scoped3A = tpu.sem_alloc : memref<!tpu.dma_semaphore, #tpu.memory_space<semaphore_mem>>
        %dma_start3A_411 = arith.constant 0 : i32
        %dma_start3A_412 = tpu.memref_slice %arg4[%arg0, %dma_start3A_411] : memref<2x1000000xf32, #tpu.memory_space<hbm>> -> memref<1x1000000xf32, #tpu.memory_space<hbm>>
        %dma_start3A_413 = tpu.memref_squeeze %dma_start3A_412 : memref<1x1000000xf32, #tpu.memory_space<hbm>> -> memref<1000000xf32, #tpu.memory_space<hbm>>
        tpu.enqueue_dma source(%arg15 : memref<1000000xf32, #tpu.memory_space<vmem_shared>>) target(%dma_start3A_413 : memref<1000000xf32, #tpu.memory_space<hbm>>) target_semaphore(%run_scoped3A : memref<!tpu.dma_semaphore, #tpu.memory_space<semaphore_mem>>)
        %dma_wait3A_414 = arith.constant 0 : i32
        %dma_wait3A_415 = tpu.memref_slice %arg4[%arg0, %dma_wait3A_414] : memref<2x1000000xf32, #tpu.memory_space<hbm>> -> memref<1x1000000xf32, #tpu.memory_space<hbm>>
        %dma_wait3A_416 = tpu.memref_squeeze %dma_wait3A_415 : memref<1x1000000xf32, #tpu.memory_space<hbm>> -> memref<1000000xf32, #tpu.memory_space<hbm>>
        tpu.wait_dma2 semaphore(%run_scoped3A : memref<!tpu.dma_semaphore, #tpu.memory_space<semaphore_mem>>) src(%arg15 : memref<1000000xf32, #tpu.memory_space<vmem_shared>>) dst(%dma_wait3A_416 : memref<1000000xf32, #tpu.memory_space<hbm>>)
        tpu.yield
      }) : () -> ()
    } else {
    }
    return
  }
}

module attributes {stable_mosaic.version = 14 : i64} {
  func.func @_merge_body(%arg0: i32, %arg1: memref<2x200x1000xf32, #tpu.memory_space<vmem>>, %arg2: memref<200x1000xf32, #tpu.memory_space<vmem>>) attributes {dimension_semantics = [#tpu.dimension_semantics<arbitrary>], iteration_bounds = array<i64: 5>, scalar_prefetch = 0 : i64, scratch_operands = 0 : i64, tpu.core_type = #tpu.core_type<tc>, window_params = [{transform_indices = @transform_0, window_bounds = array<i64: 2, 200, 1000>}, {transform_indices = @transform_1, window_bounds = array<i64: 200, 1000>}]} {
    %get3A = arith.constant 0 : index
    %get3A_0 = arith.constant 0 : index
    %get3A_1 = arith.constant 0 : index
    %get3A_2 = vector.load %arg1[%get3A, %get3A_0, %get3A_1] : memref<2x200x1000xf32, #tpu.memory_space<vmem>>, vector<1x200x1000xf32>
    %get3A_3 = vector.shape_cast %get3A_2 : vector<1x200x1000xf32> to vector<200x1000xf32>
    %get3A_4 = arith.constant 1 : index
    %get3A_5 = arith.constant 0 : index
    %get3A_6 = arith.constant 0 : index
    %get3A_7 = vector.load %arg1[%get3A_4, %get3A_5, %get3A_6] : memref<2x200x1000xf32, #tpu.memory_space<vmem>>, vector<1x200x1000xf32>
    %get3A_8 = vector.shape_cast %get3A_7 : vector<1x200x1000xf32> to vector<200x1000xf32>
    %add3A = arith.addf %get3A_3, %get3A_8 : vector<200x1000xf32>
    %swap3A = arith.constant 0 : index
    %swap3A_9 = arith.constant 0 : index
    %swap3A_10 = vector.load %arg2[%swap3A, %swap3A_9] : memref<200x1000xf32, #tpu.memory_space<vmem>>, vector<200x1000xf32>
    tpu.vector_store %arg2[%swap3A, %swap3A_9], %add3A {strides = array<i32>} : memref<200x1000xf32, #tpu.memory_space<vmem>>, vector<200x1000xf32>,
    return
  }
  func.func @transform_0(%arg0: i32) -> (i32, i32, i32) {
    %c0_i32 = arith.constant 0 : i32
    %c0_i32_0 = arith.constant 0 : i32
    %c0_i32_1 = arith.constant 0 : i32
    return %c0_i32, %arg0, %c0_i32_0 : i32, i32, i32
  }
  func.func @transform_1(%arg0: i32) -> (i32, i32) {
    %c0_i32 = arith.constant 0 : i32
    %c0_i32_0 = arith.constant 0 : i32
    return %arg0, %c0_i32 : i32, i32
  }
}

</mosaic_0001>

<sc_bundles>
// kernel: kernel.4.cloned.1.call-start
scs
__scs_entry_jumppad:
0x0: {  	(pc) =	sbr.rel $0x88, $3  }
0x1: {  	(tag) =	ssettag $0x0;
	lr =	simm.s32 $0x1  }
0x2: {  	[smem:$0x3F9F] =	sst lr;
	_ =	strace $0xD0000000  }
0x3: {  	_ = 	snop  }
0x4: {  	_ = 	snop  }
0x5: {  	_ = 	snop  }
0x6: {  	_ = 	snop  }
0x7: {  	_ = 	snop  }
__scs_overlays_trampoline_lowered:
0x8: {  	[smem:$0x3FAE] =	sst s0  }
0x9: {  	[smem:$0x3FAF] =	sst s1  }
0xa: {  	[smem:$0x3FB0] =	sst s2  }
0xb: {  	[smem:$0x3FB1] =	sst s3  }
0xc: {  	[smem:$0x3FB2] =	sst s4  }
0xd: {  	[smem:$0x3FB3] =	sst s5  }
0xe: {  	[smem:$0x3FB4] =	sst s6  }
0xf: {  	[smem:$0x3FB5] =	sst s7  }
0x10: {  	[smem:$0x3FB6] =	sst s8  }
0x11: {  	[smem:$0x3FB7] =	sst s9;
	s0 =	simm.s32 @!p0 $0x0  }
0x12: {  	s1 =	sld [smem:$0x3F9D];
	s0 =	simm.s32 @p0 $0x1  }
0x13: {  	[smem:$0x3FB8] =	sst s0;
	s0 =	simm.s32 @!p1 $0x0  }
0x14: {  	s2 =	sld [smem:$0x3F9C];
	s0 =	simm.s32 @p1 $0x1  }
0x15: {  	[smem:$0x3FB9] =	sst s0;
	s0 =	simm.s32 @!p2 $0x0  }
0x16: {  	s3 =	sld [smem:$0x3FDB];
	s0 =	simm.s32 @p2 $0x1  }
0x17: {  	s4 =	simm.s32 $0x1BF5;
	[smem:$0x3FBB] =	sst s0  }
0x18: {  	s0 =	sld [smem:$0x3F9E];
	_ =	swait.ge [sflag:s4], $0x0  }
0x19: {  	s7 =	sld [smem:$0x3F9F]  }
0x1a: {  	s8 =	sadd.s32 $0xFFFFE003, lr  }
0x1b: {  	s9 =	sadd.s32 $0xFFFFFEF7, lr;
	s5 =	simm.s32 $0xFFFFFFFF;
	p2 =	slt.u32 s8, $0xFFFFF086  }
0x1c: {  	p1 =	slt.u32 s9, $0xF7A;
	s5 =	simm.s32 @!p2 $0x0  }
0x1d: {  	s5 =	simm.s32 @p1 $0x1;
	p0 =	seq.s32 s7, s2  }
0x1e: {  	s7 =	smul.u32 @!p0 $0xF7A, s2;
	p2 =	seq.s32 @!p0 s5, $0x0  }
0x1f: {  	s9 =	smul.u32 $0xF7A, s1;
	s8 =	simm.s32 @!p0 $0x1BF5;
	p2 =	por !p2, p0  }
0x20: {  	[sflag:s8] =	ssyncset.s32 @!p0 $0xFFFFF086;
	s6 =	sadd.s32 @!p0 s3, s7;
	s7 =	simm.s32 @!p0 $0x108  }
0x21: {  	s3 =	sadd.s32 s3, s9;
	s6 =	sadd.s32 @!p0 $0x88, s6;
	s7 =	simm.s32 @p2 $0x1082  }
0x22: {  	[simem:s7], [sflag:s8] =	dma.local @!p0 [hbm:s6], $0xF7A  }
0x23: {  	s9 =	sor.u32 $0xD0000000, s2;
	s6 =	simm.s32 $0x108;
	_ =	swait.ge @!p0 [sflag:s8], $0x0  }
0x24: {  	s3 =	sadd.s32 $0x88, s3;
	s6 =	simm.s32 @!p1 $0x1082;
	[sflag:s4] =	ssyncset.s32 $0xFFFFF086  }
0x25: {  	[simem:s6], [sflag:s4] =	dma.local [hbm:s3], $0xF7A  }
0x26: {  	[smem:$0x3F9F] =	sst s1;
	(tag) =	ssettag s2;
	_ =	strace s9  }
0x27: {  	s1 =	sld [smem:$0x3FAF]  }
0x28: {  	s2 =	sld [smem:$0x3FB0]  }
0x29: {  	s4 =	sld [smem:$0x3FB2]  }
0x2a: {  	p0 =	seq.s32 s5, $0x0;
	s5 =	sld [smem:$0x3FB3]  }
0x2b: {  	s6 =	sld [smem:$0x3FB4]  }
0x2c: {  	s7 =	sld [smem:$0x3FB5]  }
0x2d: {  	s3 =	simm.s32 $0x108;
	s8 =	sld [smem:$0x3FB6]  }
0x2e: {  	s3 =	simm.s32 @!p0 $0x1082;
	s9 =	sld [smem:$0x3FB7]  }
0x2f: {  	lr =	sadd.s32 s0, s3;
	s0 =	sld [smem:$0x3FAE]  }
0x30: {  	s3 =	sld [smem:$0x3FB1]  }
0x31: {  	[smem:$0x3FBA] =	sst s10  }
0x32: {  	s10 =	sld [smem:$0x3FB8];
	_ =	sdelay $0x3  }
0x33: {  	p0 =	seq.s32 s10, $0x1;
	s10 =	sld [smem:$0x3FBA];
	_ =	sdelay $0x3  }
0x34: {  	[smem:$0x3FBA] =	sst s10  }
0x35: {  	s10 =	sld [smem:$0x3FB9];
	_ =	sdelay $0x3  }
0x36: {  	p1 =	seq.s32 s10, $0x1;
	s10 =	sld [smem:$0x3FBA];
	_ =	sdelay $0x3  }
0x37: {  	[smem:$0x3FBA] =	sst s10  }
0x38: {  	s10 =	sld [smem:$0x3FBB]  }
0x39: {  	_ = 	snop;
	(pc) =	sbr.ind lr, $3  }
0x3a: {  	_ = 	snop  }
0x3b: {  	_ = 	snop  }
0x3c: {  	p2 =	seq.s32 s10, $0x1;
	s10 =	sld [smem:$0x3FBA]  }
0x3d: {  	_ =	shalt  }
0x3e: {  	_ =	shalt  }
0x3f: {  	_ =	shalt  }
0x40: {  	_ =	shalt  }
0x41: {  	_ =	shalt  }
0x42: {  	_ =	shalt  }
0x43: {  	_ =	shalt  }
0x44: {  	_ =	shalt  }
0x45: {  	_ =	shalt  }
0x46: {  	_ =	shalt  }
0x47: {  	_ =	shalt  }
0x48: {  	_ =	shalt  }
0x49: {  	_ =	shalt  }
0x4a: {  	_ =	shalt  }
0x4b: {  	_ =	shalt  }
0x4c: {  	_ =	shalt  }
0x4d: {  	_ =	shalt  }
0x4e: {  	_ =	shalt  }
0x4f: {  	_ =	shalt  }
0x50: {  	_ =	shalt  }
0x51: {  	_ =	shalt  }
0x52: {  	_ =	shalt  }
0x53: {  	_ =	shalt  }
0x54: {  	_ =	shalt  }
0x55: {  	_ =	shalt  }
0x56: {  	_ =	shalt  }
0x57: {  	_ =	shalt  }
0x58: {  	_ =	shalt  }
0x59: {  	_ =	shalt  }
0x5a: {  	_ =	shalt  }
0x5b: {  	_ =	shalt  }
0x5c: {  	_ =	shalt  }
0x5d: {  	_ =	shalt  }
0x5e: {  	_ =	shalt  }
0x5f: {  	_ =	shalt  }
0x60: {  	_ =	shalt  }
0x61: {  	_ =	shalt  }
0x62: {  	_ =	shalt  }
0x63: {  	_ =	shalt  }
0x64: {  	_ =	shalt  }
0x65: {  	_ =	shalt  }
0x66: {  	_ =	shalt  }
0x67: {  	_ =	shalt  }
0x68: {  	_ =	shalt  }
0x69: {  	_ =	shalt  }
0x6a: {  	_ =	shalt  }
0x6b: {  	_ =	shalt  }
0x6c: {  	_ =	shalt  }
0x6d: {  	_ =	shalt  }
0x6e: {  	_ =	shalt  }
0x6f: {  	_ =	shalt  }
0x70: {  	_ =	shalt  }
0x71: {  	_ =	shalt  }
0x72: {  	_ =	shalt  }
0x73: {  	_ =	shalt  }
0x74: {  	_ =	shalt  }
0x75: {  	_ =	shalt  }
0x76: {  	_ =	shalt  }
0x77: {  	_ =	shalt  }
0x78: {  	_ =	shalt  }
0x79: {  	_ =	shalt  }
0x7a: {  	_ =	shalt  }
0x7b: {  	_ =	shalt  }
0x7c: {  	_ =	shalt  }
0x7d: {  	_ =	shalt  }
0x7e: {  	_ =	shalt  }
0x7f: {  	_ =	shalt  }
0x80: {  	_ =	shalt  }
0x81: {  	_ =	shalt  }
0x82: {  	_ =	shalt  }
0x83: {  	_ =	shalt  }
0x84: {  	_ =	shalt  }
0x85: {  	_ =	shalt  }
0x86: {  	_ =	shalt  }
0x87: {  	_ =	shalt  }
.Lfunc_end0:
.L_simem_size_0:
called_computation_lowered:
.L_overlay_start_0:
0x88: {  	s2 =	sld [smem:$0x3FD9]  }
0x89: {  	s3 =	sld [smem:$0x3FFE];
	_ =	sdelay $0x1  }
0x8a: {  	s1 =	srdreg.scid  }
0x8b: {  	s0 =	sand.u32 $0x1, s1  }
0x8c: {  	s17 =	sshll.u32 s0, $0xA;
	s2 =	sadd.s32 s3, s2  }
0x8d: {  	s2 =	sadd.s32 s2, s17  }
0x8e: {  	[smem:$0x3FC6] =	sst s2  }
0x8f: {  	_ = 	snop  }
0x90: {  	s2 =	sld [smem:$0x3FC9]  }
0x91: {  	s18 =	sld [smem:$0x3FC8];
	(tm) =	ssettm $0x1  }
0x92: {  	s4 =	sld [smem:$0x3FFB];
	_ =	sdelay $0x3  }
0x93: {  	_ =	strace s4  }
0x94: {  	s4 =	sld [smem:$0x3FFC];
	_ =	sdelay $0x3  }
0x95: {  	_ =	strace s4  }
0x96: {  	s4 =	sld [smem:$0x3FFD];
	_ =	sdelay $0x3  }
0x97: {  	_ =	strace s4  }
0x98: {  	_ =	strace $0x8FFFFFFF  }
0x99: {  	s19 =	sld [smem:$0x3FDB];
	_ =	sdelay $0x1  }
0x9a: {  	s5 =	simm.s32 $_scs_section_size  }
0x9b: {  	s6 =	simm.s32 $_size__tile_overlayer_lowered;
	s7 =	simm.s32 $_tile_overlayer_lowered  }
0x9c: {  	s22 =	simm.s32 $0x1BFF;
	s21 =	sshll.u32 s7, $0x1;
	s4 =	sadd.s32 s5, s19  }
0x9d: {  	s8 =	simm.s32 $0x0;
	s20 =	sshll.u32 s6, $0x1;
	s6 =	sadd.s32 s21, s4  }
0x9e: {  	[timem:s8], [sflag:s22] =	dma.local [hbm:s6], s20  }
0x9f: {  	_ =	swait.ge [sflag:s22], s20  }
0xa0: {  	s5 =	ssub.s32 $0x0, s20;
	[sflag:s22] =	ssyncset.done $0x0  }
0xa1: {  	[sflag:s22] =	ssyncadd.s32 s5;
	_ =	sdelay $0x1  }
0xa2: {  	s23 =	simm.s32 $0x1B8B  }
0xa3: {  	_ =	swait.ge [sflag:s23], $0x1  }
0xa4: {  	[sflag:s23] =	ssyncset.done $0x0  }
0xa5: {  	s25 =	simm.s32 $0x1B8E;
	s24 =	sld [smem:$0x3FFE];
	[sflag:s23] =	ssyncadd.s32 $0xFFFFFFFF  }
0xa6: {  	s26 =	simm.s32 $execute0_lowered;
	[smem:$0x3FD2] =	sst s25  }
0xa7: {  	s6 =	sshll.u32 s26, $0x1;
	_ =	strace $0x80000046;
	[dreg:$0x1] =	wrdreg $0xFFFFFFFF  }
0xa8: {  	s28 =	simm.s32 $_size_execute0_lowered;
	s4 =	sadd.s32 s4, s6;
	[dreg:$0x0] =	wrdreg $0x0  }
0xa9: {  	s6 =	sshll.u32 s28, $0x1;
	[dreg:$0x2] =	wrdreg s4  }
0xaa: {  	[dreg:$0x3] =	wrdreg s6  }
0xab: {  	[dreg:$0x4] =	wrdreg $0xC0  }
0xac: {  	_ =	task [dreg:s8], $0x5FFFF  }
0xad: {  	[dreg:$0x1] =	wrdreg $0xFFFFFFFF  }
0xae: {  	[dreg:$0x0] =	wrdreg $0x60  }
0xaf: {  	[dreg:$0x2] =	wrdreg s2  }
0xb0: {  	[dreg:$0x3] =	wrdreg s18  }
0xb1: {  	[dreg:$0x4] =	wrdreg s24  }
0xb2: {  	[dreg:$0x5] =	wrdreg $0xD7000  }
0xb3: {  	[dreg:$0x6] =	wrdreg $0x9  }
0xb4: {  	_ =	task.clear_ibuf [dreg:s8], $0x7FFFF;
	_ =	strace $0x90000046  }
0xb5: {  	s29 =	simm.s32 $0x9;
	_ =	strace $0x80000048  }
0xb6: {  	_ =	swait.ge [sflag:s29], $0x1  }
0xb7: {  	[sflag:s29] =	ssyncadd.s32 $0xFFFFFFFF  }
0xb8: {  	_ =	strace $0x90000048  }
0xb9: {  	_ =	sfence  }
0xba: {  	s30 =	sld [smem:$0x0];
	_ =	sdelay $0x2  }
0xbb: {  	s31 =	sshll.u32 s1, $0xD;
	s1 =	sshrl.u32 s1, $0x2  }
0xbc: {  	s3 =	sand.u32 $0x4000, s31;
	s1 =	sadd.s32 s1, s30  }
0xbd: {  	s0 =	sor.u32 s3, s0;
	s1 =	sshll.u32 s1, $0x11  }
0xbe: {  	s0 =	sor.u32 s1, s0  }
0xbf: {  	s0 =	sadd.s32 $0x8F2B, s0  }
0xc0: {  	[sflag:s0] =	ssyncadd.remote.s32 $0x1  }
0xc1: {  	_ =	sfence.sel $0xFFFF  }
0xc2: {  	[dreg:$0x0] =	wrdreg $0xFFFFFFFF;
	(pc) =	sbr.abs _section_cstart, $3  }
0xc3: {  	[dreg:$0x1] =	wrdreg $0xFFFFFFFF  }
0xc4: {  	_ =	task.clear_ibuf [dreg:s8], $0x2FFFF;
	_ =	strace $0x9FFFFFFF  }
0xc5: {  	(tm) =	ssettm $0x7FFFFFFF  }
tec
execute0_lowered:
.L_overlay_start_1:
0x0: {  	(tag) =	ssettag $0x1  }
0x1: {  	s0 =	rddreg [dreg:$0x0]  }
0x2: {  	s1 =	srdreg.scid;
	s3 =	rddreg [dreg:$0x1]  }
0x3: {  	s6 =	rddreg [dreg:$0x2];
	s2 =	sand.u32 $0x1, s1  }
0x4: {  	s7 =	simm.s32 $0x0;
	s1 =	stileid.u32;
	s4 =	sshll.u32 s2, $0x4  }
0x5: {  	[smem:$0x7FF] =	sst s7;
	s5 =	sor.u32 s1, s4  }
0x6: {  	s2 =	ssub.s32 $0x2, s2;
	s31 =	smul.u32 $0x1E800, s5;
	s8 =	sshll.u32 s5, $0x4  }
0x7: {  	s6 =	sadd.s32 s4, s6;
	s10 =	sshrl.u32 s2, $0x1;
	s11 =	sor.u32 $0x7A000, s8  }
0x8: {  	s9 =	ssub.s32 s2, s10;
	s2 =	sshrl.u32 s31, $0x3;
	s12 =	sadd.s32 s0, s11  }
0x9: {  	s4 =	sadd.s32 s3, s11;
	[dreg:$0x5] =	wrdreg s12;
	s13 =	sadd.s32 $0x3D0, s2  }
0xa: {  	[dreg:$0x6] =	wrdreg s4;
	s14 =	sadd.s32 s0, s13  }
0xb: {  	s15 =	sadd.s32 $0x7A0, s2;
	s4 =	sadd.s32 s3, s13;
	[dreg:$0x7] =	wrdreg s14  }
0xc: {  	s17 =	sadd.s32 $0xB70, s2;
	s16 =	sadd.s32 s0, s15;
	[dreg:$0x8] =	wrdreg s4  }
0xd: {  	s19 =	sadd.s32 $0xF40, s2;
	s18 =	sadd.s32 s0, s17;
	[dreg:$0x9] =	wrdreg s16  }
0xe: {  	s21 =	sadd.s32 $0x1310, s2;
	s20 =	sadd.s32 s0, s19;
	[dreg:$0xb] =	wrdreg s18  }
0xf: {  	s23 =	sadd.s32 $0x16E0, s2;
	s22 =	sadd.s32 s0, s21;
	[dreg:$0xd] =	wrdreg s20  }
0x10: {  	s25 =	sadd.s32 $0x1AB0, s2;
	s24 =	sadd.s32 s0, s23;
	[dreg:$0xf] =	wrdreg s22  }
0x11: {  	s31 =	sadd.s32 $0x1E80, s2;
	s26 =	sadd.s32 s0, s25;
	[dreg:$0x11] =	wrdreg s24  }
0x12: {  	s10 =	sadd.s32 $0x2250, s2;
	s8 =	sadd.s32 s0, s31;
	[dreg:$0x13] =	wrdreg s26  }
0x13: {  	s12 =	sadd.s32 $0x2620, s2;
	s11 =	sadd.s32 s0, s10;
	[dreg:$0x15] =	wrdreg s8  }
0x14: {  	s13 =	sadd.s32 s0, s12;
	[dreg:$0x17] =	wrdreg s11  }
0x15: {  	s4 =	sadd.s32 s3, s15;
	[dreg:$0x19] =	wrdreg s13  }
0x16: {  	s22 =	sadd.s32 s0, s2;
	[dreg:$0xa] =	wrdreg s4  }
0x17: {  	s14 =	sadd.s32 $0x29F0, s2;
	s4 =	sadd.s32 s3, s17;
	[smem:$0x7FA] =	sst s22  }
0x18: {  	s16 =	sadd.s32 $0x2DC0, s2;
	s15 =	sadd.s32 s0, s14;
	[dreg:$0xc] =	wrdreg s4  }
0x19: {  	s24 =	sadd.s32 $0x3930, s2;
	s17 =	sadd.s32 s0, s16;
	[dreg:$0x1b] =	wrdreg s15  }
0x1a: {  	s28 =	simm.s32 $0x5;
	s26 =	sadd.s32 s3, s24;
	[dreg:$0x1d] =	wrdreg s17  }
0x1b: {  	s18 =	sadd.s32 $0x3190, s2;
	s4 =	sadd.s32 s3, s19;
	[smem:$0x7FD] =	sst s26  }
0x1c: {  	s29 =	simm.s32 $0x6;
	s19 =	sadd.s32 s0, s18;
	[dreg:$0xe] =	wrdreg s4  }
0x1d: {  	s20 =	sadd.s32 $0x3560, s2;
	s4 =	sadd.s32 s3, s21;
	[dreg:$0x1f] =	wrdreg s19  }
0x1e: {  	s30 =	simm.s32 $0x0;
	s21 =	sadd.s32 s0, s20;
	[dreg:$0x10] =	wrdreg s4  }
0x1f: {  	p0 =	sne.s32 s1, $0x0;
	s0 =	sadd.s32 s0, s24;
	[smem:$0x7F8] =	sst s21  }
0x20: {  	p1 =	sgt.u32 s5, $0x11;
	s4 =	sadd.s32 s3, s23;
	[smem:$0x7FC] =	sst s0  }
0x21: {  	s6 =	sadd.s32 $0x400, s6;
	s23 =	sadd.s32 s3, s2;
	[dreg:$0x12] =	wrdreg s4  }
0x22: {  	s7 =	smax.u32 s9, $0x1;
	s4 =	sadd.s32 s3, s25;
	[smem:$0x7FB] =	sst s23  }
0x23: {  	s22 =	simm.s32 $0x3;
	[dreg:$0x14] =	wrdreg s4;
	s4 =	sadd.s32 s3, s31  }
0x24: {  	s17 =	simm.s32 $0xB700;
	[dreg:$0x16] =	wrdreg s4;
	s4 =	sadd.s32 s3, s10  }
0x25: {  	s26 =	simm.s32 $0x9880;
	[dreg:$0x18] =	wrdreg s4;
	s4 =	sadd.s32 s3, s12  }
0x26: {  	s19 =	simm.s32 $0x1E80;
	[dreg:$0x1a] =	wrdreg s4;
	s4 =	sadd.s32 s3, s14  }
0x27: {  	s24 =	simm.s32 $0x2;
	[dreg:$0x1c] =	wrdreg s4;
	s4 =	sadd.s32 s3, s16  }
0x28: {  	s25 =	smul.u32 $0x3D000, s1;
	[dreg:$0x1e] =	wrdreg s4;
	s4 =	sadd.s32 s3, s18  }
0x29: {  	s21 =	simm.s32 $0x1;
	[smem:$0x7F7] =	sst s4;
	s4 =	sadd.s32 s3, s20  }
0x2a: {  	s23 =	simm.s32 $0x7A00;
	s31 =	sshrl.u32 s25, $0x2;
	[smem:$0x7F9] =	sst s4  }
0x2b: {  	s25 =	simm.s32 $0x4;
	s16 =	simm.s32 $0x3D00;
	s4 =	rddreg [dreg:$0x3]  }
0x2c: {  	s18 =	simm.s32 $0x7;
	s20 =	simm.s32 $0x5B80;
	s5 =	sadd.s32 s31, s4  }
0x2d: {  	_ =	strace $0x80000047;
	s15 =	sadd.s32 $0xF4000, s4;
	s8 =	sadd.s32 $0x1E80, s5  }
0x2e: {  	s9 =	sadd.s32 $0x3D00, s5;
	s10 =	sadd.s32 $0x5B80, s5;
	s11 =	sadd.s32 $0x7A00, s5  }
0x2f: {  	v0 =	vimm.f32 $0.0e+00;
	v1 =	vimm.f32 $1.000000000e+00;
	s12 =	sadd.s32 $0x9880, s5;
	s13 =	sadd.s32 $0xB700, s5;
	s14 =	sadd.s32 $0xD580, s5  }
.LBB2_1:
0x30: {  	s1 =	sld [smem:$0x7FA];
	_ =	sdelay $0x1  }
0x31: {  	s0 =	simm.s32 $0x0;
	s31 =	sld [smem:$0x7FB]  }
0x32: {  	[tilespmem:s0], [sflag:$0x1] =	stream.linear.gather [hbm4b:s1+s0], $0x1E80, $0x38;
	[tilespmem:$0x1CB28] =	vst v63  }
0x33: {  	_ = 	snop  }
0x34: {  	[tilespmem:s16], [sflag:$0x3] =	stream.linear.gather [hbm4b:s31+s0], $0x1E80, $0x38;
	[tilespmem:$0x1CB28] =	vst v63  }
0x35: {  	s1 =	simm.s32 $0x0;
	s0 =	simm.s32 $0x40  }
.LBB2_2:
0x36: {  	p2 =	sne.s32 s0, $0x79C0;
	[tilespmem:s1+$0xB700] =	vst v0;
	s1 =	smov.u32 s0;
	s0 =	sadd.s32 $0x40, s0  }
.Ltmp0:
0x37: {  	(pc) =	sbr.rel @p2 .LBB2_2-.Ltmp0, $2  }
0x38: {  	_ =	sdelay $0x2  }
0x39: {  	s1 =	sshra.s32 s1, $0x2  }
0x3a: {  	[tilespmem:s1+$0xB700] =	vst v0  }
0x3b: {  	[spmem:s5] =	stream.linear.scatter [tilespmem:s17], [sflag:$0x7], $0x1E80, $0x38;
	[tilespmem:$0x1CB28] =	vst v63  }
0x3c: {  	_ = 	snop  }
0x3d: {  	[spmem:s8] =	stream.linear.scatter [tilespmem:s17], [sflag:$0x7], $0x1E80, $0x38;
	[tilespmem:$0x1CB28] =	vst v63  }
0x3e: {  	_ = 	snop  }
0x3f: {  	[spmem:s9] =	stream.linear.scatter [tilespmem:s17], [sflag:$0x7], $0x1E80, $0x38;
	[tilespmem:$0x1CB28] =	vst v63  }
0x40: {  	_ = 	snop  }
0x41: {  	[spmem:s10] =	stream.linear.scatter [tilespmem:s17], [sflag:$0x7], $0x1E80, $0x38;
	[tilespmem:$0x1CB28] =	vst v63  }
0x42: {  	_ = 	snop  }
0x43: {  	[spmem:s11] =	stream.linear.scatter [tilespmem:s17], [sflag:$0x7], $0x1E80, $0x38;
	[tilespmem:$0x1CB28] =	vst v63  }
0x44: {  	_ = 	snop  }
0x45: {  	[spmem:s12] =	stream.linear.scatter [tilespmem:s17], [sflag:$0x7], $0x1E80, $0x38;
	[tilespmem:$0x1CB28] =	vst v63  }
0x46: {  	_ = 	snop  }
0x47: {  	[spmem:s13] =	stream.linear.scatter [tilespmem:s17], [sflag:$0x7], $0x1E80, $0x38;
	[tilespmem:$0x1CB28] =	vst v63  }
0x48: {  	_ = 	snop  }
0x49: {  	[spmem:s14] =	stream.linear.scatter [tilespmem:s17], [sflag:$0x7], $0x1E80, $0x38;
	[tilespmem:$0x1CB28] =	vst v63  }
0x4a: {  	_ =	swait.ge [sflag:s18], $0x1E80  }
0x4b: {  	[sflag:s18] =	ssyncset.done $0x0  }
0x4c: {  	[sflag:s18] =	ssyncadd.s32 $0xFFFFE180  }
0x4d: {  	_ =	swait.ge [sflag:s18], $0x1E80  }
0x4e: {  	[sflag:s18] =	ssyncset.done $0x0  }
0x4f: {  	[sflag:s18] =	ssyncadd.s32 $0xFFFFE180  }
0x50: {  	_ =	swait.ge [sflag:s18], $0x1E80  }
0x51: {  	[sflag:s18] =	ssyncset.done $0x0  }
0x52: {  	[sflag:s18] =	ssyncadd.s32 $0xFFFFE180  }
0x53: {  	_ =	swait.ge [sflag:s18], $0x1E80  }
0x54: {  	[sflag:s18] =	ssyncset.done $0x0  }
0x55: {  	[sflag:s18] =	ssyncadd.s32 $0xFFFFE180  }
0x56: {  	_ =	swait.ge [sflag:s18], $0x1E80  }
0x57: {  	[sflag:s18] =	ssyncset.done $0x0  }
0x58: {  	[sflag:s18] =	ssyncadd.s32 $0xFFFFE180  }
0x59: {  	_ =	swait.ge [sflag:s18], $0x1E80  }
0x5a: {  	[sflag:s18] =	ssyncset.done $0x0  }
0x5b: {  	[sflag:s18] =	ssyncadd.s32 $0xFFFFE180  }
0x5c: {  	_ =	swait.ge [sflag:s18], $0x1E80  }
0x5d: {  	[sflag:s18] =	ssyncset.done $0x0  }
0x5e: {  	[sflag:s18] =	ssyncadd.s32 $0xFFFFE180  }
0x5f: {  	_ =	swait.ge [sflag:s18], $0x1E80  }
0x60: {  	[sflag:s18] =	ssyncset.done $0x0  }
0x61: {  	s0 =	simm.s32 @!p0 $0xB700;
	[sflag:s18] =	ssyncadd.s32 $0xFFFFE180  }
0x62: {  	[spmem:s15] =	stream.linear.scatter @!p0 [tilespmem:s0], [sflag:$0x8], $0x240, $0x38;
	[tilespmem:$0x1CB28] =	vst v63  }
0x63: {  	s0 =	simm.s32 @!p0 $0x8  }
0x64: {  	_ =	swait.ge @!p0 [sflag:s0], $0x240  }
0x65: {  	[sflag:s0] =	ssyncset.done @!p0 $0x0  }
0x66: {  	s1 =	simm.s32 $0x0;
	[sflag:s0] =	ssyncadd.s32 @!p0 $0xFFFFFDC0;
	s0 =	simm.s32 $0x40  }
.LBB2_4:
0x67: {  	p2 =	sne.s32 s0, $0x79C0;
	[tilespmem:s1+$0xB700] =	vst v1;
	s1 =	smov.u32 s0;
	s0 =	sadd.s32 $0x40, s0  }
.Ltmp1:
0x68: {  	(pc) =	sbr.rel @p2 .LBB2_4-.Ltmp1, $2  }
0x69: {  	_ =	sdelay $0x2  }
0x6a: {  	s1 =	sshra.s32 s1, $0x2  }
0x6b: {  	[tilespmem:s1+$0xB700] =	vst v1  }
0x6c: {  	[bflag:$0x0] =	sbarrier.arrive $0xFFFF  }
0x6d: {  	s0 =	simm.s32 @!p1 $0x0;
	s1 =	simm.s32 @!p1 $0xD580;
	s2 =	rddreg [dreg:$0x5]  }
0x6e: {  	[tilespmem:s1], [sflag:$0x8] =	stream.linear.gather @!p1 [hbm4b:s2+s0], $0x80, $0x38;
	[tilespmem:$0x1CB28] =	vst v63  }
0x6f: {  	s1 =	simm.s32 @!p1 $0x8  }
0x70: {  	_ =	swait.ge @!p1 [sflag:s1], $0x80  }
0x71: {  	[sflag:s1] =	ssyncset.done @!p1 $0x0  }
0x72: {  	s31 =	simm.s32 @!p1 $0xD600;
	s2 =	rddreg [dreg:$0x6];
	[sflag:s1] =	ssyncadd.s32 @!p1 $0xFFFFFF80  }
0x73: {  	[tilespmem:s31], [sflag:$0x8] =	stream.linear.gather @!p1 [hbm4b:s2+s0], $0x80, $0x38;
	[tilespmem:$0x1CB28] =	vst v63  }
0x74: {  	_ =	swait.ge @!p1 [sflag:s1], $0x80  }
0x75: {  	[sflag:s1] =	ssyncset.done @!p1 $0x0  }
0x76: {  	[sflag:s1] =	ssyncadd.s32 @!p1 $0xFFFFFF80  }
0x77: {  	v2 =	vld @!p1 [tilespmem:$0xD600]  }
0x78: {  	v3 =	vld @!p1 [tilespmem:$0xD580]  }
0x79: {  	v4 =	vld @!p1 [tilespmem:$0xD610]  }
0x7a: {  	v5 =	vld @!p1 [tilespmem:$0xD590]  }
0x7b: {  	v6 =	vld @!p1 [tilespmem:$0xD620]  }
0x7c: {  	v7 =	vld @!p1 [tilespmem:$0xD5A0]  }
0x7d: {  	v8 =	vld @!p1 [tilespmem:$0xD630]  }
0x7e: {  	v9 =	vld @!p1 [tilespmem:$0xD5B0]  }
0x7f: {  	v10 =	vld @!p1 [tilespmem:$0xD640]  }
0x80: {  	v11 =	vld @!p1 [tilespmem:$0xD5C0]  }
0x81: {  	v12 =	vld @!p1 [tilespmem:$0xD650]  }
0x82: {  	v13 =	vld @!p1 [tilespmem:$0xD5D0];
	v2 =	vmul.u32 @!p1 $0x3E8, v2  }
0x83: {  	v14 =	vld @!p1 [tilespmem:$0xD660];
	v4 =	vmul.u32 @!p1 $0x3E8, v4  }
0x84: {  	v2 =	vadd.s32 @!p1 v3, v2;
	v3 =	vmul.u32 @!p1 $0x3E8, v6;
	v6 =	vld @!p1 [tilespmem:$0xD670]  }
0x85: {  	[tilespmem:$0xD680] =	vst @!p1 v2;
	v2 =	vadd.s32 @!p1 v5, v4;
	v4 =	vmul.u32 @!p1 $0x3E8, v8;
	v5 =	vld @!p1 [tilespmem:$0xD5E0]  }
0x86: {  	[tilespmem:$0xD690] =	vst @!p1 v2;
	v2 =	vadd.s32 @!p1 v7, v3;
	v3 =	vmul.u32 @!p1 $0x3E8, v10;
	v7 =	vld @!p1 [tilespmem:$0xD5F0]  }
0x87: {  	[tilespmem:$0xD6A0] =	vst @!p1 v2;
	v2 =	vadd.s32 @!p1 v9, v4;
	v4 =	vmul.u32 @!p1 $0x3E8, v12  }
0x88: {  	[tilespmem:$0xD6B0] =	vst @!p1 v2;
	v2 =	vadd.s32 @!p1 v11, v3;
	v3 =	vmul.u32 @!p1 $0x3E8, v14  }
0x89: {  	[tilespmem:$0xD6C0] =	vst @!p1 v2;
	v2 =	vadd.s32 @!p1 v13, v4;
	v4 =	vmul.u32 @!p1 $0x3E8, v6  }
0x8a: {  	[tilespmem:$0xD6D0] =	vst @!p1 v2;
	v2 =	vadd.s32 @!p1 v5, v3  }
0x8b: {  	[tilespmem:$0xD6E0] =	vst @!p1 v2;
	v2 =	vadd.s32 @!p1 v7, v4  }
0x8c: {  	s0 =	simm.s32 @!p1 $0x80;
	s31 =	simm.s32 @!p1 $0xB700;
	s1 =	simm.s32 @!p1 $0xD680;
	[tilespmem:$0xD6F0] =	vst @!p1 v2  }
0x8d: {  	[spmem:s4] =	stream.indirect.scatter.add.f32 @!p1 [tilespmem:s31], [sflag:$0x7], $0x1, s1, s0, $0xb8;
	[tilespmem:$0x1CB28] =	vst v63  }
0x8e: {  	s2 =	rddreg [dreg:$0x7];
	s0 =	simm.s32 $0x0  }
0x8f: {  	[tilespmem:s19], [sflag:$0x2] =	stream.linear.gather [hbm4b:s2+s0], $0x1E80, $0x38;
	[tilespmem:$0x1CB28] =	vst v63  }
0x90: {  	s3 =	rddreg [dreg:$0x8]  }
0x91: {  	[tilespmem:s20], [sflag:$0x4] =	stream.linear.gather [hbm4b:s3+s0], $0x1E80, $0x38;
	[tilespmem:$0x1CB28] =	vst v63  }
0x92: {  	_ =	swait.ge [sflag:s21], $0x1E80  }
0x93: {  	[sflag:s21] =	ssyncset.done $0x0  }
0x94: {  	[sflag:s21] =	ssyncadd.s32 $0xFFFFE180  }
0x95: {  	_ =	swait.ge [sflag:s22], $0x1E80  }
0x96: {  	[sflag:s22] =	ssyncset.done $0x0  }
0x97: {  	s31 =	simm.s32 $0x0;
	[sflag:s22] =	ssyncadd.s32 $0xFFFFE180  }
0x98: {  	v2 =	vld [tilespmem:s31+$0x3D70]  }
0x99: {  	v3 =	vld [tilespmem:s31+$0x3D00]  }
0x9a: {  	v4 =	vld [tilespmem:s31+$0x70]  }
0x9b: {  	v5 =	vld [tilespmem:s31+$0x3D10]  }
0x9c: {  	v6 =	vld [tilespmem:s31+$0x3D20]  }
0x9d: {  	v8 =	vld [tilespmem:s31+$0x3D30]  }
0x9e: {  	v11 =	vld [tilespmem:s31+$0x3D40];
	v2 =	vmul.u32 $0x3E8, v2  }
0x9f: {  	v12 =	vld [tilespmem:s31+$0x3D50]  }
0xa0: {  	v13 =	vld [tilespmem:s31+$0x3D60];
	v2 =	vadd.s32 v4, v2  }
0xa1: {  	[tilespmem:s31+$0x7A70] =	vst v2;
	v2 =	vld [tilespmem:s31+$0x0]  }
0xa2: {  	v14 =	vld [tilespmem:s31+$0x10]  }
0xa3: {  	v9 =	vld [tilespmem:s31+$0x20]  }
0xa4: {  	v7 =	vld [tilespmem:s31+$0x30];
	v3 =	vmul.u32 $0x3E8, v3  }
0xa5: {  	v15 =	vmul.u32 $0x3E8, v5;
	v10 =	vmul.u32 $0x3E8, v6;
	v4 =	vld [tilespmem:s31+$0x40]  }
0xa6: {  	v5 =	vld [tilespmem:s31+$0x50];
	v8 =	vmul.u32 $0x3E8, v8;
	v6 =	vmul.u32 $0x3E8, v11;
	v2 =	vadd.s32 v2, v3  }
0xa7: {  	s1 =	simm.s32 $0x400;
	s0 =	simm.s32 $0x80;
	v11 =	vld [tilespmem:s31+$0x60];
	v3 =	vmul.u32 $0x3E8, v12;
	v12 =	vadd.s32 v14, v15;
	[tilespmem:s31+$0x7A00] =	vst v2;
	v2 =	vmul.u32 $0x3E8, v13  }
.LBB2_6:
0xa8: {  	p2 =	sne.s32 s1, $0x7800;
	v13 =	vld [tilespmem:s0+$0x3D70];
	[tilespmem:s31+$0x7A10] =	vst v12;
	v9 =	vadd.s32 v9, v10  }
0xa9: {  	v10 =	vld [tilespmem:s0+$0x3D00];
	[tilespmem:s31+$0x7A20] =	vst v9;
	v7 =	vadd.s32 v7, v8  }
0xaa: {  	v8 =	vld [tilespmem:s0+$0x70];
	[tilespmem:s31+$0x7A30] =	vst v7;
	v4 =	vadd.s32 v4, v6  }
0xab: {  	v6 =	vld [tilespmem:s0+$0x3D10];
	[tilespmem:s31+$0x7A40] =	vst v4;
	v3 =	vadd.s32 v5, v3  }
0xac: {  	v4 =	vld [tilespmem:s0+$0x3D20];
	[tilespmem:s31+$0x7A50] =	vst v3;
	v2 =	vadd.s32 v11, v2  }
0xad: {  	v3 =	vld [tilespmem:s0+$0x3D30];
	v5 =	vmul.u32 $0x3E8, v13;
	[tilespmem:s31+$0x7A60] =	vst v2;
	s31 =	smov.u32 s0  }
0xae: {  	v11 =	vmul.u32 $0x3E8, v10;
	v2 =	vld [tilespmem:s31+$0x3D40]  }
0xaf: {  	v12 =	vld [tilespmem:s31+$0x3D50];
	v5 =	vadd.s32 v8, v5  }
0xb0: {  	v13 =	vmul.u32 $0x3E8, v6;
	v14 =	vld [tilespmem:s31+$0x3D60];
	[tilespmem:s31+$0x7A70] =	vst v5  }
0xb1: {  	v5 =	vld [tilespmem:s31+$0x0];
	v10 =	vmul.u32 $0x3E8, v4  }
0xb2: {  	v15 =	vld [tilespmem:s31+$0x10];
	v8 =	vmul.u32 $0x3E8, v3  }
.Ltmp2:
0xb3: {  	v9 =	vld [tilespmem:s31+$0x20];
	v6 =	vmul.u32 $0x3E8, v2;
	(pc) =	sbr.rel @p2 .LBB2_6-.Ltmp2, $4  }
0xb4: {  	v7 =	vld [tilespmem:s31+$0x30];
	v3 =	vmul.u32 $0x3E8, v12  }
0xb5: {  	v4 =	vld [tilespmem:s31+$0x40];
	v2 =	vmul.u32 $0x3E8, v14  }
0xb6: {  	v11 =	vadd.s32 v5, v11;
	v5 =	vld [tilespmem:s31+$0x50]  }
0xb7: {  	s0 =	sshra.s32 s1, $0x2;
	s1 =	sadd.s32 $0x200, s1;
	[tilespmem:s31+$0x7A00] =	vst v11;
	v12 =	vadd.s32 v15, v13;
	v11 =	vld [tilespmem:s31+$0x60]  }
0xb8: {  	v13 =	vld [tilespmem:s0+$0x3D70];
	[tilespmem:s31+$0x7A10] =	vst v12;
	v9 =	vadd.s32 v9, v10  }
0xb9: {  	v10 =	vld [tilespmem:s0+$0x3D00];
	[tilespmem:s31+$0x7A20] =	vst v9;
	v7 =	vadd.s32 v7, v8  }
0xba: {  	v8 =	vld [tilespmem:s0+$0x70];
	[tilespmem:s31+$0x7A30] =	vst v7;
	v4 =	vadd.s32 v4, v6  }
0xbb: {  	v6 =	vld [tilespmem:s0+$0x3D10];
	[tilespmem:s31+$0x7A40] =	vst v4;
	v3 =	vadd.s32 v5, v3  }
0xbc: {  	v4 =	vld [tilespmem:s0+$0x3D20];
	[tilespmem:s31+$0x7A50] =	vst v3;
	v2 =	vadd.s32 v11, v2  }
0xbd: {  	v3 =	vld [tilespmem:s0+$0x3D30];
	[tilespmem:s31+$0x7A60] =	vst v2  }
0xbe: {  	v2 =	vmul.u32 $0x3E8, v13;
	v5 =	vld [tilespmem:s0+$0x3D40]  }
0xbf: {  	v7 =	vld [tilespmem:s0+$0x3D50]  }
0xc0: {  	v9 =	vld [tilespmem:s0+$0x10];
	v2 =	vadd.s32 v8, v2  }
0xc1: {  	[tilespmem:s0+$0x7A70] =	vst v2;
	v2 =	vld [tilespmem:s0+$0x0]  }
0xc2: {  	v11 =	vld [tilespmem:s0+$0x20]  }
0xc3: {  	v12 =	vld [tilespmem:s0+$0x30]  }
0xc4: {  	v10 =	vmul.u32 $0x3E8, v10;
	v13 =	vld [tilespmem:s0+$0x40]  }
0xc5: {  	v8 =	vld [tilespmem:s0+$0x3D60];
	v6 =	vmul.u32 $0x3E8, v6  }
0xc6: {  	v4 =	vmul.u32 $0x3E8, v4;
	v2 =	vadd.s32 v2, v10;
	v10 =	vld [tilespmem:s0+$0x50]  }
0xc7: {  	[tilespmem:s0+$0x7A00] =	vst v2;
	v2 =	vmul.u32 $0x3E8, v3;
	v3 =	vadd.s32 v9, v6;
	v6 =	vld [tilespmem:s0+$0x60]  }
0xc8: {  	v5 =	vmul.u32 $0x3E8, v5;
	[tilespmem:s0+$0x7A10] =	vst v3;
	v3 =	vadd.s32 v11, v4  }
0xc9: {  	v4 =	vmul.u32 $0x3E8, v7;
	[tilespmem:s0+$0x7A20] =	vst v3;
	v2 =	vadd.s32 v12, v2  }
0xca: {  	v3 =	vmul.u32 $0x3E8, v8;
	[tilespmem:s0+$0x7A30] =	vst v2;
	v2 =	vadd.s32 v13, v5  }
0xcb: {  	[tilespmem:s0+$0x7A40] =	vst v2;
	v2 =	vadd.s32 v10, v4  }
0xcc: {  	[tilespmem:s0+$0x7A50] =	vst v2;
	v2 =	vadd.s32 v6, v3  }
0xcd: {  	[tilespmem:s0+$0x7A60] =	vst v2  }
0xce: {  	[spmem:s4] =	stream.indirect.scatter.add.f32 [tilespmem:s17], [sflag:$0x5], $0x1, s23, s19, $0xb8;
	[tilespmem:$0x1CB28] =	vst v63  }
0xcf: {  	s2 =	simm.s32 $0x0;
	s1 =	rddreg [dreg:$0x9]  }
0xd0: {  	[tilespmem:s2], [sflag:$0x1] =	stream.linear.gather [hbm4b:s1+s2], $0x1E80, $0x38;
	[tilespmem:$0x1CB28] =	vst v63  }
0xd1: {  	s3 =	rddreg [dreg:$0xa]  }
0xd2: {  	[tilespmem:s16], [sflag:$0x3] =	stream.linear.gather [hbm4b:s3+s2], $0x1E80, $0x38;
	[tilespmem:$0x1CB28] =	vst v63  }
0xd3: {  	_ =	swait.ge [sflag:s24], $0x1E80  }
0xd4: {  	[sflag:s24] =	ssyncset.done $0x0  }
0xd5: {  	[sflag:s24] =	ssyncadd.s32 $0xFFFFE180  }
0xd6: {  	_ =	swait.ge [sflag:s25], $0x1E80  }
0xd7: {  	[sflag:s25] =	ssyncset.done $0x0  }
0xd8: {  	s31 =	simm.s32 $0x0;
	[sflag:s25] =	ssyncadd.s32 $0xFFFFE180  }
0xd9: {  	v2 =	vld [tilespmem:s31+$0x5BF0]  }
0xda: {  	v3 =	vld [tilespmem:s31+$0x5B80]  }
0xdb: {  	v4 =	vld [tilespmem:s31+$0x1EF0]  }
0xdc: {  	v5 =	vld [tilespmem:s31+$0x5B90]  }
0xdd: {  	v6 =	vld [tilespmem:s31+$0x5BA0]  }
0xde: {  	v8 =	vld [tilespmem:s31+$0x5BB0]  }
0xdf: {  	v11 =	vld [tilespmem:s31+$0x5BC0];
	v2 =	vmul.u32 $0x3E8, v2  }
0xe0: {  	v12 =	vld [tilespmem:s31+$0x5BD0]  }
0xe1: {  	v13 =	vld [tilespmem:s31+$0x5BE0];
	v2 =	vadd.s32 v4, v2  }
0xe2: {  	[tilespmem:s31+$0x98F0] =	vst v2;
	v2 =	vld [tilespmem:s31+$0x1E80]  }
0xe3: {  	v14 =	vld [tilespmem:s31+$0x1E90]  }
0xe4: {  	v9 =	vld [tilespmem:s31+$0x1EA0]  }
0xe5: {  	v7 =	vld [tilespmem:s31+$0x1EB0];
	v3 =	vmul.u32 $0x3E8, v3  }
0xe6: {  	v15 =	vmul.u32 $0x3E8, v5;
	v10 =	vmul.u32 $0x3E8, v6;
	v4 =	vld [tilespmem:s31+$0x1EC0]  }
0xe7: {  	v5 =	vld [tilespmem:s31+$0x1ED0];
	v8 =	vmul.u32 $0x3E8, v8;
	v6 =	vmul.u32 $0x3E8, v11;
	v2 =	vadd.s32 v2, v3  }
0xe8: {  	s0 =	simm.s32 $0x80;
	s1 =	simm.s32 $0x400;
	v11 =	vld [tilespmem:s31+$0x1EE0];
	v3 =	vmul.u32 $0x3E8, v12;
	v12 =	vadd.s32 v14, v15;
	[tilespmem:s31+$0x9880] =	vst v2;
	v2 =	vmul.u32 $0x3E8, v13  }
.LBB2_8:
0xe9: {  	p2 =	sne.s32 s1, $0x7800;
	v13 =	vld [tilespmem:s0+$0x5BF0];
	[tilespmem:s31+$0x9890] =	vst v12;
	v9 =	vadd.s32 v9, v10  }
0xea: {  	v10 =	vld [tilespmem:s0+$0x5B80];
	[tilespmem:s31+$0x98A0] =	vst v9;
	v7 =	vadd.s32 v7, v8  }
0xeb: {  	v8 =	vld [tilespmem:s0+$0x1EF0];
	[tilespmem:s31+$0x98B0] =	vst v7;
	v4 =	vadd.s32 v4, v6  }
0xec: {  	v6 =	vld [tilespmem:s0+$0x5B90];
	[tilespmem:s31+$0x98C0] =	vst v4;
	v3 =	vadd.s32 v5, v3  }
0xed: {  	v4 =	vld [tilespmem:s0+$0x5BA0];
	[tilespmem:s31+$0x98D0] =	vst v3;
	v2 =	vadd.s32 v11, v2  }
0xee: {  	v3 =	vld [tilespmem:s0+$0x5BB0];
	v5 =	vmul.u32 $0x3E8, v13;
	[tilespmem:s31+$0x98E0] =	vst v2;
	s31 =	smov.u32 s0  }
0xef: {  	v11 =	vmul.u32 $0x3E8, v10;
	v2 =	vld [tilespmem:s31+$0x5BC0]  }
0xf0: {  	v12 =	vld [tilespmem:s31+$0x5BD0];
	v5 =	vadd.s32 v8, v5  }
0xf1: {  	v13 =	vmul.u32 $0x3E8, v6;
	v14 =	vld [tilespmem:s31+$0x5BE0];
	[tilespmem:s31+$0x98F0] =	vst v5  }
0xf2: {  	v5 =	vld [tilespmem:s31+$0x1E80];
	v10 =	vmul.u32 $0x3E8, v4  }
0xf3: {  	v15 =	vld [tilespmem:s31+$0x1E90];
	v8 =	vmul.u32 $0x3E8, v3  }
.Ltmp3:
0xf4: {  	v9 =	vld [tilespmem:s31+$0x1EA0];
	v6 =	vmul.u32 $0x3E8, v2;
	(pc) =	sbr.rel @p2 .LBB2_8-.Ltmp3, $4  }
0xf5: {  	v7 =	vld [tilespmem:s31+$0x1EB0];
	v3 =	vmul.u32 $0x3E8, v12  }
0xf6: {  	v4 =	vld [tilespmem:s31+$0x1EC0];
	v2 =	vmul.u32 $0x3E8, v14  }
0xf7: {  	v11 =	vadd.s32 v5, v11;
	v5 =	vld [tilespmem:s31+$0x1ED0]  }
0xf8: {  	s0 =	sshra.s32 s1, $0x2;
	s1 =	sadd.s32 $0x200, s1;
	[tilespmem:s31+$0x9880] =	vst v11;
	v12 =	vadd.s32 v15, v13;
	v11 =	vld [tilespmem:s31+$0x1EE0]  }
0xf9: {  	v13 =	vld [tilespmem:s0+$0x5BF0];
	[tilespmem:s31+$0x9890] =	vst v12;
	v9 =	vadd.s32 v9, v10  }
0xfa: {  	v10 =	vld [tilespmem:s0+$0x5B80];
	[tilespmem:s31+$0x98A0] =	vst v9;
	v7 =	vadd.s32 v7, v8  }
0xfb: {  	v8 =	vld [tilespmem:s0+$0x1EF0];
	[tilespmem:s31+$0x98B0] =	vst v7;
	v4 =	vadd.s32 v4, v6  }
0xfc: {  	v6 =	vld [tilespmem:s0+$0x5B90];
	[tilespmem:s31+$0x98C0] =	vst v4;
	v3 =	vadd.s32 v5, v3  }
0xfd: {  	v4 =	vld [tilespmem:s0+$0x5BA0];
	[tilespmem:s31+$0x98D0] =	vst v3;
	v2 =	vadd.s32 v11, v2  }
0xfe: {  	v3 =	vld [tilespmem:s0+$0x5BB0];
	[tilespmem:s31+$0x98E0] =	vst v2  }
0xff: {  	v2 =	vmul.u32 $0x3E8, v13;
	v5 =	vld [tilespmem:s0+$0x5BC0]  }
0x100: {  	v7 =	vld [tilespmem:s0+$0x5BD0]  }
0x101: {  	v9 =	vld [tilespmem:s0+$0x1E90];
	v2 =	vadd.s32 v8, v2  }
0x102: {  	[tilespmem:s0+$0x98F0] =	vst v2;
	v2 =	vld [tilespmem:s0+$0x1E80]  }
0x103: {  	v11 =	vld [tilespmem:s0+$0x1EA0]  }
0x104: {  	v12 =	vld [tilespmem:s0+$0x1EB0]  }
0x105: {  	v10 =	vmul.u32 $0x3E8, v10;
	v13 =	vld [tilespmem:s0+$0x1EC0]  }
0x106: {  	v8 =	vld [tilespmem:s0+$0x5BE0];
	v6 =	vmul.u32 $0x3E8, v6  }
0x107: {  	v4 =	vmul.u32 $0x3E8, v4;
	v2 =	vadd.s32 v2, v10;
	v10 =	vld [tilespmem:s0+$0x1ED0]  }
0x108: {  	[tilespmem:s0+$0x9880] =	vst v2;
	v2 =	vmul.u32 $0x3E8, v3;
	v3 =	vadd.s32 v9, v6;
	v6 =	vld [tilespmem:s0+$0x1EE0]  }
0x109: {  	v5 =	vmul.u32 $0x3E8, v5;
	[tilespmem:s0+$0x9890] =	vst v3;
	v3 =	vadd.s32 v11, v4  }
0x10a: {  	v4 =	vmul.u32 $0x3E8, v7;
	[tilespmem:s0+$0x98A0] =	vst v3;
	v2 =	vadd.s32 v12, v2  }
0x10b: {  	v3 =	vmul.u32 $0x3E8, v8;
	[tilespmem:s0+$0x98B0] =	vst v2;
	v2 =	vadd.s32 v13, v5  }
0x10c: {  	[tilespmem:s0+$0x98C0] =	vst v2;
	v2 =	vadd.s32 v10, v4  }
0x10d: {  	[tilespmem:s0+$0x98D0] =	vst v2;
	v2 =	vadd.s32 v6, v3  }
0x10e: {  	[tilespmem:s0+$0x98E0] =	vst v2  }
0x10f: {  	[spmem:s4] =	stream.indirect.scatter.add.f32 [tilespmem:s17], [sflag:$0x6], $0x1, s26, s19, $0xb8;
	[tilespmem:$0x1CB28] =	vst v63  }
0x110: {  	s2 =	simm.s32 $0x0;
	s1 =	rddreg [dreg:$0xb]  }
0x111: {  	[tilespmem:s19], [sflag:$0x2] =	stream.linear.gather [hbm4b:s1+s2], $0x1E80, $0x38;
	[tilespmem:$0x1CB28] =	vst v63  }
0x112: {  	s3 =	rddreg [dreg:$0xc]  }
0x113: {  	[tilespmem:s20], [sflag:$0x4] =	stream.linear.gather [hbm4b:s3+s2], $0x1E80, $0x38;
	[tilespmem:$0x1CB28] =	vst v63  }
0x114: {  	_ =	swait.ge [sflag:s21], $0x1E80  }
0x115: {  	[sflag:s21] =	ssyncset.done $0x0  }
0x116: {  	[sflag:s21] =	ssyncadd.s32 $0xFFFFE180  }
0x117: {  	_ =	swait.ge [sflag:s22], $0x1E80  }
0x118: {  	[sflag:s22] =	ssyncset.done $0x0  }
0x119: {  	[sflag:s22] =	ssyncadd.s32 $0xFFFFE180  }
0x11a: {  	_ =	swait.ge [sflag:s28], $0x1E80  }
0x11b: {  	[sflag:s28] =	ssyncset.done $0x0  }
0x11c: {  	s31 =	simm.s32 $0x0;
	[sflag:s28] =	ssyncadd.s32 $0xFFFFE180  }
0x11d: {  	v2 =	vld [tilespmem:s31+$0x3D70]  }
0x11e: {  	v3 =	vld [tilespmem:s31+$0x3D00]  }
0x11f: {  	v4 =	vld [tilespmem:s31+$0x70]  }
0x120: {  	v5 =	vld [tilespmem:s31+$0x3D10]  }
0x121: {  	v6 =	vld [tilespmem:s31+$0x3D20]  }
0x122: {  	v8 =	vld [tilespmem:s31+$0x3D30]  }
0x123: {  	v11 =	vld [tilespmem:s31+$0x3D40];
	v2 =	vmul.u32 $0x3E8, v2  }
0x124: {  	v12 =	vld [tilespmem:s31+$0x3D50]  }
0x125: {  	v13 =	vld [tilespmem:s31+$0x3D60];
	v2 =	vadd.s32 v4, v2  }
0x126: {  	[tilespmem:s31+$0x7A70] =	vst v2;
	v2 =	vld [tilespmem:s31+$0x0]  }
0x127: {  	v14 =	vld [tilespmem:s31+$0x10]  }
0x128: {  	v9 =	vld [tilespmem:s31+$0x20]  }
0x129: {  	v7 =	vld [tilespmem:s31+$0x30];
	v3 =	vmul.u32 $0x3E8, v3  }
0x12a: {  	v15 =	vmul.u32 $0x3E8, v5;
	v10 =	vmul.u32 $0x3E8, v6;
	v4 =	vld [tilespmem:s31+$0x40]  }
0x12b: {  	v5 =	vld [tilespmem:s31+$0x50];
	v8 =	vmul.u32 $0x3E8, v8;
	v6 =	vmul.u32 $0x3E8, v11;
	v2 =	vadd.s32 v2, v3  }
0x12c: {  	s0 =	simm.s32 $0x80;
	s1 =	simm.s32 $0x400;
	v11 =	vld [tilespmem:s31+$0x60];
	v3 =	vmul.u32 $0x3E8, v12;
	v12 =	vadd.s32 v14, v15;
	[tilespmem:s31+$0x7A00] =	vst v2;
	v2 =	vmul.u32 $0x3E8, v13  }
.LBB2_10:
0x12d: {  	p2 =	sne.s32 s1, $0x7800;
	v13 =	vld [tilespmem:s0+$0x3D70];
	[tilespmem:s31+$0x7A10] =	vst v12;
	v9 =	vadd.s32 v9, v10  }
0x12e: {  	v10 =	vld [tilespmem:s0+$0x3D00];
	[tilespmem:s31+$0x7A20] =	vst v9;
	v7 =	vadd.s32 v7, v8  }
0x12f: {  	v8 =	vld [tilespmem:s0+$0x70];
	[tilespmem:s31+$0x7A30] =	vst v7;
	v4 =	vadd.s32 v4, v6  }
0x130: {  	v6 =	vld [tilespmem:s0+$0x3D10];
	[tilespmem:s31+$0x7A40] =	vst v4;
	v3 =	vadd.s32 v5, v3  }
0x131: {  	v4 =	vld [tilespmem:s0+$0x3D20];
	[tilespmem:s31+$0x7A50] =	vst v3;
	v2 =	vadd.s32 v11, v2  }
0x132: {  	v3 =	vld [tilespmem:s0+$0x3D30];
	v5 =	vmul.u32 $0x3E8, v13;
	[tilespmem:s31+$0x7A60] =	vst v2;
	s31 =	smov.u32 s0  }
0x133: {  	v11 =	vmul.u32 $0x3E8, v10;
	v2 =	vld [tilespmem:s31+$0x3D40]  }
0x134: {  	v12 =	vld [tilespmem:s31+$0x3D50];
	v5 =	vadd.s32 v8, v5  }
0x135: {  	v13 =	vmul.u32 $0x3E8, v6;
	v14 =	vld [tilespmem:s31+$0x3D60];
	[tilespmem:s31+$0x7A70] =	vst v5  }
0x136: {  	v5 =	vld [tilespmem:s31+$0x0];
	v10 =	vmul.u32 $0x3E8, v4  }
0x137: {  	v15 =	vld [tilespmem:s31+$0x10];
	v8 =	vmul.u32 $0x3E8, v3  }
.Ltmp4:
0x138: {  	v9 =	vld [tilespmem:s31+$0x20];
	v6 =	vmul.u32 $0x3E8, v2;
	(pc) =	sbr.rel @p2 .LBB2_10-.Ltmp4, $4  }
0x139: {  	v7 =	vld [tilespmem:s31+$0x30];
	v3 =	vmul.u32 $0x3E8, v12  }
0x13a: {  	v4 =	vld [tilespmem:s31+$0x40];
	v2 =	vmul.u32 $0x3E8, v14  }
0x13b: {  	v11 =	vadd.s32 v5, v11;
	v5 =	vld [tilespmem:s31+$0x50]  }
0x13c: {  	s0 =	sshra.s32 s1, $0x2;
	s1 =	sadd.s32 $0x200, s1;
	[tilespmem:s31+$0x7A00] =	vst v11;
	v12 =	vadd.s32 v15, v13;
	v11 =	vld [tilespmem:s31+$0x60]  }
0x13d: {  	v13 =	vld [tilespmem:s0+$0x3D70];
	[tilespmem:s31+$0x7A10] =	vst v12;
	v9 =	vadd.s32 v9, v10  }
0x13e: {  	v10 =	vld [tilespmem:s0+$0x3D00];
	[tilespmem:s31+$0x7A20] =	vst v9;
	v7 =	vadd.s32 v7, v8  }
0x13f: {  	v8 =	vld [tilespmem:s0+$0x70];
	[tilespmem:s31+$0x7A30] =	vst v7;
	v4 =	vadd.s32 v4, v6  }
0x140: {  	v6 =	vld [tilespmem:s0+$0x3D10];
	[tilespmem:s31+$0x7A40] =	vst v4;
	v3 =	vadd.s32 v5, v3  }
0x141: {  	v4 =	vld [tilespmem:s0+$0x3D20];
	[tilespmem:s31+$0x7A50] =	vst v3;
	v2 =	vadd.s32 v11, v2  }
0x142: {  	v3 =	vld [tilespmem:s0+$0x3D30];
	[tilespmem:s31+$0x7A60] =	vst v2  }
0x143: {  	v2 =	vmul.u32 $0x3E8, v13;
	v5 =	vld [tilespmem:s0+$0x3D40]  }
0x144: {  	v7 =	vld [tilespmem:s0+$0x3D50]  }
0x145: {  	v9 =	vld [tilespmem:s0+$0x10];
	v2 =	vadd.s32 v8, v2  }
0x146: {  	[tilespmem:s0+$0x7A70] =	vst v2;
	v2 =	vld [tilespmem:s0+$0x0]  }
0x147: {  	v11 =	vld [tilespmem:s0+$0x20]  }
0x148: {  	v12 =	vld [tilespmem:s0+$0x30]  }
0x149: {  	v10 =	vmul.u32 $0x3E8, v10;
	v13 =	vld [tilespmem:s0+$0x40]  }
0x14a: {  	v8 =	vld [tilespmem:s0+$0x3D60];
	v6 =	vmul.u32 $0x3E8, v6  }
0x14b: {  	v4 =	vmul.u32 $0x3E8, v4;
	v2 =	vadd.s32 v2, v10;
	v10 =	vld [tilespmem:s0+$0x50]  }
0x14c: {  	[tilespmem:s0+$0x7A00] =	vst v2;
	v2 =	vmul.u32 $0x3E8, v3;
	v3 =	vadd.s32 v9, v6;
	v6 =	vld [tilespmem:s0+$0x60]  }
0x14d: {  	v5 =	vmul.u32 $0x3E8, v5;
	[tilespmem:s0+$0x7A10] =	vst v3;
	v3 =	vadd.s32 v11, v4  }
0x14e: {  	v4 =	vmul.u32 $0x3E8, v7;
	[tilespmem:s0+$0x7A20] =	vst v3;
	v2 =	vadd.s32 v12, v2  }
0x14f: {  	v3 =	vmul.u32 $0x3E8, v8;
	[tilespmem:s0+$0x7A30] =	vst v2;
	v2 =	vadd.s32 v13, v5  }
0x150: {  	[tilespmem:s0+$0x7A40] =	vst v2;
	v2 =	vadd.s32 v10, v4  }
0x151: {  	[tilespmem:s0+$0x7A50] =	vst v2;
	v2 =	vadd.s32 v6, v3  }
0x152: {  	[tilespmem:s0+$0x7A60] =	vst v2  }
0x153: {  	[spmem:s4] =	stream.indirect.scatter.add.f32 [tilespmem:s17], [sflag:$0x5], $0x1, s23, s19, $0xb8;
	[tilespmem:$0x1CB28] =	vst v63  }
0x154: {  	s2 =	simm.s32 $0x0;
	s1 =	rddreg [dreg:$0xd]  }
0x155: {  	[tilespmem:s2], [sflag:$0x1] =	stream.linear.gather [hbm4b:s1+s2], $0x1E80, $0x38;
	[tilespmem:$0x1CB28] =	vst v63  }
0x156: {  	s3 =	rddreg [dreg:$0xe]  }
0x157: {  	[tilespmem:s16], [sflag:$0x3] =	stream.linear.gather [hbm4b:s3+s2], $0x1E80, $0x38;
	[tilespmem:$0x1CB28] =	vst v63  }
0x158: {  	_ =	swait.ge [sflag:s24], $0x1E80  }
0x159: {  	[sflag:s24] =	ssyncset.done $0x0  }
0x15a: {  	[sflag:s24] =	ssyncadd.s32 $0xFFFFE180  }
0x15b: {  	_ =	swait.ge [sflag:s25], $0x1E80  }
0x15c: {  	[sflag:s25] =	ssyncset.done $0x0  }
0x15d: {  	[sflag:s25] =	ssyncadd.s32 $0xFFFFE180  }
0x15e: {  	_ =	swait.ge [sflag:s29], $0x1E80  }
0x15f: {  	[sflag:s29] =	ssyncset.done $0x0  }
0x160: {  	s31 =	simm.s32 $0x0;
	[sflag:s29] =	ssyncadd.s32 $0xFFFFE180  }
0x161: {  	v2 =	vld [tilespmem:s31+$0x5BF0]  }
0x162: {  	v3 =	vld [tilespmem:s31+$0x5B80]  }
0x163: {  	v4 =	vld [tilespmem:s31+$0x1EF0]  }
0x164: {  	v5 =	vld [tilespmem:s31+$0x5B90]  }
0x165: {  	v6 =	vld [tilespmem:s31+$0x5BA0]  }
0x166: {  	v8 =	vld [tilespmem:s31+$0x5BB0]  }
0x167: {  	v11 =	vld [tilespmem:s31+$0x5BC0];
	v2 =	vmul.u32 $0x3E8, v2  }
0x168: {  	v12 =	vld [tilespmem:s31+$0x5BD0]  }
0x169: {  	v13 =	vld [tilespmem:s31+$0x5BE0];
	v2 =	vadd.s32 v4, v2  }
0x16a: {  	[tilespmem:s31+$0x98F0] =	vst v2;
	v2 =	vld [tilespmem:s31+$0x1E80]  }
0x16b: {  	v14 =	vld [tilespmem:s31+$0x1E90]  }
0x16c: {  	v9 =	vld [tilespmem:s31+$0x1EA0]  }
0x16d: {  	v7 =	vld [tilespmem:s31+$0x1EB0];
	v3 =	vmul.u32 $0x3E8, v3  }
0x16e: {  	v15 =	vmul.u32 $0x3E8, v5;
	v10 =	vmul.u32 $0x3E8, v6;
	v4 =	vld [tilespmem:s31+$0x1EC0]  }
0x16f: {  	v5 =	vld [tilespmem:s31+$0x1ED0];
	v8 =	vmul.u32 $0x3E8, v8;
	v6 =	vmul.u32 $0x3E8, v11;
	v2 =	vadd.s32 v2, v3  }
0x170: {  	s0 =	simm.s32 $0x80;
	s1 =	simm.s32 $0x400;
	v11 =	vld [tilespmem:s31+$0x1EE0];
	v3 =	vmul.u32 $0x3E8, v12;
	v12 =	vadd.s32 v14, v15;
	[tilespmem:s31+$0x9880] =	vst v2;
	v2 =	vmul.u32 $0x3E8, v13  }
.LBB2_12:
0x171: {  	p2 =	sne.s32 s1, $0x7800;
	v13 =	vld [tilespmem:s0+$0x5BF0];
	[tilespmem:s31+$0x9890] =	vst v12;
	v9 =	vadd.s32 v9, v10  }
0x172: {  	v10 =	vld [tilespmem:s0+$0x5B80];
	[tilespmem:s31+$0x98A0] =	vst v9;
	v7 =	vadd.s32 v7, v8  }
0x173: {  	v8 =	vld [tilespmem:s0+$0x1EF0];
	[tilespmem:s31+$0x98B0] =	vst v7;
	v4 =	vadd.s32 v4, v6  }
0x174: {  	v6 =	vld [tilespmem:s0+$0x5B90];
	[tilespmem:s31+$0x98C0] =	vst v4;
	v3 =	vadd.s32 v5, v3  }
0x175: {  	v4 =	vld [tilespmem:s0+$0x5BA0];
	[tilespmem:s31+$0x98D0] =	vst v3;
	v2 =	vadd.s32 v11, v2  }
0x176: {  	v3 =	vld [tilespmem:s0+$0x5BB0];
	v5 =	vmul.u32 $0x3E8, v13;
	[tilespmem:s31+$0x98E0] =	vst v2;
	s31 =	smov.u32 s0  }
0x177: {  	v11 =	vmul.u32 $0x3E8, v10;
	v2 =	vld [tilespmem:s31+$0x5BC0]  }
0x178: {  	v12 =	vld [tilespmem:s31+$0x5BD0];
	v5 =	vadd.s32 v8, v5  }
0x179: {  	v13 =	vmul.u32 $0x3E8, v6;
	v14 =	vld [tilespmem:s31+$0x5BE0];
	[tilespmem:s31+$0x98F0] =	vst v5  }
0x17a: {  	v5 =	vld [tilespmem:s31+$0x1E80];
	v10 =	vmul.u32 $0x3E8, v4  }
0x17b: {  	v15 =	vld [tilespmem:s31+$0x1E90];
	v8 =	vmul.u32 $0x3E8, v3  }
.Ltmp5:
0x17c: {  	v9 =	vld [tilespmem:s31+$0x1EA0];
	v6 =	vmul.u32 $0x3E8, v2;
	(pc) =	sbr.rel @p2 .LBB2_12-.Ltmp5, $4  }
0x17d: {  	v7 =	vld [tilespmem:s31+$0x1EB0];
	v3 =	vmul.u32 $0x3E8, v12  }
0x17e: {  	v4 =	vld [tilespmem:s31+$0x1EC0];
	v2 =	vmul.u32 $0x3E8, v14  }
0x17f: {  	v11 =	vadd.s32 v5, v11;
	v5 =	vld [tilespmem:s31+$0x1ED0]  }
0x180: {  	s0 =	sshra.s32 s1, $0x2;
	s1 =	sadd.s32 $0x200, s1;
	[tilespmem:s31+$0x9880] =	vst v11;
	v12 =	vadd.s32 v15, v13;
	v11 =	vld [tilespmem:s31+$0x1EE0]  }
0x181: {  	v13 =	vld [tilespmem:s0+$0x5BF0];
	[tilespmem:s31+$0x9890] =	vst v12;
	v9 =	vadd.s32 v9, v10  }
0x182: {  	v10 =	vld [tilespmem:s0+$0x5B80];
	[tilespmem:s31+$0x98A0] =	vst v9;
	v7 =	vadd.s32 v7, v8  }
0x183: {  	v8 =	vld [tilespmem:s0+$0x1EF0];
	[tilespmem:s31+$0x98B0] =	vst v7;
	v4 =	vadd.s32 v4, v6  }
0x184: {  	v6 =	vld [tilespmem:s0+$0x5B90];
	[tilespmem:s31+$0x98C0] =	vst v4;
	v3 =	vadd.s32 v5, v3  }
0x185: {  	v4 =	vld [tilespmem:s0+$0x5BA0];
	[tilespmem:s31+$0x98D0] =	vst v3;
	v2 =	vadd.s32 v11, v2  }
0x186: {  	v3 =	vld [tilespmem:s0+$0x5BB0];
	[tilespmem:s31+$0x98E0] =	vst v2  }
0x187: {  	v2 =	vmul.u32 $0x3E8, v13;
	v5 =	vld [tilespmem:s0+$0x5BC0]  }
0x188: {  	v7 =	vld [tilespmem:s0+$0x5BD0]  }
0x189: {  	v9 =	vld [tilespmem:s0+$0x1E90];
	v2 =	vadd.s32 v8, v2  }
0x18a: {  	[tilespmem:s0+$0x98F0] =	vst v2;
	v2 =	vld [tilespmem:s0+$0x1E80]  }
0x18b: {  	v11 =	vld [tilespmem:s0+$0x1EA0]  }
0x18c: {  	v12 =	vld [tilespmem:s0+$0x1EB0]  }
0x18d: {  	v10 =	vmul.u32 $0x3E8, v10;
	v13 =	vld [tilespmem:s0+$0x1EC0]  }
0x18e: {  	v8 =	vld [tilespmem:s0+$0x5BE0];
	v6 =	vmul.u32 $0x3E8, v6  }
0x18f: {  	v4 =	vmul.u32 $0x3E8, v4;
	v2 =	vadd.s32 v2, v10;
	v10 =	vld [tilespmem:s0+$0x1ED0]  }
0x190: {  	[tilespmem:s0+$0x9880] =	vst v2;
	v2 =	vmul.u32 $0x3E8, v3;
	v3 =	vadd.s32 v9, v6;
	v6 =	vld [tilespmem:s0+$0x1EE0]  }
0x191: {  	v5 =	vmul.u32 $0x3E8, v5;
	[tilespmem:s0+$0x9890] =	vst v3;
	v3 =	vadd.s32 v11, v4  }
0x192: {  	v4 =	vmul.u32 $0x3E8, v7;
	[tilespmem:s0+$0x98A0] =	vst v3;
	v2 =	vadd.s32 v12, v2  }
0x193: {  	v3 =	vmul.u32 $0x3E8, v8;
	[tilespmem:s0+$0x98B0] =	vst v2;
	v2 =	vadd.s32 v13, v5  }
0x194: {  	[tilespmem:s0+$0x98C0] =	vst v2;
	v2 =	vadd.s32 v10, v4  }
0x195: {  	[tilespmem:s0+$0x98D0] =	vst v2;
	v2 =	vadd.s32 v6, v3  }
0x196: {  	[tilespmem:s0+$0x98E0] =	vst v2  }
0x197: {  	[spmem:s4] =	stream.indirect.scatter.add.f32 [tilespmem:s17], [sflag:$0x6], $0x1, s26, s19, $0xb8;
	[tilespmem:$0x1CB28] =	vst v63  }
0x198: {  	s2 =	simm.s32 $0x0;
	s1 =	rddreg [dreg:$0xf]  }
0x199: {  	[tilespmem:s19], [sflag:$0x2] =	stream.linear.gather [hbm4b:s1+s2], $0x1E80, $0x38;
	[tilespmem:$0x1CB28] =	vst v63  }
0x19a: {  	s3 =	rddreg [dreg:$0x10]  }
0x19b: {  	[tilespmem:s20], [sflag:$0x4] =	stream.linear.gather [hbm4b:s3+s2], $0x1E80, $0x38;
	[tilespmem:$0x1CB28] =	vst v63  }
0x19c: {  	_ =	swait.ge [sflag:s21], $0x1E80  }
0x19d: {  	[sflag:s21] =	ssyncset.done $0x0  }
0x19e: {  	[sflag:s21] =	ssyncadd.s32 $0xFFFFE180  }
0x19f: {  	_ =	swait.ge [sflag:s22], $0x1E80  }
0x1a0: {  	[sflag:s22] =	ssyncset.done $0x0  }
0x1a1: {  	[sflag:s22] =	ssyncadd.s32 $0xFFFFE180  }
0x1a2: {  	_ =	swait.ge [sflag:s28], $0x1E80  }
0x1a3: {  	[sflag:s28] =	ssyncset.done $0x0  }
0x1a4: {  	s31 =	simm.s32 $0x0;
	[sflag:s28] =	ssyncadd.s32 $0xFFFFE180  }
0x1a5: {  	v2 =	vld [tilespmem:s31+$0x3D70]  }
0x1a6: {  	v3 =	vld [tilespmem:s31+$0x3D00]  }
0x1a7: {  	v4 =	vld [tilespmem:s31+$0x70]  }
0x1a8: {  	v5 =	vld [tilespmem:s31+$0x3D10]  }
0x1a9: {  	v6 =	vld [tilespmem:s31+$0x3D20]  }
0x1aa: {  	v8 =	vld [tilespmem:s31+$0x3D30]  }
0x1ab: {  	v11 =	vld [tilespmem:s31+$0x3D40];
	v2 =	vmul.u32 $0x3E8, v2  }
0x1ac: {  	v12 =	vld [tilespmem:s31+$0x3D50]  }
0x1ad: {  	v13 =	vld [tilespmem:s31+$0x3D60];
	v2 =	vadd.s32 v4, v2  }
0x1ae: {  	[tilespmem:s31+$0x7A70] =	vst v2;
	v2 =	vld [tilespmem:s31+$0x0]  }
0x1af: {  	v14 =	vld [tilespmem:s31+$0x10]  }
0x1b0: {  	v9 =	vld [tilespmem:s31+$0x20]  }
0x1b1: {  	v7 =	vld [tilespmem:s31+$0x30];
	v3 =	vmul.u32 $0x3E8, v3  }
0x1b2: {  	v15 =	vmul.u32 $0x3E8, v5;
	v10 =	vmul.u32 $0x3E8, v6;
	v4 =	vld [tilespmem:s31+$0x40]  }
0x1b3: {  	v5 =	vld [tilespmem:s31+$0x50];
	v8 =	vmul.u32 $0x3E8, v8;
	v6 =	vmul.u32 $0x3E8, v11;
	v2 =	vadd.s32 v2, v3  }
0x1b4: {  	s0 =	simm.s32 $0x80;
	s1 =	simm.s32 $0x400;
	v11 =	vld [tilespmem:s31+$0x60];
	v3 =	vmul.u32 $0x3E8, v12;
	v12 =	vadd.s32 v14, v15;
	[tilespmem:s31+$0x7A00] =	vst v2;
	v2 =	vmul.u32 $0x3E8, v13  }
.LBB2_14:
0x1b5: {  	p2 =	sne.s32 s1, $0x7800;
	v13 =	vld [tilespmem:s0+$0x3D70];
	[tilespmem:s31+$0x7A10] =	vst v12;
	v9 =	vadd.s32 v9, v10  }
0x1b6: {  	v10 =	vld [tilespmem:s0+$0x3D00];
	[tilespmem:s31+$0x7A20] =	vst v9;
	v7 =	vadd.s32 v7, v8  }
0x1b7: {  	v8 =	vld [tilespmem:s0+$0x70];
	[tilespmem:s31+$0x7A30] =	vst v7;
	v4 =	vadd.s32 v4, v6  }
0x1b8: {  	v6 =	vld [tilespmem:s0+$0x3D10];
	[tilespmem:s31+$0x7A40] =	vst v4;
	v3 =	vadd.s32 v5, v3  }
0x1b9: {  	v4 =	vld [tilespmem:s0+$0x3D20];
	[tilespmem:s31+$0x7A50] =	vst v3;
	v2 =	vadd.s32 v11, v2  }
0x1ba: {  	v3 =	vld [tilespmem:s0+$0x3D30];
	v5 =	vmul.u32 $0x3E8, v13;
	[tilespmem:s31+$0x7A60] =	vst v2;
	s31 =	smov.u32 s0  }
0x1bb: {  	v11 =	vmul.u32 $0x3E8, v10;
	v2 =	vld [tilespmem:s31+$0x3D40]  }
0x1bc: {  	v12 =	vld [tilespmem:s31+$0x3D50];
	v5 =	vadd.s32 v8, v5  }
0x1bd: {  	v13 =	vmul.u32 $0x3E8, v6;
	v14 =	vld [tilespmem:s31+$0x3D60];
	[tilespmem:s31+$0x7A70] =	vst v5  }
0x1be: {  	v5 =	vld [tilespmem:s31+$0x0];
	v10 =	vmul.u32 $0x3E8, v4  }
0x1bf: {  	v15 =	vld [tilespmem:s31+$0x10];
	v8 =	vmul.u32 $0x3E8, v3  }
.Ltmp6:
0x1c0: {  	v9 =	vld [tilespmem:s31+$0x20];
	v6 =	vmul.u32 $0x3E8, v2;
	(pc) =	sbr.rel @p2 .LBB2_14-.Ltmp6, $4  }
0x1c1: {  	v7 =	vld [tilespmem:s31+$0x30];
	v3 =	vmul.u32 $0x3E8, v12  }
0x1c2: {  	v4 =	vld [tilespmem:s31+$0x40];
	v2 =	vmul.u32 $0x3E8, v14  }
0x1c3: {  	v11 =	vadd.s32 v5, v11;
	v5 =	vld [tilespmem:s31+$0x50]  }
0x1c4: {  	s0 =	sshra.s32 s1, $0x2;
	s1 =	sadd.s32 $0x200, s1;
	[tilespmem:s31+$0x7A00] =	vst v11;
	v12 =	vadd.s32 v15, v13;
	v11 =	vld [tilespmem:s31+$0x60]  }
0x1c5: {  	v13 =	vld [tilespmem:s0+$0x3D70];
	[tilespmem:s31+$0x7A10] =	vst v12;
	v9 =	vadd.s32 v9, v10  }
0x1c6: {  	v10 =	vld [tilespmem:s0+$0x3D00];
	[tilespmem:s31+$0x7A20] =	vst v9;
	v7 =	vadd.s32 v7, v8  }
0x1c7: {  	v8 =	vld [tilespmem:s0+$0x70];
	[tilespmem:s31+$0x7A30] =	vst v7;
	v4 =	vadd.s32 v4, v6  }
0x1c8: {  	v6 =	vld [tilespmem:s0+$0x3D10];
	[tilespmem:s31+$0x7A40] =	vst v4;
	v3 =	vadd.s32 v5, v3  }
0x1c9: {  	v4 =	vld [tilespmem:s0+$0x3D20];
	[tilespmem:s31+$0x7A50] =	vst v3;
	v2 =	vadd.s32 v11, v2  }
0x1ca: {  	v3 =	vld [tilespmem:s0+$0x3D30];
	[tilespmem:s31+$0x7A60] =	vst v2  }
0x1cb: {  	v2 =	vmul.u32 $0x3E8, v13;
	v5 =	vld [tilespmem:s0+$0x3D40]  }
0x1cc: {  	v7 =	vld [tilespmem:s0+$0x3D50]  }
0x1cd: {  	v9 =	vld [tilespmem:s0+$0x10];
	v2 =	vadd.s32 v8, v2  }
0x1ce: {  	[tilespmem:s0+$0x7A70] =	vst v2;
	v2 =	vld [tilespmem:s0+$0x0]  }
0x1cf: {  	v11 =	vld [tilespmem:s0+$0x20]  }
0x1d0: {  	v12 =	vld [tilespmem:s0+$0x30]  }
0x1d1: {  	v10 =	vmul.u32 $0x3E8, v10;
	v13 =	vld [tilespmem:s0+$0x40]  }
0x1d2: {  	v8 =	vld [tilespmem:s0+$0x3D60];
	v6 =	vmul.u32 $0x3E8, v6  }
0x1d3: {  	v4 =	vmul.u32 $0x3E8, v4;
	v2 =	vadd.s32 v2, v10;
	v10 =	vld [tilespmem:s0+$0x50]  }
0x1d4: {  	[tilespmem:s0+$0x7A00] =	vst v2;
	v2 =	vmul.u32 $0x3E8, v3;
	v3 =	vadd.s32 v9, v6;
	v6 =	vld [tilespmem:s0+$0x60]  }
0x1d5: {  	v5 =	vmul.u32 $0x3E8, v5;
	[tilespmem:s0+$0x7A10] =	vst v3;
	v3 =	vadd.s32 v11, v4  }
0x1d6: {  	v4 =	vmul.u32 $0x3E8, v7;
	[tilespmem:s0+$0x7A20] =	vst v3;
	v2 =	vadd.s32 v12, v2  }
0x1d7: {  	v3 =	vmul.u32 $0x3E8, v8;
	[tilespmem:s0+$0x7A30] =	vst v2;
	v2 =	vadd.s32 v13, v5  }
0x1d8: {  	[tilespmem:s0+$0x7A40] =	vst v2;
	v2 =	vadd.s32 v10, v4  }
0x1d9: {  	[tilespmem:s0+$0x7A50] =	vst v2;
	v2 =	vadd.s32 v6, v3  }
0x1da: {  	[tilespmem:s0+$0x7A60] =	vst v2  }
0x1db: {  	[spmem:s4] =	stream.indirect.scatter.add.f32 [tilespmem:s17], [sflag:$0x5], $0x1, s23, s19, $0xb8;
	[tilespmem:$0x1CB28] =	vst v63  }
0x1dc: {  	s2 =	simm.s32 $0x0;
	s1 =	rddreg [dreg:$0x11]  }
0x1dd: {  	[tilespmem:s2], [sflag:$0x1] =	stream.linear.gather [hbm4b:s1+s2], $0x1E80, $0x38;
	[tilespmem:$0x1CB28] =	vst v63  }
0x1de: {  	s3 =	rddreg [dreg:$0x12]  }
0x1df: {  	[tilespmem:s16], [sflag:$0x3] =	stream.linear.gather [hbm4b:s3+s2], $0x1E80, $0x38;
	[tilespmem:$0x1CB28] =	vst v63  }
0x1e0: {  	_ =	swait.ge [sflag:s24], $0x1E80  }
0x1e1: {  	[sflag:s24] =	ssyncset.done $0x0  }
0x1e2: {  	[sflag:s24] =	ssyncadd.s32 $0xFFFFE180  }
0x1e3: {  	_ =	swait.ge [sflag:s25], $0x1E80  }
0x1e4: {  	[sflag:s25] =	ssyncset.done $0x0  }
0x1e5: {  	[sflag:s25] =	ssyncadd.s32 $0xFFFFE180  }
0x1e6: {  	_ =	swait.ge [sflag:s29], $0x1E80  }
0x1e7: {  	[sflag:s29] =	ssyncset.done $0x0  }
0x1e8: {  	s31 =	simm.s32 $0x0;
	[sflag:s29] =	ssyncadd.s32 $0xFFFFE180  }
0x1e9: {  	v2 =	vld [tilespmem:s31+$0x5BF0]  }
0x1ea: {  	v3 =	vld [tilespmem:s31+$0x5B80]  }
0x1eb: {  	v4 =	vld [tilespmem:s31+$0x1EF0]  }
0x1ec: {  	v5 =	vld [tilespmem:s31+$0x5B90]  }
0x1ed: {  	v6 =	vld [tilespmem:s31+$0x5BA0]  }
0x1ee: {  	v8 =	vld [tilespmem:s31+$0x5BB0]  }
0x1ef: {  	v11 =	vld [tilespmem:s31+$0x5BC0];
	v2 =	vmul.u32 $0x3E8, v2  }
0x1f0: {  	v12 =	vld [tilespmem:s31+$0x5BD0]  }
0x1f1: {  	v13 =	vld [tilespmem:s31+$0x5BE0];
	v2 =	vadd.s32 v4, v2  }
0x1f2: {  	[tilespmem:s31+$0x98F0] =	vst v2;
	v2 =	vld [tilespmem:s31+$0x1E80]  }
0x1f3: {  	v14 =	vld [tilespmem:s31+$0x1E90]  }
0x1f4: {  	v9 =	vld [tilespmem:s31+$0x1EA0]  }
0x1f5: {  	v7 =	vld [tilespmem:s31+$0x1EB0];
	v3 =	vmul.u32 $0x3E8, v3  }
0x1f6: {  	v15 =	vmul.u32 $0x3E8, v5;
	v10 =	vmul.u32 $0x3E8, v6;
	v4 =	vld [tilespmem:s31+$0x1EC0]  }
0x1f7: {  	v5 =	vld [tilespmem:s31+$0x1ED0];
	v8 =	vmul.u32 $0x3E8, v8;
	v6 =	vmul.u32 $0x3E8, v11;
	v2 =	vadd.s32 v2, v3  }
0x1f8: {  	s0 =	simm.s32 $0x80;
	s1 =	simm.s32 $0x400;
	v11 =	vld [tilespmem:s31+$0x1EE0];
	v3 =	vmul.u32 $0x3E8, v12;
	v12 =	vadd.s32 v14, v15;
	[tilespmem:s31+$0x9880] =	vst v2;
	v2 =	vmul.u32 $0x3E8, v13  }
.LBB2_16:
0x1f9: {  	p2 =	sne.s32 s1, $0x7800;
	v13 =	vld [tilespmem:s0+$0x5BF0];
	[tilespmem:s31+$0x9890] =	vst v12;
	v9 =	vadd.s32 v9, v10  }
0x1fa: {  	v10 =	vld [tilespmem:s0+$0x5B80];
	[tilespmem:s31+$0x98A0] =	vst v9;
	v7 =	vadd.s32 v7, v8  }
0x1fb: {  	v8 =	vld [tilespmem:s0+$0x1EF0];
	[tilespmem:s31+$0x98B0] =	vst v7;
	v4 =	vadd.s32 v4, v6  }
0x1fc: {  	v6 =	vld [tilespmem:s0+$0x5B90];
	[tilespmem:s31+$0x98C0] =	vst v4;
	v3 =	vadd.s32 v5, v3  }
0x1fd: {  	v4 =	vld [tilespmem:s0+$0x5BA0];
	[tilespmem:s31+$0x98D0] =	vst v3;
	v2 =	vadd.s32 v11, v2  }
0x1fe: {  	v3 =	vld [tilespmem:s0+$0x5BB0];
	v5 =	vmul.u32 $0x3E8, v13;
	[tilespmem:s31+$0x98E0] =	vst v2;
	s31 =	smov.u32 s0  }
0x1ff: {  	v11 =	vmul.u32 $0x3E8, v10;
	v2 =	vld [tilespmem:s31+$0x5BC0]  }
0x200: {  	v12 =	vld [tilespmem:s31+$0x5BD0];
	v5 =	vadd.s32 v8, v5  }
0x201: {  	v13 =	vmul.u32 $0x3E8, v6;
	v14 =	vld [tilespmem:s31+$0x5BE0];
	[tilespmem:s31+$0x98F0] =	vst v5  }
0x202: {  	v5 =	vld [tilespmem:s31+$0x1E80];
	v10 =	vmul.u32 $0x3E8, v4  }
0x203: {  	v15 =	vld [tilespmem:s31+$0x1E90];
	v8 =	vmul.u32 $0x3E8, v3  }
.Ltmp7:
0x204: {  	v9 =	vld [tilespmem:s31+$0x1EA0];
	v6 =	vmul.u32 $0x3E8, v2;
	(pc) =	sbr.rel @p2 .LBB2_16-.Ltmp7, $4  }
0x205: {  	v7 =	vld [tilespmem:s31+$0x1EB0];
	v3 =	vmul.u32 $0x3E8, v12  }
0x206: {  	v4 =	vld [tilespmem:s31+$0x1EC0];
	v2 =	vmul.u32 $0x3E8, v14  }
0x207: {  	v11 =	vadd.s32 v5, v11;
	v5 =	vld [tilespmem:s31+$0x1ED0]  }
0x208: {  	s0 =	sshra.s32 s1, $0x2;
	s1 =	sadd.s32 $0x200, s1;
	[tilespmem:s31+$0x9880] =	vst v11;
	v12 =	vadd.s32 v15, v13;
	v11 =	vld [tilespmem:s31+$0x1EE0]  }
0x209: {  	v13 =	vld [tilespmem:s0+$0x5BF0];
	[tilespmem:s31+$0x9890] =	vst v12;
	v9 =	vadd.s32 v9, v10  }
0x20a: {  	v10 =	vld [tilespmem:s0+$0x5B80];
	[tilespmem:s31+$0x98A0] =	vst v9;
	v7 =	vadd.s32 v7, v8  }
0x20b: {  	v8 =	vld [tilespmem:s0+$0x1EF0];
	[tilespmem:s31+$0x98B0] =	vst v7;
	v4 =	vadd.s32 v4, v6  }
0x20c: {  	v6 =	vld [tilespmem:s0+$0x5B90];
	[tilespmem:s31+$0x98C0] =	vst v4;
	v3 =	vadd.s32 v5, v3  }
0x20d: {  	v4 =	vld [tilespmem:s0+$0x5BA0];
	[tilespmem:s31+$0x98D0] =	vst v3;
	v2 =	vadd.s32 v11, v2  }
0x20e: {  	v3 =	vld [tilespmem:s0+$0x5BB0];
	[tilespmem:s31+$0x98E0] =	vst v2  }
0x20f: {  	v2 =	vmul.u32 $0x3E8, v13;
	v5 =	vld [tilespmem:s0+$0x5BC0]  }
0x210: {  	v7 =	vld [tilespmem:s0+$0x5BD0]  }
0x211: {  	v9 =	vld [tilespmem:s0+$0x1E90];
	v2 =	vadd.s32 v8, v2  }
0x212: {  	[tilespmem:s0+$0x98F0] =	vst v2;
	v2 =	vld [tilespmem:s0+$0x1E80]  }
0x213: {  	v11 =	vld [tilespmem:s0+$0x1EA0]  }
0x214: {  	v12 =	vld [tilespmem:s0+$0x1EB0]  }
0x215: {  	v10 =	vmul.u32 $0x3E8, v10;
	v13 =	vld [tilespmem:s0+$0x1EC0]  }
0x216: {  	v8 =	vld [tilespmem:s0+$0x5BE0];
	v6 =	vmul.u32 $0x3E8, v6  }
0x217: {  	v4 =	vmul.u32 $0x3E8, v4;
	v2 =	vadd.s32 v2, v10;
	v10 =	vld [tilespmem:s0+$0x1ED0]  }
0x218: {  	[tilespmem:s0+$0x9880] =	vst v2;
	v2 =	vmul.u32 $0x3E8, v3;
	v3 =	vadd.s32 v9, v6;
	v6 =	vld [tilespmem:s0+$0x1EE0]  }
0x219: {  	v5 =	vmul.u32 $0x3E8, v5;
	[tilespmem:s0+$0x9890] =	vst v3;
	v3 =	vadd.s32 v11, v4  }
0x21a: {  	v4 =	vmul.u32 $0x3E8, v7;
	[tilespmem:s0+$0x98A0] =	vst v3;
	v2 =	vadd.s32 v12, v2  }
0x21b: {  	v3 =	vmul.u32 $0x3E8, v8;
	[tilespmem:s0+$0x98B0] =	vst v2;
	v2 =	vadd.s32 v13, v5  }
0x21c: {  	[tilespmem:s0+$0x98C0] =	vst v2;
	v2 =	vadd.s32 v10, v4  }
0x21d: {  	[tilespmem:s0+$0x98D0] =	vst v2;
	v2 =	vadd.s32 v6, v3  }
0x21e: {  	[tilespmem:s0+$0x98E0] =	vst v2  }
0x21f: {  	[spmem:s4] =	stream.indirect.scatter.add.f32 [tilespmem:s17], [sflag:$0x6], $0x1, s26, s19, $0xb8;
	[tilespmem:$0x1CB28] =	vst v63  }
0x220: {  	s2 =	simm.s32 $0x0;
	s1 =	rddreg [dreg:$0x13]  }
0x221: {  	[tilespmem:s19], [sflag:$0x2] =	stream.linear.gather [hbm4b:s1+s2], $0x1E80, $0x38;
	[tilespmem:$0x1CB28] =	vst v63  }
0x222: {  	s3 =	rddreg [dreg:$0x14]  }
0x223: {  	[tilespmem:s20], [sflag:$0x4] =	stream.linear.gather [hbm4b:s3+s2], $0x1E80, $0x38;
	[tilespmem:$0x1CB28] =	vst v63  }
0x224: {  	_ =	swait.ge [sflag:s21], $0x1E80  }
0x225: {  	[sflag:s21] =	ssyncset.done $0x0  }
0x226: {  	[sflag:s21] =	ssyncadd.s32 $0xFFFFE180  }
0x227: {  	_ =	swait.ge [sflag:s22], $0x1E80  }
0x228: {  	[sflag:s22] =	ssyncset.done $0x0  }
0x229: {  	[sflag:s22] =	ssyncadd.s32 $0xFFFFE180  }
0x22a: {  	_ =	swait.ge [sflag:s28], $0x1E80  }
0x22b: {  	[sflag:s28] =	ssyncset.done $0x0  }
0x22c: {  	s31 =	simm.s32 $0x0;
	[sflag:s28] =	ssyncadd.s32 $0xFFFFE180  }
0x22d: {  	v2 =	vld [tilespmem:s31+$0x3D70]  }
0x22e: {  	v3 =	vld [tilespmem:s31+$0x3D00]  }
0x22f: {  	v4 =	vld [tilespmem:s31+$0x70]  }
0x230: {  	v5 =	vld [tilespmem:s31+$0x3D10]  }
0x231: {  	v6 =	vld [tilespmem:s31+$0x3D20]  }
0x232: {  	v8 =	vld [tilespmem:s31+$0x3D30]  }
0x233: {  	v11 =	vld [tilespmem:s31+$0x3D40];
	v2 =	vmul.u32 $0x3E8, v2  }
0x234: {  	v12 =	vld [tilespmem:s31+$0x3D50]  }
0x235: {  	v13 =	vld [tilespmem:s31+$0x3D60];
	v2 =	vadd.s32 v4, v2  }
0x236: {  	[tilespmem:s31+$0x7A70] =	vst v2;
	v2 =	vld [tilespmem:s31+$0x0]  }
0x237: {  	v14 =	vld [tilespmem:s31+$0x10]  }
0x238: {  	v9 =	vld [tilespmem:s31+$0x20]  }
0x239: {  	v7 =	vld [tilespmem:s31+$0x30];
	v3 =	vmul.u32 $0x3E8, v3  }
0x23a: {  	v15 =	vmul.u32 $0x3E8, v5;
	v10 =	vmul.u32 $0x3E8, v6;
	v4 =	vld [tilespmem:s31+$0x40]  }
0x23b: {  	v5 =	vld [tilespmem:s31+$0x50];
	v8 =	vmul.u32 $0x3E8, v8;
	v6 =	vmul.u32 $0x3E8, v11;
	v2 =	vadd.s32 v2, v3  }
0x23c: {  	s0 =	simm.s32 $0x80;
	s1 =	simm.s32 $0x400;
	v11 =	vld [tilespmem:s31+$0x60];
	v3 =	vmul.u32 $0x3E8, v12;
	v12 =	vadd.s32 v14, v15;
	[tilespmem:s31+$0x7A00] =	vst v2;
	v2 =	vmul.u32 $0x3E8, v13  }
.LBB2_18:
0x23d: {  	p2 =	sne.s32 s1, $0x7800;
	v13 =	vld [tilespmem:s0+$0x3D70];
	[tilespmem:s31+$0x7A10] =	vst v12;
	v9 =	vadd.s32 v9, v10  }
0x23e: {  	v10 =	vld [tilespmem:s0+$0x3D00];
	[tilespmem:s31+$0x7A20] =	vst v9;
	v7 =	vadd.s32 v7, v8  }
0x23f: {  	v8 =	vld [tilespmem:s0+$0x70];
	[tilespmem:s31+$0x7A30] =	vst v7;
	v4 =	vadd.s32 v4, v6  }
0x240: {  	v6 =	vld [tilespmem:s0+$0x3D10];
	[tilespmem:s31+$0x7A40] =	vst v4;
	v3 =	vadd.s32 v5, v3  }
0x241: {  	v4 =	vld [tilespmem:s0+$0x3D20];
	[tilespmem:s31+$0x7A50] =	vst v3;
	v2 =	vadd.s32 v11, v2  }
0x242: {  	v3 =	vld [tilespmem:s0+$0x3D30];
	v5 =	vmul.u32 $0x3E8, v13;
	[tilespmem:s31+$0x7A60] =	vst v2;
	s31 =	smov.u32 s0  }
0x243: {  	v11 =	vmul.u32 $0x3E8, v10;
	v2 =	vld [tilespmem:s31+$0x3D40]  }
0x244: {  	v12 =	vld [tilespmem:s31+$0x3D50];
	v5 =	vadd.s32 v8, v5  }
0x245: {  	v13 =	vmul.u32 $0x3E8, v6;
	v14 =	vld [tilespmem:s31+$0x3D60];
	[tilespmem:s31+$0x7A70] =	vst v5  }
0x246: {  	v5 =	vld [tilespmem:s31+$0x0];
	v10 =	vmul.u32 $0x3E8, v4  }
0x247: {  	v15 =	vld [tilespmem:s31+$0x10];
	v8 =	vmul.u32 $0x3E8, v3  }
.Ltmp8:
0x248: {  	v9 =	vld [tilespmem:s31+$0x20];
	v6 =	vmul.u32 $0x3E8, v2;
	(pc) =	sbr.rel @p2 .LBB2_18-.Ltmp8, $4  }
0x249: {  	v7 =	vld [tilespmem:s31+$0x30];
	v3 =	vmul.u32 $0x3E8, v12  }
0x24a: {  	v4 =	vld [tilespmem:s31+$0x40];
	v2 =	vmul.u32 $0x3E8, v14  }
0x24b: {  	v11 =	vadd.s32 v5, v11;
	v5 =	vld [tilespmem:s31+$0x50]  }
0x24c: {  	s0 =	sshra.s32 s1, $0x2;
	s1 =	sadd.s32 $0x200, s1;
	[tilespmem:s31+$0x7A00] =	vst v11;
	v12 =	vadd.s32 v15, v13;
	v11 =	vld [tilespmem:s31+$0x60]  }
0x24d: {  	v13 =	vld [tilespmem:s0+$0x3D70];
	[tilespmem:s31+$0x7A10] =	vst v12;
	v9 =	vadd.s32 v9, v10  }
0x24e: {  	v10 =	vld [tilespmem:s0+$0x3D00];
	[tilespmem:s31+$0x7A20] =	vst v9;
	v7 =	vadd.s32 v7, v8  }
0x24f: {  	v8 =	vld [tilespmem:s0+$0x70];
	[tilespmem:s31+$0x7A30] =	vst v7;
	v4 =	vadd.s32 v4, v6  }
0x250: {  	v6 =	vld [tilespmem:s0+$0x3D10];
	[tilespmem:s31+$0x7A40] =	vst v4;
	v3 =	vadd.s32 v5, v3  }
0x251: {  	v4 =	vld [tilespmem:s0+$0x3D20];
	[tilespmem:s31+$0x7A50] =	vst v3;
	v2 =	vadd.s32 v11, v2  }
0x252: {  	v3 =	vld [tilespmem:s0+$0x3D30];
	[tilespmem:s31+$0x7A60] =	vst v2  }
0x253: {  	v2 =	vmul.u32 $0x3E8, v13;
	v5 =	vld [tilespmem:s0+$0x3D40]  }
0x254: {  	v7 =	vld [tilespmem:s0+$0x3D50]  }
0x255: {  	v9 =	vld [tilespmem:s0+$0x10];
	v2 =	vadd.s32 v8, v2  }
0x256: {  	[tilespmem:s0+$0x7A70] =	vst v2;
	v2 =	vld [tilespmem:s0+$0x0]  }
0x257: {  	v11 =	vld [tilespmem:s0+$0x20]  }
0x258: {  	v12 =	vld [tilespmem:s0+$0x30]  }
0x259: {  	v10 =	vmul.u32 $0x3E8, v10;
	v13 =	vld [tilespmem:s0+$0x40]  }
0x25a: {  	v8 =	vld [tilespmem:s0+$0x3D60];
	v6 =	vmul.u32 $0x3E8, v6  }
0x25b: {  	v4 =	vmul.u32 $0x3E8, v4;
	v2 =	vadd.s32 v2, v10;
	v10 =	vld [tilespmem:s0+$0x50]  }
0x25c: {  	[tilespmem:s0+$0x7A00] =	vst v2;
	v2 =	vmul.u32 $0x3E8, v3;
	v3 =	vadd.s32 v9, v6;
	v6 =	vld [tilespmem:s0+$0x60]  }
0x25d: {  	v5 =	vmul.u32 $0x3E8, v5;
	[tilespmem:s0+$0x7A10] =	vst v3;
	v3 =	vadd.s32 v11, v4  }
0x25e: {  	v4 =	vmul.u32 $0x3E8, v7;
	[tilespmem:s0+$0x7A20] =	vst v3;
	v2 =	vadd.s32 v12, v2  }
0x25f: {  	v3 =	vmul.u32 $0x3E8, v8;
	[tilespmem:s0+$0x7A30] =	vst v2;
	v2 =	vadd.s32 v13, v5  }
0x260: {  	[tilespmem:s0+$0x7A40] =	vst v2;
	v2 =	vadd.s32 v10, v4  }
0x261: {  	[tilespmem:s0+$0x7A50] =	vst v2;
	v2 =	vadd.s32 v6, v3  }
0x262: {  	[tilespmem:s0+$0x7A60] =	vst v2  }
0x263: {  	[spmem:s4] =	stream.indirect.scatter.add.f32 [tilespmem:s17], [sflag:$0x5], $0x1, s23, s19, $0xb8;
	[tilespmem:$0x1CB28] =	vst v63  }
0x264: {  	s2 =	simm.s32 $0x0;
	s1 =	rddreg [dreg:$0x15]  }
0x265: {  	[tilespmem:s2], [sflag:$0x1] =	stream.linear.gather [hbm4b:s1+s2], $0x1E80, $0x38;
	[tilespmem:$0x1CB28] =	vst v63  }
0x266: {  	s3 =	rddreg [dreg:$0x16]  }
0x267: {  	[tilespmem:s16], [sflag:$0x3] =	stream.linear.gather [hbm4b:s3+s2], $0x1E80, $0x38;
	[tilespmem:$0x1CB28] =	vst v63  }
0x268: {  	_ =	swait.ge [sflag:s24], $0x1E80  }
0x269: {  	[sflag:s24] =	ssyncset.done $0x0  }
0x26a: {  	[sflag:s24] =	ssyncadd.s32 $0xFFFFE180  }
0x26b: {  	_ =	swait.ge [sflag:s25], $0x1E80  }
0x26c: {  	[sflag:s25] =	ssyncset.done $0x0  }
0x26d: {  	[sflag:s25] =	ssyncadd.s32 $0xFFFFE180  }
0x26e: {  	_ =	swait.ge [sflag:s29], $0x1E80  }
0x26f: {  	[sflag:s29] =	ssyncset.done $0x0  }
0x270: {  	s31 =	simm.s32 $0x0;
	[sflag:s29] =	ssyncadd.s32 $0xFFFFE180  }
0x271: {  	v2 =	vld [tilespmem:s31+$0x5BF0]  }
0x272: {  	v3 =	vld [tilespmem:s31+$0x5B80]  }
0x273: {  	v4 =	vld [tilespmem:s31+$0x1EF0]  }
0x274: {  	v5 =	vld [tilespmem:s31+$0x5B90]  }
0x275: {  	v6 =	vld [tilespmem:s31+$0x5BA0]  }
0x276: {  	v8 =	vld [tilespmem:s31+$0x5BB0]  }
0x277: {  	v11 =	vld [tilespmem:s31+$0x5BC0];
	v2 =	vmul.u32 $0x3E8, v2  }
0x278: {  	v12 =	vld [tilespmem:s31+$0x5BD0]  }
0x279: {  	v13 =	vld [tilespmem:s31+$0x5BE0];
	v2 =	vadd.s32 v4, v2  }
0x27a: {  	[tilespmem:s31+$0x98F0] =	vst v2;
	v2 =	vld [tilespmem:s31+$0x1E80]  }
0x27b: {  	v14 =	vld [tilespmem:s31+$0x1E90]  }
0x27c: {  	v9 =	vld [tilespmem:s31+$0x1EA0]  }
0x27d: {  	v7 =	vld [tilespmem:s31+$0x1EB0];
	v3 =	vmul.u32 $0x3E8, v3  }
0x27e: {  	v15 =	vmul.u32 $0x3E8, v5;
	v10 =	vmul.u32 $0x3E8, v6;
	v4 =	vld [tilespmem:s31+$0x1EC0]  }
0x27f: {  	v5 =	vld [tilespmem:s31+$0x1ED0];
	v8 =	vmul.u32 $0x3E8, v8;
	v6 =	vmul.u32 $0x3E8, v11;
	v2 =	vadd.s32 v2, v3  }
0x280: {  	s0 =	simm.s32 $0x80;
	s1 =	simm.s32 $0x400;
	v11 =	vld [tilespmem:s31+$0x1EE0];
	v3 =	vmul.u32 $0x3E8, v12;
	v12 =	vadd.s32 v14, v15;
	[tilespmem:s31+$0x9880] =	vst v2;
	v2 =	vmul.u32 $0x3E8, v13  }
.LBB2_20:
0x281: {  	p2 =	sne.s32 s1, $0x7800;
	v13 =	vld [tilespmem:s0+$0x5BF0];
	[tilespmem:s31+$0x9890] =	vst v12;
	v9 =	vadd.s32 v9, v10  }
0x282: {  	v10 =	vld [tilespmem:s0+$0x5B80];
	[tilespmem:s31+$0x98A0] =	vst v9;
	v7 =	vadd.s32 v7, v8  }
0x283: {  	v8 =	vld [tilespmem:s0+$0x1EF0];
	[tilespmem:s31+$0x98B0] =	vst v7;
	v4 =	vadd.s32 v4, v6  }
0x284: {  	v6 =	vld [tilespmem:s0+$0x5B90];
	[tilespmem:s31+$0x98C0] =	vst v4;
	v3 =	vadd.s32 v5, v3  }
0x285: {  	v4 =	vld [tilespmem:s0+$0x5BA0];
	[tilespmem:s31+$0x98D0] =	vst v3;
	v2 =	vadd.s32 v11, v2  }
0x286: {  	v3 =	vld [tilespmem:s0+$0x5BB0];
	v5 =	vmul.u32 $0x3E8, v13;
	[tilespmem:s31+$0x98E0] =	vst v2;
	s31 =	smov.u32 s0  }
0x287: {  	v11 =	vmul.u32 $0x3E8, v10;
	v2 =	vld [tilespmem:s31+$0x5BC0]  }
0x288: {  	v12 =	vld [tilespmem:s31+$0x5BD0];
	v5 =	vadd.s32 v8, v5  }
0x289: {  	v13 =	vmul.u32 $0x3E8, v6;
	v14 =	vld [tilespmem:s31+$0x5BE0];
	[tilespmem:s31+$0x98F0] =	vst v5  }
0x28a: {  	v5 =	vld [tilespmem:s31+$0x1E80];
	v10 =	vmul.u32 $0x3E8, v4  }
0x28b: {  	v15 =	vld [tilespmem:s31+$0x1E90];
	v8 =	vmul.u32 $0x3E8, v3  }
.Ltmp9:
0x28c: {  	v9 =	vld [tilespmem:s31+$0x1EA0];
	v6 =	vmul.u32 $0x3E8, v2;
	(pc) =	sbr.rel @p2 .LBB2_20-.Ltmp9, $4  }
0x28d: {  	v7 =	vld [tilespmem:s31+$0x1EB0];
	v3 =	vmul.u32 $0x3E8, v12  }
0x28e: {  	v4 =	vld [tilespmem:s31+$0x1EC0];
	v2 =	vmul.u32 $0x3E8, v14  }
0x28f: {  	v11 =	vadd.s32 v5, v11;
	v5 =	vld [tilespmem:s31+$0x1ED0]  }
0x290: {  	s0 =	sshra.s32 s1, $0x2;
	s1 =	sadd.s32 $0x200, s1;
	[tilespmem:s31+$0x9880] =	vst v11;
	v12 =	vadd.s32 v15, v13;
	v11 =	vld [tilespmem:s31+$0x1EE0]  }
0x291: {  	v13 =	vld [tilespmem:s0+$0x5BF0];
	[tilespmem:s31+$0x9890] =	vst v12;
	v9 =	vadd.s32 v9, v10  }
0x292: {  	v10 =	vld [tilespmem:s0+$0x5B80];
	[tilespmem:s31+$0x98A0] =	vst v9;
	v7 =	vadd.s32 v7, v8  }
0x293: {  	v8 =	vld [tilespmem:s0+$0x1EF0];
	[tilespmem:s31+$0x98B0] =	vst v7;
	v4 =	vadd.s32 v4, v6  }
0x294: {  	v6 =	vld [tilespmem:s0+$0x5B90];
	[tilespmem:s31+$0x98C0] =	vst v4;
	v3 =	vadd.s32 v5, v3  }
0x295: {  	v4 =	vld [tilespmem:s0+$0x5BA0];
	[tilespmem:s31+$0x98D0] =	vst v3;
	v2 =	vadd.s32 v11, v2  }
0x296: {  	v3 =	vld [tilespmem:s0+$0x5BB0];
	[tilespmem:s31+$0x98E0] =	vst v2  }
0x297: {  	v2 =	vmul.u32 $0x3E8, v13;
	v5 =	vld [tilespmem:s0+$0x5BC0]  }
0x298: {  	v7 =	vld [tilespmem:s0+$0x5BD0]  }
0x299: {  	v9 =	vld [tilespmem:s0+$0x1E90];
	v2 =	vadd.s32 v8, v2  }
0x29a: {  	[tilespmem:s0+$0x98F0] =	vst v2;
	v2 =	vld [tilespmem:s0+$0x1E80]  }
0x29b: {  	v11 =	vld [tilespmem:s0+$0x1EA0]  }
0x29c: {  	v12 =	vld [tilespmem:s0+$0x1EB0]  }
0x29d: {  	v10 =	vmul.u32 $0x3E8, v10;
	v13 =	vld [tilespmem:s0+$0x1EC0]  }
0x29e: {  	v8 =	vld [tilespmem:s0+$0x5BE0];
	v6 =	vmul.u32 $0x3E8, v6  }
0x29f: {  	v4 =	vmul.u32 $0x3E8, v4;
	v2 =	vadd.s32 v2, v10;
	v10 =	vld [tilespmem:s0+$0x1ED0]  }
0x2a0: {  	[tilespmem:s0+$0x9880] =	vst v2;
	v2 =	vmul.u32 $0x3E8, v3;
	v3 =	vadd.s32 v9, v6;
	v6 =	vld [tilespmem:s0+$0x1EE0]  }
0x2a1: {  	v5 =	vmul.u32 $0x3E8, v5;
	[tilespmem:s0+$0x9890] =	vst v3;
	v3 =	vadd.s32 v11, v4  }
0x2a2: {  	v4 =	vmul.u32 $0x3E8, v7;
	[tilespmem:s0+$0x98A0] =	vst v3;
	v2 =	vadd.s32 v12, v2  }
0x2a3: {  	v3 =	vmul.u32 $0x3E8, v8;
	[tilespmem:s0+$0x98B0] =	vst v2;
	v2 =	vadd.s32 v13, v5  }
0x2a4: {  	[tilespmem:s0+$0x98C0] =	vst v2;
	v2 =	vadd.s32 v10, v4  }
0x2a5: {  	[tilespmem:s0+$0x98D0] =	vst v2;
	v2 =	vadd.s32 v6, v3  }
0x2a6: {  	[tilespmem:s0+$0x98E0] =	vst v2  }
0x2a7: {  	[spmem:s4] =	stream.indirect.scatter.add.f32 [tilespmem:s17], [sflag:$0x6], $0x1, s26, s19, $0xb8;
	[tilespmem:$0x1CB28] =	vst v63  }
0x2a8: {  	s2 =	simm.s32 $0x0;
	s1 =	rddreg [dreg:$0x17]  }
0x2a9: {  	[tilespmem:s19], [sflag:$0x2] =	stream.linear.gather [hbm4b:s1+s2], $0x1E80, $0x38;
	[tilespmem:$0x1CB28] =	vst v63  }
0x2aa: {  	s3 =	rddreg [dreg:$0x18]  }
0x2ab: {  	[tilespmem:s20], [sflag:$0x4] =	stream.linear.gather [hbm4b:s3+s2], $0x1E80, $0x38;
	[tilespmem:$0x1CB28] =	vst v63  }
0x2ac: {  	_ =	swait.ge [sflag:s21], $0x1E80  }
0x2ad: {  	[sflag:s21] =	ssyncset.done $0x0  }
0x2ae: {  	[sflag:s21] =	ssyncadd.s32 $0xFFFFE180  }
0x2af: {  	_ =	swait.ge [sflag:s22], $0x1E80  }
0x2b0: {  	[sflag:s22] =	ssyncset.done $0x0  }
0x2b1: {  	[sflag:s22] =	ssyncadd.s32 $0xFFFFE180  }
0x2b2: {  	_ =	swait.ge [sflag:s28], $0x1E80  }
0x2b3: {  	[sflag:s28] =	ssyncset.done $0x0  }
0x2b4: {  	s31 =	simm.s32 $0x0;
	[sflag:s28] =	ssyncadd.s32 $0xFFFFE180  }
0x2b5: {  	v2 =	vld [tilespmem:s31+$0x3D70]  }
0x2b6: {  	v3 =	vld [tilespmem:s31+$0x3D00]  }
0x2b7: {  	v4 =	vld [tilespmem:s31+$0x70]  }
0x2b8: {  	v5 =	vld [tilespmem:s31+$0x3D10]  }
0x2b9: {  	v6 =	vld [tilespmem:s31+$0x3D20]  }
0x2ba: {  	v8 =	vld [tilespmem:s31+$0x3D30]  }
0x2bb: {  	v11 =	vld [tilespmem:s31+$0x3D40];
	v2 =	vmul.u32 $0x3E8, v2  }
0x2bc: {  	v12 =	vld [tilespmem:s31+$0x3D50]  }
0x2bd: {  	v13 =	vld [tilespmem:s31+$0x3D60];
	v2 =	vadd.s32 v4, v2  }
0x2be: {  	[tilespmem:s31+$0x7A70] =	vst v2;
	v2 =	vld [tilespmem:s31+$0x0]  }
0x2bf: {  	v14 =	vld [tilespmem:s31+$0x10]  }
0x2c0: {  	v9 =	vld [tilespmem:s31+$0x20]  }
0x2c1: {  	v7 =	vld [tilespmem:s31+$0x30];
	v3 =	vmul.u32 $0x3E8, v3  }
0x2c2: {  	v15 =	vmul.u32 $0x3E8, v5;
	v10 =	vmul.u32 $0x3E8, v6;
	v4 =	vld [tilespmem:s31+$0x40]  }
0x2c3: {  	v5 =	vld [tilespmem:s31+$0x50];
	v8 =	vmul.u32 $0x3E8, v8;
	v6 =	vmul.u32 $0x3E8, v11;
	v2 =	vadd.s32 v2, v3  }
0x2c4: {  	s0 =	simm.s32 $0x80;
	s1 =	simm.s32 $0x400;
	v11 =	vld [tilespmem:s31+$0x60];
	v3 =	vmul.u32 $0x3E8, v12;
	v12 =	vadd.s32 v14, v15;
	[tilespmem:s31+$0x7A00] =	vst v2;
	v2 =	vmul.u32 $0x3E8, v13  }
.LBB2_22:
0x2c5: {  	p2 =	sne.s32 s1, $0x7800;
	v13 =	vld [tilespmem:s0+$0x3D70];
	[tilespmem:s31+$0x7A10] =	vst v12;
	v9 =	vadd.s32 v9, v10  }
0x2c6: {  	v10 =	vld [tilespmem:s0+$0x3D00];
	[tilespmem:s31+$0x7A20] =	vst v9;
	v7 =	vadd.s32 v7, v8  }
0x2c7: {  	v8 =	vld [tilespmem:s0+$0x70];
	[tilespmem:s31+$0x7A30] =	vst v7;
	v4 =	vadd.s32 v4, v6  }
0x2c8: {  	v6 =	vld [tilespmem:s0+$0x3D10];
	[tilespmem:s31+$0x7A40] =	vst v4;
	v3 =	vadd.s32 v5, v3  }
0x2c9: {  	v4 =	vld [tilespmem:s0+$0x3D20];
	[tilespmem:s31+$0x7A50] =	vst v3;
	v2 =	vadd.s32 v11, v2  }
0x2ca: {  	v3 =	vld [tilespmem:s0+$0x3D30];
	v5 =	vmul.u32 $0x3E8, v13;
	[tilespmem:s31+$0x7A60] =	vst v2;
	s31 =	smov.u32 s0  }
0x2cb: {  	v11 =	vmul.u32 $0x3E8, v10;
	v2 =	vld [tilespmem:s31+$0x3D40]  }
0x2cc: {  	v12 =	vld [tilespmem:s31+$0x3D50];
	v5 =	vadd.s32 v8, v5  }
0x2cd: {  	v13 =	vmul.u32 $0x3E8, v6;
	v14 =	vld [tilespmem:s31+$0x3D60];
	[tilespmem:s31+$0x7A70] =	vst v5  }
0x2ce: {  	v5 =	vld [tilespmem:s31+$0x0];
	v10 =	vmul.u32 $0x3E8, v4  }
0x2cf: {  	v15 =	vld [tilespmem:s31+$0x10];
	v8 =	vmul.u32 $0x3E8, v3  }
.Ltmp10:
0x2d0: {  	v9 =	vld [tilespmem:s31+$0x20];
	v6 =	vmul.u32 $0x3E8, v2;
	(pc) =	sbr.rel @p2 .LBB2_22-.Ltmp10, $4  }
0x2d1: {  	v7 =	vld [tilespmem:s31+$0x30];
	v3 =	vmul.u32 $0x3E8, v12  }
0x2d2: {  	v4 =	vld [tilespmem:s31+$0x40];
	v2 =	vmul.u32 $0x3E8, v14  }
0x2d3: {  	v11 =	vadd.s32 v5, v11;
	v5 =	vld [tilespmem:s31+$0x50]  }
0x2d4: {  	s0 =	sshra.s32 s1, $0x2;
	s1 =	sadd.s32 $0x200, s1;
	[tilespmem:s31+$0x7A00] =	vst v11;
	v12 =	vadd.s32 v15, v13;
	v11 =	vld [tilespmem:s31+$0x60]  }
0x2d5: {  	v13 =	vld [tilespmem:s0+$0x3D70];
	[tilespmem:s31+$0x7A10] =	vst v12;
	v9 =	vadd.s32 v9, v10  }
0x2d6: {  	v10 =	vld [tilespmem:s0+$0x3D00];
	[tilespmem:s31+$0x7A20] =	vst v9;
	v7 =	vadd.s32 v7, v8  }
0x2d7: {  	v8 =	vld [tilespmem:s0+$0x70];
	[tilespmem:s31+$0x7A30] =	vst v7;
	v4 =	vadd.s32 v4, v6  }
0x2d8: {  	v6 =	vld [tilespmem:s0+$0x3D10];
	[tilespmem:s31+$0x7A40] =	vst v4;
	v3 =	vadd.s32 v5, v3  }
0x2d9: {  	v4 =	vld [tilespmem:s0+$0x3D20];
	[tilespmem:s31+$0x7A50] =	vst v3;
	v2 =	vadd.s32 v11, v2  }
0x2da: {  	v3 =	vld [tilespmem:s0+$0x3D30];
	[tilespmem:s31+$0x7A60] =	vst v2  }
0x2db: {  	v2 =	vmul.u32 $0x3E8, v13;
	v5 =	vld [tilespmem:s0+$0x3D40]  }
0x2dc: {  	v7 =	vld [tilespmem:s0+$0x3D50]  }
0x2dd: {  	v9 =	vld [tilespmem:s0+$0x10];
	v2 =	vadd.s32 v8, v2  }
0x2de: {  	[tilespmem:s0+$0x7A70] =	vst v2;
	v2 =	vld [tilespmem:s0+$0x0]  }
0x2df: {  	v11 =	vld [tilespmem:s0+$0x20]  }
0x2e0: {  	v12 =	vld [tilespmem:s0+$0x30]  }
0x2e1: {  	v10 =	vmul.u32 $0x3E8, v10;
	v13 =	vld [tilespmem:s0+$0x40]  }
0x2e2: {  	v8 =	vld [tilespmem:s0+$0x3D60];
	v6 =	vmul.u32 $0x3E8, v6  }
0x2e3: {  	v4 =	vmul.u32 $0x3E8, v4;
	v2 =	vadd.s32 v2, v10;
	v10 =	vld [tilespmem:s0+$0x50]  }
0x2e4: {  	[tilespmem:s0+$0x7A00] =	vst v2;
	v2 =	vmul.u32 $0x3E8, v3;
	v3 =	vadd.s32 v9, v6;
	v6 =	vld [tilespmem:s0+$0x60]  }
0x2e5: {  	v5 =	vmul.u32 $0x3E8, v5;
	[tilespmem:s0+$0x7A10] =	vst v3;
	v3 =	vadd.s32 v11, v4  }
0x2e6: {  	v4 =	vmul.u32 $0x3E8, v7;
	[tilespmem:s0+$0x7A20] =	vst v3;
	v2 =	vadd.s32 v12, v2  }
0x2e7: {  	v3 =	vmul.u32 $0x3E8, v8;
	[tilespmem:s0+$0x7A30] =	vst v2;
	v2 =	vadd.s32 v13, v5  }
0x2e8: {  	[tilespmem:s0+$0x7A40] =	vst v2;
	v2 =	vadd.s32 v10, v4  }
0x2e9: {  	[tilespmem:s0+$0x7A50] =	vst v2;
	v2 =	vadd.s32 v6, v3  }
0x2ea: {  	[tilespmem:s0+$0x7A60] =	vst v2  }
0x2eb: {  	[spmem:s4] =	stream.indirect.scatter.add.f32 [tilespmem:s17], [sflag:$0x5], $0x1, s23, s19, $0xb8;
	[tilespmem:$0x1CB28] =	vst v63  }
0x2ec: {  	s2 =	simm.s32 $0x0;
	s1 =	rddreg [dreg:$0x19]  }
0x2ed: {  	[tilespmem:s2], [sflag:$0x1] =	stream.linear.gather [hbm4b:s1+s2], $0x1E80, $0x38;
	[tilespmem:$0x1CB28] =	vst v63  }
0x2ee: {  	s3 =	rddreg [dreg:$0x1a]  }
0x2ef: {  	[tilespmem:s16], [sflag:$0x3] =	stream.linear.gather [hbm4b:s3+s2], $0x1E80, $0x38;
	[tilespmem:$0x1CB28] =	vst v63  }
0x2f0: {  	_ =	swait.ge [sflag:s24], $0x1E80  }
0x2f1: {  	[sflag:s24] =	ssyncset.done $0x0  }
0x2f2: {  	[sflag:s24] =	ssyncadd.s32 $0xFFFFE180  }
0x2f3: {  	_ =	swait.ge [sflag:s25], $0x1E80  }
0x2f4: {  	[sflag:s25] =	ssyncset.done $0x0  }
0x2f5: {  	[sflag:s25] =	ssyncadd.s32 $0xFFFFE180  }
0x2f6: {  	_ =	swait.ge [sflag:s29], $0x1E80  }
0x2f7: {  	[sflag:s29] =	ssyncset.done $0x0  }
0x2f8: {  	s31 =	simm.s32 $0x0;
	[sflag:s29] =	ssyncadd.s32 $0xFFFFE180  }
0x2f9: {  	v2 =	vld [tilespmem:s31+$0x5BF0]  }
0x2fa: {  	v3 =	vld [tilespmem:s31+$0x5B80]  }
0x2fb: {  	v4 =	vld [tilespmem:s31+$0x1EF0]  }
0x2fc: {  	v5 =	vld [tilespmem:s31+$0x5B90]  }
0x2fd: {  	v6 =	vld [tilespmem:s31+$0x5BA0]  }
0x2fe: {  	v8 =	vld [tilespmem:s31+$0x5BB0]  }
0x2ff: {  	v11 =	vld [tilespmem:s31+$0x5BC0];
	v2 =	vmul.u32 $0x3E8, v2  }
0x300: {  	v12 =	vld [tilespmem:s31+$0x5BD0]  }
0x301: {  	v13 =	vld [tilespmem:s31+$0x5BE0];
	v2 =	vadd.s32 v4, v2  }
0x302: {  	[tilespmem:s31+$0x98F0] =	vst v2;
	v2 =	vld [tilespmem:s31+$0x1E80]  }
0x303: {  	v14 =	vld [tilespmem:s31+$0x1E90]  }
0x304: {  	v9 =	vld [tilespmem:s31+$0x1EA0]  }
0x305: {  	v7 =	vld [tilespmem:s31+$0x1EB0];
	v3 =	vmul.u32 $0x3E8, v3  }
0x306: {  	v15 =	vmul.u32 $0x3E8, v5;
	v10 =	vmul.u32 $0x3E8, v6;
	v4 =	vld [tilespmem:s31+$0x1EC0]  }
0x307: {  	v5 =	vld [tilespmem:s31+$0x1ED0];
	v8 =	vmul.u32 $0x3E8, v8;
	v6 =	vmul.u32 $0x3E8, v11;
	v2 =	vadd.s32 v2, v3  }
0x308: {  	s0 =	simm.s32 $0x80;
	s1 =	simm.s32 $0x400;
	v11 =	vld [tilespmem:s31+$0x1EE0];
	v3 =	vmul.u32 $0x3E8, v12;
	v12 =	vadd.s32 v14, v15;
	[tilespmem:s31+$0x9880] =	vst v2;
	v2 =	vmul.u32 $0x3E8, v13  }
.LBB2_24:
0x309: {  	p2 =	sne.s32 s1, $0x7800;
	v13 =	vld [tilespmem:s0+$0x5BF0];
	[tilespmem:s31+$0x9890] =	vst v12;
	v9 =	vadd.s32 v9, v10  }
0x30a: {  	v10 =	vld [tilespmem:s0+$0x5B80];
	[tilespmem:s31+$0x98A0] =	vst v9;
	v7 =	vadd.s32 v7, v8  }
0x30b: {  	v8 =	vld [tilespmem:s0+$0x1EF0];
	[tilespmem:s31+$0x98B0] =	vst v7;
	v4 =	vadd.s32 v4, v6  }
0x30c: {  	v6 =	vld [tilespmem:s0+$0x5B90];
	[tilespmem:s31+$0x98C0] =	vst v4;
	v3 =	vadd.s32 v5, v3  }
0x30d: {  	v4 =	vld [tilespmem:s0+$0x5BA0];
	[tilespmem:s31+$0x98D0] =	vst v3;
	v2 =	vadd.s32 v11, v2  }
0x30e: {  	v3 =	vld [tilespmem:s0+$0x5BB0];
	v5 =	vmul.u32 $0x3E8, v13;
	[tilespmem:s31+$0x98E0] =	vst v2;
	s31 =	smov.u32 s0  }
0x30f: {  	v11 =	vmul.u32 $0x3E8, v10;
	v2 =	vld [tilespmem:s31+$0x5BC0]  }
0x310: {  	v12 =	vld [tilespmem:s31+$0x5BD0];
	v5 =	vadd.s32 v8, v5  }
0x311: {  	v13 =	vmul.u32 $0x3E8, v6;
	v14 =	vld [tilespmem:s31+$0x5BE0];
	[tilespmem:s31+$0x98F0] =	vst v5  }
0x312: {  	v5 =	vld [tilespmem:s31+$0x1E80];
	v10 =	vmul.u32 $0x3E8, v4  }
0x313: {  	v15 =	vld [tilespmem:s31+$0x1E90];
	v8 =	vmul.u32 $0x3E8, v3  }
.Ltmp11:
0x314: {  	v9 =	vld [tilespmem:s31+$0x1EA0];
	v6 =	vmul.u32 $0x3E8, v2;
	(pc) =	sbr.rel @p2 .LBB2_24-.Ltmp11, $4  }
0x315: {  	v7 =	vld [tilespmem:s31+$0x1EB0];
	v3 =	vmul.u32 $0x3E8, v12  }
0x316: {  	v4 =	vld [tilespmem:s31+$0x1EC0];
	v2 =	vmul.u32 $0x3E8, v14  }
0x317: {  	v11 =	vadd.s32 v5, v11;
	v5 =	vld [tilespmem:s31+$0x1ED0]  }
0x318: {  	s0 =	sshra.s32 s1, $0x2;
	s1 =	sadd.s32 $0x200, s1;
	[tilespmem:s31+$0x9880] =	vst v11;
	v12 =	vadd.s32 v15, v13;
	v11 =	vld [tilespmem:s31+$0x1EE0]  }
0x319: {  	v13 =	vld [tilespmem:s0+$0x5BF0];
	[tilespmem:s31+$0x9890] =	vst v12;
	v9 =	vadd.s32 v9, v10  }
0x31a: {  	v10 =	vld [tilespmem:s0+$0x5B80];
	[tilespmem:s31+$0x98A0] =	vst v9;
	v7 =	vadd.s32 v7, v8  }
0x31b: {  	v8 =	vld [tilespmem:s0+$0x1EF0];
	[tilespmem:s31+$0x98B0] =	vst v7;
	v4 =	vadd.s32 v4, v6  }
0x31c: {  	v6 =	vld [tilespmem:s0+$0x5B90];
	[tilespmem:s31+$0x98C0] =	vst v4;
	v3 =	vadd.s32 v5, v3  }
0x31d: {  	v4 =	vld [tilespmem:s0+$0x5BA0];
	[tilespmem:s31+$0x98D0] =	vst v3;
	v2 =	vadd.s32 v11, v2  }
0x31e: {  	v3 =	vld [tilespmem:s0+$0x5BB0];
	[tilespmem:s31+$0x98E0] =	vst v2  }
0x31f: {  	v2 =	vmul.u32 $0x3E8, v13;
	v5 =	vld [tilespmem:s0+$0x5BC0]  }
0x320: {  	v7 =	vld [tilespmem:s0+$0x5BD0]  }
0x321: {  	v9 =	vld [tilespmem:s0+$0x1E90];
	v2 =	vadd.s32 v8, v2  }
0x322: {  	[tilespmem:s0+$0x98F0] =	vst v2;
	v2 =	vld [tilespmem:s0+$0x1E80]  }
0x323: {  	v11 =	vld [tilespmem:s0+$0x1EA0]  }
0x324: {  	v12 =	vld [tilespmem:s0+$0x1EB0]  }
0x325: {  	v10 =	vmul.u32 $0x3E8, v10;
	v13 =	vld [tilespmem:s0+$0x1EC0]  }
0x326: {  	v8 =	vld [tilespmem:s0+$0x5BE0];
	v6 =	vmul.u32 $0x3E8, v6  }
0x327: {  	v4 =	vmul.u32 $0x3E8, v4;
	v2 =	vadd.s32 v2, v10;
	v10 =	vld [tilespmem:s0+$0x1ED0]  }
0x328: {  	[tilespmem:s0+$0x9880] =	vst v2;
	v2 =	vmul.u32 $0x3E8, v3;
	v3 =	vadd.s32 v9, v6;
	v6 =	vld [tilespmem:s0+$0x1EE0]  }
0x329: {  	v5 =	vmul.u32 $0x3E8, v5;
	[tilespmem:s0+$0x9890] =	vst v3;
	v3 =	vadd.s32 v11, v4  }
0x32a: {  	v4 =	vmul.u32 $0x3E8, v7;
	[tilespmem:s0+$0x98A0] =	vst v3;
	v2 =	vadd.s32 v12, v2  }
0x32b: {  	v3 =	vmul.u32 $0x3E8, v8;
	[tilespmem:s0+$0x98B0] =	vst v2;
	v2 =	vadd.s32 v13, v5  }
0x32c: {  	[tilespmem:s0+$0x98C0] =	vst v2;
	v2 =	vadd.s32 v10, v4  }
0x32d: {  	[tilespmem:s0+$0x98D0] =	vst v2;
	v2 =	vadd.s32 v6, v3  }
0x32e: {  	[tilespmem:s0+$0x98E0] =	vst v2  }
0x32f: {  	[spmem:s4] =	stream.indirect.scatter.add.f32 [tilespmem:s17], [sflag:$0x6], $0x1, s26, s19, $0xb8;
	[tilespmem:$0x1CB28] =	vst v63  }
0x330: {  	s2 =	simm.s32 $0x0;
	s1 =	rddreg [dreg:$0x1b]  }
0x331: {  	[tilespmem:s19], [sflag:$0x2] =	stream.linear.gather [hbm4b:s1+s2], $0x1E80, $0x38;
	[tilespmem:$0x1CB28] =	vst v63  }
0x332: {  	s3 =	rddreg [dreg:$0x1c]  }
0x333: {  	[tilespmem:s20], [sflag:$0x4] =	stream.linear.gather [hbm4b:s3+s2], $0x1E80, $0x38;
	[tilespmem:$0x1CB28] =	vst v63  }
0x334: {  	_ =	swait.ge [sflag:s21], $0x1E80  }
0x335: {  	[sflag:s21] =	ssyncset.done $0x0  }
0x336: {  	[sflag:s21] =	ssyncadd.s32 $0xFFFFE180  }
0x337: {  	_ =	swait.ge [sflag:s22], $0x1E80  }
0x338: {  	[sflag:s22] =	ssyncset.done $0x0  }
0x339: {  	[sflag:s22] =	ssyncadd.s32 $0xFFFFE180  }
0x33a: {  	_ =	swait.ge [sflag:s28], $0x1E80  }
0x33b: {  	[sflag:s28] =	ssyncset.done $0x0  }
0x33c: {  	s31 =	simm.s32 $0x0;
	[sflag:s28] =	ssyncadd.s32 $0xFFFFE180  }
0x33d: {  	v2 =	vld [tilespmem:s31+$0x3D70]  }
0x33e: {  	v3 =	vld [tilespmem:s31+$0x3D00]  }
0x33f: {  	v4 =	vld [tilespmem:s31+$0x70]  }
0x340: {  	v5 =	vld [tilespmem:s31+$0x3D10]  }
0x341: {  	v6 =	vld [tilespmem:s31+$0x3D20]  }
0x342: {  	v8 =	vld [tilespmem:s31+$0x3D30]  }
0x343: {  	v11 =	vld [tilespmem:s31+$0x3D40];
	v2 =	vmul.u32 $0x3E8, v2  }
0x344: {  	v12 =	vld [tilespmem:s31+$0x3D50]  }
0x345: {  	v13 =	vld [tilespmem:s31+$0x3D60];
	v2 =	vadd.s32 v4, v2  }
0x346: {  	[tilespmem:s31+$0x7A70] =	vst v2;
	v2 =	vld [tilespmem:s31+$0x0]  }
0x347: {  	v14 =	vld [tilespmem:s31+$0x10]  }
0x348: {  	v9 =	vld [tilespmem:s31+$0x20]  }
0x349: {  	v7 =	vld [tilespmem:s31+$0x30];
	v3 =	vmul.u32 $0x3E8, v3  }
0x34a: {  	v15 =	vmul.u32 $0x3E8, v5;
	v10 =	vmul.u32 $0x3E8, v6;
	v4 =	vld [tilespmem:s31+$0x40]  }
0x34b: {  	v5 =	vld [tilespmem:s31+$0x50];
	v8 =	vmul.u32 $0x3E8, v8;
	v6 =	vmul.u32 $0x3E8, v11;
	v2 =	vadd.s32 v2, v3  }
0x34c: {  	s0 =	simm.s32 $0x80;
	s1 =	simm.s32 $0x400;
	v11 =	vld [tilespmem:s31+$0x60];
	v3 =	vmul.u32 $0x3E8, v12;
	v12 =	vadd.s32 v14, v15;
	[tilespmem:s31+$0x7A00] =	vst v2;
	v2 =	vmul.u32 $0x3E8, v13  }
.LBB2_26:
0x34d: {  	p2 =	sne.s32 s1, $0x7800;
	v13 =	vld [tilespmem:s0+$0x3D70];
	[tilespmem:s31+$0x7A10] =	vst v12;
	v9 =	vadd.s32 v9, v10  }
0x34e: {  	v10 =	vld [tilespmem:s0+$0x3D00];
	[tilespmem:s31+$0x7A20] =	vst v9;
	v7 =	vadd.s32 v7, v8  }
0x34f: {  	v8 =	vld [tilespmem:s0+$0x70];
	[tilespmem:s31+$0x7A30] =	vst v7;
	v4 =	vadd.s32 v4, v6  }
0x350: {  	v6 =	vld [tilespmem:s0+$0x3D10];
	[tilespmem:s31+$0x7A40] =	vst v4;
	v3 =	vadd.s32 v5, v3  }
0x351: {  	v4 =	vld [tilespmem:s0+$0x3D20];
	[tilespmem:s31+$0x7A50] =	vst v3;
	v2 =	vadd.s32 v11, v2  }
0x352: {  	v3 =	vld [tilespmem:s0+$0x3D30];
	v5 =	vmul.u32 $0x3E8, v13;
	[tilespmem:s31+$0x7A60] =	vst v2;
	s31 =	smov.u32 s0  }
0x353: {  	v11 =	vmul.u32 $0x3E8, v10;
	v2 =	vld [tilespmem:s31+$0x3D40]  }
0x354: {  	v12 =	vld [tilespmem:s31+$0x3D50];
	v5 =	vadd.s32 v8, v5  }
0x355: {  	v13 =	vmul.u32 $0x3E8, v6;
	v14 =	vld [tilespmem:s31+$0x3D60];
	[tilespmem:s31+$0x7A70] =	vst v5  }
0x356: {  	v5 =	vld [tilespmem:s31+$0x0];
	v10 =	vmul.u32 $0x3E8, v4  }
0x357: {  	v15 =	vld [tilespmem:s31+$0x10];
	v8 =	vmul.u32 $0x3E8, v3  }
.Ltmp12:
0x358: {  	v9 =	vld [tilespmem:s31+$0x20];
	v6 =	vmul.u32 $0x3E8, v2;
	(pc) =	sbr.rel @p2 .LBB2_26-.Ltmp12, $4  }
0x359: {  	v7 =	vld [tilespmem:s31+$0x30];
	v3 =	vmul.u32 $0x3E8, v12  }
0x35a: {  	v4 =	vld [tilespmem:s31+$0x40];
	v2 =	vmul.u32 $0x3E8, v14  }
0x35b: {  	v11 =	vadd.s32 v5, v11;
	v5 =	vld [tilespmem:s31+$0x50]  }
0x35c: {  	s0 =	sshra.s32 s1, $0x2;
	s1 =	sadd.s32 $0x200, s1;
	[tilespmem:s31+$0x7A00] =	vst v11;
	v12 =	vadd.s32 v15, v13;
	v11 =	vld [tilespmem:s31+$0x60]  }
0x35d: {  	v13 =	vld [tilespmem:s0+$0x3D70];
	[tilespmem:s31+$0x7A10] =	vst v12;
	v9 =	vadd.s32 v9, v10  }
0x35e: {  	v10 =	vld [tilespmem:s0+$0x3D00];
	[tilespmem:s31+$0x7A20] =	vst v9;
	v7 =	vadd.s32 v7, v8  }
0x35f: {  	v8 =	vld [tilespmem:s0+$0x70];
	[tilespmem:s31+$0x7A30] =	vst v7;
	v4 =	vadd.s32 v4, v6  }
0x360: {  	v6 =	vld [tilespmem:s0+$0x3D10];
	[tilespmem:s31+$0x7A40] =	vst v4;
	v3 =	vadd.s32 v5, v3  }
0x361: {  	v4 =	vld [tilespmem:s0+$0x3D20];
	[tilespmem:s31+$0x7A50] =	vst v3;
	v2 =	vadd.s32 v11, v2  }
0x362: {  	v3 =	vld [tilespmem:s0+$0x3D30];
	[tilespmem:s31+$0x7A60] =	vst v2  }
0x363: {  	v2 =	vmul.u32 $0x3E8, v13;
	v5 =	vld [tilespmem:s0+$0x3D40]  }
0x364: {  	v7 =	vld [tilespmem:s0+$0x3D50]  }
0x365: {  	v9 =	vld [tilespmem:s0+$0x10];
	v2 =	vadd.s32 v8, v2  }
0x366: {  	[tilespmem:s0+$0x7A70] =	vst v2;
	v2 =	vld [tilespmem:s0+$0x0]  }
0x367: {  	v11 =	vld [tilespmem:s0+$0x20]  }
0x368: {  	v12 =	vld [tilespmem:s0+$0x30]  }
0x369: {  	v10 =	vmul.u32 $0x3E8, v10;
	v13 =	vld [tilespmem:s0+$0x40]  }
0x36a: {  	v8 =	vld [tilespmem:s0+$0x3D60];
	v6 =	vmul.u32 $0x3E8, v6  }
0x36b: {  	v4 =	vmul.u32 $0x3E8, v4;
	v2 =	vadd.s32 v2, v10;
	v10 =	vld [tilespmem:s0+$0x50]  }
0x36c: {  	[tilespmem:s0+$0x7A00] =	vst v2;
	v2 =	vmul.u32 $0x3E8, v3;
	v3 =	vadd.s32 v9, v6;
	v6 =	vld [tilespmem:s0+$0x60]  }
0x36d: {  	v5 =	vmul.u32 $0x3E8, v5;
	[tilespmem:s0+$0x7A10] =	vst v3;
	v3 =	vadd.s32 v11, v4  }
0x36e: {  	v4 =	vmul.u32 $0x3E8, v7;
	[tilespmem:s0+$0x7A20] =	vst v3;
	v2 =	vadd.s32 v12, v2  }
0x36f: {  	v3 =	vmul.u32 $0x3E8, v8;
	[tilespmem:s0+$0x7A30] =	vst v2;
	v2 =	vadd.s32 v13, v5  }
0x370: {  	[tilespmem:s0+$0x7A40] =	vst v2;
	v2 =	vadd.s32 v10, v4  }
0x371: {  	[tilespmem:s0+$0x7A50] =	vst v2;
	v2 =	vadd.s32 v6, v3  }
0x372: {  	[tilespmem:s0+$0x7A60] =	vst v2  }
0x373: {  	[spmem:s4] =	stream.indirect.scatter.add.f32 [tilespmem:s17], [sflag:$0x5], $0x1, s23, s19, $0xb8;
	[tilespmem:$0x1CB28] =	vst v63  }
0x374: {  	s2 =	simm.s32 $0x0;
	s1 =	rddreg [dreg:$0x1d]  }
0x375: {  	[tilespmem:s2], [sflag:$0x1] =	stream.linear.gather [hbm4b:s1+s2], $0x1E80, $0x38;
	[tilespmem:$0x1CB28] =	vst v63  }
0x376: {  	s3 =	rddreg [dreg:$0x1e]  }
0x377: {  	[tilespmem:s16], [sflag:$0x3] =	stream.linear.gather [hbm4b:s3+s2], $0x1E80, $0x38;
	[tilespmem:$0x1CB28] =	vst v63  }
0x378: {  	_ =	swait.ge [sflag:s24], $0x1E80  }
0x379: {  	[sflag:s24] =	ssyncset.done $0x0  }
0x37a: {  	[sflag:s24] =	ssyncadd.s32 $0xFFFFE180  }
0x37b: {  	_ =	swait.ge [sflag:s25], $0x1E80  }
0x37c: {  	[sflag:s25] =	ssyncset.done $0x0  }
0x37d: {  	[sflag:s25] =	ssyncadd.s32 $0xFFFFE180  }
0x37e: {  	_ =	swait.ge [sflag:s29], $0x1E80  }
0x37f: {  	[sflag:s29] =	ssyncset.done $0x0  }
0x380: {  	s31 =	simm.s32 $0x0;
	[sflag:s29] =	ssyncadd.s32 $0xFFFFE180  }
0x381: {  	v2 =	vld [tilespmem:s31+$0x5BF0]  }
0x382: {  	v3 =	vld [tilespmem:s31+$0x5B80]  }
0x383: {  	v4 =	vld [tilespmem:s31+$0x1EF0]  }
0x384: {  	v5 =	vld [tilespmem:s31+$0x5B90]  }
0x385: {  	v6 =	vld [tilespmem:s31+$0x5BA0]  }
0x386: {  	v8 =	vld [tilespmem:s31+$0x5BB0]  }
0x387: {  	v11 =	vld [tilespmem:s31+$0x5BC0];
	v2 =	vmul.u32 $0x3E8, v2  }
0x388: {  	v12 =	vld [tilespmem:s31+$0x5BD0]  }
0x389: {  	v13 =	vld [tilespmem:s31+$0x5BE0];
	v2 =	vadd.s32 v4, v2  }
0x38a: {  	[tilespmem:s31+$0x98F0] =	vst v2;
	v2 =	vld [tilespmem:s31+$0x1E80]  }
0x38b: {  	v14 =	vld [tilespmem:s31+$0x1E90]  }
0x38c: {  	v9 =	vld [tilespmem:s31+$0x1EA0]  }
0x38d: {  	v7 =	vld [tilespmem:s31+$0x1EB0];
	v3 =	vmul.u32 $0x3E8, v3  }
0x38e: {  	v15 =	vmul.u32 $0x3E8, v5;
	v10 =	vmul.u32 $0x3E8, v6;
	v4 =	vld [tilespmem:s31+$0x1EC0]  }
0x38f: {  	v5 =	vld [tilespmem:s31+$0x1ED0];
	v8 =	vmul.u32 $0x3E8, v8;
	v6 =	vmul.u32 $0x3E8, v11;
	v2 =	vadd.s32 v2, v3  }
0x390: {  	s0 =	simm.s32 $0x80;
	s1 =	simm.s32 $0x400;
	v11 =	vld [tilespmem:s31+$0x1EE0];
	v3 =	vmul.u32 $0x3E8, v12;
	v12 =	vadd.s32 v14, v15;
	[tilespmem:s31+$0x9880] =	vst v2;
	v2 =	vmul.u32 $0x3E8, v13  }
.LBB2_28:
0x391: {  	p2 =	sne.s32 s1, $0x7800;
	v13 =	vld [tilespmem:s0+$0x5BF0];
	[tilespmem:s31+$0x9890] =	vst v12;
	v9 =	vadd.s32 v9, v10  }
0x392: {  	v10 =	vld [tilespmem:s0+$0x5B80];
	[tilespmem:s31+$0x98A0] =	vst v9;
	v7 =	vadd.s32 v7, v8  }
0x393: {  	v8 =	vld [tilespmem:s0+$0x1EF0];
	[tilespmem:s31+$0x98B0] =	vst v7;
	v4 =	vadd.s32 v4, v6  }
0x394: {  	v6 =	vld [tilespmem:s0+$0x5B90];
	[tilespmem:s31+$0x98C0] =	vst v4;
	v3 =	vadd.s32 v5, v3  }
0x395: {  	v4 =	vld [tilespmem:s0+$0x5BA0];
	[tilespmem:s31+$0x98D0] =	vst v3;
	v2 =	vadd.s32 v11, v2  }
0x396: {  	v3 =	vld [tilespmem:s0+$0x5BB0];
	v5 =	vmul.u32 $0x3E8, v13;
	[tilespmem:s31+$0x98E0] =	vst v2;
	s31 =	smov.u32 s0  }
0x397: {  	v11 =	vmul.u32 $0x3E8, v10;
	v2 =	vld [tilespmem:s31+$0x5BC0]  }
0x398: {  	v12 =	vld [tilespmem:s31+$0x5BD0];
	v5 =	vadd.s32 v8, v5  }
0x399: {  	v13 =	vmul.u32 $0x3E8, v6;
	v14 =	vld [tilespmem:s31+$0x5BE0];
	[tilespmem:s31+$0x98F0] =	vst v5  }
0x39a: {  	v5 =	vld [tilespmem:s31+$0x1E80];
	v10 =	vmul.u32 $0x3E8, v4  }
0x39b: {  	v15 =	vld [tilespmem:s31+$0x1E90];
	v8 =	vmul.u32 $0x3E8, v3  }
.Ltmp13:
0x39c: {  	v9 =	vld [tilespmem:s31+$0x1EA0];
	v6 =	vmul.u32 $0x3E8, v2;
	(pc) =	sbr.rel @p2 .LBB2_28-.Ltmp13, $4  }
0x39d: {  	v7 =	vld [tilespmem:s31+$0x1EB0];
	v3 =	vmul.u32 $0x3E8, v12  }
0x39e: {  	v4 =	vld [tilespmem:s31+$0x1EC0];
	v2 =	vmul.u32 $0x3E8, v14  }
0x39f: {  	v11 =	vadd.s32 v5, v11;
	v5 =	vld [tilespmem:s31+$0x1ED0]  }
0x3a0: {  	s0 =	sshra.s32 s1, $0x2;
	s1 =	sadd.s32 $0x200, s1;
	[tilespmem:s31+$0x9880] =	vst v11;
	v12 =	vadd.s32 v15, v13;
	v11 =	vld [tilespmem:s31+$0x1EE0]  }
0x3a1: {  	v13 =	vld [tilespmem:s0+$0x5BF0];
	[tilespmem:s31+$0x9890] =	vst v12;
	v9 =	vadd.s32 v9, v10  }
0x3a2: {  	v10 =	vld [tilespmem:s0+$0x5B80];
	[tilespmem:s31+$0x98A0] =	vst v9;
	v7 =	vadd.s32 v7, v8  }
0x3a3: {  	v8 =	vld [tilespmem:s0+$0x1EF0];
	[tilespmem:s31+$0x98B0] =	vst v7;
	v4 =	vadd.s32 v4, v6  }
0x3a4: {  	v6 =	vld [tilespmem:s0+$0x5B90];
	[tilespmem:s31+$0x98C0] =	vst v4;
	v3 =	vadd.s32 v5, v3  }
0x3a5: {  	v4 =	vld [tilespmem:s0+$0x5BA0];
	[tilespmem:s31+$0x98D0] =	vst v3;
	v2 =	vadd.s32 v11, v2  }
0x3a6: {  	v3 =	vld [tilespmem:s0+$0x5BB0];
	[tilespmem:s31+$0x98E0] =	vst v2  }
0x3a7: {  	v2 =	vmul.u32 $0x3E8, v13;
	v5 =	vld [tilespmem:s0+$0x5BC0]  }
0x3a8: {  	v7 =	vld [tilespmem:s0+$0x5BD0]  }
0x3a9: {  	v9 =	vld [tilespmem:s0+$0x1E90];
	v2 =	vadd.s32 v8, v2  }
0x3aa: {  	[tilespmem:s0+$0x98F0] =	vst v2;
	v2 =	vld [tilespmem:s0+$0x1E80]  }
0x3ab: {  	v11 =	vld [tilespmem:s0+$0x1EA0]  }
0x3ac: {  	v12 =	vld [tilespmem:s0+$0x1EB0]  }
0x3ad: {  	v10 =	vmul.u32 $0x3E8, v10;
	v13 =	vld [tilespmem:s0+$0x1EC0]  }
0x3ae: {  	v8 =	vld [tilespmem:s0+$0x5BE0];
	v6 =	vmul.u32 $0x3E8, v6  }
0x3af: {  	v4 =	vmul.u32 $0x3E8, v4;
	v2 =	vadd.s32 v2, v10;
	v10 =	vld [tilespmem:s0+$0x1ED0]  }
0x3b0: {  	[tilespmem:s0+$0x9880] =	vst v2;
	v2 =	vmul.u32 $0x3E8, v3;
	v3 =	vadd.s32 v9, v6;
	v6 =	vld [tilespmem:s0+$0x1EE0]  }
0x3b1: {  	v5 =	vmul.u32 $0x3E8, v5;
	[tilespmem:s0+$0x9890] =	vst v3;
	v3 =	vadd.s32 v11, v4  }
0x3b2: {  	v4 =	vmul.u32 $0x3E8, v7;
	[tilespmem:s0+$0x98A0] =	vst v3;
	v2 =	vadd.s32 v12, v2  }
0x3b3: {  	v3 =	vmul.u32 $0x3E8, v8;
	[tilespmem:s0+$0x98B0] =	vst v2;
	v2 =	vadd.s32 v13, v5  }
0x3b4: {  	[tilespmem:s0+$0x98C0] =	vst v2;
	v2 =	vadd.s32 v10, v4  }
0x3b5: {  	[tilespmem:s0+$0x98D0] =	vst v2;
	v2 =	vadd.s32 v6, v3  }
0x3b6: {  	s1 =	rddreg [dreg:$0x1f];
	[tilespmem:s0+$0x98E0] =	vst v2  }
0x3b7: {  	[spmem:s4] =	stream.indirect.scatter.add.f32 [tilespmem:s17], [sflag:$0x6], $0x1, s26, s19, $0xb8;
	[tilespmem:$0x1CB28] =	vst v63  }
0x3b8: {  	s2 =	simm.s32 $0x0;
	s3 =	sld [smem:$0x7F7]  }
0x3b9: {  	[tilespmem:s19], [sflag:$0x2] =	stream.linear.gather [hbm4b:s1+s2], $0x1E80, $0x38;
	[tilespmem:$0x1CB28] =	vst v63  }
0x3ba: {  	_ = 	snop  }
0x3bb: {  	[tilespmem:s20], [sflag:$0x4] =	stream.linear.gather [hbm4b:s3+s2], $0x1E80, $0x38;
	[tilespmem:$0x1CB28] =	vst v63  }
0x3bc: {  	_ =	swait.ge [sflag:s21], $0x1E80  }
0x3bd: {  	[sflag:s21] =	ssyncset.done $0x0  }
0x3be: {  	[sflag:s21] =	ssyncadd.s32 $0xFFFFE180  }
0x3bf: {  	_ =	swait.ge [sflag:s22], $0x1E80  }
0x3c0: {  	[sflag:s22] =	ssyncset.done $0x0  }
0x3c1: {  	[sflag:s22] =	ssyncadd.s32 $0xFFFFE180  }
0x3c2: {  	_ =	swait.ge [sflag:s28], $0x1E80  }
0x3c3: {  	[sflag:s28] =	ssyncset.done $0x0  }
0x3c4: {  	s31 =	simm.s32 $0x0;
	[sflag:s28] =	ssyncadd.s32 $0xFFFFE180  }
0x3c5: {  	v2 =	vld [tilespmem:s31+$0x3D70]  }
0x3c6: {  	v3 =	vld [tilespmem:s31+$0x3D00]  }
0x3c7: {  	v4 =	vld [tilespmem:s31+$0x70]  }
0x3c8: {  	v5 =	vld [tilespmem:s31+$0x3D10]  }
0x3c9: {  	v6 =	vld [tilespmem:s31+$0x3D20]  }
0x3ca: {  	v8 =	vld [tilespmem:s31+$0x3D30]  }
0x3cb: {  	v11 =	vld [tilespmem:s31+$0x3D40];
	v2 =	vmul.u32 $0x3E8, v2  }
0x3cc: {  	v12 =	vld [tilespmem:s31+$0x3D50]  }
0x3cd: {  	v13 =	vld [tilespmem:s31+$0x3D60];
	v2 =	vadd.s32 v4, v2  }
0x3ce: {  	[tilespmem:s31+$0x7A70] =	vst v2;
	v2 =	vld [tilespmem:s31+$0x0]  }
0x3cf: {  	v14 =	vld [tilespmem:s31+$0x10]  }
0x3d0: {  	v9 =	vld [tilespmem:s31+$0x20]  }
0x3d1: {  	v7 =	vld [tilespmem:s31+$0x30];
	v3 =	vmul.u32 $0x3E8, v3  }
0x3d2: {  	v15 =	vmul.u32 $0x3E8, v5;
	v10 =	vmul.u32 $0x3E8, v6;
	v4 =	vld [tilespmem:s31+$0x40]  }
0x3d3: {  	v5 =	vld [tilespmem:s31+$0x50];
	v8 =	vmul.u32 $0x3E8, v8;
	v6 =	vmul.u32 $0x3E8, v11;
	v2 =	vadd.s32 v2, v3  }
0x3d4: {  	s0 =	simm.s32 $0x80;
	s1 =	simm.s32 $0x400;
	v11 =	vld [tilespmem:s31+$0x60];
	v3 =	vmul.u32 $0x3E8, v12;
	v12 =	vadd.s32 v14, v15;
	[tilespmem:s31+$0x7A00] =	vst v2;
	v2 =	vmul.u32 $0x3E8, v13  }
.LBB2_30:
0x3d5: {  	p2 =	sne.s32 s1, $0x7800;
	v13 =	vld [tilespmem:s0+$0x3D70];
	[tilespmem:s31+$0x7A10] =	vst v12;
	v9 =	vadd.s32 v9, v10  }
0x3d6: {  	v10 =	vld [tilespmem:s0+$0x3D00];
	[tilespmem:s31+$0x7A20] =	vst v9;
	v7 =	vadd.s32 v7, v8  }
0x3d7: {  	v8 =	vld [tilespmem:s0+$0x70];
	[tilespmem:s31+$0x7A30] =	vst v7;
	v4 =	vadd.s32 v4, v6  }
0x3d8: {  	v6 =	vld [tilespmem:s0+$0x3D10];
	[tilespmem:s31+$0x7A40] =	vst v4;
	v3 =	vadd.s32 v5, v3  }
0x3d9: {  	v4 =	vld [tilespmem:s0+$0x3D20];
	[tilespmem:s31+$0x7A50] =	vst v3;
	v2 =	vadd.s32 v11, v2  }
0x3da: {  	v3 =	vld [tilespmem:s0+$0x3D30];
	v5 =	vmul.u32 $0x3E8, v13;
	[tilespmem:s31+$0x7A60] =	vst v2;
	s31 =	smov.u32 s0  }
0x3db: {  	v11 =	vmul.u32 $0x3E8, v10;
	v2 =	vld [tilespmem:s31+$0x3D40]  }
0x3dc: {  	v12 =	vld [tilespmem:s31+$0x3D50];
	v5 =	vadd.s32 v8, v5  }
0x3dd: {  	v13 =	vmul.u32 $0x3E8, v6;
	v14 =	vld [tilespmem:s31+$0x3D60];
	[tilespmem:s31+$0x7A70] =	vst v5  }
0x3de: {  	v5 =	vld [tilespmem:s31+$0x0];
	v10 =	vmul.u32 $0x3E8, v4  }
0x3df: {  	v15 =	vld [tilespmem:s31+$0x10];
	v8 =	vmul.u32 $0x3E8, v3  }
.Ltmp14:
0x3e0: {  	v9 =	vld [tilespmem:s31+$0x20];
	v6 =	vmul.u32 $0x3E8, v2;
	(pc) =	sbr.rel @p2 .LBB2_30-.Ltmp14, $4  }
0x3e1: {  	v7 =	vld [tilespmem:s31+$0x30];
	v3 =	vmul.u32 $0x3E8, v12  }
0x3e2: {  	v4 =	vld [tilespmem:s31+$0x40];
	v2 =	vmul.u32 $0x3E8, v14  }
0x3e3: {  	v11 =	vadd.s32 v5, v11;
	v5 =	vld [tilespmem:s31+$0x50]  }
0x3e4: {  	s0 =	sshra.s32 s1, $0x2;
	s1 =	sadd.s32 $0x200, s1;
	[tilespmem:s31+$0x7A00] =	vst v11;
	v12 =	vadd.s32 v15, v13;
	v11 =	vld [tilespmem:s31+$0x60]  }
0x3e5: {  	v13 =	vld [tilespmem:s0+$0x3D70];
	[tilespmem:s31+$0x7A10] =	vst v12;
	v9 =	vadd.s32 v9, v10  }
0x3e6: {  	v10 =	vld [tilespmem:s0+$0x3D00];
	[tilespmem:s31+$0x7A20] =	vst v9;
	v7 =	vadd.s32 v7, v8  }
0x3e7: {  	v8 =	vld [tilespmem:s0+$0x70];
	[tilespmem:s31+$0x7A30] =	vst v7;
	v4 =	vadd.s32 v4, v6  }
0x3e8: {  	v6 =	vld [tilespmem:s0+$0x3D10];
	[tilespmem:s31+$0x7A40] =	vst v4;
	v3 =	vadd.s32 v5, v3  }
0x3e9: {  	v4 =	vld [tilespmem:s0+$0x3D20];
	[tilespmem:s31+$0x7A50] =	vst v3;
	v2 =	vadd.s32 v11, v2  }
0x3ea: {  	v3 =	vld [tilespmem:s0+$0x3D30];
	[tilespmem:s31+$0x7A60] =	vst v2  }
0x3eb: {  	v2 =	vmul.u32 $0x3E8, v13;
	v5 =	vld [tilespmem:s0+$0x3D40]  }
0x3ec: {  	v7 =	vld [tilespmem:s0+$0x3D50]  }
0x3ed: {  	v9 =	vld [tilespmem:s0+$0x10];
	v2 =	vadd.s32 v8, v2  }
0x3ee: {  	[tilespmem:s0+$0x7A70] =	vst v2;
	v2 =	vld [tilespmem:s0+$0x0]  }
0x3ef: {  	v11 =	vld [tilespmem:s0+$0x20]  }
0x3f0: {  	v12 =	vld [tilespmem:s0+$0x30]  }
0x3f1: {  	v10 =	vmul.u32 $0x3E8, v10;
	v13 =	vld [tilespmem:s0+$0x40]  }
0x3f2: {  	v8 =	vld [tilespmem:s0+$0x3D60];
	v6 =	vmul.u32 $0x3E8, v6  }
0x3f3: {  	v4 =	vmul.u32 $0x3E8, v4;
	v2 =	vadd.s32 v2, v10;
	v10 =	vld [tilespmem:s0+$0x50]  }
0x3f4: {  	[tilespmem:s0+$0x7A00] =	vst v2;
	v2 =	vmul.u32 $0x3E8, v3;
	v3 =	vadd.s32 v9, v6;
	v6 =	vld [tilespmem:s0+$0x60]  }
0x3f5: {  	v5 =	vmul.u32 $0x3E8, v5;
	[tilespmem:s0+$0x7A10] =	vst v3;
	v3 =	vadd.s32 v11, v4  }
0x3f6: {  	v4 =	vmul.u32 $0x3E8, v7;
	[tilespmem:s0+$0x7A20] =	vst v3;
	v2 =	vadd.s32 v12, v2  }
0x3f7: {  	v3 =	vmul.u32 $0x3E8, v8;
	[tilespmem:s0+$0x7A30] =	vst v2;
	v2 =	vadd.s32 v13, v5  }
0x3f8: {  	[tilespmem:s0+$0x7A40] =	vst v2;
	v2 =	vadd.s32 v10, v4  }
0x3f9: {  	[tilespmem:s0+$0x7A50] =	vst v2;
	v2 =	vadd.s32 v6, v3  }
0x3fa: {  	s1 =	sld [smem:$0x7F8];
	[tilespmem:s0+$0x7A60] =	vst v2  }
0x3fb: {  	[spmem:s4] =	stream.indirect.scatter.add.f32 [tilespmem:s17], [sflag:$0x5], $0x1, s23, s19, $0xb8;
	[tilespmem:$0x1CB28] =	vst v63  }
0x3fc: {  	s2 =	simm.s32 $0x0;
	s3 =	sld [smem:$0x7F9]  }
0x3fd: {  	[tilespmem:s2], [sflag:$0x1] =	stream.linear.gather [hbm4b:s1+s2], $0x1E80, $0x38;
	[tilespmem:$0x1CB28] =	vst v63  }
0x3fe: {  	_ = 	snop  }
0x3ff: {  	[tilespmem:s16], [sflag:$0x3] =	stream.linear.gather [hbm4b:s3+s2], $0x1E80, $0x38;
	[tilespmem:$0x1CB28] =	vst v63  }
0x400: {  	_ =	swait.ge [sflag:s24], $0x1E80  }
0x401: {  	[sflag:s24] =	ssyncset.done $0x0  }
0x402: {  	[sflag:s24] =	ssyncadd.s32 $0xFFFFE180  }
0x403: {  	_ =	swait.ge [sflag:s25], $0x1E80  }
0x404: {  	[sflag:s25] =	ssyncset.done $0x0  }
0x405: {  	[sflag:s25] =	ssyncadd.s32 $0xFFFFE180  }
0x406: {  	_ =	swait.ge [sflag:s29], $0x1E80  }
0x407: {  	[sflag:s29] =	ssyncset.done $0x0  }
0x408: {  	s31 =	simm.s32 $0x0;
	[sflag:s29] =	ssyncadd.s32 $0xFFFFE180  }
0x409: {  	v2 =	vld [tilespmem:s31+$0x5BF0]  }
0x40a: {  	v3 =	vld [tilespmem:s31+$0x5B80]  }
0x40b: {  	v4 =	vld [tilespmem:s31+$0x1EF0]  }
0x40c: {  	v5 =	vld [tilespmem:s31+$0x5B90]  }
0x40d: {  	v6 =	vld [tilespmem:s31+$0x5BA0]  }
0x40e: {  	v8 =	vld [tilespmem:s31+$0x5BB0]  }
0x40f: {  	v11 =	vld [tilespmem:s31+$0x5BC0];
	v2 =	vmul.u32 $0x3E8, v2  }
0x410: {  	v12 =	vld [tilespmem:s31+$0x5BD0]  }
0x411: {  	v13 =	vld [tilespmem:s31+$0x5BE0];
	v2 =	vadd.s32 v4, v2  }
0x412: {  	[tilespmem:s31+$0x98F0] =	vst v2;
	v2 =	vld [tilespmem:s31+$0x1E80]  }
0x413: {  	v14 =	vld [tilespmem:s31+$0x1E90]  }
0x414: {  	v9 =	vld [tilespmem:s31+$0x1EA0]  }
0x415: {  	v7 =	vld [tilespmem:s31+$0x1EB0];
	v3 =	vmul.u32 $0x3E8, v3  }
0x416: {  	v15 =	vmul.u32 $0x3E8, v5;
	v10 =	vmul.u32 $0x3E8, v6;
	v4 =	vld [tilespmem:s31+$0x1EC0]  }
0x417: {  	v5 =	vld [tilespmem:s31+$0x1ED0];
	v8 =	vmul.u32 $0x3E8, v8;
	v6 =	vmul.u32 $0x3E8, v11;
	v2 =	vadd.s32 v2, v3  }
0x418: {  	s0 =	simm.s32 $0x80;
	s1 =	simm.s32 $0x400;
	v11 =	vld [tilespmem:s31+$0x1EE0];
	v3 =	vmul.u32 $0x3E8, v12;
	v12 =	vadd.s32 v14, v15;
	[tilespmem:s31+$0x9880] =	vst v2;
	v2 =	vmul.u32 $0x3E8, v13  }
.LBB2_32:
0x419: {  	p2 =	sne.s32 s1, $0x7800;
	v13 =	vld [tilespmem:s0+$0x5BF0];
	[tilespmem:s31+$0x9890] =	vst v12;
	v9 =	vadd.s32 v9, v10  }
0x41a: {  	v10 =	vld [tilespmem:s0+$0x5B80];
	[tilespmem:s31+$0x98A0] =	vst v9;
	v7 =	vadd.s32 v7, v8  }
0x41b: {  	v8 =	vld [tilespmem:s0+$0x1EF0];
	[tilespmem:s31+$0x98B0] =	vst v7;
	v4 =	vadd.s32 v4, v6  }
0x41c: {  	v6 =	vld [tilespmem:s0+$0x5B90];
	[tilespmem:s31+$0x98C0] =	vst v4;
	v3 =	vadd.s32 v5, v3  }
0x41d: {  	v4 =	vld [tilespmem:s0+$0x5BA0];
	[tilespmem:s31+$0x98D0] =	vst v3;
	v2 =	vadd.s32 v11, v2  }
0x41e: {  	v3 =	vld [tilespmem:s0+$0x5BB0];
	v5 =	vmul.u32 $0x3E8, v13;
	[tilespmem:s31+$0x98E0] =	vst v2;
	s31 =	smov.u32 s0  }
0x41f: {  	v11 =	vmul.u32 $0x3E8, v10;
	v2 =	vld [tilespmem:s31+$0x5BC0]  }
0x420: {  	v12 =	vld [tilespmem:s31+$0x5BD0];
	v5 =	vadd.s32 v8, v5  }
0x421: {  	v13 =	vmul.u32 $0x3E8, v6;
	v14 =	vld [tilespmem:s31+$0x5BE0];
	[tilespmem:s31+$0x98F0] =	vst v5  }
0x422: {  	v5 =	vld [tilespmem:s31+$0x1E80];
	v10 =	vmul.u32 $0x3E8, v4  }
0x423: {  	v15 =	vld [tilespmem:s31+$0x1E90];
	v8 =	vmul.u32 $0x3E8, v3  }
.Ltmp15:
0x424: {  	v9 =	vld [tilespmem:s31+$0x1EA0];
	v6 =	vmul.u32 $0x3E8, v2;
	(pc) =	sbr.rel @p2 .LBB2_32-.Ltmp15, $4  }
0x425: {  	v7 =	vld [tilespmem:s31+$0x1EB0];
	v3 =	vmul.u32 $0x3E8, v12  }
0x426: {  	v4 =	vld [tilespmem:s31+$0x1EC0];
	v2 =	vmul.u32 $0x3E8, v14  }
0x427: {  	v11 =	vadd.s32 v5, v11;
	v5 =	vld [tilespmem:s31+$0x1ED0]  }
0x428: {  	s0 =	sshra.s32 s1, $0x2;
	s1 =	sadd.s32 $0x200, s1;
	[tilespmem:s31+$0x9880] =	vst v11;
	v12 =	vadd.s32 v15, v13;
	v11 =	vld [tilespmem:s31+$0x1EE0]  }
0x429: {  	v13 =	vld [tilespmem:s0+$0x5BF0];
	[tilespmem:s31+$0x9890] =	vst v12;
	v9 =	vadd.s32 v9, v10  }
0x42a: {  	v10 =	vld [tilespmem:s0+$0x5B80];
	[tilespmem:s31+$0x98A0] =	vst v9;
	v7 =	vadd.s32 v7, v8  }
0x42b: {  	v8 =	vld [tilespmem:s0+$0x1EF0];
	[tilespmem:s31+$0x98B0] =	vst v7;
	v4 =	vadd.s32 v4, v6  }
0x42c: {  	v6 =	vld [tilespmem:s0+$0x5B90];
	[tilespmem:s31+$0x98C0] =	vst v4;
	v3 =	vadd.s32 v5, v3  }
0x42d: {  	v4 =	vld [tilespmem:s0+$0x5BA0];
	[tilespmem:s31+$0x98D0] =	vst v3;
	v2 =	vadd.s32 v11, v2  }
0x42e: {  	v3 =	vld [tilespmem:s0+$0x5BB0];
	[tilespmem:s31+$0x98E0] =	vst v2  }
0x42f: {  	v2 =	vmul.u32 $0x3E8, v13;
	v5 =	vld [tilespmem:s0+$0x5BC0]  }
0x430: {  	v7 =	vld [tilespmem:s0+$0x5BD0]  }
0x431: {  	v9 =	vld [tilespmem:s0+$0x1E90];
	v2 =	vadd.s32 v8, v2  }
0x432: {  	[tilespmem:s0+$0x98F0] =	vst v2;
	v2 =	vld [tilespmem:s0+$0x1E80]  }
0x433: {  	v11 =	vld [tilespmem:s0+$0x1EA0]  }
0x434: {  	v12 =	vld [tilespmem:s0+$0x1EB0]  }
0x435: {  	v10 =	vmul.u32 $0x3E8, v10;
	v13 =	vld [tilespmem:s0+$0x1EC0]  }
0x436: {  	v8 =	vld [tilespmem:s0+$0x5BE0];
	v6 =	vmul.u32 $0x3E8, v6  }
0x437: {  	v4 =	vmul.u32 $0x3E8, v4;
	v2 =	vadd.s32 v2, v10;
	v10 =	vld [tilespmem:s0+$0x1ED0]  }
0x438: {  	[tilespmem:s0+$0x9880] =	vst v2;
	v2 =	vmul.u32 $0x3E8, v3;
	v3 =	vadd.s32 v9, v6;
	v6 =	vld [tilespmem:s0+$0x1EE0]  }
0x439: {  	v5 =	vmul.u32 $0x3E8, v5;
	[tilespmem:s0+$0x9890] =	vst v3;
	v3 =	vadd.s32 v11, v4  }
0x43a: {  	v4 =	vmul.u32 $0x3E8, v7;
	[tilespmem:s0+$0x98A0] =	vst v3;
	v2 =	vadd.s32 v12, v2  }
0x43b: {  	v3 =	vmul.u32 $0x3E8, v8;
	[tilespmem:s0+$0x98B0] =	vst v2;
	v2 =	vadd.s32 v13, v5  }
0x43c: {  	[tilespmem:s0+$0x98C0] =	vst v2;
	v2 =	vadd.s32 v10, v4  }
0x43d: {  	[tilespmem:s0+$0x98D0] =	vst v2;
	v2 =	vadd.s32 v6, v3  }
0x43e: {  	s1 =	sld [smem:$0x7FC];
	[tilespmem:s0+$0x98E0] =	vst v2  }
0x43f: {  	[spmem:s4] =	stream.indirect.scatter.add.f32 [tilespmem:s17], [sflag:$0x6], $0x1, s26, s19, $0xb8;
	[tilespmem:$0x1CB28] =	vst v63  }
0x440: {  	s2 =	simm.s32 $0x0;
	s3 =	sld [smem:$0x7FD]  }
0x441: {  	[tilespmem:s19], [sflag:$0x2] =	stream.linear.gather [hbm4b:s1+s2], $0x1E80, $0x38;
	[tilespmem:$0x1CB28] =	vst v63  }
0x442: {  	_ = 	snop  }
0x443: {  	[tilespmem:s20], [sflag:$0x4] =	stream.linear.gather [hbm4b:s3+s2], $0x1E80, $0x38;
	[tilespmem:$0x1CB28] =	vst v63  }
0x444: {  	_ =	swait.ge [sflag:s21], $0x1E80  }
0x445: {  	[sflag:s21] =	ssyncset.done $0x0  }
0x446: {  	[sflag:s21] =	ssyncadd.s32 $0xFFFFE180  }
0x447: {  	_ =	swait.ge [sflag:s22], $0x1E80  }
0x448: {  	[sflag:s22] =	ssyncset.done $0x0  }
0x449: {  	[sflag:s22] =	ssyncadd.s32 $0xFFFFE180  }
0x44a: {  	_ =	swait.ge [sflag:s28], $0x1E80  }
0x44b: {  	[sflag:s28] =	ssyncset.done $0x0  }
0x44c: {  	s31 =	simm.s32 $0x0;
	[sflag:s28] =	ssyncadd.s32 $0xFFFFE180  }
0x44d: {  	v2 =	vld [tilespmem:s31+$0x3D70]  }
0x44e: {  	v3 =	vld [tilespmem:s31+$0x3D00]  }
0x44f: {  	v4 =	vld [tilespmem:s31+$0x70]  }
0x450: {  	v5 =	vld [tilespmem:s31+$0x3D10]  }
0x451: {  	v6 =	vld [tilespmem:s31+$0x3D20]  }
0x452: {  	v8 =	vld [tilespmem:s31+$0x3D30]  }
0x453: {  	v11 =	vld [tilespmem:s31+$0x3D40];
	v2 =	vmul.u32 $0x3E8, v2  }
0x454: {  	v12 =	vld [tilespmem:s31+$0x3D50]  }
0x455: {  	v13 =	vld [tilespmem:s31+$0x3D60];
	v2 =	vadd.s32 v4, v2  }
0x456: {  	[tilespmem:s31+$0x7A70] =	vst v2;
	v2 =	vld [tilespmem:s31+$0x0]  }
0x457: {  	v14 =	vld [tilespmem:s31+$0x10]  }
0x458: {  	v9 =	vld [tilespmem:s31+$0x20]  }
0x459: {  	v7 =	vld [tilespmem:s31+$0x30];
	v3 =	vmul.u32 $0x3E8, v3  }
0x45a: {  	v15 =	vmul.u32 $0x3E8, v5;
	v10 =	vmul.u32 $0x3E8, v6;
	v4 =	vld [tilespmem:s31+$0x40]  }
0x45b: {  	v5 =	vld [tilespmem:s31+$0x50];
	v8 =	vmul.u32 $0x3E8, v8;
	v6 =	vmul.u32 $0x3E8, v11;
	v2 =	vadd.s32 v2, v3  }
0x45c: {  	s0 =	simm.s32 $0x80;
	s1 =	simm.s32 $0x400;
	v11 =	vld [tilespmem:s31+$0x60];
	v3 =	vmul.u32 $0x3E8, v12;
	v12 =	vadd.s32 v14, v15;
	[tilespmem:s31+$0x7A00] =	vst v2;
	v2 =	vmul.u32 $0x3E8, v13  }
.LBB2_34:
0x45d: {  	p2 =	sne.s32 s1, $0x7800;
	v13 =	vld [tilespmem:s0+$0x3D70];
	[tilespmem:s31+$0x7A10] =	vst v12;
	v9 =	vadd.s32 v9, v10  }
0x45e: {  	v10 =	vld [tilespmem:s0+$0x3D00];
	[tilespmem:s31+$0x7A20] =	vst v9;
	v7 =	vadd.s32 v7, v8  }
0x45f: {  	v8 =	vld [tilespmem:s0+$0x70];
	[tilespmem:s31+$0x7A30] =	vst v7;
	v4 =	vadd.s32 v4, v6  }
0x460: {  	v6 =	vld [tilespmem:s0+$0x3D10];
	[tilespmem:s31+$0x7A40] =	vst v4;
	v3 =	vadd.s32 v5, v3  }
0x461: {  	v4 =	vld [tilespmem:s0+$0x3D20];
	[tilespmem:s31+$0x7A50] =	vst v3;
	v2 =	vadd.s32 v11, v2  }
0x462: {  	v3 =	vld [tilespmem:s0+$0x3D30];
	v5 =	vmul.u32 $0x3E8, v13;
	[tilespmem:s31+$0x7A60] =	vst v2;
	s31 =	smov.u32 s0  }
0x463: {  	v11 =	vmul.u32 $0x3E8, v10;
	v2 =	vld [tilespmem:s31+$0x3D40]  }
0x464: {  	v12 =	vld [tilespmem:s31+$0x3D50];
	v5 =	vadd.s32 v8, v5  }
0x465: {  	v13 =	vmul.u32 $0x3E8, v6;
	v14 =	vld [tilespmem:s31+$0x3D60];
	[tilespmem:s31+$0x7A70] =	vst v5  }
0x466: {  	v5 =	vld [tilespmem:s31+$0x0];
	v10 =	vmul.u32 $0x3E8, v4  }
0x467: {  	v15 =	vld [tilespmem:s31+$0x10];
	v8 =	vmul.u32 $0x3E8, v3  }
.Ltmp16:
0x468: {  	v9 =	vld [tilespmem:s31+$0x20];
	v6 =	vmul.u32 $0x3E8, v2;
	(pc) =	sbr.rel @p2 .LBB2_34-.Ltmp16, $4  }
0x469: {  	v7 =	vld [tilespmem:s31+$0x30];
	v3 =	vmul.u32 $0x3E8, v12  }
0x46a: {  	v4 =	vld [tilespmem:s31+$0x40];
	v2 =	vmul.u32 $0x3E8, v14  }
0x46b: {  	v11 =	vadd.s32 v5, v11;
	v5 =	vld [tilespmem:s31+$0x50]  }
0x46c: {  	s0 =	sshra.s32 s1, $0x2;
	s1 =	sadd.s32 $0x200, s1;
	[tilespmem:s31+$0x7A00] =	vst v11;
	v12 =	vadd.s32 v15, v13;
	v11 =	vld [tilespmem:s31+$0x60]  }
0x46d: {  	v13 =	vld [tilespmem:s0+$0x3D70];
	[tilespmem:s31+$0x7A10] =	vst v12;
	v9 =	vadd.s32 v9, v10  }
0x46e: {  	v10 =	vld [tilespmem:s0+$0x3D00];
	[tilespmem:s31+$0x7A20] =	vst v9;
	v7 =	vadd.s32 v7, v8  }
0x46f: {  	v8 =	vld [tilespmem:s0+$0x70];
	[tilespmem:s31+$0x7A30] =	vst v7;
	v4 =	vadd.s32 v4, v6  }
0x470: {  	v6 =	vld [tilespmem:s0+$0x3D10];
	[tilespmem:s31+$0x7A40] =	vst v4;
	v3 =	vadd.s32 v5, v3  }
0x471: {  	v4 =	vld [tilespmem:s0+$0x3D20];
	[tilespmem:s31+$0x7A50] =	vst v3;
	v2 =	vadd.s32 v11, v2  }
0x472: {  	v3 =	vld [tilespmem:s0+$0x3D30];
	[tilespmem:s31+$0x7A60] =	vst v2  }
0x473: {  	v2 =	vmul.u32 $0x3E8, v13;
	v5 =	vld [tilespmem:s0+$0x3D40]  }
0x474: {  	v7 =	vld [tilespmem:s0+$0x3D50]  }
0x475: {  	v9 =	vld [tilespmem:s0+$0x10];
	v2 =	vadd.s32 v8, v2  }
0x476: {  	[tilespmem:s0+$0x7A70] =	vst v2;
	v2 =	vld [tilespmem:s0+$0x0]  }
0x477: {  	v11 =	vld [tilespmem:s0+$0x20]  }
0x478: {  	v12 =	vld [tilespmem:s0+$0x30]  }
0x479: {  	v10 =	vmul.u32 $0x3E8, v10;
	v13 =	vld [tilespmem:s0+$0x40]  }
0x47a: {  	v8 =	vld [tilespmem:s0+$0x3D60];
	v6 =	vmul.u32 $0x3E8, v6  }
0x47b: {  	v4 =	vmul.u32 $0x3E8, v4;
	v2 =	vadd.s32 v2, v10;
	v10 =	vld [tilespmem:s0+$0x50]  }
0x47c: {  	[tilespmem:s0+$0x7A00] =	vst v2;
	v2 =	vmul.u32 $0x3E8, v3;
	v3 =	vadd.s32 v9, v6;
	v6 =	vld [tilespmem:s0+$0x60]  }
0x47d: {  	v5 =	vmul.u32 $0x3E8, v5;
	[tilespmem:s0+$0x7A10] =	vst v3;
	v3 =	vadd.s32 v11, v4  }
0x47e: {  	v4 =	vmul.u32 $0x3E8, v7;
	[tilespmem:s0+$0x7A20] =	vst v3;
	v2 =	vadd.s32 v12, v2  }
0x47f: {  	v3 =	vmul.u32 $0x3E8, v8;
	[tilespmem:s0+$0x7A30] =	vst v2;
	v2 =	vadd.s32 v13, v5  }
0x480: {  	[tilespmem:s0+$0x7A40] =	vst v2;
	v2 =	vadd.s32 v10, v4  }
0x481: {  	[tilespmem:s0+$0x7A50] =	vst v2;
	v2 =	vadd.s32 v6, v3  }
0x482: {  	[tilespmem:s0+$0x7A60] =	vst v2  }
0x483: {  	[spmem:s4] =	stream.indirect.scatter.add.f32 [tilespmem:s17], [sflag:$0x5], $0x1, s23, s19, $0xb8;
	[tilespmem:$0x1CB28] =	vst v63  }
0x484: {  	_ =	swait.ge [sflag:s24], $0x1E80  }
0x485: {  	[sflag:s24] =	ssyncset.done $0x0  }
0x486: {  	[sflag:s24] =	ssyncadd.s32 $0xFFFFE180  }
0x487: {  	_ =	swait.ge [sflag:s25], $0x1E80  }
0x488: {  	[sflag:s25] =	ssyncset.done $0x0  }
0x489: {  	[sflag:s25] =	ssyncadd.s32 $0xFFFFE180  }
0x48a: {  	_ =	swait.ge [sflag:s29], $0x1E80  }
0x48b: {  	[sflag:s29] =	ssyncset.done $0x0  }
0x48c: {  	s31 =	simm.s32 $0x0;
	[sflag:s29] =	ssyncadd.s32 $0xFFFFE180  }
0x48d: {  	v2 =	vld [tilespmem:s31+$0x5BF0]  }
0x48e: {  	v3 =	vld [tilespmem:s31+$0x5B80]  }
0x48f: {  	v4 =	vld [tilespmem:s31+$0x1EF0]  }
0x490: {  	v5 =	vld [tilespmem:s31+$0x5B90]  }
0x491: {  	v6 =	vld [tilespmem:s31+$0x5BA0]  }
0x492: {  	v8 =	vld [tilespmem:s31+$0x5BB0]  }
0x493: {  	v11 =	vld [tilespmem:s31+$0x5BC0];
	v2 =	vmul.u32 $0x3E8, v2  }
0x494: {  	v12 =	vld [tilespmem:s31+$0x5BD0]  }
0x495: {  	v13 =	vld [tilespmem:s31+$0x5BE0];
	v2 =	vadd.s32 v4, v2  }
0x496: {  	[tilespmem:s31+$0x98F0] =	vst v2;
	v2 =	vld [tilespmem:s31+$0x1E80]  }
0x497: {  	v14 =	vld [tilespmem:s31+$0x1E90]  }
0x498: {  	v9 =	vld [tilespmem:s31+$0x1EA0]  }
0x499: {  	v7 =	vld [tilespmem:s31+$0x1EB0];
	v3 =	vmul.u32 $0x3E8, v3  }
0x49a: {  	v15 =	vmul.u32 $0x3E8, v5;
	v10 =	vmul.u32 $0x3E8, v6;
	v4 =	vld [tilespmem:s31+$0x1EC0]  }
0x49b: {  	v5 =	vld [tilespmem:s31+$0x1ED0];
	v8 =	vmul.u32 $0x3E8, v8;
	v6 =	vmul.u32 $0x3E8, v11;
	v2 =	vadd.s32 v2, v3  }
0x49c: {  	s1 =	simm.s32 $0x400;
	s0 =	simm.s32 $0x80;
	v11 =	vld [tilespmem:s31+$0x1EE0];
	v3 =	vmul.u32 $0x3E8, v12;
	v12 =	vadd.s32 v14, v15;
	[tilespmem:s31+$0x9880] =	vst v2;
	v2 =	vmul.u32 $0x3E8, v13  }
.LBB2_36:
0x49d: {  	p2 =	sne.s32 s1, $0x7800;
	v13 =	vld [tilespmem:s0+$0x5BF0];
	[tilespmem:s31+$0x9890] =	vst v12;
	v9 =	vadd.s32 v9, v10  }
0x49e: {  	v10 =	vld [tilespmem:s0+$0x5B80];
	[tilespmem:s31+$0x98A0] =	vst v9;
	v7 =	vadd.s32 v7, v8  }
0x49f: {  	v8 =	vld [tilespmem:s0+$0x1EF0];
	[tilespmem:s31+$0x98B0] =	vst v7;
	v4 =	vadd.s32 v4, v6  }
0x4a0: {  	v6 =	vld [tilespmem:s0+$0x5B90];
	[tilespmem:s31+$0x98C0] =	vst v4;
	v3 =	vadd.s32 v5, v3  }
0x4a1: {  	v4 =	vld [tilespmem:s0+$0x5BA0];
	[tilespmem:s31+$0x98D0] =	vst v3;
	v2 =	vadd.s32 v11, v2  }
0x4a2: {  	v3 =	vld [tilespmem:s0+$0x5BB0];
	v5 =	vmul.u32 $0x3E8, v13;
	[tilespmem:s31+$0x98E0] =	vst v2;
	s31 =	smov.u32 s0  }
0x4a3: {  	v11 =	vmul.u32 $0x3E8, v10;
	v2 =	vld [tilespmem:s31+$0x5BC0]  }
0x4a4: {  	v12 =	vld [tilespmem:s31+$0x5BD0];
	v5 =	vadd.s32 v8, v5  }
0x4a5: {  	v13 =	vmul.u32 $0x3E8, v6;
	v14 =	vld [tilespmem:s31+$0x5BE0];
	[tilespmem:s31+$0x98F0] =	vst v5  }
0x4a6: {  	v5 =	vld [tilespmem:s31+$0x1E80];
	v10 =	vmul.u32 $0x3E8, v4  }
0x4a7: {  	v15 =	vld [tilespmem:s31+$0x1E90];
	v8 =	vmul.u32 $0x3E8, v3  }
.Ltmp17:
0x4a8: {  	v9 =	vld [tilespmem:s31+$0x1EA0];
	v6 =	vmul.u32 $0x3E8, v2;
	(pc) =	sbr.rel @p2 .LBB2_36-.Ltmp17, $4  }
0x4a9: {  	v7 =	vld [tilespmem:s31+$0x1EB0];
	v3 =	vmul.u32 $0x3E8, v12  }
0x4aa: {  	v4 =	vld [tilespmem:s31+$0x1EC0];
	v2 =	vmul.u32 $0x3E8, v14  }
0x4ab: {  	v11 =	vadd.s32 v5, v11;
	v5 =	vld [tilespmem:s31+$0x1ED0]  }
0x4ac: {  	s0 =	sshra.s32 s1, $0x2;
	s1 =	sadd.s32 $0x200, s1;
	[tilespmem:s31+$0x9880] =	vst v11;
	v12 =	vadd.s32 v15, v13;
	v11 =	vld [tilespmem:s31+$0x1EE0]  }
0x4ad: {  	v13 =	vld [tilespmem:s0+$0x5BF0];
	[tilespmem:s31+$0x9890] =	vst v12;
	v9 =	vadd.s32 v9, v10  }
0x4ae: {  	v54 =	vld [tilespmem:s0+$0x5B80];
	[tilespmem:s31+$0x98A0] =	vst v9;
	v7 =	vadd.s32 v7, v8  }
0x4af: {  	v55 =	vld [tilespmem:s0+$0x1EF0];
	[tilespmem:s31+$0x98B0] =	vst v7;
	v4 =	vadd.s32 v4, v6  }
0x4b0: {  	v56 =	vld [tilespmem:s0+$0x5B90];
	[tilespmem:s31+$0x98C0] =	vst v4;
	v3 =	vadd.s32 v5, v3  }
0x4b1: {  	v4 =	vld [tilespmem:s0+$0x5BA0];
	[tilespmem:s31+$0x98D0] =	vst v3;
	v2 =	vadd.s32 v11, v2  }
0x4b2: {  	v3 =	vld [tilespmem:s0+$0x5BB0];
	[tilespmem:s31+$0x98E0] =	vst v2  }
0x4b3: {  	v2 =	vmul.u32 $0x3E8, v13;
	v57 =	vld [tilespmem:s0+$0x5BC0]  }
0x4b4: {  	v7 =	vld [tilespmem:s0+$0x5BD0]  }
0x4b5: {  	v58 =	vld [tilespmem:s0+$0x5BE0];
	v2 =	vadd.s32 v55, v2  }
0x4b6: {  	[tilespmem:s0+$0x98F0] =	vst v2;
	v2 =	vld [tilespmem:s0+$0x1E80]  }
0x4b7: {  	v9 =	vld [tilespmem:s0+$0x1E90]  }
0x4b8: {  	v59 =	vld [tilespmem:s0+$0x1EA0]  }
0x4b9: {  	v10 =	vmul.u32 $0x3E8, v54;
	v12 =	vld [tilespmem:s0+$0x1EB0]  }
0x4ba: {  	v60 =	vld [tilespmem:s0+$0x1EC0];
	v6 =	vmul.u32 $0x3E8, v56  }
0x4bb: {  	v61 =	vld [tilespmem:s0+$0x1ED0];
	v4 =	vmul.u32 $0x3E8, v4;
	v2 =	vadd.s32 v2, v10  }
0x4bc: {  	v62 =	vld [tilespmem:s0+$0x1EE0];
	[tilespmem:s0+$0x9880] =	vst v2;
	v2 =	vmul.u32 $0x3E8, v3;
	v3 =	vadd.s32 v9, v6  }
0x4bd: {  	v5 =	vmul.u32 $0x3E8, v57;
	[tilespmem:s0+$0x9890] =	vst v3;
	v3 =	vadd.s32 v59, v4  }
0x4be: {  	v63 =	vmul.u32 $0x3E8, v7;
	[tilespmem:s0+$0x98A0] =	vst v3;
	v2 =	vadd.s32 v12, v2  }
0x4bf: {  	v3 =	vmul.u32 $0x3E8, v58;
	[tilespmem:s0+$0x98B0] =	vst v2;
	v2 =	vadd.s32 v60, v5  }
0x4c0: {  	[tilespmem:s0+$0x98C0] =	vst v2;
	v2 =	vadd.s32 v61, v63  }
0x4c1: {  	[tilespmem:s0+$0x98D0] =	vst v2;
	v2 =	vadd.s32 v62, v3  }
0x4c2: {  	[tilespmem:s0+$0x98E0] =	vst v2  }
0x4c3: {  	[spmem:s4] =	stream.indirect.scatter.add.f32 [tilespmem:s17], [sflag:$0x6], $0x1, s26, s19, $0xb8;
	[tilespmem:$0x1CB28] =	vst v63  }
0x4c4: {  	_ =	swait.ge [sflag:s28], $0x1E80  }
0x4c5: {  	[sflag:s28] =	ssyncset.done $0x0  }
0x4c6: {  	[sflag:s28] =	ssyncadd.s32 $0xFFFFE180  }
0x4c7: {  	_ =	swait.ge [sflag:s29], $0x1E80  }
0x4c8: {  	[sflag:s29] =	ssyncset.done $0x0  }
0x4c9: {  	s0 =	simm.s32 @!p1 $0x7;
	[sflag:s29] =	ssyncadd.s32 $0xFFFFE180  }
0x4ca: {  	s1 =	simm.s32 @!p0 $0x1;
	_ =	swait.ge @!p1 [sflag:s0], $0x80  }
0x4cb: {  	s2 =	simm.s32 @!p0 $0x10;
	s30 =	sadd.s32 $0x1, s30;
	[sflag:s0] =	ssyncset.done @!p1 $0x0  }
0x4cc: {  	s3 =	simm.s32 @!p0 $0x1C08;
	p2 =	sne.s32 s30, s7;
	[sflag:s0] =	ssyncadd.s32 @!p1 $0xFFFFFF80  }
0x4cd: {  	s31 =	simm.s32 @!p0 $0x20;
	s0 =	sshrl.u32 @!p0 s4, $0x3;
	[bflag:$0x0] =	sbarrier.arrive $0xFFFF  }
0x4ce: {  	[hbm:s6@s31], [sflag:s3] =	dma.strided @!p0 [spmem:s0@s2], $0x1E850, s1, $0x10   }
.Ltmp18:
0x4cf: {  	_ = 	snop;
	(pc) =	sbr.rel @p2 .LBB2_1-.Ltmp18, $4  }
0x4d0: {  	s0 =	simm.s32 @!p0 $0x8  }
0x4d1: {  	_ =	swait.ge @!p0 [sflag:s0], $0x1E850  }
0x4d2: {  	[sflag:s0] =	ssyncset.done @!p0 $0x0  }
0x4d3: {  	[sflag:s0] =	ssyncadd.s32 @!p0 $0xFFFE17B0  }
0x4d4: {  	_ =	sfence.sel $0x180000  }
0x4d5: {  	[bflag:$0x0] =	sbarrier.arrive $0xFFFF  }
0x4d6: {  	_ =	strace $0x90000047  }
0x4d7: {  	[bflag:$0x2] =	sbarrier.arrive $0xFFFF  }
0x4d8: {  	s0 =	rddreg [dreg:$0x4]  }
0x4d9: {  	s0 =	sadd.s32 @!p0 $0x100000, s0  }
0x4da: {  	[sflag:s0] =	ssyncadd.tile.s32 @!p0 $0x1;
	_ =	shalt  }
.Lfunc_end2:
_tile_overlayer_lowered:
.L_overlay_start_2:
0x4db: {  	(tag) =	ssettag $0x2  }
0x4dc: {  	s0 =	rddreg [dreg:$0x0];
	s2 =	stileid.u32  }
0x4dd: {  	s1 =	rddreg [dreg:$0x1];
	p0 =	sne.s32 s2, $0x0  }
0x4de: {  	s3 =	rddreg [dreg:$0x2];
	[bflag:$0x3] =	sbarrier.arrive $0xFFFF;
	s2 =	simm.s32 @!p0 $0x1C08  }
0x4df: {  	[timem:s3], [sflag:s2] =	dma.local @!p0 [hbm:s0], s1  }
0x4e0: {  	s0 =	simm.s32 @!p0 $0x8  }
0x4e1: {  	_ =	swait.ge @!p0 [sflag:s0], s1  }
0x4e2: {  	s1 =	ssub.s32 @!p0 $0x0, s1;
	[sflag:s0] =	ssyncset.done @!p0 $0x0  }
0x4e3: {  	[sflag:s0] =	ssyncadd.s32 @!p0 s1  }
0x4e4: {  	[bflag:$0x3] =	sbarrier.arrive $0xFFFF  }
0x4e5: {  	_ =	shalt  }

</sc_bundles>
